<compile_context>
chip_gen: v7x
topology: tpu7x:2x2x1
jax: 0.10.2.dev20260603
libtpu: 0.0.44.dev20260713+nightly
codegen_flags: <defaults>
</compile_context>

<pallas_src>
import functools

import jax
import jax.numpy as jnp
from jax import lax
from jax.experimental import pallas as pl
from jax.experimental.pallas import tpu as pltpu
from jax.experimental.pallas import tpu_sc as plsc

B = 4096
V = 100000
D = 32
L = 50
NF = 26

_INFO = plsc.get_sparse_core_info()
NC = _INFO.num_cores
NS = _INFO.num_subcores
LANES = _INFO.num_lanes
NW = NC * NS
BPW = B // NW
HCH = 32
NSUB = BPW // HCH


def _sc_body(*refs):
    fidx = refs[:NF]
    hist_hbm = refs[NF]
    tables = refs[NF + 1:2 * NF + 1]
    table_hist = refs[2 * NF + 1]
    out_hbm = refs[2 * NF + 2]
    (idx_v, rows_v, hist_v, hbuf_v, acc_v, pool_v, t0_v, sem) = refs[2 * NF + 3:]

    wid = lax.axis_index("s") * NC + lax.axis_index("c")
    base = wid * BPW

    for i in range(NF):
        pltpu.sync_copy(fidx[i].at[pl.ds(base, BPW)], idx_v)
        pltpu.async_copy(tables[i].at[idx_v], rows_v, sem).wait()
        pltpu.sync_copy(rows_v, out_hbm.at[pl.ds(base, BPW), pl.ds(i * D, D)])

    pltpu.sync_copy(hist_hbm.at[pl.ds(base * L, BPW * L)], hist_v)
    pltpu.sync_copy(table_hist.at[pl.ds(0, 8)], t0_v)
    for sub in range(NSUB):
        idx_slice = hist_v.at[pl.ds(sub * HCH * L, HCH * L)]
        pltpu.async_copy(table_hist.at[idx_slice], hbuf_v, sem).wait()

        def red_body(b, _, sub=sub):
            row0 = b * L
            a0 = jnp.zeros((LANES,), jnp.float32)
            a1 = jnp.zeros((LANES,), jnp.float32)
            for l in range(L):
                a0 = a0 + hbuf_v[row0 + l, pl.ds(0, LANES)]
                a1 = a1 + hbuf_v[row0 + l, pl.ds(LANES, LANES)]
            gb = sub * HCH + b
            acc_v[gb, pl.ds(0, LANES)] = a0
            acc_v[gb, pl.ds(LANES, LANES)] = a1
            return 0

        lax.fori_loop(0, HCH, red_body, 0)

    lanes = lax.iota(jnp.int32, LANES)
    t0a = t0_v[0, pl.ds(0, LANES)]
    t0b = t0_v[0, pl.ds(LANES, LANES)]

    def fin_body(b, _):
        row0 = b * L
        al = (row0 // LANES) * LANES
        zcnt = jnp.zeros((LANES,), jnp.int32)
        for k in range(4):
            off = al + k * LANES
            v = hist_v[pl.ds(off, LANES)]
            g = jnp.full((LANES,), off, jnp.int32) + lanes
            ind = (g >= row0) & (g < row0 + L) & (v == 0)
            zcnt = zcnt + jnp.where(ind, 1, 0)
        n0 = jnp.sum(zcnt)
        n0f = n0.astype(jnp.float32)
        nv = jnp.full((LANES,), n0f)
        dv = jnp.full((LANES,), jnp.float32(L)) - nv
        a0 = acc_v[b, pl.ds(0, LANES)]
        a1 = acc_v[b, pl.ds(LANES, LANES)]
        pool_v[b, pl.ds(0, LANES)] = (a0 - nv * t0a) / dv
        pool_v[b, pl.ds(LANES, LANES)] = (a1 - nv * t0b) / dv
        return 0

    lax.fori_loop(0, BPW, fin_body, 0)

    pltpu.sync_copy(pool_v, out_hbm.at[pl.ds(base, BPW), pl.ds(NF * D, D)])


@functools.partial(jax.jit, static_argnums=())
def _run(fidx_all, hist_flat, tables_all, table_hist):
    mesh = plsc.VectorSubcoreMesh(core_axis_name="c", subcore_axis_name="s")
    k = pl.kernel(
        _sc_body,
        mesh=mesh,
        out_type=jax.ShapeDtypeStruct((B, (NF + 1) * D), jnp.float32),
        compiler_params=pltpu.CompilerParams(
            needs_layout_passes=False, use_tc_tiling_on_sc=False),
        scratch_types=[
            pltpu.VMEM((BPW,), jnp.int32),
            pltpu.VMEM((BPW, D), jnp.float32),
            pltpu.VMEM((BPW * L,), jnp.int32),
            pltpu.VMEM((HCH * L, D), jnp.float32),
            pltpu.VMEM((BPW, D), jnp.float32),
            pltpu.VMEM((BPW, D), jnp.float32),
            pltpu.VMEM((8, D), jnp.float32),
            pltpu.SemaphoreType.DMA,
        ],
    )
    out = k(*fidx_all, hist_flat, *tables_all, table_hist)
    return out.reshape(B, NF + 1, D)


def kernel(f0, table_f0, f1, table_f1, f2, table_f2, f3, table_f3,
           f4, table_f4, f5, table_f5, f6, table_f6, f7, table_f7,
           f8, table_f8, f9, table_f9, f10, table_f10, f11, table_f11,
           f12, table_f12, f13, table_f13, f14, table_f14, f15, table_f15,
           f16, table_f16, f17, table_f17, f18, table_f18, f19, table_f19,
           f20, table_f20, f21, table_f21, f22, table_f22, f23, table_f23,
           f24, table_f24, f25, table_f25, hist, table_hist):
    kw = dict(locals())
    fidx_all = tuple(kw['f%d' % i].reshape(B) for i in range(NF))
    tables_all = tuple(kw['table_f%d' % i] for i in range(NF))
    return _run(fidx_all, hist.reshape(B * L), tables_all, table_hist)

# --- scband reference (transcript-rebuilt; emitter-appended) ---
"""Pipeline reference for scband-dense-embedding-61984968016387 (READ-ONLY COPY).

The authoritative reference and input builder live on the scoring server;
editing this copy changes nothing except your own understanding.
"""

import jax, jax.numpy as jnp
import numpy as np

B = 4096
V = 100000
D = 32
L = 50
NF = 26


def setup_inputs(seed: int = 0) -> dict:
    key = jax.random.key(seed)
    inp = {}
    for i in range(NF):
        inp['f%d' % i] = jax.random.randint(jax.random.fold_in(key, i), (B, 1), 0, V, dtype=jnp.int32)
        inp['table_f%d' % i] = jax.random.normal(jax.random.fold_in(key, 1000 + i), (V, D), dtype=jnp.float32) * 0.05
    inp['hist'] = jax.random.randint(jax.random.fold_in(key, 500), (B, L), 0, V, dtype=jnp.int32)
    inp['table_hist'] = jax.random.normal(jax.random.fold_in(key, 2000), (V, D), dtype=jnp.float32) * 0.05
    return inp


def reference(f0, table_f0, f1, table_f1, f2, table_f2, f3, table_f3,
              f4, table_f4, f5, table_f5, f6, table_f6, f7, table_f7,
              f8, table_f8, f9, table_f9, f10, table_f10, f11, table_f11,
              f12, table_f12, f13, table_f13, f14, table_f14, f15, table_f15,
              f16, table_f16, f17, table_f17, f18, table_f18, f19, table_f19,
              f20, table_f20, f21, table_f21, f22, table_f22, f23, table_f23,
              f24, table_f24, f25, table_f25, hist, table_hist):
    kw = dict(locals())
    # DenseEmbedding forward: per-feature embedding lookup, masked mean-pool for
    # the Sequential feature (mask_zero=True -> index 0 is padding), dropout rate 0
    # (identity), then concat along axis=1 -> [B, NF+1, D].
    outs = []
    for i in range(NF):
        idx = kw['f%d' % i]
        tbl = kw['table_f%d' % i]
        emb = jnp.take(tbl, idx[:, 0], axis=0)  # [B, D]
        outs.append(emb[:, None, :])  # [B, 1, D]
    idx = kw['hist']
    tbl = kw['table_hist']
    emb = jnp.take(tbl, idx, axis=0)  # [B, L, D]
    mask = (idx != 0).astype(jnp.float32)[:, :, None]  # [B, L, 1]
    pooled = jnp.sum(emb * mask, axis=1) / jnp.sum(mask, axis=1)  # GlobalAveragePooling(axis=1)
    outs.append(pooled[:, None, :])
    return jnp.concatenate(outs, axis=1)  # [B, 27, D]

if __name__ == "__main__":
    import jax
    _d = setup_inputs()
    print(jax.jit(kernel)(*tuple(_d.values())))

</pallas_src>

<mosaic_0001>
#map = affine_map<(d0, d1) -> (0)>
#map1 = affine_map<(d0, d1) -> (0, 0)>
module attributes {stable_mosaic.version = 14 : i64} {
  func.func @_sc_body(%arg0: i32, %arg1: i32, %arg2: memref<4096xi32, #tpu.memory_space<hbm>>, %arg3: memref<4096xi32, #tpu.memory_space<hbm>>, %arg4: memref<4096xi32, #tpu.memory_space<hbm>>, %arg5: memref<4096xi32, #tpu.memory_space<hbm>>, %arg6: memref<4096xi32, #tpu.memory_space<hbm>>, %arg7: memref<4096xi32, #tpu.memory_space<hbm>>, %arg8: memref<4096xi32, #tpu.memory_space<hbm>>, %arg9: memref<4096xi32, #tpu.memory_space<hbm>>, %arg10: memref<4096xi32, #tpu.memory_space<hbm>>, %arg11: memref<4096xi32, #tpu.memory_space<hbm>>, %arg12: memref<4096xi32, #tpu.memory_space<hbm>>, %arg13: memref<4096xi32, #tpu.memory_space<hbm>>, %arg14: memref<4096xi32, #tpu.memory_space<hbm>>, %arg15: memref<4096xi32, #tpu.memory_space<hbm>>, %arg16: memref<4096xi32, #tpu.memory_space<hbm>>, %arg17: memref<4096xi32, #tpu.memory_space<hbm>>, %arg18: memref<4096xi32, #tpu.memory_space<hbm>>, %arg19: memref<4096xi32, #tpu.memory_space<hbm>>, %arg20: memref<4096xi32, #tpu.memory_space<hbm>>, %arg21: memref<4096xi32, #tpu.memory_space<hbm>>, %arg22: memref<4096xi32, #tpu.memory_space<hbm>>, %arg23: memref<4096xi32, #tpu.memory_space<hbm>>, %arg24: memref<4096xi32, #tpu.memory_space<hbm>>, %arg25: memref<4096xi32, #tpu.memory_space<hbm>>, %arg26: memref<4096xi32, #tpu.memory_space<hbm>>, %arg27: memref<4096xi32, #tpu.memory_space<hbm>>, %arg28: memref<204800xi32, #tpu.memory_space<hbm>>, %arg29: memref<100000x32xf32, #tpu.memory_space<hbm>>, %arg30: memref<100000x32xf32, #tpu.memory_space<hbm>>, %arg31: memref<100000x32xf32, #tpu.memory_space<hbm>>, %arg32: memref<100000x32xf32, #tpu.memory_space<hbm>>, %arg33: memref<100000x32xf32, #tpu.memory_space<hbm>>, %arg34: memref<100000x32xf32, #tpu.memory_space<hbm>>, %arg35: memref<100000x32xf32, #tpu.memory_space<hbm>>, %arg36: memref<100000x32xf32, #tpu.memory_space<hbm>>, %arg37: memref<100000x32xf32, #tpu.memory_space<hbm>>, %arg38: memref<100000x32xf32, #tpu.memory_space<hbm>>, %arg39: memref<100000x32xf32, #tpu.memory_space<hbm>>, %arg40: memref<100000x32xf32, #tpu.memory_space<hbm>>, %arg41: memref<100000x32xf32, #tpu.memory_space<hbm>>, %arg42: memref<100000x32xf32, #tpu.memory_space<hbm>>, %arg43: memref<100000x32xf32, #tpu.memory_space<hbm>>, %arg44: memref<100000x32xf32, #tpu.memory_space<hbm>>, %arg45: memref<100000x32xf32, #tpu.memory_space<hbm>>, %arg46: memref<100000x32xf32, #tpu.memory_space<hbm>>, %arg47: memref<100000x32xf32, #tpu.memory_space<hbm>>, %arg48: memref<100000x32xf32, #tpu.memory_space<hbm>>, %arg49: memref<100000x32xf32, #tpu.memory_space<hbm>>, %arg50: memref<100000x32xf32, #tpu.memory_space<hbm>>, %arg51: memref<100000x32xf32, #tpu.memory_space<hbm>>, %arg52: memref<100000x32xf32, #tpu.memory_space<hbm>>, %arg53: memref<100000x32xf32, #tpu.memory_space<hbm>>, %arg54: memref<100000x32xf32, #tpu.memory_space<hbm>>, %arg55: memref<100000x32xf32, #tpu.memory_space<hbm>>, %arg56: memref<4096x864xf32, #tpu.memory_space<hbm>>, %arg57: memref<128xi32, #tpu.memory_space<vmem>>, %arg58: memref<128x32xf32, #tpu.memory_space<vmem>>, %arg59: memref<6400xi32, #tpu.memory_space<vmem>>, %arg60: memref<1600x32xf32, #tpu.memory_space<vmem>>, %arg61: memref<128x32xf32, #tpu.memory_space<vmem>>, %arg62: memref<128x32xf32, #tpu.memory_space<vmem>>, %arg63: memref<8x32xf32, #tpu.memory_space<vmem>>, %arg64: memref<!tpu.dma_semaphore, #tpu.memory_space<semaphore_mem>>) attributes {dimension_semantics = [#tpu.dimension_semantics<core_parallel>, #tpu.dimension_semantics<subcore_parallel>], iteration_bounds = array<i64: 2, 16>, scalar_prefetch = 0 : i64, scratch_operands = 8 : i64, tpu.core_type = #tpu.core_type<sc_vector_subcore>, window_params = [{transform_indices = #map}, {transform_indices = #map}, {transform_indices = #map}, {transform_indices = #map}, {transform_indices = #map}, {transform_indices = #map}, {transform_indices = #map}, {transform_indices = #map}, {transform_indices = #map}, {transform_indices = #map}, {transform_indices = #map}, {transform_indices = #map}, {transform_indices = #map}, {transform_indices = #map}, {transform_indices = #map}, {transform_indices = #map}, {transform_indices = #map}, {transform_indices = #map}, {transform_indices = #map}, {transform_indices = #map}, {transform_indices = #map}, {transform_indices = #map}, {transform_indices = #map}, {transform_indices = #map}, {transform_indices = #map}, {transform_indices = #map}, {transform_indices = #map}, {transform_indices = #map1}, {transform_indices = #map1}, {transform_indices = #map1}, {transform_indices = #map1}, {transform_indices = #map1}, {transform_indices = #map1}, {transform_indices = #map1}, {transform_indices = #map1}, {transform_indices = #map1}, {transform_indices = #map1}, {transform_indices = #map1}, {transform_indices = #map1}, {transform_indices = #map1}, {transform_indices = #map1}, {transform_indices = #map1}, {transform_indices = #map1}, {transform_indices = #map1}, {transform_indices = #map1}, {transform_indices = #map1}, {transform_indices = #map1}, {transform_indices = #map1}, {transform_indices = #map1}, {transform_indices = #map1}, {transform_indices = #map1}, {transform_indices = #map1}, {transform_indices = #map1}, {transform_indices = #map1}, {transform_indices = #map1}]} {
    %mul3A = arith.constant 2 : i32
    %mul3A_0 = arith.muli %arg1, %mul3A : i32
    %add3A = arith.addi %mul3A_0, %arg0 : i32
    %mul3A_1 = arith.constant 128 : i32
    %mul3A_2 = arith.muli %add3A, %mul3A_1 : i32
    "tpu.region"() ({
      %run_scoped3A = tpu.sem_alloc : memref<!tpu.dma_semaphore, #tpu.memory_space<semaphore_mem>>
      %dma_start3A_240 = tpu.memref_slice %arg2[%mul3A_2] : memref<4096xi32, #tpu.memory_space<hbm>> -> memref<128xi32, #tpu.memory_space<hbm>>
      %dma_start3A_241 = tpu.memref_slice %arg2[%mul3A_2] : memref<4096xi32, #tpu.memory_space<hbm>> -> memref<128xi32, #tpu.memory_space<hbm>>
      tpu.enqueue_dma source(%dma_start3A_241 : memref<128xi32, #tpu.memory_space<hbm>>) target(%arg57 : memref<128xi32, #tpu.memory_space<vmem>>) target_semaphore(%run_scoped3A : memref<!tpu.dma_semaphore, #tpu.memory_space<semaphore_mem>>)
      %dma_wait3A_242 = tpu.memref_slice %arg2[%mul3A_2] : memref<4096xi32, #tpu.memory_space<hbm>> -> memref<128xi32, #tpu.memory_space<hbm>>
      %dma_wait3A_243 = tpu.memref_slice %arg2[%mul3A_2] : memref<4096xi32, #tpu.memory_space<hbm>> -> memref<128xi32, #tpu.memory_space<hbm>>
      tpu.wait_dma2 semaphore(%run_scoped3A : memref<!tpu.dma_semaphore, #tpu.memory_space<semaphore_mem>>) src(%dma_wait3A_243 : memref<128xi32, #tpu.memory_space<hbm>>) dst(%arg57 : memref<128xi32, #tpu.memory_space<vmem>>)
      tpu.yield
    }) : () -> ()
    %dma_start3A = arith.constant 0 : i32
    %dma_start3A_3 = arith.constant 0 : i32
    %dma_start3A_4 = tpu.memref_slice %arg29[%dma_start3A, %dma_start3A_3] : memref<100000x32xf32, #tpu.memory_space<hbm>> -> memref<100000x32xf32, #tpu.memory_space<hbm>>
    tpu.enqueue_indirect_dma source(%dma_start3A_4 : memref<100000x32xf32, #tpu.memory_space<hbm>>) target(%arg58 : memref<128x32xf32, #tpu.memory_space<vmem>>) offsets(%arg57 : memref<128xi32, #tpu.memory_space<vmem>>) semaphore(%arg64 : memref<!tpu.dma_semaphore, #tpu.memory_space<semaphore_mem>>)
    %dma_wait3A = arith.constant 0 : i32
    %dma_wait3A_5 = arith.constant 0 : i32
    %dma_wait3A_6 = tpu.memref_slice %arg29[%dma_wait3A, %dma_wait3A_5] : memref<100000x32xf32, #tpu.memory_space<hbm>> -> memref<100000x32xf32, #tpu.memory_space<hbm>>
    tpu.wait_indirect_dma semaphore(%arg64 : memref<!tpu.dma_semaphore, #tpu.memory_space<semaphore_mem>>) src(%dma_wait3A_6 : memref<100000x32xf32, #tpu.memory_space<hbm>>) dst(%arg58 : memref<128x32xf32, #tpu.memory_space<vmem>>)
    "tpu.region"() ({
      %run_scoped3A = tpu.sem_alloc : memref<!tpu.dma_semaphore, #tpu.memory_space<semaphore_mem>>
      %dma_start3A_240 = arith.constant 0 : i32
      %dma_start3A_241 = tpu.memref_slice %arg56[%mul3A_2, %dma_start3A_240] : memref<4096x864xf32, #tpu.memory_space<hbm>> -> memref<128x32xf32, #tpu.memory_space<hbm>>
      %dma_start3A_242 = arith.constant 0 : i32
      %dma_start3A_243 = tpu.memref_slice %arg56[%mul3A_2, %dma_start3A_242] : memref<4096x864xf32, #tpu.memory_space<hbm>> -> memref<128x32xf32, #tpu.memory_space<hbm>>
      tpu.enqueue_dma source(%arg58 : memref<128x32xf32, #tpu.memory_space<vmem>>) target(%dma_start3A_243 : memref<128x32xf32, #tpu.memory_space<hbm>>) target_semaphore(%run_scoped3A : memref<!tpu.dma_semaphore, #tpu.memory_space<semaphore_mem>>)
      %dma_wait3A_244 = arith.constant 0 : i32
      %dma_wait3A_245 = tpu.memref_slice %arg56[%mul3A_2, %dma_wait3A_244] : memref<4096x864xf32, #tpu.memory_space<hbm>> -> memref<128x32xf32, #tpu.memory_space<hbm>>
      %dma_wait3A_246 = arith.constant 0 : i32
      %dma_wait3A_247 = tpu.memref_slice %arg56[%mul3A_2, %dma_wait3A_246] : memref<4096x864xf32, #tpu.memory_space<hbm>> -> memref<128x32xf32, #tpu.memory_space<hbm>>
      tpu.wait_dma2 semaphore(%run_scoped3A : memref<!tpu.dma_semaphore, #tpu.memory_space<semaphore_mem>>) src(%arg58 : memref<128x32xf32, #tpu.memory_space<vmem>>) dst(%dma_wait3A_247 : memref<128x32xf32, #tpu.memory_space<hbm>>)
      tpu.yield
    }) : () -> ()
    "tpu.region"() ({
      %run_scoped3A = tpu.sem_alloc : memref<!tpu.dma_semaphore, #tpu.memory_space<semaphore_mem>>
      %dma_start3A_240 = tpu.memref_slice %arg3[%mul3A_2] : memref<4096xi32, #tpu.memory_space<hbm>> -> memref<128xi32, #tpu.memory_space<hbm>>
      %dma_start3A_241 = tpu.memref_slice %arg3[%mul3A_2] : memref<4096xi32, #tpu.memory_space<hbm>> -> memref<128xi32, #tpu.memory_space<hbm>>
      tpu.enqueue_dma source(%dma_start3A_241 : memref<128xi32, #tpu.memory_space<hbm>>) target(%arg57 : memref<128xi32, #tpu.memory_space<vmem>>) target_semaphore(%run_scoped3A : memref<!tpu.dma_semaphore, #tpu.memory_space<semaphore_mem>>)
      %dma_wait3A_242 = tpu.memref_slice %arg3[%mul3A_2] : memref<4096xi32, #tpu.memory_space<hbm>> -> memref<128xi32, #tpu.memory_space<hbm>>
      %dma_wait3A_243 = tpu.memref_slice %arg3[%mul3A_2] : memref<4096xi32, #tpu.memory_space<hbm>> -> memref<128xi32, #tpu.memory_space<hbm>>
      tpu.wait_dma2 semaphore(%run_scoped3A : memref<!tpu.dma_semaphore, #tpu.memory_space<semaphore_mem>>) src(%dma_wait3A_243 : memref<128xi32, #tpu.memory_space<hbm>>) dst(%arg57 : memref<128xi32, #tpu.memory_space<vmem>>)
      tpu.yield
    }) : () -> ()
    %dma_start3A_7 = arith.constant 0 : i32
    %dma_start3A_8 = arith.constant 0 : i32
    %dma_start3A_9 = tpu.memref_slice %arg30[%dma_start3A_7, %dma_start3A_8] : memref<100000x32xf32, #tpu.memory_space<hbm>> -> memref<100000x32xf32, #tpu.memory_space<hbm>>
    tpu.enqueue_indirect_dma source(%dma_start3A_9 : memref<100000x32xf32, #tpu.memory_space<hbm>>) target(%arg58 : memref<128x32xf32, #tpu.memory_space<vmem>>) offsets(%arg57 : memref<128xi32, #tpu.memory_space<vmem>>) semaphore(%arg64 : memref<!tpu.dma_semaphore, #tpu.memory_space<semaphore_mem>>)
    %dma_wait3A_10 = arith.constant 0 : i32
    %dma_wait3A_11 = arith.constant 0 : i32
    %dma_wait3A_12 = tpu.memref_slice %arg30[%dma_wait3A_10, %dma_wait3A_11] : memref<100000x32xf32, #tpu.memory_space<hbm>> -> memref<100000x32xf32, #tpu.memory_space<hbm>>
    tpu.wait_indirect_dma semaphore(%arg64 : memref<!tpu.dma_semaphore, #tpu.memory_space<semaphore_mem>>) src(%dma_wait3A_12 : memref<100000x32xf32, #tpu.memory_space<hbm>>) dst(%arg58 : memref<128x32xf32, #tpu.memory_space<vmem>>)
    "tpu.region"() ({
      %run_scoped3A = tpu.sem_alloc : memref<!tpu.dma_semaphore, #tpu.memory_space<semaphore_mem>>
      %dma_start3A_240 = arith.constant 32 : i32
      %dma_start3A_241 = tpu.memref_slice %arg56[%mul3A_2, %dma_start3A_240] : memref<4096x864xf32, #tpu.memory_space<hbm>> -> memref<128x32xf32, #tpu.memory_space<hbm>>
      %dma_start3A_242 = arith.constant 32 : i32
      %dma_start3A_243 = tpu.memref_slice %arg56[%mul3A_2, %dma_start3A_242] : memref<4096x864xf32, #tpu.memory_space<hbm>> -> memref<128x32xf32, #tpu.memory_space<hbm>>
      tpu.enqueue_dma source(%arg58 : memref<128x32xf32, #tpu.memory_space<vmem>>) target(%dma_start3A_243 : memref<128x32xf32, #tpu.memory_space<hbm>>) target_semaphore(%run_scoped3A : memref<!tpu.dma_semaphore, #tpu.memory_space<semaphore_mem>>)
      %dma_wait3A_244 = arith.constant 32 : i32
      %dma_wait3A_245 = tpu.memref_slice %arg56[%mul3A_2, %dma_wait3A_244] : memref<4096x864xf32, #tpu.memory_space<hbm>> -> memref<128x32xf32, #tpu.memory_space<hbm>>
      %dma_wait3A_246 = arith.constant 32 : i32
      %dma_wait3A_247 = tpu.memref_slice %arg56[%mul3A_2, %dma_wait3A_246] : memref<4096x864xf32, #tpu.memory_space<hbm>> -> memref<128x32xf32, #tpu.memory_space<hbm>>
      tpu.wait_dma2 semaphore(%run_scoped3A : memref<!tpu.dma_semaphore, #tpu.memory_space<semaphore_mem>>) src(%arg58 : memref<128x32xf32, #tpu.memory_space<vmem>>) dst(%dma_wait3A_247 : memref<128x32xf32, #tpu.memory_space<hbm>>)
      tpu.yield
    }) : () -> ()
    "tpu.region"() ({
      %run_scoped3A = tpu.sem_alloc : memref<!tpu.dma_semaphore, #tpu.memory_space<semaphore_mem>>
      %dma_start3A_240 = tpu.memref_slice %arg4[%mul3A_2] : memref<4096xi32, #tpu.memory_space<hbm>> -> memref<128xi32, #tpu.memory_space<hbm>>
      %dma_start3A_241 = tpu.memref_slice %arg4[%mul3A_2] : memref<4096xi32, #tpu.memory_space<hbm>> -> memref<128xi32, #tpu.memory_space<hbm>>
      tpu.enqueue_dma source(%dma_start3A_241 : memref<128xi32, #tpu.memory_space<hbm>>) target(%arg57 : memref<128xi32, #tpu.memory_space<vmem>>) target_semaphore(%run_scoped3A : memref<!tpu.dma_semaphore, #tpu.memory_space<semaphore_mem>>)
      %dma_wait3A_242 = tpu.memref_slice %arg4[%mul3A_2] : memref<4096xi32, #tpu.memory_space<hbm>> -> memref<128xi32, #tpu.memory_space<hbm>>
      %dma_wait3A_243 = tpu.memref_slice %arg4[%mul3A_2] : memref<4096xi32, #tpu.memory_space<hbm>> -> memref<128xi32, #tpu.memory_space<hbm>>
      tpu.wait_dma2 semaphore(%run_scoped3A : memref<!tpu.dma_semaphore, #tpu.memory_space<semaphore_mem>>) src(%dma_wait3A_243 : memref<128xi32, #tpu.memory_space<hbm>>) dst(%arg57 : memref<128xi32, #tpu.memory_space<vmem>>)
      tpu.yield
    }) : () -> ()
    %dma_start3A_13 = arith.constant 0 : i32
    %dma_start3A_14 = arith.constant 0 : i32
    %dma_start3A_15 = tpu.memref_slice %arg31[%dma_start3A_13, %dma_start3A_14] : memref<100000x32xf32, #tpu.memory_space<hbm>> -> memref<100000x32xf32, #tpu.memory_space<hbm>>
    tpu.enqueue_indirect_dma source(%dma_start3A_15 : memref<100000x32xf32, #tpu.memory_space<hbm>>) target(%arg58 : memref<128x32xf32, #tpu.memory_space<vmem>>) offsets(%arg57 : memref<128xi32, #tpu.memory_space<vmem>>) semaphore(%arg64 : memref<!tpu.dma_semaphore, #tpu.memory_space<semaphore_mem>>)
    %dma_wait3A_16 = arith.constant 0 : i32
    %dma_wait3A_17 = arith.constant 0 : i32
    %dma_wait3A_18 = tpu.memref_slice %arg31[%dma_wait3A_16, %dma_wait3A_17] : memref<100000x32xf32, #tpu.memory_space<hbm>> -> memref<100000x32xf32, #tpu.memory_space<hbm>>
    tpu.wait_indirect_dma semaphore(%arg64 : memref<!tpu.dma_semaphore, #tpu.memory_space<semaphore_mem>>) src(%dma_wait3A_18 : memref<100000x32xf32, #tpu.memory_space<hbm>>) dst(%arg58 : memref<128x32xf32, #tpu.memory_space<vmem>>)
    "tpu.region"() ({
      %run_scoped3A = tpu.sem_alloc : memref<!tpu.dma_semaphore, #tpu.memory_space<semaphore_mem>>
      %dma_start3A_240 = arith.constant 64 : i32
      %dma_start3A_241 = tpu.memref_slice %arg56[%mul3A_2, %dma_start3A_240] : memref<4096x864xf32, #tpu.memory_space<hbm>> -> memref<128x32xf32, #tpu.memory_space<hbm>>
      %dma_start3A_242 = arith.constant 64 : i32
      %dma_start3A_243 = tpu.memref_slice %arg56[%mul3A_2, %dma_start3A_242] : memref<4096x864xf32, #tpu.memory_space<hbm>> -> memref<128x32xf32, #tpu.memory_space<hbm>>
      tpu.enqueue_dma source(%arg58 : memref<128x32xf32, #tpu.memory_space<vmem>>) target(%dma_start3A_243 : memref<128x32xf32, #tpu.memory_space<hbm>>) target_semaphore(%run_scoped3A : memref<!tpu.dma_semaphore, #tpu.memory_space<semaphore_mem>>)
      %dma_wait3A_244 = arith.constant 64 : i32
      %dma_wait3A_245 = tpu.memref_slice %arg56[%mul3A_2, %dma_wait3A_244] : memref<4096x864xf32, #tpu.memory_space<hbm>> -> memref<128x32xf32, #tpu.memory_space<hbm>>
      %dma_wait3A_246 = arith.constant 64 : i32
      %dma_wait3A_247 = tpu.memref_slice %arg56[%mul3A_2, %dma_wait3A_246] : memref<4096x864xf32, #tpu.memory_space<hbm>> -> memref<128x32xf32, #tpu.memory_space<hbm>>
      tpu.wait_dma2 semaphore(%run_scoped3A : memref<!tpu.dma_semaphore, #tpu.memory_space<semaphore_mem>>) src(%arg58 : memref<128x32xf32, #tpu.memory_space<vmem>>) dst(%dma_wait3A_247 : memref<128x32xf32, #tpu.memory_space<hbm>>)
      tpu.yield
    }) : () -> ()
    "tpu.region"() ({
      %run_scoped3A = tpu.sem_alloc : memref<!tpu.dma_semaphore, #tpu.memory_space<semaphore_mem>>
      %dma_start3A_240 = tpu.memref_slice %arg5[%mul3A_2] : memref<4096xi32, #tpu.memory_space<hbm>> -> memref<128xi32, #tpu.memory_space<hbm>>
      %dma_start3A_241 = tpu.memref_slice %arg5[%mul3A_2] : memref<4096xi32, #tpu.memory_space<hbm>> -> memref<128xi32, #tpu.memory_space<hbm>>
      tpu.enqueue_dma source(%dma_start3A_241 : memref<128xi32, #tpu.memory_space<hbm>>) target(%arg57 : memref<128xi32, #tpu.memory_space<vmem>>) target_semaphore(%run_scoped3A : memref<!tpu.dma_semaphore, #tpu.memory_space<semaphore_mem>>)
      %dma_wait3A_242 = tpu.memref_slice %arg5[%mul3A_2] : memref<4096xi32, #tpu.memory_space<hbm>> -> memref<128xi32, #tpu.memory_space<hbm>>
      %dma_wait3A_243 = tpu.memref_slice %arg5[%mul3A_2] : memref<4096xi32, #tpu.memory_space<hbm>> -> memref<128xi32, #tpu.memory_space<hbm>>
      tpu.wait_dma2 semaphore(%run_scoped3A : memref<!tpu.dma_semaphore, #tpu.memory_space<semaphore_mem>>) src(%dma_wait3A_243 : memref<128xi32, #tpu.memory_space<hbm>>) dst(%arg57 : memref<128xi32, #tpu.memory_space<vmem>>)
      tpu.yield
    }) : () -> ()
    %dma_start3A_19 = arith.constant 0 : i32
    %dma_start3A_20 = arith.constant 0 : i32
    %dma_start3A_21 = tpu.memref_slice %arg32[%dma_start3A_19, %dma_start3A_20] : memref<100000x32xf32, #tpu.memory_space<hbm>> -> memref<100000x32xf32, #tpu.memory_space<hbm>>
    tpu.enqueue_indirect_dma source(%dma_start3A_21 : memref<100000x32xf32, #tpu.memory_space<hbm>>) target(%arg58 : memref<128x32xf32, #tpu.memory_space<vmem>>) offsets(%arg57 : memref<128xi32, #tpu.memory_space<vmem>>) semaphore(%arg64 : memref<!tpu.dma_semaphore, #tpu.memory_space<semaphore_mem>>)
    %dma_wait3A_22 = arith.constant 0 : i32
    %dma_wait3A_23 = arith.constant 0 : i32
    %dma_wait3A_24 = tpu.memref_slice %arg32[%dma_wait3A_22, %dma_wait3A_23] : memref<100000x32xf32, #tpu.memory_space<hbm>> -> memref<100000x32xf32, #tpu.memory_space<hbm>>
    tpu.wait_indirect_dma semaphore(%arg64 : memref<!tpu.dma_semaphore, #tpu.memory_space<semaphore_mem>>) src(%dma_wait3A_24 : memref<100000x32xf32, #tpu.memory_space<hbm>>) dst(%arg58 : memref<128x32xf32, #tpu.memory_space<vmem>>)
    "tpu.region"() ({
      %run_scoped3A = tpu.sem_alloc : memref<!tpu.dma_semaphore, #tpu.memory_space<semaphore_mem>>
      %dma_start3A_240 = arith.constant 96 : i32
      %dma_start3A_241 = tpu.memref_slice %arg56[%mul3A_2, %dma_start3A_240] : memref<4096x864xf32, #tpu.memory_space<hbm>> -> memref<128x32xf32, #tpu.memory_space<hbm>>
      %dma_start3A_242 = arith.constant 96 : i32
      %dma_start3A_243 = tpu.memref_slice %arg56[%mul3A_2, %dma_start3A_242] : memref<4096x864xf32, #tpu.memory_space<hbm>> -> memref<128x32xf32, #tpu.memory_space<hbm>>
      tpu.enqueue_dma source(%arg58 : memref<128x32xf32, #tpu.memory_space<vmem>>) target(%dma_start3A_243 : memref<128x32xf32, #tpu.memory_space<hbm>>) target_semaphore(%run_scoped3A : memref<!tpu.dma_semaphore, #tpu.memory_space<semaphore_mem>>)
      %dma_wait3A_244 = arith.constant 96 : i32
      %dma_wait3A_245 = tpu.memref_slice %arg56[%mul3A_2, %dma_wait3A_244] : memref<4096x864xf32, #tpu.memory_space<hbm>> -> memref<128x32xf32, #tpu.memory_space<hbm>>
      %dma_wait3A_246 = arith.constant 96 : i32
      %dma_wait3A_247 = tpu.memref_slice %arg56[%mul3A_2, %dma_wait3A_246] : memref<4096x864xf32, #tpu.memory_space<hbm>> -> memref<128x32xf32, #tpu.memory_space<hbm>>
      tpu.wait_dma2 semaphore(%run_scoped3A : memref<!tpu.dma_semaphore, #tpu.memory_space<semaphore_mem>>) src(%arg58 : memref<128x32xf32, #tpu.memory_space<vmem>>) dst(%dma_wait3A_247 : memref<128x32xf32, #tpu.memory_space<hbm>>)
      tpu.yield
    }) : () -> ()
    "tpu.region"() ({
      %run_scoped3A = tpu.sem_alloc : memref<!tpu.dma_semaphore, #tpu.memory_space<semaphore_mem>>
      %dma_start3A_240 = tpu.memref_slice %arg6[%mul3A_2] : memref<4096xi32, #tpu.memory_space<hbm>> -> memref<128xi32, #tpu.memory_space<hbm>>
      %dma_start3A_241 = tpu.memref_slice %arg6[%mul3A_2] : memref<4096xi32, #tpu.memory_space<hbm>> -> memref<128xi32, #tpu.memory_space<hbm>>
      tpu.enqueue_dma source(%dma_start3A_241 : memref<128xi32, #tpu.memory_space<hbm>>) target(%arg57 : memref<128xi32, #tpu.memory_space<vmem>>) target_semaphore(%run_scoped3A : memref<!tpu.dma_semaphore, #tpu.memory_space<semaphore_mem>>)
      %dma_wait3A_242 = tpu.memref_slice %arg6[%mul3A_2] : memref<4096xi32, #tpu.memory_space<hbm>> -> memref<128xi32, #tpu.memory_space<hbm>>
      %dma_wait3A_243 = tpu.memref_slice %arg6[%mul3A_2] : memref<4096xi32, #tpu.memory_space<hbm>> -> memref<128xi32, #tpu.memory_space<hbm>>
      tpu.wait_dma2 semaphore(%run_scoped3A : memref<!tpu.dma_semaphore, #tpu.memory_space<semaphore_mem>>) src(%dma_wait3A_243 : memref<128xi32, #tpu.memory_space<hbm>>) dst(%arg57 : memref<128xi32, #tpu.memory_space<vmem>>)
      tpu.yield
    }) : () -> ()
    %dma_start3A_25 = arith.constant 0 : i32
    %dma_start3A_26 = arith.constant 0 : i32
    %dma_start3A_27 = tpu.memref_slice %arg33[%dma_start3A_25, %dma_start3A_26] : memref<100000x32xf32, #tpu.memory_space<hbm>> -> memref<100000x32xf32, #tpu.memory_space<hbm>>
    tpu.enqueue_indirect_dma source(%dma_start3A_27 : memref<100000x32xf32, #tpu.memory_space<hbm>>) target(%arg58 : memref<128x32xf32, #tpu.memory_space<vmem>>) offsets(%arg57 : memref<128xi32, #tpu.memory_space<vmem>>) semaphore(%arg64 : memref<!tpu.dma_semaphore, #tpu.memory_space<semaphore_mem>>)
    %dma_wait3A_28 = arith.constant 0 : i32
    %dma_wait3A_29 = arith.constant 0 : i32
    %dma_wait3A_30 = tpu.memref_slice %arg33[%dma_wait3A_28, %dma_wait3A_29] : memref<100000x32xf32, #tpu.memory_space<hbm>> -> memref<100000x32xf32, #tpu.memory_space<hbm>>
    tpu.wait_indirect_dma semaphore(%arg64 : memref<!tpu.dma_semaphore, #tpu.memory_space<semaphore_mem>>) src(%dma_wait3A_30 : memref<100000x32xf32, #tpu.memory_space<hbm>>) dst(%arg58 : memref<128x32xf32, #tpu.memory_space<vmem>>)
    "tpu.region"() ({
      %run_scoped3A = tpu.sem_alloc : memref<!tpu.dma_semaphore, #tpu.memory_space<semaphore_mem>>
      %dma_start3A_240 = arith.constant 128 : i32
      %dma_start3A_241 = tpu.memref_slice %arg56[%mul3A_2, %dma_start3A_240] : memref<4096x864xf32, #tpu.memory_space<hbm>> -> memref<128x32xf32, #tpu.memory_space<hbm>>
      %dma_start3A_242 = arith.constant 128 : i32
      %dma_start3A_243 = tpu.memref_slice %arg56[%mul3A_2, %dma_start3A_242] : memref<4096x864xf32, #tpu.memory_space<hbm>> -> memref<128x32xf32, #tpu.memory_space<hbm>>
      tpu.enqueue_dma source(%arg58 : memref<128x32xf32, #tpu.memory_space<vmem>>) target(%dma_start3A_243 : memref<128x32xf32, #tpu.memory_space<hbm>>) target_semaphore(%run_scoped3A : memref<!tpu.dma_semaphore, #tpu.memory_space<semaphore_mem>>)
      %dma_wait3A_244 = arith.constant 128 : i32
      %dma_wait3A_245 = tpu.memref_slice %arg56[%mul3A_2, %dma_wait3A_244] : memref<4096x864xf32, #tpu.memory_space<hbm>> -> memref<128x32xf32, #tpu.memory_space<hbm>>
      %dma_wait3A_246 = arith.constant 128 : i32
      %dma_wait3A_247 = tpu.memref_slice %arg56[%mul3A_2, %dma_wait3A_246] : memref<4096x864xf32, #tpu.memory_space<hbm>> -> memref<128x32xf32, #tpu.memory_space<hbm>>
      tpu.wait_dma2 semaphore(%run_scoped3A : memref<!tpu.dma_semaphore, #tpu.memory_space<semaphore_mem>>) src(%arg58 : memref<128x32xf32, #tpu.memory_space<vmem>>) dst(%dma_wait3A_247 : memref<128x32xf32, #tpu.memory_space<hbm>>)
      tpu.yield
    }) : () -> ()
    "tpu.region"() ({
      %run_scoped3A = tpu.sem_alloc : memref<!tpu.dma_semaphore, #tpu.memory_space<semaphore_mem>>
      %dma_start3A_240 = tpu.memref_slice %arg7[%mul3A_2] : memref<4096xi32, #tpu.memory_space<hbm>> -> memref<128xi32, #tpu.memory_space<hbm>>
      %dma_start3A_241 = tpu.memref_slice %arg7[%mul3A_2] : memref<4096xi32, #tpu.memory_space<hbm>> -> memref<128xi32, #tpu.memory_space<hbm>>
      tpu.enqueue_dma source(%dma_start3A_241 : memref<128xi32, #tpu.memory_space<hbm>>) target(%arg57 : memref<128xi32, #tpu.memory_space<vmem>>) target_semaphore(%run_scoped3A : memref<!tpu.dma_semaphore, #tpu.memory_space<semaphore_mem>>)
      %dma_wait3A_242 = tpu.memref_slice %arg7[%mul3A_2] : memref<4096xi32, #tpu.memory_space<hbm>> -> memref<128xi32, #tpu.memory_space<hbm>>
      %dma_wait3A_243 = tpu.memref_slice %arg7[%mul3A_2] : memref<4096xi32, #tpu.memory_space<hbm>> -> memref<128xi32, #tpu.memory_space<hbm>>
      tpu.wait_dma2 semaphore(%run_scoped3A : memref<!tpu.dma_semaphore, #tpu.memory_space<semaphore_mem>>) src(%dma_wait3A_243 : memref<128xi32, #tpu.memory_space<hbm>>) dst(%arg57 : memref<128xi32, #tpu.memory_space<vmem>>)
      tpu.yield
    }) : () -> ()
    %dma_start3A_31 = arith.constant 0 : i32
    %dma_start3A_32 = arith.constant 0 : i32
    %dma_start3A_33 = tpu.memref_slice %arg34[%dma_start3A_31, %dma_start3A_32] : memref<100000x32xf32, #tpu.memory_space<hbm>> -> memref<100000x32xf32, #tpu.memory_space<hbm>>
    tpu.enqueue_indirect_dma source(%dma_start3A_33 : memref<100000x32xf32, #tpu.memory_space<hbm>>) target(%arg58 : memref<128x32xf32, #tpu.memory_space<vmem>>) offsets(%arg57 : memref<128xi32, #tpu.memory_space<vmem>>) semaphore(%arg64 : memref<!tpu.dma_semaphore, #tpu.memory_space<semaphore_mem>>)
    %dma_wait3A_34 = arith.constant 0 : i32
    %dma_wait3A_35 = arith.constant 0 : i32
    %dma_wait3A_36 = tpu.memref_slice %arg34[%dma_wait3A_34, %dma_wait3A_35] : memref<100000x32xf32, #tpu.memory_space<hbm>> -> memref<100000x32xf32, #tpu.memory_space<hbm>>
    tpu.wait_indirect_dma semaphore(%arg64 : memref<!tpu.dma_semaphore, #tpu.memory_space<semaphore_mem>>) src(%dma_wait3A_36 : memref<100000x32xf32, #tpu.memory_space<hbm>>) dst(%arg58 : memref<128x32xf32, #tpu.memory_space<vmem>>)
    "tpu.region"() ({
      %run_scoped3A = tpu.sem_alloc : memref<!tpu.dma_semaphore, #tpu.memory_space<semaphore_mem>>
      %dma_start3A_240 = arith.constant 160 : i32
      %dma_start3A_241 = tpu.memref_slice %arg56[%mul3A_2, %dma_start3A_240] : memref<4096x864xf32, #tpu.memory_space<hbm>> -> memref<128x32xf32, #tpu.memory_space<hbm>>
      %dma_start3A_242 = arith.constant 160 : i32
      %dma_start3A_243 = tpu.memref_slice %arg56[%mul3A_2, %dma_start3A_242] : memref<4096x864xf32, #tpu.memory_space<hbm>> -> memref<128x32xf32, #tpu.memory_space<hbm>>
      tpu.enqueue_dma source(%arg58 : memref<128x32xf32, #tpu.memory_space<vmem>>) target(%dma_start3A_243 : memref<128x32xf32, #tpu.memory_space<hbm>>) target_semaphore(%run_scoped3A : memref<!tpu.dma_semaphore, #tpu.memory_space<semaphore_mem>>)
      %dma_wait3A_244 = arith.constant 160 : i32
      %dma_wait3A_245 = tpu.memref_slice %arg56[%mul3A_2, %dma_wait3A_244] : memref<4096x864xf32, #tpu.memory_space<hbm>> -> memref<128x32xf32, #tpu.memory_space<hbm>>
      %dma_wait3A_246 = arith.constant 160 : i32
      %dma_wait3A_247 = tpu.memref_slice %arg56[%mul3A_2, %dma_wait3A_246] : memref<4096x864xf32, #tpu.memory_space<hbm>> -> memref<128x32xf32, #tpu.memory_space<hbm>>
      tpu.wait_dma2 semaphore(%run_scoped3A : memref<!tpu.dma_semaphore, #tpu.memory_space<semaphore_mem>>) src(%arg58 : memref<128x32xf32, #tpu.memory_space<vmem>>) dst(%dma_wait3A_247 : memref<128x32xf32, #tpu.memory_space<hbm>>)
      tpu.yield
    }) : () -> ()
    "tpu.region"() ({
      %run_scoped3A = tpu.sem_alloc : memref<!tpu.dma_semaphore, #tpu.memory_space<semaphore_mem>>
      %dma_start3A_240 = tpu.memref_slice %arg8[%mul3A_2] : memref<4096xi32, #tpu.memory_space<hbm>> -> memref<128xi32, #tpu.memory_space<hbm>>
      %dma_start3A_241 = tpu.memref_slice %arg8[%mul3A_2] : memref<4096xi32, #tpu.memory_space<hbm>> -> memref<128xi32, #tpu.memory_space<hbm>>
      tpu.enqueue_dma source(%dma_start3A_241 : memref<128xi32, #tpu.memory_space<hbm>>) target(%arg57 : memref<128xi32, #tpu.memory_space<vmem>>) target_semaphore(%run_scoped3A : memref<!tpu.dma_semaphore, #tpu.memory_space<semaphore_mem>>)
      %dma_wait3A_242 = tpu.memref_slice %arg8[%mul3A_2] : memref<4096xi32, #tpu.memory_space<hbm>> -> memref<128xi32, #tpu.memory_space<hbm>>
      %dma_wait3A_243 = tpu.memref_slice %arg8[%mul3A_2] : memref<4096xi32, #tpu.memory_space<hbm>> -> memref<128xi32, #tpu.memory_space<hbm>>
      tpu.wait_dma2 semaphore(%run_scoped3A : memref<!tpu.dma_semaphore, #tpu.memory_space<semaphore_mem>>) src(%dma_wait3A_243 : memref<128xi32, #tpu.memory_space<hbm>>) dst(%arg57 : memref<128xi32, #tpu.memory_space<vmem>>)
      tpu.yield
    }) : () -> ()
    %dma_start3A_37 = arith.constant 0 : i32
    %dma_start3A_38 = arith.constant 0 : i32
    %dma_start3A_39 = tpu.memref_slice %arg35[%dma_start3A_37, %dma_start3A_38] : memref<100000x32xf32, #tpu.memory_space<hbm>> -> memref<100000x32xf32, #tpu.memory_space<hbm>>
    tpu.enqueue_indirect_dma source(%dma_start3A_39 : memref<100000x32xf32, #tpu.memory_space<hbm>>) target(%arg58 : memref<128x32xf32, #tpu.memory_space<vmem>>) offsets(%arg57 : memref<128xi32, #tpu.memory_space<vmem>>) semaphore(%arg64 : memref<!tpu.dma_semaphore, #tpu.memory_space<semaphore_mem>>)
    %dma_wait3A_40 = arith.constant 0 : i32
    %dma_wait3A_41 = arith.constant 0 : i32
    %dma_wait3A_42 = tpu.memref_slice %arg35[%dma_wait3A_40, %dma_wait3A_41] : memref<100000x32xf32, #tpu.memory_space<hbm>> -> memref<100000x32xf32, #tpu.memory_space<hbm>>
    tpu.wait_indirect_dma semaphore(%arg64 : memref<!tpu.dma_semaphore, #tpu.memory_space<semaphore_mem>>) src(%dma_wait3A_42 : memref<100000x32xf32, #tpu.memory_space<hbm>>) dst(%arg58 : memref<128x32xf32, #tpu.memory_space<vmem>>)
    "tpu.region"() ({
      %run_scoped3A = tpu.sem_alloc : memref<!tpu.dma_semaphore, #tpu.memory_space<semaphore_mem>>
      %dma_start3A_240 = arith.constant 192 : i32
      %dma_start3A_241 = tpu.memref_slice %arg56[%mul3A_2, %dma_start3A_240] : memref<4096x864xf32, #tpu.memory_space<hbm>> -> memref<128x32xf32, #tpu.memory_space<hbm>>
      %dma_start3A_242 = arith.constant 192 : i32
      %dma_start3A_243 = tpu.memref_slice %arg56[%mul3A_2, %dma_start3A_242] : memref<4096x864xf32, #tpu.memory_space<hbm>> -> memref<128x32xf32, #tpu.memory_space<hbm>>
      tpu.enqueue_dma source(%arg58 : memref<128x32xf32, #tpu.memory_space<vmem>>) target(%dma_start3A_243 : memref<128x32xf32, #tpu.memory_space<hbm>>) target_semaphore(%run_scoped3A : memref<!tpu.dma_semaphore, #tpu.memory_space<semaphore_mem>>)
      %dma_wait3A_244 = arith.constant 192 : i32
      %dma_wait3A_245 = tpu.memref_slice %arg56[%mul3A_2, %dma_wait3A_244] : memref<4096x864xf32, #tpu.memory_space<hbm>> -> memref<128x32xf32, #tpu.memory_space<hbm>>
      %dma_wait3A_246 = arith.constant 192 : i32
      %dma_wait3A_247 = tpu.memref_slice %arg56[%mul3A_2, %dma_wait3A_246] : memref<4096x864xf32, #tpu.memory_space<hbm>> -> memref<128x32xf32, #tpu.memory_space<hbm>>
      tpu.wait_dma2 semaphore(%run_scoped3A : memref<!tpu.dma_semaphore, #tpu.memory_space<semaphore_mem>>) src(%arg58 : memref<128x32xf32, #tpu.memory_space<vmem>>) dst(%dma_wait3A_247 : memref<128x32xf32, #tpu.memory_space<hbm>>)
      tpu.yield
    }) : () -> ()
    "tpu.region"() ({
      %run_scoped3A = tpu.sem_alloc : memref<!tpu.dma_semaphore, #tpu.memory_space<semaphore_mem>>
      %dma_start3A_240 = tpu.memref_slice %arg9[%mul3A_2] : memref<4096xi32, #tpu.memory_space<hbm>> -> memref<128xi32, #tpu.memory_space<hbm>>
      %dma_start3A_241 = tpu.memref_slice %arg9[%mul3A_2] : memref<4096xi32, #tpu.memory_space<hbm>> -> memref<128xi32, #tpu.memory_space<hbm>>
      tpu.enqueue_dma source(%dma_start3A_241 : memref<128xi32, #tpu.memory_space<hbm>>) target(%arg57 : memref<128xi32, #tpu.memory_space<vmem>>) target_semaphore(%run_scoped3A : memref<!tpu.dma_semaphore, #tpu.memory_space<semaphore_mem>>)
      %dma_wait3A_242 = tpu.memref_slice %arg9[%mul3A_2] : memref<4096xi32, #tpu.memory_space<hbm>> -> memref<128xi32, #tpu.memory_space<hbm>>
      %dma_wait3A_243 = tpu.memref_slice %arg9[%mul3A_2] : memref<4096xi32, #tpu.memory_space<hbm>> -> memref<128xi32, #tpu.memory_space<hbm>>
      tpu.wait_dma2 semaphore(%run_scoped3A : memref<!tpu.dma_semaphore, #tpu.memory_space<semaphore_mem>>) src(%dma_wait3A_243 : memref<128xi32, #tpu.memory_space<hbm>>) dst(%arg57 : memref<128xi32, #tpu.memory_space<vmem>>)
      tpu.yield
    }) : () -> ()
    %dma_start3A_43 = arith.constant 0 : i32
    %dma_start3A_44 = arith.constant 0 : i32
    %dma_start3A_45 = tpu.memref_slice %arg36[%dma_start3A_43, %dma_start3A_44] : memref<100000x32xf32, #tpu.memory_space<hbm>> -> memref<100000x32xf32, #tpu.memory_space<hbm>>
    tpu.enqueue_indirect_dma source(%dma_start3A_45 : memref<100000x32xf32, #tpu.memory_space<hbm>>) target(%arg58 : memref<128x32xf32, #tpu.memory_space<vmem>>) offsets(%arg57 : memref<128xi32, #tpu.memory_space<vmem>>) semaphore(%arg64 : memref<!tpu.dma_semaphore, #tpu.memory_space<semaphore_mem>>)
    %dma_wait3A_46 = arith.constant 0 : i32
    %dma_wait3A_47 = arith.constant 0 : i32
    %dma_wait3A_48 = tpu.memref_slice %arg36[%dma_wait3A_46, %dma_wait3A_47] : memref<100000x32xf32, #tpu.memory_space<hbm>> -> memref<100000x32xf32, #tpu.memory_space<hbm>>
    tpu.wait_indirect_dma semaphore(%arg64 : memref<!tpu.dma_semaphore, #tpu.memory_space<semaphore_mem>>) src(%dma_wait3A_48 : memref<100000x32xf32, #tpu.memory_space<hbm>>) dst(%arg58 : memref<128x32xf32, #tpu.memory_space<vmem>>)
    "tpu.region"() ({
      %run_scoped3A = tpu.sem_alloc : memref<!tpu.dma_semaphore, #tpu.memory_space<semaphore_mem>>
      %dma_start3A_240 = arith.constant 224 : i32
      %dma_start3A_241 = tpu.memref_slice %arg56[%mul3A_2, %dma_start3A_240] : memref<4096x864xf32, #tpu.memory_space<hbm>> -> memref<128x32xf32, #tpu.memory_space<hbm>>
      %dma_start3A_242 = arith.constant 224 : i32
      %dma_start3A_243 = tpu.memref_slice %arg56[%mul3A_2, %dma_start3A_242] : memref<4096x864xf32, #tpu.memory_space<hbm>> -> memref<128x32xf32, #tpu.memory_space<hbm>>
      tpu.enqueue_dma source(%arg58 : memref<128x32xf32, #tpu.memory_space<vmem>>) target(%dma_start3A_243 : memref<128x32xf32, #tpu.memory_space<hbm>>) target_semaphore(%run_scoped3A : memref<!tpu.dma_semaphore, #tpu.memory_space<semaphore_mem>>)
      %dma_wait3A_244 = arith.constant 224 : i32
      %dma_wait3A_245 = tpu.memref_slice %arg56[%mul3A_2, %dma_wait3A_244] : memref<4096x864xf32, #tpu.memory_space<hbm>> -> memref<128x32xf32, #tpu.memory_space<hbm>>
      %dma_wait3A_246 = arith.constant 224 : i32
      %dma_wait3A_247 = tpu.memref_slice %arg56[%mul3A_2, %dma_wait3A_246] : memref<4096x864xf32, #tpu.memory_space<hbm>> -> memref<128x32xf32, #tpu.memory_space<hbm>>
      tpu.wait_dma2 semaphore(%run_scoped3A : memref<!tpu.dma_semaphore, #tpu.memory_space<semaphore_mem>>) src(%arg58 : memref<128x32xf32, #tpu.memory_space<vmem>>) dst(%dma_wait3A_247 : memref<128x32xf32, #tpu.memory_space<hbm>>)
      tpu.yield
    }) : () -> ()
    "tpu.region"() ({
      %run_scoped3A = tpu.sem_alloc : memref<!tpu.dma_semaphore, #tpu.memory_space<semaphore_mem>>
      %dma_start3A_240 = tpu.memref_slice %arg10[%mul3A_2] : memref<4096xi32, #tpu.memory_space<hbm>> -> memref<128xi32, #tpu.memory_space<hbm>>
      %dma_start3A_241 = tpu.memref_slice %arg10[%mul3A_2] : memref<4096xi32, #tpu.memory_space<hbm>> -> memref<128xi32, #tpu.memory_space<hbm>>
      tpu.enqueue_dma source(%dma_start3A_241 : memref<128xi32, #tpu.memory_space<hbm>>) target(%arg57 : memref<128xi32, #tpu.memory_space<vmem>>) target_semaphore(%run_scoped3A : memref<!tpu.dma_semaphore, #tpu.memory_space<semaphore_mem>>)
      %dma_wait3A_242 = tpu.memref_slice %arg10[%mul3A_2] : memref<4096xi32, #tpu.memory_space<hbm>> -> memref<128xi32, #tpu.memory_space<hbm>>
      %dma_wait3A_243 = tpu.memref_slice %arg10[%mul3A_2] : memref<4096xi32, #tpu.memory_space<hbm>> -> memref<128xi32, #tpu.memory_space<hbm>>
      tpu.wait_dma2 semaphore(%run_scoped3A : memref<!tpu.dma_semaphore, #tpu.memory_space<semaphore_mem>>) src(%dma_wait3A_243 : memref<128xi32, #tpu.memory_space<hbm>>) dst(%arg57 : memref<128xi32, #tpu.memory_space<vmem>>)
      tpu.yield
    }) : () -> ()
    %dma_start3A_49 = arith.constant 0 : i32
    %dma_start3A_50 = arith.constant 0 : i32
    %dma_start3A_51 = tpu.memref_slice %arg37[%dma_start3A_49, %dma_start3A_50] : memref<100000x32xf32, #tpu.memory_space<hbm>> -> memref<100000x32xf32, #tpu.memory_space<hbm>>
    tpu.enqueue_indirect_dma source(%dma_start3A_51 : memref<100000x32xf32, #tpu.memory_space<hbm>>) target(%arg58 : memref<128x32xf32, #tpu.memory_space<vmem>>) offsets(%arg57 : memref<128xi32, #tpu.memory_space<vmem>>) semaphore(%arg64 : memref<!tpu.dma_semaphore, #tpu.memory_space<semaphore_mem>>)
    %dma_wait3A_52 = arith.constant 0 : i32
    %dma_wait3A_53 = arith.constant 0 : i32
    %dma_wait3A_54 = tpu.memref_slice %arg37[%dma_wait3A_52, %dma_wait3A_53] : memref<100000x32xf32, #tpu.memory_space<hbm>> -> memref<100000x32xf32, #tpu.memory_space<hbm>>
    tpu.wait_indirect_dma semaphore(%arg64 : memref<!tpu.dma_semaphore, #tpu.memory_space<semaphore_mem>>) src(%dma_wait3A_54 : memref<100000x32xf32, #tpu.memory_space<hbm>>) dst(%arg58 : memref<128x32xf32, #tpu.memory_space<vmem>>)
    "tpu.region"() ({
      %run_scoped3A = tpu.sem_alloc : memref<!tpu.dma_semaphore, #tpu.memory_space<semaphore_mem>>
      %dma_start3A_240 = arith.constant 256 : i32
      %dma_start3A_241 = tpu.memref_slice %arg56[%mul3A_2, %dma_start3A_240] : memref<4096x864xf32, #tpu.memory_space<hbm>> -> memref<128x32xf32, #tpu.memory_space<hbm>>
      %dma_start3A_242 = arith.constant 256 : i32
      %dma_start3A_243 = tpu.memref_slice %arg56[%mul3A_2, %dma_start3A_242] : memref<4096x864xf32, #tpu.memory_space<hbm>> -> memref<128x32xf32, #tpu.memory_space<hbm>>
      tpu.enqueue_dma source(%arg58 : memref<128x32xf32, #tpu.memory_space<vmem>>) target(%dma_start3A_243 : memref<128x32xf32, #tpu.memory_space<hbm>>) target_semaphore(%run_scoped3A : memref<!tpu.dma_semaphore, #tpu.memory_space<semaphore_mem>>)
      %dma_wait3A_244 = arith.constant 256 : i32
      %dma_wait3A_245 = tpu.memref_slice %arg56[%mul3A_2, %dma_wait3A_244] : memref<4096x864xf32, #tpu.memory_space<hbm>> -> memref<128x32xf32, #tpu.memory_space<hbm>>
      %dma_wait3A_246 = arith.constant 256 : i32
      %dma_wait3A_247 = tpu.memref_slice %arg56[%mul3A_2, %dma_wait3A_246] : memref<4096x864xf32, #tpu.memory_space<hbm>> -> memref<128x32xf32, #tpu.memory_space<hbm>>
      tpu.wait_dma2 semaphore(%run_scoped3A : memref<!tpu.dma_semaphore, #tpu.memory_space<semaphore_mem>>) src(%arg58 : memref<128x32xf32, #tpu.memory_space<vmem>>) dst(%dma_wait3A_247 : memref<128x32xf32, #tpu.memory_space<hbm>>)
      tpu.yield
    }) : () -> ()
    "tpu.region"() ({
      %run_scoped3A = tpu.sem_alloc : memref<!tpu.dma_semaphore, #tpu.memory_space<semaphore_mem>>
      %dma_start3A_240 = tpu.memref_slice %arg11[%mul3A_2] : memref<4096xi32, #tpu.memory_space<hbm>> -> memref<128xi32, #tpu.memory_space<hbm>>
      %dma_start3A_241 = tpu.memref_slice %arg11[%mul3A_2] : memref<4096xi32, #tpu.memory_space<hbm>> -> memref<128xi32, #tpu.memory_space<hbm>>
      tpu.enqueue_dma source(%dma_start3A_241 : memref<128xi32, #tpu.memory_space<hbm>>) target(%arg57 : memref<128xi32, #tpu.memory_space<vmem>>) target_semaphore(%run_scoped3A : memref<!tpu.dma_semaphore, #tpu.memory_space<semaphore_mem>>)
      %dma_wait3A_242 = tpu.memref_slice %arg11[%mul3A_2] : memref<4096xi32, #tpu.memory_space<hbm>> -> memref<128xi32, #tpu.memory_space<hbm>>
      %dma_wait3A_243 = tpu.memref_slice %arg11[%mul3A_2] : memref<4096xi32, #tpu.memory_space<hbm>> -> memref<128xi32, #tpu.memory_space<hbm>>
      tpu.wait_dma2 semaphore(%run_scoped3A : memref<!tpu.dma_semaphore, #tpu.memory_space<semaphore_mem>>) src(%dma_wait3A_243 : memref<128xi32, #tpu.memory_space<hbm>>) dst(%arg57 : memref<128xi32, #tpu.memory_space<vmem>>)
      tpu.yield
    }) : () -> ()
    %dma_start3A_55 = arith.constant 0 : i32
    %dma_start3A_56 = arith.constant 0 : i32
    %dma_start3A_57 = tpu.memref_slice %arg38[%dma_start3A_55, %dma_start3A_56] : memref<100000x32xf32, #tpu.memory_space<hbm>> -> memref<100000x32xf32, #tpu.memory_space<hbm>>
    tpu.enqueue_indirect_dma source(%dma_start3A_57 : memref<100000x32xf32, #tpu.memory_space<hbm>>) target(%arg58 : memref<128x32xf32, #tpu.memory_space<vmem>>) offsets(%arg57 : memref<128xi32, #tpu.memory_space<vmem>>) semaphore(%arg64 : memref<!tpu.dma_semaphore, #tpu.memory_space<semaphore_mem>>)
    %dma_wait3A_58 = arith.constant 0 : i32
    %dma_wait3A_59 = arith.constant 0 : i32
    %dma_wait3A_60 = tpu.memref_slice %arg38[%dma_wait3A_58, %dma_wait3A_59] : memref<100000x32xf32, #tpu.memory_space<hbm>> -> memref<100000x32xf32, #tpu.memory_space<hbm>>
    tpu.wait_indirect_dma semaphore(%arg64 : memref<!tpu.dma_semaphore, #tpu.memory_space<semaphore_mem>>) src(%dma_wait3A_60 : memref<100000x32xf32, #tpu.memory_space<hbm>>) dst(%arg58 : memref<128x32xf32, #tpu.memory_space<vmem>>)
    "tpu.region"() ({
      %run_scoped3A = tpu.sem_alloc : memref<!tpu.dma_semaphore, #tpu.memory_space<semaphore_mem>>
      %dma_start3A_240 = arith.constant 288 : i32
      %dma_start3A_241 = tpu.memref_slice %arg56[%mul3A_2, %dma_start3A_240] : memref<4096x864xf32, #tpu.memory_space<hbm>> -> memref<128x32xf32, #tpu.memory_space<hbm>>
      %dma_start3A_242 = arith.constant 288 : i32
      %dma_start3A_243 = tpu.memref_slice %arg56[%mul3A_2, %dma_start3A_242] : memref<4096x864xf32, #tpu.memory_space<hbm>> -> memref<128x32xf32, #tpu.memory_space<hbm>>
      tpu.enqueue_dma source(%arg58 : memref<128x32xf32, #tpu.memory_space<vmem>>) target(%dma_start3A_243 : memref<128x32xf32, #tpu.memory_space<hbm>>) target_semaphore(%run_scoped3A : memref<!tpu.dma_semaphore, #tpu.memory_space<semaphore_mem>>)
      %dma_wait3A_244 = arith.constant 288 : i32
      %dma_wait3A_245 = tpu.memref_slice %arg56[%mul3A_2, %dma_wait3A_244] : memref<4096x864xf32, #tpu.memory_space<hbm>> -> memref<128x32xf32, #tpu.memory_space<hbm>>
      %dma_wait3A_246 = arith.constant 288 : i32
      %dma_wait3A_247 = tpu.memref_slice %arg56[%mul3A_2, %dma_wait3A_246] : memref<4096x864xf32, #tpu.memory_space<hbm>> -> memref<128x32xf32, #tpu.memory_space<hbm>>
      tpu.wait_dma2 semaphore(%run_scoped3A : memref<!tpu.dma_semaphore, #tpu.memory_space<semaphore_mem>>) src(%arg58 : memref<128x32xf32, #tpu.memory_space<vmem>>) dst(%dma_wait3A_247 : memref<128x32xf32, #tpu.memory_space<hbm>>)
      tpu.yield
    }) : () -> ()
    "tpu.region"() ({
      %run_scoped3A = tpu.sem_alloc : memref<!tpu.dma_semaphore, #tpu.memory_space<semaphore_mem>>
      %dma_start3A_240 = tpu.memref_slice %arg12[%mul3A_2] : memref<4096xi32, #tpu.memory_space<hbm>> -> memref<128xi32, #tpu.memory_space<hbm>>
      %dma_start3A_241 = tpu.memref_slice %arg12[%mul3A_2] : memref<4096xi32, #tpu.memory_space<hbm>> -> memref<128xi32, #tpu.memory_space<hbm>>
      tpu.enqueue_dma source(%dma_start3A_241 : memref<128xi32, #tpu.memory_space<hbm>>) target(%arg57 : memref<128xi32, #tpu.memory_space<vmem>>) target_semaphore(%run_scoped3A : memref<!tpu.dma_semaphore, #tpu.memory_space<semaphore_mem>>)
      %dma_wait3A_242 = tpu.memref_slice %arg12[%mul3A_2] : memref<4096xi32, #tpu.memory_space<hbm>> -> memref<128xi32, #tpu.memory_space<hbm>>
      %dma_wait3A_243 = tpu.memref_slice %arg12[%mul3A_2] : memref<4096xi32, #tpu.memory_space<hbm>> -> memref<128xi32, #tpu.memory_space<hbm>>
      tpu.wait_dma2 semaphore(%run_scoped3A : memref<!tpu.dma_semaphore, #tpu.memory_space<semaphore_mem>>) src(%dma_wait3A_243 : memref<128xi32, #tpu.memory_space<hbm>>) dst(%arg57 : memref<128xi32, #tpu.memory_space<vmem>>)
      tpu.yield
    }) : () -> ()
    %dma_start3A_61 = arith.constant 0 : i32
    %dma_start3A_62 = arith.constant 0 : i32
    %dma_start3A_63 = tpu.memref_slice %arg39[%dma_start3A_61, %dma_start3A_62] : memref<100000x32xf32, #tpu.memory_space<hbm>> -> memref<100000x32xf32, #tpu.memory_space<hbm>>
    tpu.enqueue_indirect_dma source(%dma_start3A_63 : memref<100000x32xf32, #tpu.memory_space<hbm>>) target(%arg58 : memref<128x32xf32, #tpu.memory_space<vmem>>) offsets(%arg57 : memref<128xi32, #tpu.memory_space<vmem>>) semaphore(%arg64 : memref<!tpu.dma_semaphore, #tpu.memory_space<semaphore_mem>>)
    %dma_wait3A_64 = arith.constant 0 : i32
    %dma_wait3A_65 = arith.constant 0 : i32
    %dma_wait3A_66 = tpu.memref_slice %arg39[%dma_wait3A_64, %dma_wait3A_65] : memref<100000x32xf32, #tpu.memory_space<hbm>> -> memref<100000x32xf32, #tpu.memory_space<hbm>>
    tpu.wait_indirect_dma semaphore(%arg64 : memref<!tpu.dma_semaphore, #tpu.memory_space<semaphore_mem>>) src(%dma_wait3A_66 : memref<100000x32xf32, #tpu.memory_space<hbm>>) dst(%arg58 : memref<128x32xf32, #tpu.memory_space<vmem>>)
    "tpu.region"() ({
      %run_scoped3A = tpu.sem_alloc : memref<!tpu.dma_semaphore, #tpu.memory_space<semaphore_mem>>
      %dma_start3A_240 = arith.constant 320 : i32
      %dma_start3A_241 = tpu.memref_slice %arg56[%mul3A_2, %dma_start3A_240] : memref<4096x864xf32, #tpu.memory_space<hbm>> -> memref<128x32xf32, #tpu.memory_space<hbm>>
      %dma_start3A_242 = arith.constant 320 : i32
      %dma_start3A_243 = tpu.memref_slice %arg56[%mul3A_2, %dma_start3A_242] : memref<4096x864xf32, #tpu.memory_space<hbm>> -> memref<128x32xf32, #tpu.memory_space<hbm>>
      tpu.enqueue_dma source(%arg58 : memref<128x32xf32, #tpu.memory_space<vmem>>) target(%dma_start3A_243 : memref<128x32xf32, #tpu.memory_space<hbm>>) target_semaphore(%run_scoped3A : memref<!tpu.dma_semaphore, #tpu.memory_space<semaphore_mem>>)
      %dma_wait3A_244 = arith.constant 320 : i32
      %dma_wait3A_245 = tpu.memref_slice %arg56[%mul3A_2, %dma_wait3A_244] : memref<4096x864xf32, #tpu.memory_space<hbm>> -> memref<128x32xf32, #tpu.memory_space<hbm>>
      %dma_wait3A_246 = arith.constant 320 : i32
      %dma_wait3A_247 = tpu.memref_slice %arg56[%mul3A_2, %dma_wait3A_246] : memref<4096x864xf32, #tpu.memory_space<hbm>> -> memref<128x32xf32, #tpu.memory_space<hbm>>
      tpu.wait_dma2 semaphore(%run_scoped3A : memref<!tpu.dma_semaphore, #tpu.memory_space<semaphore_mem>>) src(%arg58 : memref<128x32xf32, #tpu.memory_space<vmem>>) dst(%dma_wait3A_247 : memref<128x32xf32, #tpu.memory_space<hbm>>)
      tpu.yield
    }) : () -> ()
    "tpu.region"() ({
      %run_scoped3A = tpu.sem_alloc : memref<!tpu.dma_semaphore, #tpu.memory_space<semaphore_mem>>
      %dma_start3A_240 = tpu.memref_slice %arg13[%mul3A_2] : memref<4096xi32, #tpu.memory_space<hbm>> -> memref<128xi32, #tpu.memory_space<hbm>>
      %dma_start3A_241 = tpu.memref_slice %arg13[%mul3A_2] : memref<4096xi32, #tpu.memory_space<hbm>> -> memref<128xi32, #tpu.memory_space<hbm>>
      tpu.enqueue_dma source(%dma_start3A_241 : memref<128xi32, #tpu.memory_space<hbm>>) target(%arg57 : memref<128xi32, #tpu.memory_space<vmem>>) target_semaphore(%run_scoped3A : memref<!tpu.dma_semaphore, #tpu.memory_space<semaphore_mem>>)
      %dma_wait3A_242 = tpu.memref_slice %arg13[%mul3A_2] : memref<4096xi32, #tpu.memory_space<hbm>> -> memref<128xi32, #tpu.memory_space<hbm>>
      %dma_wait3A_243 = tpu.memref_slice %arg13[%mul3A_2] : memref<4096xi32, #tpu.memory_space<hbm>> -> memref<128xi32, #tpu.memory_space<hbm>>
      tpu.wait_dma2 semaphore(%run_scoped3A : memref<!tpu.dma_semaphore, #tpu.memory_space<semaphore_mem>>) src(%dma_wait3A_243 : memref<128xi32, #tpu.memory_space<hbm>>) dst(%arg57 : memref<128xi32, #tpu.memory_space<vmem>>)
      tpu.yield
    }) : () -> ()
    %dma_start3A_67 = arith.constant 0 : i32
    %dma_start3A_68 = arith.constant 0 : i32
    %dma_start3A_69 = tpu.memref_slice %arg40[%dma_start3A_67, %dma_start3A_68] : memref<100000x32xf32, #tpu.memory_space<hbm>> -> memref<100000x32xf32, #tpu.memory_space<hbm>>
    tpu.enqueue_indirect_dma source(%dma_start3A_69 : memref<100000x32xf32, #tpu.memory_space<hbm>>) target(%arg58 : memref<128x32xf32, #tpu.memory_space<vmem>>) offsets(%arg57 : memref<128xi32, #tpu.memory_space<vmem>>) semaphore(%arg64 : memref<!tpu.dma_semaphore, #tpu.memory_space<semaphore_mem>>)
    %dma_wait3A_70 = arith.constant 0 : i32
    %dma_wait3A_71 = arith.constant 0 : i32
    %dma_wait3A_72 = tpu.memref_slice %arg40[%dma_wait3A_70, %dma_wait3A_71] : memref<100000x32xf32, #tpu.memory_space<hbm>> -> memref<100000x32xf32, #tpu.memory_space<hbm>>
    tpu.wait_indirect_dma semaphore(%arg64 : memref<!tpu.dma_semaphore, #tpu.memory_space<semaphore_mem>>) src(%dma_wait3A_72 : memref<100000x32xf32, #tpu.memory_space<hbm>>) dst(%arg58 : memref<128x32xf32, #tpu.memory_space<vmem>>)
    "tpu.region"() ({
      %run_scoped3A = tpu.sem_alloc : memref<!tpu.dma_semaphore, #tpu.memory_space<semaphore_mem>>
      %dma_start3A_240 = arith.constant 352 : i32
      %dma_start3A_241 = tpu.memref_slice %arg56[%mul3A_2, %dma_start3A_240] : memref<4096x864xf32, #tpu.memory_space<hbm>> -> memref<128x32xf32, #tpu.memory_space<hbm>>
      %dma_start3A_242 = arith.constant 352 : i32
      %dma_start3A_243 = tpu.memref_slice %arg56[%mul3A_2, %dma_start3A_242] : memref<4096x864xf32, #tpu.memory_space<hbm>> -> memref<128x32xf32, #tpu.memory_space<hbm>>
      tpu.enqueue_dma source(%arg58 : memref<128x32xf32, #tpu.memory_space<vmem>>) target(%dma_start3A_243 : memref<128x32xf32, #tpu.memory_space<hbm>>) target_semaphore(%run_scoped3A : memref<!tpu.dma_semaphore, #tpu.memory_space<semaphore_mem>>)
      %dma_wait3A_244 = arith.constant 352 : i32
      %dma_wait3A_245 = tpu.memref_slice %arg56[%mul3A_2, %dma_wait3A_244] : memref<4096x864xf32, #tpu.memory_space<hbm>> -> memref<128x32xf32, #tpu.memory_space<hbm>>
      %dma_wait3A_246 = arith.constant 352 : i32
      %dma_wait3A_247 = tpu.memref_slice %arg56[%mul3A_2, %dma_wait3A_246] : memref<4096x864xf32, #tpu.memory_space<hbm>> -> memref<128x32xf32, #tpu.memory_space<hbm>>
      tpu.wait_dma2 semaphore(%run_scoped3A : memref<!tpu.dma_semaphore, #tpu.memory_space<semaphore_mem>>) src(%arg58 : memref<128x32xf32, #tpu.memory_space<vmem>>) dst(%dma_wait3A_247 : memref<128x32xf32, #tpu.memory_space<hbm>>)
      tpu.yield
    }) : () -> ()
    "tpu.region"() ({
      %run_scoped3A = tpu.sem_alloc : memref<!tpu.dma_semaphore, #tpu.memory_space<semaphore_mem>>
      %dma_start3A_240 = tpu.memref_slice %arg14[%mul3A_2] : memref<4096xi32, #tpu.memory_space<hbm>> -> memref<128xi32, #tpu.memory_space<hbm>>
      %dma_start3A_241 = tpu.memref_slice %arg14[%mul3A_2] : memref<4096xi32, #tpu.memory_space<hbm>> -> memref<128xi32, #tpu.memory_space<hbm>>
      tpu.enqueue_dma source(%dma_start3A_241 : memref<128xi32, #tpu.memory_space<hbm>>) target(%arg57 : memref<128xi32, #tpu.memory_space<vmem>>) target_semaphore(%run_scoped3A : memref<!tpu.dma_semaphore, #tpu.memory_space<semaphore_mem>>)
      %dma_wait3A_242 = tpu.memref_slice %arg14[%mul3A_2] : memref<4096xi32, #tpu.memory_space<hbm>> -> memref<128xi32, #tpu.memory_space<hbm>>
      %dma_wait3A_243 = tpu.memref_slice %arg14[%mul3A_2] : memref<4096xi32, #tpu.memory_space<hbm>> -> memref<128xi32, #tpu.memory_space<hbm>>
      tpu.wait_dma2 semaphore(%run_scoped3A : memref<!tpu.dma_semaphore, #tpu.memory_space<semaphore_mem>>) src(%dma_wait3A_243 : memref<128xi32, #tpu.memory_space<hbm>>) dst(%arg57 : memref<128xi32, #tpu.memory_space<vmem>>)
      tpu.yield
    }) : () -> ()
    %dma_start3A_73 = arith.constant 0 : i32
    %dma_start3A_74 = arith.constant 0 : i32
    %dma_start3A_75 = tpu.memref_slice %arg41[%dma_start3A_73, %dma_start3A_74] : memref<100000x32xf32, #tpu.memory_space<hbm>> -> memref<100000x32xf32, #tpu.memory_space<hbm>>
    tpu.enqueue_indirect_dma source(%dma_start3A_75 : memref<100000x32xf32, #tpu.memory_space<hbm>>) target(%arg58 : memref<128x32xf32, #tpu.memory_space<vmem>>) offsets(%arg57 : memref<128xi32, #tpu.memory_space<vmem>>) semaphore(%arg64 : memref<!tpu.dma_semaphore, #tpu.memory_space<semaphore_mem>>)
    %dma_wait3A_76 = arith.constant 0 : i32
    %dma_wait3A_77 = arith.constant 0 : i32
    %dma_wait3A_78 = tpu.memref_slice %arg41[%dma_wait3A_76, %dma_wait3A_77] : memref<100000x32xf32, #tpu.memory_space<hbm>> -> memref<100000x32xf32, #tpu.memory_space<hbm>>
    tpu.wait_indirect_dma semaphore(%arg64 : memref<!tpu.dma_semaphore, #tpu.memory_space<semaphore_mem>>) src(%dma_wait3A_78 : memref<100000x32xf32, #tpu.memory_space<hbm>>) dst(%arg58 : memref<128x32xf32, #tpu.memory_space<vmem>>)
    "tpu.region"() ({
      %run_scoped3A = tpu.sem_alloc : memref<!tpu.dma_semaphore, #tpu.memory_space<semaphore_mem>>
      %dma_start3A_240 = arith.constant 384 : i32
      %dma_start3A_241 = tpu.memref_slice %arg56[%mul3A_2, %dma_start3A_240] : memref<4096x864xf32, #tpu.memory_space<hbm>> -> memref<128x32xf32, #tpu.memory_space<hbm>>
      %dma_start3A_242 = arith.constant 384 : i32
      %dma_start3A_243 = tpu.memref_slice %arg56[%mul3A_2, %dma_start3A_242] : memref<4096x864xf32, #tpu.memory_space<hbm>> -> memref<128x32xf32, #tpu.memory_space<hbm>>
      tpu.enqueue_dma source(%arg58 : memref<128x32xf32, #tpu.memory_space<vmem>>) target(%dma_start3A_243 : memref<128x32xf32, #tpu.memory_space<hbm>>) target_semaphore(%run_scoped3A : memref<!tpu.dma_semaphore, #tpu.memory_space<semaphore_mem>>)
      %dma_wait3A_244 = arith.constant 384 : i32
      %dma_wait3A_245 = tpu.memref_slice %arg56[%mul3A_2, %dma_wait3A_244] : memref<4096x864xf32, #tpu.memory_space<hbm>> -> memref<128x32xf32, #tpu.memory_space<hbm>>
      %dma_wait3A_246 = arith.constant 384 : i32
      %dma_wait3A_247 = tpu.memref_slice %arg56[%mul3A_2, %dma_wait3A_246] : memref<4096x864xf32, #tpu.memory_space<hbm>> -> memref<128x32xf32, #tpu.memory_space<hbm>>
      tpu.wait_dma2 semaphore(%run_scoped3A : memref<!tpu.dma_semaphore, #tpu.memory_space<semaphore_mem>>) src(%arg58 : memref<128x32xf32, #tpu.memory_space<vmem>>) dst(%dma_wait3A_247 : memref<128x32xf32, #tpu.memory_space<hbm>>)
      tpu.yield
    }) : () -> ()
    "tpu.region"() ({
      %run_scoped3A = tpu.sem_alloc : memref<!tpu.dma_semaphore, #tpu.memory_space<semaphore_mem>>
      %dma_start3A_240 = tpu.memref_slice %arg15[%mul3A_2] : memref<4096xi32, #tpu.memory_space<hbm>> -> memref<128xi32, #tpu.memory_space<hbm>>
      %dma_start3A_241 = tpu.memref_slice %arg15[%mul3A_2] : memref<4096xi32, #tpu.memory_space<hbm>> -> memref<128xi32, #tpu.memory_space<hbm>>
      tpu.enqueue_dma source(%dma_start3A_241 : memref<128xi32, #tpu.memory_space<hbm>>) target(%arg57 : memref<128xi32, #tpu.memory_space<vmem>>) target_semaphore(%run_scoped3A : memref<!tpu.dma_semaphore, #tpu.memory_space<semaphore_mem>>)
      %dma_wait3A_242 = tpu.memref_slice %arg15[%mul3A_2] : memref<4096xi32, #tpu.memory_space<hbm>> -> memref<128xi32, #tpu.memory_space<hbm>>
      %dma_wait3A_243 = tpu.memref_slice %arg15[%mul3A_2] : memref<4096xi32, #tpu.memory_space<hbm>> -> memref<128xi32, #tpu.memory_space<hbm>>
      tpu.wait_dma2 semaphore(%run_scoped3A : memref<!tpu.dma_semaphore, #tpu.memory_space<semaphore_mem>>) src(%dma_wait3A_243 : memref<128xi32, #tpu.memory_space<hbm>>) dst(%arg57 : memref<128xi32, #tpu.memory_space<vmem>>)
      tpu.yield
    }) : () -> ()
    %dma_start3A_79 = arith.constant 0 : i32
    %dma_start3A_80 = arith.constant 0 : i32
    %dma_start3A_81 = tpu.memref_slice %arg42[%dma_start3A_79, %dma_start3A_80] : memref<100000x32xf32, #tpu.memory_space<hbm>> -> memref<100000x32xf32, #tpu.memory_space<hbm>>
    tpu.enqueue_indirect_dma source(%dma_start3A_81 : memref<100000x32xf32, #tpu.memory_space<hbm>>) target(%arg58 : memref<128x32xf32, #tpu.memory_space<vmem>>) offsets(%arg57 : memref<128xi32, #tpu.memory_space<vmem>>) semaphore(%arg64 : memref<!tpu.dma_semaphore, #tpu.memory_space<semaphore_mem>>)
    %dma_wait3A_82 = arith.constant 0 : i32
    %dma_wait3A_83 = arith.constant 0 : i32
    %dma_wait3A_84 = tpu.memref_slice %arg42[%dma_wait3A_82, %dma_wait3A_83] : memref<100000x32xf32, #tpu.memory_space<hbm>> -> memref<100000x32xf32, #tpu.memory_space<hbm>>
    tpu.wait_indirect_dma semaphore(%arg64 : memref<!tpu.dma_semaphore, #tpu.memory_space<semaphore_mem>>) src(%dma_wait3A_84 : memref<100000x32xf32, #tpu.memory_space<hbm>>) dst(%arg58 : memref<128x32xf32, #tpu.memory_space<vmem>>)
    "tpu.region"() ({
      %run_scoped3A = tpu.sem_alloc : memref<!tpu.dma_semaphore, #tpu.memory_space<semaphore_mem>>
      %dma_start3A_240 = arith.constant 416 : i32
      %dma_start3A_241 = tpu.memref_slice %arg56[%mul3A_2, %dma_start3A_240] : memref<4096x864xf32, #tpu.memory_space<hbm>> -> memref<128x32xf32, #tpu.memory_space<hbm>>
      %dma_start3A_242 = arith.constant 416 : i32
      %dma_start3A_243 = tpu.memref_slice %arg56[%mul3A_2, %dma_start3A_242] : memref<4096x864xf32, #tpu.memory_space<hbm>> -> memref<128x32xf32, #tpu.memory_space<hbm>>
      tpu.enqueue_dma source(%arg58 : memref<128x32xf32, #tpu.memory_space<vmem>>) target(%dma_start3A_243 : memref<128x32xf32, #tpu.memory_space<hbm>>) target_semaphore(%run_scoped3A : memref<!tpu.dma_semaphore, #tpu.memory_space<semaphore_mem>>)
      %dma_wait3A_244 = arith.constant 416 : i32
      %dma_wait3A_245 = tpu.memref_slice %arg56[%mul3A_2, %dma_wait3A_244] : memref<4096x864xf32, #tpu.memory_space<hbm>> -> memref<128x32xf32, #tpu.memory_space<hbm>>
      %dma_wait3A_246 = arith.constant 416 : i32
      %dma_wait3A_247 = tpu.memref_slice %arg56[%mul3A_2, %dma_wait3A_246] : memref<4096x864xf32, #tpu.memory_space<hbm>> -> memref<128x32xf32, #tpu.memory_space<hbm>>
      tpu.wait_dma2 semaphore(%run_scoped3A : memref<!tpu.dma_semaphore, #tpu.memory_space<semaphore_mem>>) src(%arg58 : memref<128x32xf32, #tpu.memory_space<vmem>>) dst(%dma_wait3A_247 : memref<128x32xf32, #tpu.memory_space<hbm>>)
      tpu.yield
    }) : () -> ()
    "tpu.region"() ({
      %run_scoped3A = tpu.sem_alloc : memref<!tpu.dma_semaphore, #tpu.memory_space<semaphore_mem>>
      %dma_start3A_240 = tpu.memref_slice %arg16[%mul3A_2] : memref<4096xi32, #tpu.memory_space<hbm>> -> memref<128xi32, #tpu.memory_space<hbm>>
      %dma_start3A_241 = tpu.memref_slice %arg16[%mul3A_2] : memref<4096xi32, #tpu.memory_space<hbm>> -> memref<128xi32, #tpu.memory_space<hbm>>
      tpu.enqueue_dma source(%dma_start3A_241 : memref<128xi32, #tpu.memory_space<hbm>>) target(%arg57 : memref<128xi32, #tpu.memory_space<vmem>>) target_semaphore(%run_scoped3A : memref<!tpu.dma_semaphore, #tpu.memory_space<semaphore_mem>>)
      %dma_wait3A_242 = tpu.memref_slice %arg16[%mul3A_2] : memref<4096xi32, #tpu.memory_space<hbm>> -> memref<128xi32, #tpu.memory_space<hbm>>
      %dma_wait3A_243 = tpu.memref_slice %arg16[%mul3A_2] : memref<4096xi32, #tpu.memory_space<hbm>> -> memref<128xi32, #tpu.memory_space<hbm>>
      tpu.wait_dma2 semaphore(%run_scoped3A : memref<!tpu.dma_semaphore, #tpu.memory_space<semaphore_mem>>) src(%dma_wait3A_243 : memref<128xi32, #tpu.memory_space<hbm>>) dst(%arg57 : memref<128xi32, #tpu.memory_space<vmem>>)
      tpu.yield
    }) : () -> ()
    %dma_start3A_85 = arith.constant 0 : i32
    %dma_start3A_86 = arith.constant 0 : i32
    %dma_start3A_87 = tpu.memref_slice %arg43[%dma_start3A_85, %dma_start3A_86] : memref<100000x32xf32, #tpu.memory_space<hbm>> -> memref<100000x32xf32, #tpu.memory_space<hbm>>
    tpu.enqueue_indirect_dma source(%dma_start3A_87 : memref<100000x32xf32, #tpu.memory_space<hbm>>) target(%arg58 : memref<128x32xf32, #tpu.memory_space<vmem>>) offsets(%arg57 : memref<128xi32, #tpu.memory_space<vmem>>) semaphore(%arg64 : memref<!tpu.dma_semaphore, #tpu.memory_space<semaphore_mem>>)
    %dma_wait3A_88 = arith.constant 0 : i32
    %dma_wait3A_89 = arith.constant 0 : i32
    %dma_wait3A_90 = tpu.memref_slice %arg43[%dma_wait3A_88, %dma_wait3A_89] : memref<100000x32xf32, #tpu.memory_space<hbm>> -> memref<100000x32xf32, #tpu.memory_space<hbm>>
    tpu.wait_indirect_dma semaphore(%arg64 : memref<!tpu.dma_semaphore, #tpu.memory_space<semaphore_mem>>) src(%dma_wait3A_90 : memref<100000x32xf32, #tpu.memory_space<hbm>>) dst(%arg58 : memref<128x32xf32, #tpu.memory_space<vmem>>)
    "tpu.region"() ({
      %run_scoped3A = tpu.sem_alloc : memref<!tpu.dma_semaphore, #tpu.memory_space<semaphore_mem>>
      %dma_start3A_240 = arith.constant 448 : i32
      %dma_start3A_241 = tpu.memref_slice %arg56[%mul3A_2, %dma_start3A_240] : memref<4096x864xf32, #tpu.memory_space<hbm>> -> memref<128x32xf32, #tpu.memory_space<hbm>>
      %dma_start3A_242 = arith.constant 448 : i32
      %dma_start3A_243 = tpu.memref_slice %arg56[%mul3A_2, %dma_start3A_242] : memref<4096x864xf32, #tpu.memory_space<hbm>> -> memref<128x32xf32, #tpu.memory_space<hbm>>
      tpu.enqueue_dma source(%arg58 : memref<128x32xf32, #tpu.memory_space<vmem>>) target(%dma_start3A_243 : memref<128x32xf32, #tpu.memory_space<hbm>>) target_semaphore(%run_scoped3A : memref<!tpu.dma_semaphore, #tpu.memory_space<semaphore_mem>>)
      %dma_wait3A_244 = arith.constant 448 : i32
      %dma_wait3A_245 = tpu.memref_slice %arg56[%mul3A_2, %dma_wait3A_244] : memref<4096x864xf32, #tpu.memory_space<hbm>> -> memref<128x32xf32, #tpu.memory_space<hbm>>
      %dma_wait3A_246 = arith.constant 448 : i32
      %dma_wait3A_247 = tpu.memref_slice %arg56[%mul3A_2, %dma_wait3A_246] : memref<4096x864xf32, #tpu.memory_space<hbm>> -> memref<128x32xf32, #tpu.memory_space<hbm>>
      tpu.wait_dma2 semaphore(%run_scoped3A : memref<!tpu.dma_semaphore, #tpu.memory_space<semaphore_mem>>) src(%arg58 : memref<128x32xf32, #tpu.memory_space<vmem>>) dst(%dma_wait3A_247 : memref<128x32xf32, #tpu.memory_space<hbm>>)
      tpu.yield
    }) : () -> ()
    "tpu.region"() ({
      %run_scoped3A = tpu.sem_alloc : memref<!tpu.dma_semaphore, #tpu.memory_space<semaphore_mem>>
      %dma_start3A_240 = tpu.memref_slice %arg17[%mul3A_2] : memref<4096xi32, #tpu.memory_space<hbm>> -> memref<128xi32, #tpu.memory_space<hbm>>
      %dma_start3A_241 = tpu.memref_slice %arg17[%mul3A_2] : memref<4096xi32, #tpu.memory_space<hbm>> -> memref<128xi32, #tpu.memory_space<hbm>>
      tpu.enqueue_dma source(%dma_start3A_241 : memref<128xi32, #tpu.memory_space<hbm>>) target(%arg57 : memref<128xi32, #tpu.memory_space<vmem>>) target_semaphore(%run_scoped3A : memref<!tpu.dma_semaphore, #tpu.memory_space<semaphore_mem>>)
      %dma_wait3A_242 = tpu.memref_slice %arg17[%mul3A_2] : memref<4096xi32, #tpu.memory_space<hbm>> -> memref<128xi32, #tpu.memory_space<hbm>>
      %dma_wait3A_243 = tpu.memref_slice %arg17[%mul3A_2] : memref<4096xi32, #tpu.memory_space<hbm>> -> memref<128xi32, #tpu.memory_space<hbm>>
      tpu.wait_dma2 semaphore(%run_scoped3A : memref<!tpu.dma_semaphore, #tpu.memory_space<semaphore_mem>>) src(%dma_wait3A_243 : memref<128xi32, #tpu.memory_space<hbm>>) dst(%arg57 : memref<128xi32, #tpu.memory_space<vmem>>)
      tpu.yield
    }) : () -> ()
    %dma_start3A_91 = arith.constant 0 : i32
    %dma_start3A_92 = arith.constant 0 : i32
    %dma_start3A_93 = tpu.memref_slice %arg44[%dma_start3A_91, %dma_start3A_92] : memref<100000x32xf32, #tpu.memory_space<hbm>> -> memref<100000x32xf32, #tpu.memory_space<hbm>>
    tpu.enqueue_indirect_dma source(%dma_start3A_93 : memref<100000x32xf32, #tpu.memory_space<hbm>>) target(%arg58 : memref<128x32xf32, #tpu.memory_space<vmem>>) offsets(%arg57 : memref<128xi32, #tpu.memory_space<vmem>>) semaphore(%arg64 : memref<!tpu.dma_semaphore, #tpu.memory_space<semaphore_mem>>)
    %dma_wait3A_94 = arith.constant 0 : i32
    %dma_wait3A_95 = arith.constant 0 : i32
    %dma_wait3A_96 = tpu.memref_slice %arg44[%dma_wait3A_94, %dma_wait3A_95] : memref<100000x32xf32, #tpu.memory_space<hbm>> -> memref<100000x32xf32, #tpu.memory_space<hbm>>
    tpu.wait_indirect_dma semaphore(%arg64 : memref<!tpu.dma_semaphore, #tpu.memory_space<semaphore_mem>>) src(%dma_wait3A_96 : memref<100000x32xf32, #tpu.memory_space<hbm>>) dst(%arg58 : memref<128x32xf32, #tpu.memory_space<vmem>>)
    "tpu.region"() ({
      %run_scoped3A = tpu.sem_alloc : memref<!tpu.dma_semaphore, #tpu.memory_space<semaphore_mem>>
      %dma_start3A_240 = arith.constant 480 : i32
      %dma_start3A_241 = tpu.memref_slice %arg56[%mul3A_2, %dma_start3A_240] : memref<4096x864xf32, #tpu.memory_space<hbm>> -> memref<128x32xf32, #tpu.memory_space<hbm>>
      %dma_start3A_242 = arith.constant 480 : i32
      %dma_start3A_243 = tpu.memref_slice %arg56[%mul3A_2, %dma_start3A_242] : memref<4096x864xf32, #tpu.memory_space<hbm>> -> memref<128x32xf32, #tpu.memory_space<hbm>>
      tpu.enqueue_dma source(%arg58 : memref<128x32xf32, #tpu.memory_space<vmem>>) target(%dma_start3A_243 : memref<128x32xf32, #tpu.memory_space<hbm>>) target_semaphore(%run_scoped3A : memref<!tpu.dma_semaphore, #tpu.memory_space<semaphore_mem>>)
      %dma_wait3A_244 = arith.constant 480 : i32
      %dma_wait3A_245 = tpu.memref_slice %arg56[%mul3A_2, %dma_wait3A_244] : memref<4096x864xf32, #tpu.memory_space<hbm>> -> memref<128x32xf32, #tpu.memory_space<hbm>>
      %dma_wait3A_246 = arith.constant 480 : i32
      %dma_wait3A_247 = tpu.memref_slice %arg56[%mul3A_2, %dma_wait3A_246] : memref<4096x864xf32, #tpu.memory_space<hbm>> -> memref<128x32xf32, #tpu.memory_space<hbm>>
      tpu.wait_dma2 semaphore(%run_scoped3A : memref<!tpu.dma_semaphore, #tpu.memory_space<semaphore_mem>>) src(%arg58 : memref<128x32xf32, #tpu.memory_space<vmem>>) dst(%dma_wait3A_247 : memref<128x32xf32, #tpu.memory_space<hbm>>)
      tpu.yield
    }) : () -> ()
    "tpu.region"() ({
      %run_scoped3A = tpu.sem_alloc : memref<!tpu.dma_semaphore, #tpu.memory_space<semaphore_mem>>
      %dma_start3A_240 = tpu.memref_slice %arg18[%mul3A_2] : memref<4096xi32, #tpu.memory_space<hbm>> -> memref<128xi32, #tpu.memory_space<hbm>>
      %dma_start3A_241 = tpu.memref_slice %arg18[%mul3A_2] : memref<4096xi32, #tpu.memory_space<hbm>> -> memref<128xi32, #tpu.memory_space<hbm>>
      tpu.enqueue_dma source(%dma_start3A_241 : memref<128xi32, #tpu.memory_space<hbm>>) target(%arg57 : memref<128xi32, #tpu.memory_space<vmem>>) target_semaphore(%run_scoped3A : memref<!tpu.dma_semaphore, #tpu.memory_space<semaphore_mem>>)
      %dma_wait3A_242 = tpu.memref_slice %arg18[%mul3A_2] : memref<4096xi32, #tpu.memory_space<hbm>> -> memref<128xi32, #tpu.memory_space<hbm>>
      %dma_wait3A_243 = tpu.memref_slice %arg18[%mul3A_2] : memref<4096xi32, #tpu.memory_space<hbm>> -> memref<128xi32, #tpu.memory_space<hbm>>
      tpu.wait_dma2 semaphore(%run_scoped3A : memref<!tpu.dma_semaphore, #tpu.memory_space<semaphore_mem>>) src(%dma_wait3A_243 : memref<128xi32, #tpu.memory_space<hbm>>) dst(%arg57 : memref<128xi32, #tpu.memory_space<vmem>>)
      tpu.yield
    }) : () -> ()
    %dma_start3A_97 = arith.constant 0 : i32
    %dma_start3A_98 = arith.constant 0 : i32
    %dma_start3A_99 = tpu.memref_slice %arg45[%dma_start3A_97, %dma_start3A_98] : memref<100000x32xf32, #tpu.memory_space<hbm>> -> memref<100000x32xf32, #tpu.memory_space<hbm>>
    tpu.enqueue_indirect_dma source(%dma_start3A_99 : memref<100000x32xf32, #tpu.memory_space<hbm>>) target(%arg58 : memref<128x32xf32, #tpu.memory_space<vmem>>) offsets(%arg57 : memref<128xi32, #tpu.memory_space<vmem>>) semaphore(%arg64 : memref<!tpu.dma_semaphore, #tpu.memory_space<semaphore_mem>>)
    %dma_wait3A_100 = arith.constant 0 : i32
    %dma_wait3A_101 = arith.constant 0 : i32
    %dma_wait3A_102 = tpu.memref_slice %arg45[%dma_wait3A_100, %dma_wait3A_101] : memref<100000x32xf32, #tpu.memory_space<hbm>> -> memref<100000x32xf32, #tpu.memory_space<hbm>>
    tpu.wait_indirect_dma semaphore(%arg64 : memref<!tpu.dma_semaphore, #tpu.memory_space<semaphore_mem>>) src(%dma_wait3A_102 : memref<100000x32xf32, #tpu.memory_space<hbm>>) dst(%arg58 : memref<128x32xf32, #tpu.memory_space<vmem>>)
    "tpu.region"() ({
      %run_scoped3A = tpu.sem_alloc : memref<!tpu.dma_semaphore, #tpu.memory_space<semaphore_mem>>
      %dma_start3A_240 = arith.constant 512 : i32
      %dma_start3A_241 = tpu.memref_slice %arg56[%mul3A_2, %dma_start3A_240] : memref<4096x864xf32, #tpu.memory_space<hbm>> -> memref<128x32xf32, #tpu.memory_space<hbm>>
      %dma_start3A_242 = arith.constant 512 : i32
      %dma_start3A_243 = tpu.memref_slice %arg56[%mul3A_2, %dma_start3A_242] : memref<4096x864xf32, #tpu.memory_space<hbm>> -> memref<128x32xf32, #tpu.memory_space<hbm>>
      tpu.enqueue_dma source(%arg58 : memref<128x32xf32, #tpu.memory_space<vmem>>) target(%dma_start3A_243 : memref<128x32xf32, #tpu.memory_space<hbm>>) target_semaphore(%run_scoped3A : memref<!tpu.dma_semaphore, #tpu.memory_space<semaphore_mem>>)
      %dma_wait3A_244 = arith.constant 512 : i32
      %dma_wait3A_245 = tpu.memref_slice %arg56[%mul3A_2, %dma_wait3A_244] : memref<4096x864xf32, #tpu.memory_space<hbm>> -> memref<128x32xf32, #tpu.memory_space<hbm>>
      %dma_wait3A_246 = arith.constant 512 : i32
      %dma_wait3A_247 = tpu.memref_slice %arg56[%mul3A_2, %dma_wait3A_246] : memref<4096x864xf32, #tpu.memory_space<hbm>> -> memref<128x32xf32, #tpu.memory_space<hbm>>
      tpu.wait_dma2 semaphore(%run_scoped3A : memref<!tpu.dma_semaphore, #tpu.memory_space<semaphore_mem>>) src(%arg58 : memref<128x32xf32, #tpu.memory_space<vmem>>) dst(%dma_wait3A_247 : memref<128x32xf32, #tpu.memory_space<hbm>>)
      tpu.yield
    }) : () -> ()
    "tpu.region"() ({
      %run_scoped3A = tpu.sem_alloc : memref<!tpu.dma_semaphore, #tpu.memory_space<semaphore_mem>>
      %dma_start3A_240 = tpu.memref_slice %arg19[%mul3A_2] : memref<4096xi32, #tpu.memory_space<hbm>> -> memref<128xi32, #tpu.memory_space<hbm>>
      %dma_start3A_241 = tpu.memref_slice %arg19[%mul3A_2] : memref<4096xi32, #tpu.memory_space<hbm>> -> memref<128xi32, #tpu.memory_space<hbm>>
      tpu.enqueue_dma source(%dma_start3A_241 : memref<128xi32, #tpu.memory_space<hbm>>) target(%arg57 : memref<128xi32, #tpu.memory_space<vmem>>) target_semaphore(%run_scoped3A : memref<!tpu.dma_semaphore, #tpu.memory_space<semaphore_mem>>)
      %dma_wait3A_242 = tpu.memref_slice %arg19[%mul3A_2] : memref<4096xi32, #tpu.memory_space<hbm>> -> memref<128xi32, #tpu.memory_space<hbm>>
      %dma_wait3A_243 = tpu.memref_slice %arg19[%mul3A_2] : memref<4096xi32, #tpu.memory_space<hbm>> -> memref<128xi32, #tpu.memory_space<hbm>>
      tpu.wait_dma2 semaphore(%run_scoped3A : memref<!tpu.dma_semaphore, #tpu.memory_space<semaphore_mem>>) src(%dma_wait3A_243 : memref<128xi32, #tpu.memory_space<hbm>>) dst(%arg57 : memref<128xi32, #tpu.memory_space<vmem>>)
      tpu.yield
    }) : () -> ()
    %dma_start3A_103 = arith.constant 0 : i32
    %dma_start3A_104 = arith.constant 0 : i32
    %dma_start3A_105 = tpu.memref_slice %arg46[%dma_start3A_103, %dma_start3A_104] : memref<100000x32xf32, #tpu.memory_space<hbm>> -> memref<100000x32xf32, #tpu.memory_space<hbm>>
    tpu.enqueue_indirect_dma source(%dma_start3A_105 : memref<100000x32xf32, #tpu.memory_space<hbm>>) target(%arg58 : memref<128x32xf32, #tpu.memory_space<vmem>>) offsets(%arg57 : memref<128xi32, #tpu.memory_space<vmem>>) semaphore(%arg64 : memref<!tpu.dma_semaphore, #tpu.memory_space<semaphore_mem>>)
    %dma_wait3A_106 = arith.constant 0 : i32
    %dma_wait3A_107 = arith.constant 0 : i32
    %dma_wait3A_108 = tpu.memref_slice %arg46[%dma_wait3A_106, %dma_wait3A_107] : memref<100000x32xf32, #tpu.memory_space<hbm>> -> memref<100000x32xf32, #tpu.memory_space<hbm>>
    tpu.wait_indirect_dma semaphore(%arg64 : memref<!tpu.dma_semaphore, #tpu.memory_space<semaphore_mem>>) src(%dma_wait3A_108 : memref<100000x32xf32, #tpu.memory_space<hbm>>) dst(%arg58 : memref<128x32xf32, #tpu.memory_space<vmem>>)
    "tpu.region"() ({
      %run_scoped3A = tpu.sem_alloc : memref<!tpu.dma_semaphore, #tpu.memory_space<semaphore_mem>>
      %dma_start3A_240 = arith.constant 544 : i32
      %dma_start3A_241 = tpu.memref_slice %arg56[%mul3A_2, %dma_start3A_240] : memref<4096x864xf32, #tpu.memory_space<hbm>> -> memref<128x32xf32, #tpu.memory_space<hbm>>
      %dma_start3A_242 = arith.constant 544 : i32
      %dma_start3A_243 = tpu.memref_slice %arg56[%mul3A_2, %dma_start3A_242] : memref<4096x864xf32, #tpu.memory_space<hbm>> -> memref<128x32xf32, #tpu.memory_space<hbm>>
      tpu.enqueue_dma source(%arg58 : memref<128x32xf32, #tpu.memory_space<vmem>>) target(%dma_start3A_243 : memref<128x32xf32, #tpu.memory_space<hbm>>) target_semaphore(%run_scoped3A : memref<!tpu.dma_semaphore, #tpu.memory_space<semaphore_mem>>)
      %dma_wait3A_244 = arith.constant 544 : i32
      %dma_wait3A_245 = tpu.memref_slice %arg56[%mul3A_2, %dma_wait3A_244] : memref<4096x864xf32, #tpu.memory_space<hbm>> -> memref<128x32xf32, #tpu.memory_space<hbm>>
      %dma_wait3A_246 = arith.constant 544 : i32
      %dma_wait3A_247 = tpu.memref_slice %arg56[%mul3A_2, %dma_wait3A_246] : memref<4096x864xf32, #tpu.memory_space<hbm>> -> memref<128x32xf32, #tpu.memory_space<hbm>>
      tpu.wait_dma2 semaphore(%run_scoped3A : memref<!tpu.dma_semaphore, #tpu.memory_space<semaphore_mem>>) src(%arg58 : memref<128x32xf32, #tpu.memory_space<vmem>>) dst(%dma_wait3A_247 : memref<128x32xf32, #tpu.memory_space<hbm>>)
      tpu.yield
    }) : () -> ()
    "tpu.region"() ({
      %run_scoped3A = tpu.sem_alloc : memref<!tpu.dma_semaphore, #tpu.memory_space<semaphore_mem>>
      %dma_start3A_240 = tpu.memref_slice %arg20[%mul3A_2] : memref<4096xi32, #tpu.memory_space<hbm>> -> memref<128xi32, #tpu.memory_space<hbm>>
      %dma_start3A_241 = tpu.memref_slice %arg20[%mul3A_2] : memref<4096xi32, #tpu.memory_space<hbm>> -> memref<128xi32, #tpu.memory_space<hbm>>
      tpu.enqueue_dma source(%dma_start3A_241 : memref<128xi32, #tpu.memory_space<hbm>>) target(%arg57 : memref<128xi32, #tpu.memory_space<vmem>>) target_semaphore(%run_scoped3A : memref<!tpu.dma_semaphore, #tpu.memory_space<semaphore_mem>>)
      %dma_wait3A_242 = tpu.memref_slice %arg20[%mul3A_2] : memref<4096xi32, #tpu.memory_space<hbm>> -> memref<128xi32, #tpu.memory_space<hbm>>
      %dma_wait3A_243 = tpu.memref_slice %arg20[%mul3A_2] : memref<4096xi32, #tpu.memory_space<hbm>> -> memref<128xi32, #tpu.memory_space<hbm>>
      tpu.wait_dma2 semaphore(%run_scoped3A : memref<!tpu.dma_semaphore, #tpu.memory_space<semaphore_mem>>) src(%dma_wait3A_243 : memref<128xi32, #tpu.memory_space<hbm>>) dst(%arg57 : memref<128xi32, #tpu.memory_space<vmem>>)
      tpu.yield
    }) : () -> ()
    %dma_start3A_109 = arith.constant 0 : i32
    %dma_start3A_110 = arith.constant 0 : i32
    %dma_start3A_111 = tpu.memref_slice %arg47[%dma_start3A_109, %dma_start3A_110] : memref<100000x32xf32, #tpu.memory_space<hbm>> -> memref<100000x32xf32, #tpu.memory_space<hbm>>
    tpu.enqueue_indirect_dma source(%dma_start3A_111 : memref<100000x32xf32, #tpu.memory_space<hbm>>) target(%arg58 : memref<128x32xf32, #tpu.memory_space<vmem>>) offsets(%arg57 : memref<128xi32, #tpu.memory_space<vmem>>) semaphore(%arg64 : memref<!tpu.dma_semaphore, #tpu.memory_space<semaphore_mem>>)
    %dma_wait3A_112 = arith.constant 0 : i32
    %dma_wait3A_113 = arith.constant 0 : i32
    %dma_wait3A_114 = tpu.memref_slice %arg47[%dma_wait3A_112, %dma_wait3A_113] : memref<100000x32xf32, #tpu.memory_space<hbm>> -> memref<100000x32xf32, #tpu.memory_space<hbm>>
    tpu.wait_indirect_dma semaphore(%arg64 : memref<!tpu.dma_semaphore, #tpu.memory_space<semaphore_mem>>) src(%dma_wait3A_114 : memref<100000x32xf32, #tpu.memory_space<hbm>>) dst(%arg58 : memref<128x32xf32, #tpu.memory_space<vmem>>)
    "tpu.region"() ({
      %run_scoped3A = tpu.sem_alloc : memref<!tpu.dma_semaphore, #tpu.memory_space<semaphore_mem>>
      %dma_start3A_240 = arith.constant 576 : i32
      %dma_start3A_241 = tpu.memref_slice %arg56[%mul3A_2, %dma_start3A_240] : memref<4096x864xf32, #tpu.memory_space<hbm>> -> memref<128x32xf32, #tpu.memory_space<hbm>>
      %dma_start3A_242 = arith.constant 576 : i32
      %dma_start3A_243 = tpu.memref_slice %arg56[%mul3A_2, %dma_start3A_242] : memref<4096x864xf32, #tpu.memory_space<hbm>> -> memref<128x32xf32, #tpu.memory_space<hbm>>
      tpu.enqueue_dma source(%arg58 : memref<128x32xf32, #tpu.memory_space<vmem>>) target(%dma_start3A_243 : memref<128x32xf32, #tpu.memory_space<hbm>>) target_semaphore(%run_scoped3A : memref<!tpu.dma_semaphore, #tpu.memory_space<semaphore_mem>>)
      %dma_wait3A_244 = arith.constant 576 : i32
      %dma_wait3A_245 = tpu.memref_slice %arg56[%mul3A_2, %dma_wait3A_244] : memref<4096x864xf32, #tpu.memory_space<hbm>> -> memref<128x32xf32, #tpu.memory_space<hbm>>
      %dma_wait3A_246 = arith.constant 576 : i32
      %dma_wait3A_247 = tpu.memref_slice %arg56[%mul3A_2, %dma_wait3A_246] : memref<4096x864xf32, #tpu.memory_space<hbm>> -> memref<128x32xf32, #tpu.memory_space<hbm>>
      tpu.wait_dma2 semaphore(%run_scoped3A : memref<!tpu.dma_semaphore, #tpu.memory_space<semaphore_mem>>) src(%arg58 : memref<128x32xf32, #tpu.memory_space<vmem>>) dst(%dma_wait3A_247 : memref<128x32xf32, #tpu.memory_space<hbm>>)
      tpu.yield
    }) : () -> ()
    "tpu.region"() ({
      %run_scoped3A = tpu.sem_alloc : memref<!tpu.dma_semaphore, #tpu.memory_space<semaphore_mem>>
      %dma_start3A_240 = tpu.memref_slice %arg21[%mul3A_2] : memref<4096xi32, #tpu.memory_space<hbm>> -> memref<128xi32, #tpu.memory_space<hbm>>
      %dma_start3A_241 = tpu.memref_slice %arg21[%mul3A_2] : memref<4096xi32, #tpu.memory_space<hbm>> -> memref<128xi32, #tpu.memory_space<hbm>>
      tpu.enqueue_dma source(%dma_start3A_241 : memref<128xi32, #tpu.memory_space<hbm>>) target(%arg57 : memref<128xi32, #tpu.memory_space<vmem>>) target_semaphore(%run_scoped3A : memref<!tpu.dma_semaphore, #tpu.memory_space<semaphore_mem>>)
      %dma_wait3A_242 = tpu.memref_slice %arg21[%mul3A_2] : memref<4096xi32, #tpu.memory_space<hbm>> -> memref<128xi32, #tpu.memory_space<hbm>>
      %dma_wait3A_243 = tpu.memref_slice %arg21[%mul3A_2] : memref<4096xi32, #tpu.memory_space<hbm>> -> memref<128xi32, #tpu.memory_space<hbm>>
      tpu.wait_dma2 semaphore(%run_scoped3A : memref<!tpu.dma_semaphore, #tpu.memory_space<semaphore_mem>>) src(%dma_wait3A_243 : memref<128xi32, #tpu.memory_space<hbm>>) dst(%arg57 : memref<128xi32, #tpu.memory_space<vmem>>)
      tpu.yield
    }) : () -> ()
    %dma_start3A_115 = arith.constant 0 : i32
    %dma_start3A_116 = arith.constant 0 : i32
    %dma_start3A_117 = tpu.memref_slice %arg48[%dma_start3A_115, %dma_start3A_116] : memref<100000x32xf32, #tpu.memory_space<hbm>> -> memref<100000x32xf32, #tpu.memory_space<hbm>>
    tpu.enqueue_indirect_dma source(%dma_start3A_117 : memref<100000x32xf32, #tpu.memory_space<hbm>>) target(%arg58 : memref<128x32xf32, #tpu.memory_space<vmem>>) offsets(%arg57 : memref<128xi32, #tpu.memory_space<vmem>>) semaphore(%arg64 : memref<!tpu.dma_semaphore, #tpu.memory_space<semaphore_mem>>)
    %dma_wait3A_118 = arith.constant 0 : i32
    %dma_wait3A_119 = arith.constant 0 : i32
    %dma_wait3A_120 = tpu.memref_slice %arg48[%dma_wait3A_118, %dma_wait3A_119] : memref<100000x32xf32, #tpu.memory_space<hbm>> -> memref<100000x32xf32, #tpu.memory_space<hbm>>
    tpu.wait_indirect_dma semaphore(%arg64 : memref<!tpu.dma_semaphore, #tpu.memory_space<semaphore_mem>>) src(%dma_wait3A_120 : memref<100000x32xf32, #tpu.memory_space<hbm>>) dst(%arg58 : memref<128x32xf32, #tpu.memory_space<vmem>>)
    "tpu.region"() ({
      %run_scoped3A = tpu.sem_alloc : memref<!tpu.dma_semaphore, #tpu.memory_space<semaphore_mem>>
      %dma_start3A_240 = arith.constant 608 : i32
      %dma_start3A_241 = tpu.memref_slice %arg56[%mul3A_2, %dma_start3A_240] : memref<4096x864xf32, #tpu.memory_space<hbm>> -> memref<128x32xf32, #tpu.memory_space<hbm>>
      %dma_start3A_242 = arith.constant 608 : i32
      %dma_start3A_243 = tpu.memref_slice %arg56[%mul3A_2, %dma_start3A_242] : memref<4096x864xf32, #tpu.memory_space<hbm>> -> memref<128x32xf32, #tpu.memory_space<hbm>>
      tpu.enqueue_dma source(%arg58 : memref<128x32xf32, #tpu.memory_space<vmem>>) target(%dma_start3A_243 : memref<128x32xf32, #tpu.memory_space<hbm>>) target_semaphore(%run_scoped3A : memref<!tpu.dma_semaphore, #tpu.memory_space<semaphore_mem>>)
      %dma_wait3A_244 = arith.constant 608 : i32
      %dma_wait3A_245 = tpu.memref_slice %arg56[%mul3A_2, %dma_wait3A_244] : memref<4096x864xf32, #tpu.memory_space<hbm>> -> memref<128x32xf32, #tpu.memory_space<hbm>>
      %dma_wait3A_246 = arith.constant 608 : i32
      %dma_wait3A_247 = tpu.memref_slice %arg56[%mul3A_2, %dma_wait3A_246] : memref<4096x864xf32, #tpu.memory_space<hbm>> -> memref<128x32xf32, #tpu.memory_space<hbm>>
      tpu.wait_dma2 semaphore(%run_scoped3A : memref<!tpu.dma_semaphore, #tpu.memory_space<semaphore_mem>>) src(%arg58 : memref<128x32xf32, #tpu.memory_space<vmem>>) dst(%dma_wait3A_247 : memref<128x32xf32, #tpu.memory_space<hbm>>)
      tpu.yield
    }) : () -> ()
    "tpu.region"() ({
      %run_scoped3A = tpu.sem_alloc : memref<!tpu.dma_semaphore, #tpu.memory_space<semaphore_mem>>
      %dma_start3A_240 = tpu.memref_slice %arg22[%mul3A_2] : memref<4096xi32, #tpu.memory_space<hbm>> -> memref<128xi32, #tpu.memory_space<hbm>>
      %dma_start3A_241 = tpu.memref_slice %arg22[%mul3A_2] : memref<4096xi32, #tpu.memory_space<hbm>> -> memref<128xi32, #tpu.memory_space<hbm>>
      tpu.enqueue_dma source(%dma_start3A_241 : memref<128xi32, #tpu.memory_space<hbm>>) target(%arg57 : memref<128xi32, #tpu.memory_space<vmem>>) target_semaphore(%run_scoped3A : memref<!tpu.dma_semaphore, #tpu.memory_space<semaphore_mem>>)
      %dma_wait3A_242 = tpu.memref_slice %arg22[%mul3A_2] : memref<4096xi32, #tpu.memory_space<hbm>> -> memref<128xi32, #tpu.memory_space<hbm>>
      %dma_wait3A_243 = tpu.memref_slice %arg22[%mul3A_2] : memref<4096xi32, #tpu.memory_space<hbm>> -> memref<128xi32, #tpu.memory_space<hbm>>
      tpu.wait_dma2 semaphore(%run_scoped3A : memref<!tpu.dma_semaphore, #tpu.memory_space<semaphore_mem>>) src(%dma_wait3A_243 : memref<128xi32, #tpu.memory_space<hbm>>) dst(%arg57 : memref<128xi32, #tpu.memory_space<vmem>>)
      tpu.yield
    }) : () -> ()
    %dma_start3A_121 = arith.constant 0 : i32
    %dma_start3A_122 = arith.constant 0 : i32
    %dma_start3A_123 = tpu.memref_slice %arg49[%dma_start3A_121, %dma_start3A_122] : memref<100000x32xf32, #tpu.memory_space<hbm>> -> memref<100000x32xf32, #tpu.memory_space<hbm>>
    tpu.enqueue_indirect_dma source(%dma_start3A_123 : memref<100000x32xf32, #tpu.memory_space<hbm>>) target(%arg58 : memref<128x32xf32, #tpu.memory_space<vmem>>) offsets(%arg57 : memref<128xi32, #tpu.memory_space<vmem>>) semaphore(%arg64 : memref<!tpu.dma_semaphore, #tpu.memory_space<semaphore_mem>>)
    %dma_wait3A_124 = arith.constant 0 : i32
    %dma_wait3A_125 = arith.constant 0 : i32
    %dma_wait3A_126 = tpu.memref_slice %arg49[%dma_wait3A_124, %dma_wait3A_125] : memref<100000x32xf32, #tpu.memory_space<hbm>> -> memref<100000x32xf32, #tpu.memory_space<hbm>>
    tpu.wait_indirect_dma semaphore(%arg64 : memref<!tpu.dma_semaphore, #tpu.memory_space<semaphore_mem>>) src(%dma_wait3A_126 : memref<100000x32xf32, #tpu.memory_space<hbm>>) dst(%arg58 : memref<128x32xf32, #tpu.memory_space<vmem>>)
    "tpu.region"() ({
      %run_scoped3A = tpu.sem_alloc : memref<!tpu.dma_semaphore, #tpu.memory_space<semaphore_mem>>
      %dma_start3A_240 = arith.constant 640 : i32
      %dma_start3A_241 = tpu.memref_slice %arg56[%mul3A_2, %dma_start3A_240] : memref<4096x864xf32, #tpu.memory_space<hbm>> -> memref<128x32xf32, #tpu.memory_space<hbm>>
      %dma_start3A_242 = arith.constant 640 : i32
      %dma_start3A_243 = tpu.memref_slice %arg56[%mul3A_2, %dma_start3A_242] : memref<4096x864xf32, #tpu.memory_space<hbm>> -> memref<128x32xf32, #tpu.memory_space<hbm>>
      tpu.enqueue_dma source(%arg58 : memref<128x32xf32, #tpu.memory_space<vmem>>) target(%dma_start3A_243 : memref<128x32xf32, #tpu.memory_space<hbm>>) target_semaphore(%run_scoped3A : memref<!tpu.dma_semaphore, #tpu.memory_space<semaphore_mem>>)
      %dma_wait3A_244 = arith.constant 640 : i32
      %dma_wait3A_245 = tpu.memref_slice %arg56[%mul3A_2, %dma_wait3A_244] : memref<4096x864xf32, #tpu.memory_space<hbm>> -> memref<128x32xf32, #tpu.memory_space<hbm>>
      %dma_wait3A_246 = arith.constant 640 : i32
      %dma_wait3A_247 = tpu.memref_slice %arg56[%mul3A_2, %dma_wait3A_246] : memref<4096x864xf32, #tpu.memory_space<hbm>> -> memref<128x32xf32, #tpu.memory_space<hbm>>
      tpu.wait_dma2 semaphore(%run_scoped3A : memref<!tpu.dma_semaphore, #tpu.memory_space<semaphore_mem>>) src(%arg58 : memref<128x32xf32, #tpu.memory_space<vmem>>) dst(%dma_wait3A_247 : memref<128x32xf32, #tpu.memory_space<hbm>>)
      tpu.yield
    }) : () -> ()
    "tpu.region"() ({
      %run_scoped3A = tpu.sem_alloc : memref<!tpu.dma_semaphore, #tpu.memory_space<semaphore_mem>>
      %dma_start3A_240 = tpu.memref_slice %arg23[%mul3A_2] : memref<4096xi32, #tpu.memory_space<hbm>> -> memref<128xi32, #tpu.memory_space<hbm>>
      %dma_start3A_241 = tpu.memref_slice %arg23[%mul3A_2] : memref<4096xi32, #tpu.memory_space<hbm>> -> memref<128xi32, #tpu.memory_space<hbm>>
      tpu.enqueue_dma source(%dma_start3A_241 : memref<128xi32, #tpu.memory_space<hbm>>) target(%arg57 : memref<128xi32, #tpu.memory_space<vmem>>) target_semaphore(%run_scoped3A : memref<!tpu.dma_semaphore, #tpu.memory_space<semaphore_mem>>)
      %dma_wait3A_242 = tpu.memref_slice %arg23[%mul3A_2] : memref<4096xi32, #tpu.memory_space<hbm>> -> memref<128xi32, #tpu.memory_space<hbm>>
      %dma_wait3A_243 = tpu.memref_slice %arg23[%mul3A_2] : memref<4096xi32, #tpu.memory_space<hbm>> -> memref<128xi32, #tpu.memory_space<hbm>>
      tpu.wait_dma2 semaphore(%run_scoped3A : memref<!tpu.dma_semaphore, #tpu.memory_space<semaphore_mem>>) src(%dma_wait3A_243 : memref<128xi32, #tpu.memory_space<hbm>>) dst(%arg57 : memref<128xi32, #tpu.memory_space<vmem>>)
      tpu.yield
    }) : () -> ()
    %dma_start3A_127 = arith.constant 0 : i32
    %dma_start3A_128 = arith.constant 0 : i32
    %dma_start3A_129 = tpu.memref_slice %arg50[%dma_start3A_127, %dma_start3A_128] : memref<100000x32xf32, #tpu.memory_space<hbm>> -> memref<100000x32xf32, #tpu.memory_space<hbm>>
    tpu.enqueue_indirect_dma source(%dma_start3A_129 : memref<100000x32xf32, #tpu.memory_space<hbm>>) target(%arg58 : memref<128x32xf32, #tpu.memory_space<vmem>>) offsets(%arg57 : memref<128xi32, #tpu.memory_space<vmem>>) semaphore(%arg64 : memref<!tpu.dma_semaphore, #tpu.memory_space<semaphore_mem>>)
    %dma_wait3A_130 = arith.constant 0 : i32
    %dma_wait3A_131 = arith.constant 0 : i32
    %dma_wait3A_132 = tpu.memref_slice %arg50[%dma_wait3A_130, %dma_wait3A_131] : memref<100000x32xf32, #tpu.memory_space<hbm>> -> memref<100000x32xf32, #tpu.memory_space<hbm>>
    tpu.wait_indirect_dma semaphore(%arg64 : memref<!tpu.dma_semaphore, #tpu.memory_space<semaphore_mem>>) src(%dma_wait3A_132 : memref<100000x32xf32, #tpu.memory_space<hbm>>) dst(%arg58 : memref<128x32xf32, #tpu.memory_space<vmem>>)
    "tpu.region"() ({
      %run_scoped3A = tpu.sem_alloc : memref<!tpu.dma_semaphore, #tpu.memory_space<semaphore_mem>>
      %dma_start3A_240 = arith.constant 672 : i32
      %dma_start3A_241 = tpu.memref_slice %arg56[%mul3A_2, %dma_start3A_240] : memref<4096x864xf32, #tpu.memory_space<hbm>> -> memref<128x32xf32, #tpu.memory_space<hbm>>
      %dma_start3A_242 = arith.constant 672 : i32
      %dma_start3A_243 = tpu.memref_slice %arg56[%mul3A_2, %dma_start3A_242] : memref<4096x864xf32, #tpu.memory_space<hbm>> -> memref<128x32xf32, #tpu.memory_space<hbm>>
      tpu.enqueue_dma source(%arg58 : memref<128x32xf32, #tpu.memory_space<vmem>>) target(%dma_start3A_243 : memref<128x32xf32, #tpu.memory_space<hbm>>) target_semaphore(%run_scoped3A : memref<!tpu.dma_semaphore, #tpu.memory_space<semaphore_mem>>)
      %dma_wait3A_244 = arith.constant 672 : i32
      %dma_wait3A_245 = tpu.memref_slice %arg56[%mul3A_2, %dma_wait3A_244] : memref<4096x864xf32, #tpu.memory_space<hbm>> -> memref<128x32xf32, #tpu.memory_space<hbm>>
      %dma_wait3A_246 = arith.constant 672 : i32
      %dma_wait3A_247 = tpu.memref_slice %arg56[%mul3A_2, %dma_wait3A_246] : memref<4096x864xf32, #tpu.memory_space<hbm>> -> memref<128x32xf32, #tpu.memory_space<hbm>>
      tpu.wait_dma2 semaphore(%run_scoped3A : memref<!tpu.dma_semaphore, #tpu.memory_space<semaphore_mem>>) src(%arg58 : memref<128x32xf32, #tpu.memory_space<vmem>>) dst(%dma_wait3A_247 : memref<128x32xf32, #tpu.memory_space<hbm>>)
      tpu.yield
    }) : () -> ()
    "tpu.region"() ({
      %run_scoped3A = tpu.sem_alloc : memref<!tpu.dma_semaphore, #tpu.memory_space<semaphore_mem>>
      %dma_start3A_240 = tpu.memref_slice %arg24[%mul3A_2] : memref<4096xi32, #tpu.memory_space<hbm>> -> memref<128xi32, #tpu.memory_space<hbm>>
      %dma_start3A_241 = tpu.memref_slice %arg24[%mul3A_2] : memref<4096xi32, #tpu.memory_space<hbm>> -> memref<128xi32, #tpu.memory_space<hbm>>
      tpu.enqueue_dma source(%dma_start3A_241 : memref<128xi32, #tpu.memory_space<hbm>>) target(%arg57 : memref<128xi32, #tpu.memory_space<vmem>>) target_semaphore(%run_scoped3A : memref<!tpu.dma_semaphore, #tpu.memory_space<semaphore_mem>>)
      %dma_wait3A_242 = tpu.memref_slice %arg24[%mul3A_2] : memref<4096xi32, #tpu.memory_space<hbm>> -> memref<128xi32, #tpu.memory_space<hbm>>
      %dma_wait3A_243 = tpu.memref_slice %arg24[%mul3A_2] : memref<4096xi32, #tpu.memory_space<hbm>> -> memref<128xi32, #tpu.memory_space<hbm>>
      tpu.wait_dma2 semaphore(%run_scoped3A : memref<!tpu.dma_semaphore, #tpu.memory_space<semaphore_mem>>) src(%dma_wait3A_243 : memref<128xi32, #tpu.memory_space<hbm>>) dst(%arg57 : memref<128xi32, #tpu.memory_space<vmem>>)
      tpu.yield
    }) : () -> ()
    %dma_start3A_133 = arith.constant 0 : i32
    %dma_start3A_134 = arith.constant 0 : i32
    %dma_start3A_135 = tpu.memref_slice %arg51[%dma_start3A_133, %dma_start3A_134] : memref<100000x32xf32, #tpu.memory_space<hbm>> -> memref<100000x32xf32, #tpu.memory_space<hbm>>
    tpu.enqueue_indirect_dma source(%dma_start3A_135 : memref<100000x32xf32, #tpu.memory_space<hbm>>) target(%arg58 : memref<128x32xf32, #tpu.memory_space<vmem>>) offsets(%arg57 : memref<128xi32, #tpu.memory_space<vmem>>) semaphore(%arg64 : memref<!tpu.dma_semaphore, #tpu.memory_space<semaphore_mem>>)
    %dma_wait3A_136 = arith.constant 0 : i32
    %dma_wait3A_137 = arith.constant 0 : i32
    %dma_wait3A_138 = tpu.memref_slice %arg51[%dma_wait3A_136, %dma_wait3A_137] : memref<100000x32xf32, #tpu.memory_space<hbm>> -> memref<100000x32xf32, #tpu.memory_space<hbm>>
    tpu.wait_indirect_dma semaphore(%arg64 : memref<!tpu.dma_semaphore, #tpu.memory_space<semaphore_mem>>) src(%dma_wait3A_138 : memref<100000x32xf32, #tpu.memory_space<hbm>>) dst(%arg58 : memref<128x32xf32, #tpu.memory_space<vmem>>)
    "tpu.region"() ({
      %run_scoped3A = tpu.sem_alloc : memref<!tpu.dma_semaphore, #tpu.memory_space<semaphore_mem>>
      %dma_start3A_240 = arith.constant 704 : i32
      %dma_start3A_241 = tpu.memref_slice %arg56[%mul3A_2, %dma_start3A_240] : memref<4096x864xf32, #tpu.memory_space<hbm>> -> memref<128x32xf32, #tpu.memory_space<hbm>>
      %dma_start3A_242 = arith.constant 704 : i32
      %dma_start3A_243 = tpu.memref_slice %arg56[%mul3A_2, %dma_start3A_242] : memref<4096x864xf32, #tpu.memory_space<hbm>> -> memref<128x32xf32, #tpu.memory_space<hbm>>
      tpu.enqueue_dma source(%arg58 : memref<128x32xf32, #tpu.memory_space<vmem>>) target(%dma_start3A_243 : memref<128x32xf32, #tpu.memory_space<hbm>>) target_semaphore(%run_scoped3A : memref<!tpu.dma_semaphore, #tpu.memory_space<semaphore_mem>>)
      %dma_wait3A_244 = arith.constant 704 : i32
      %dma_wait3A_245 = tpu.memref_slice %arg56[%mul3A_2, %dma_wait3A_244] : memref<4096x864xf32, #tpu.memory_space<hbm>> -> memref<128x32xf32, #tpu.memory_space<hbm>>
      %dma_wait3A_246 = arith.constant 704 : i32
      %dma_wait3A_247 = tpu.memref_slice %arg56[%mul3A_2, %dma_wait3A_246] : memref<4096x864xf32, #tpu.memory_space<hbm>> -> memref<128x32xf32, #tpu.memory_space<hbm>>
      tpu.wait_dma2 semaphore(%run_scoped3A : memref<!tpu.dma_semaphore, #tpu.memory_space<semaphore_mem>>) src(%arg58 : memref<128x32xf32, #tpu.memory_space<vmem>>) dst(%dma_wait3A_247 : memref<128x32xf32, #tpu.memory_space<hbm>>)
      tpu.yield
    }) : () -> ()
    "tpu.region"() ({
      %run_scoped3A = tpu.sem_alloc : memref<!tpu.dma_semaphore, #tpu.memory_space<semaphore_mem>>
      %dma_start3A_240 = tpu.memref_slice %arg25[%mul3A_2] : memref<4096xi32, #tpu.memory_space<hbm>> -> memref<128xi32, #tpu.memory_space<hbm>>
      %dma_start3A_241 = tpu.memref_slice %arg25[%mul3A_2] : memref<4096xi32, #tpu.memory_space<hbm>> -> memref<128xi32, #tpu.memory_space<hbm>>
      tpu.enqueue_dma source(%dma_start3A_241 : memref<128xi32, #tpu.memory_space<hbm>>) target(%arg57 : memref<128xi32, #tpu.memory_space<vmem>>) target_semaphore(%run_scoped3A : memref<!tpu.dma_semaphore, #tpu.memory_space<semaphore_mem>>)
      %dma_wait3A_242 = tpu.memref_slice %arg25[%mul3A_2] : memref<4096xi32, #tpu.memory_space<hbm>> -> memref<128xi32, #tpu.memory_space<hbm>>
      %dma_wait3A_243 = tpu.memref_slice %arg25[%mul3A_2] : memref<4096xi32, #tpu.memory_space<hbm>> -> memref<128xi32, #tpu.memory_space<hbm>>
      tpu.wait_dma2 semaphore(%run_scoped3A : memref<!tpu.dma_semaphore, #tpu.memory_space<semaphore_mem>>) src(%dma_wait3A_243 : memref<128xi32, #tpu.memory_space<hbm>>) dst(%arg57 : memref<128xi32, #tpu.memory_space<vmem>>)
      tpu.yield
    }) : () -> ()
    %dma_start3A_139 = arith.constant 0 : i32
    %dma_start3A_140 = arith.constant 0 : i32
    %dma_start3A_141 = tpu.memref_slice %arg52[%dma_start3A_139, %dma_start3A_140] : memref<100000x32xf32, #tpu.memory_space<hbm>> -> memref<100000x32xf32, #tpu.memory_space<hbm>>
    tpu.enqueue_indirect_dma source(%dma_start3A_141 : memref<100000x32xf32, #tpu.memory_space<hbm>>) target(%arg58 : memref<128x32xf32, #tpu.memory_space<vmem>>) offsets(%arg57 : memref<128xi32, #tpu.memory_space<vmem>>) semaphore(%arg64 : memref<!tpu.dma_semaphore, #tpu.memory_space<semaphore_mem>>)
    %dma_wait3A_142 = arith.constant 0 : i32
    %dma_wait3A_143 = arith.constant 0 : i32
    %dma_wait3A_144 = tpu.memref_slice %arg52[%dma_wait3A_142, %dma_wait3A_143] : memref<100000x32xf32, #tpu.memory_space<hbm>> -> memref<100000x32xf32, #tpu.memory_space<hbm>>
    tpu.wait_indirect_dma semaphore(%arg64 : memref<!tpu.dma_semaphore, #tpu.memory_space<semaphore_mem>>) src(%dma_wait3A_144 : memref<100000x32xf32, #tpu.memory_space<hbm>>) dst(%arg58 : memref<128x32xf32, #tpu.memory_space<vmem>>)
    "tpu.region"() ({
      %run_scoped3A = tpu.sem_alloc : memref<!tpu.dma_semaphore, #tpu.memory_space<semaphore_mem>>
      %dma_start3A_240 = arith.constant 736 : i32
      %dma_start3A_241 = tpu.memref_slice %arg56[%mul3A_2, %dma_start3A_240] : memref<4096x864xf32, #tpu.memory_space<hbm>> -> memref<128x32xf32, #tpu.memory_space<hbm>>
      %dma_start3A_242 = arith.constant 736 : i32
      %dma_start3A_243 = tpu.memref_slice %arg56[%mul3A_2, %dma_start3A_242] : memref<4096x864xf32, #tpu.memory_space<hbm>> -> memref<128x32xf32, #tpu.memory_space<hbm>>
      tpu.enqueue_dma source(%arg58 : memref<128x32xf32, #tpu.memory_space<vmem>>) target(%dma_start3A_243 : memref<128x32xf32, #tpu.memory_space<hbm>>) target_semaphore(%run_scoped3A : memref<!tpu.dma_semaphore, #tpu.memory_space<semaphore_mem>>)
      %dma_wait3A_244 = arith.constant 736 : i32
      %dma_wait3A_245 = tpu.memref_slice %arg56[%mul3A_2, %dma_wait3A_244] : memref<4096x864xf32, #tpu.memory_space<hbm>> -> memref<128x32xf32, #tpu.memory_space<hbm>>
      %dma_wait3A_246 = arith.constant 736 : i32
      %dma_wait3A_247 = tpu.memref_slice %arg56[%mul3A_2, %dma_wait3A_246] : memref<4096x864xf32, #tpu.memory_space<hbm>> -> memref<128x32xf32, #tpu.memory_space<hbm>>
      tpu.wait_dma2 semaphore(%run_scoped3A : memref<!tpu.dma_semaphore, #tpu.memory_space<semaphore_mem>>) src(%arg58 : memref<128x32xf32, #tpu.memory_space<vmem>>) dst(%dma_wait3A_247 : memref<128x32xf32, #tpu.memory_space<hbm>>)
      tpu.yield
    }) : () -> ()
    "tpu.region"() ({
      %run_scoped3A = tpu.sem_alloc : memref<!tpu.dma_semaphore, #tpu.memory_space<semaphore_mem>>
      %dma_start3A_240 = tpu.memref_slice %arg26[%mul3A_2] : memref<4096xi32, #tpu.memory_space<hbm>> -> memref<128xi32, #tpu.memory_space<hbm>>
      %dma_start3A_241 = tpu.memref_slice %arg26[%mul3A_2] : memref<4096xi32, #tpu.memory_space<hbm>> -> memref<128xi32, #tpu.memory_space<hbm>>
      tpu.enqueue_dma source(%dma_start3A_241 : memref<128xi32, #tpu.memory_space<hbm>>) target(%arg57 : memref<128xi32, #tpu.memory_space<vmem>>) target_semaphore(%run_scoped3A : memref<!tpu.dma_semaphore, #tpu.memory_space<semaphore_mem>>)
      %dma_wait3A_242 = tpu.memref_slice %arg26[%mul3A_2] : memref<4096xi32, #tpu.memory_space<hbm>> -> memref<128xi32, #tpu.memory_space<hbm>>
      %dma_wait3A_243 = tpu.memref_slice %arg26[%mul3A_2] : memref<4096xi32, #tpu.memory_space<hbm>> -> memref<128xi32, #tpu.memory_space<hbm>>
      tpu.wait_dma2 semaphore(%run_scoped3A : memref<!tpu.dma_semaphore, #tpu.memory_space<semaphore_mem>>) src(%dma_wait3A_243 : memref<128xi32, #tpu.memory_space<hbm>>) dst(%arg57 : memref<128xi32, #tpu.memory_space<vmem>>)
      tpu.yield
    }) : () -> ()
    %dma_start3A_145 = arith.constant 0 : i32
    %dma_start3A_146 = arith.constant 0 : i32
    %dma_start3A_147 = tpu.memref_slice %arg53[%dma_start3A_145, %dma_start3A_146] : memref<100000x32xf32, #tpu.memory_space<hbm>> -> memref<100000x32xf32, #tpu.memory_space<hbm>>
    tpu.enqueue_indirect_dma source(%dma_start3A_147 : memref<100000x32xf32, #tpu.memory_space<hbm>>) target(%arg58 : memref<128x32xf32, #tpu.memory_space<vmem>>) offsets(%arg57 : memref<128xi32, #tpu.memory_space<vmem>>) semaphore(%arg64 : memref<!tpu.dma_semaphore, #tpu.memory_space<semaphore_mem>>)
    %dma_wait3A_148 = arith.constant 0 : i32
    %dma_wait3A_149 = arith.constant 0 : i32
    %dma_wait3A_150 = tpu.memref_slice %arg53[%dma_wait3A_148, %dma_wait3A_149] : memref<100000x32xf32, #tpu.memory_space<hbm>> -> memref<100000x32xf32, #tpu.memory_space<hbm>>
    tpu.wait_indirect_dma semaphore(%arg64 : memref<!tpu.dma_semaphore, #tpu.memory_space<semaphore_mem>>) src(%dma_wait3A_150 : memref<100000x32xf32, #tpu.memory_space<hbm>>) dst(%arg58 : memref<128x32xf32, #tpu.memory_space<vmem>>)
    "tpu.region"() ({
      %run_scoped3A = tpu.sem_alloc : memref<!tpu.dma_semaphore, #tpu.memory_space<semaphore_mem>>
      %dma_start3A_240 = arith.constant 768 : i32
      %dma_start3A_241 = tpu.memref_slice %arg56[%mul3A_2, %dma_start3A_240] : memref<4096x864xf32, #tpu.memory_space<hbm>> -> memref<128x32xf32, #tpu.memory_space<hbm>>
      %dma_start3A_242 = arith.constant 768 : i32
      %dma_start3A_243 = tpu.memref_slice %arg56[%mul3A_2, %dma_start3A_242] : memref<4096x864xf32, #tpu.memory_space<hbm>> -> memref<128x32xf32, #tpu.memory_space<hbm>>
      tpu.enqueue_dma source(%arg58 : memref<128x32xf32, #tpu.memory_space<vmem>>) target(%dma_start3A_243 : memref<128x32xf32, #tpu.memory_space<hbm>>) target_semaphore(%run_scoped3A : memref<!tpu.dma_semaphore, #tpu.memory_space<semaphore_mem>>)
      %dma_wait3A_244 = arith.constant 768 : i32
      %dma_wait3A_245 = tpu.memref_slice %arg56[%mul3A_2, %dma_wait3A_244] : memref<4096x864xf32, #tpu.memory_space<hbm>> -> memref<128x32xf32, #tpu.memory_space<hbm>>
      %dma_wait3A_246 = arith.constant 768 : i32
      %dma_wait3A_247 = tpu.memref_slice %arg56[%mul3A_2, %dma_wait3A_246] : memref<4096x864xf32, #tpu.memory_space<hbm>> -> memref<128x32xf32, #tpu.memory_space<hbm>>
      tpu.wait_dma2 semaphore(%run_scoped3A : memref<!tpu.dma_semaphore, #tpu.memory_space<semaphore_mem>>) src(%arg58 : memref<128x32xf32, #tpu.memory_space<vmem>>) dst(%dma_wait3A_247 : memref<128x32xf32, #tpu.memory_space<hbm>>)
      tpu.yield
    }) : () -> ()
    "tpu.region"() ({
      %run_scoped3A = tpu.sem_alloc : memref<!tpu.dma_semaphore, #tpu.memory_space<semaphore_mem>>
      %dma_start3A_240 = tpu.memref_slice %arg27[%mul3A_2] : memref<4096xi32, #tpu.memory_space<hbm>> -> memref<128xi32, #tpu.memory_space<hbm>>
      %dma_start3A_241 = tpu.memref_slice %arg27[%mul3A_2] : memref<4096xi32, #tpu.memory_space<hbm>> -> memref<128xi32, #tpu.memory_space<hbm>>
      tpu.enqueue_dma source(%dma_start3A_241 : memref<128xi32, #tpu.memory_space<hbm>>) target(%arg57 : memref<128xi32, #tpu.memory_space<vmem>>) target_semaphore(%run_scoped3A : memref<!tpu.dma_semaphore, #tpu.memory_space<semaphore_mem>>)
      %dma_wait3A_242 = tpu.memref_slice %arg27[%mul3A_2] : memref<4096xi32, #tpu.memory_space<hbm>> -> memref<128xi32, #tpu.memory_space<hbm>>
      %dma_wait3A_243 = tpu.memref_slice %arg27[%mul3A_2] : memref<4096xi32, #tpu.memory_space<hbm>> -> memref<128xi32, #tpu.memory_space<hbm>>
      tpu.wait_dma2 semaphore(%run_scoped3A : memref<!tpu.dma_semaphore, #tpu.memory_space<semaphore_mem>>) src(%dma_wait3A_243 : memref<128xi32, #tpu.memory_space<hbm>>) dst(%arg57 : memref<128xi32, #tpu.memory_space<vmem>>)
      tpu.yield
    }) : () -> ()
    %dma_start3A_151 = arith.constant 0 : i32
    %dma_start3A_152 = arith.constant 0 : i32
    %dma_start3A_153 = tpu.memref_slice %arg54[%dma_start3A_151, %dma_start3A_152] : memref<100000x32xf32, #tpu.memory_space<hbm>> -> memref<100000x32xf32, #tpu.memory_space<hbm>>
    tpu.enqueue_indirect_dma source(%dma_start3A_153 : memref<100000x32xf32, #tpu.memory_space<hbm>>) target(%arg58 : memref<128x32xf32, #tpu.memory_space<vmem>>) offsets(%arg57 : memref<128xi32, #tpu.memory_space<vmem>>) semaphore(%arg64 : memref<!tpu.dma_semaphore, #tpu.memory_space<semaphore_mem>>)
    %dma_wait3A_154 = arith.constant 0 : i32
    %dma_wait3A_155 = arith.constant 0 : i32
    %dma_wait3A_156 = tpu.memref_slice %arg54[%dma_wait3A_154, %dma_wait3A_155] : memref<100000x32xf32, #tpu.memory_space<hbm>> -> memref<100000x32xf32, #tpu.memory_space<hbm>>
    tpu.wait_indirect_dma semaphore(%arg64 : memref<!tpu.dma_semaphore, #tpu.memory_space<semaphore_mem>>) src(%dma_wait3A_156 : memref<100000x32xf32, #tpu.memory_space<hbm>>) dst(%arg58 : memref<128x32xf32, #tpu.memory_space<vmem>>)
    "tpu.region"() ({
      %run_scoped3A = tpu.sem_alloc : memref<!tpu.dma_semaphore, #tpu.memory_space<semaphore_mem>>
      %dma_start3A_240 = arith.constant 800 : i32
      %dma_start3A_241 = tpu.memref_slice %arg56[%mul3A_2, %dma_start3A_240] : memref<4096x864xf32, #tpu.memory_space<hbm>> -> memref<128x32xf32, #tpu.memory_space<hbm>>
      %dma_start3A_242 = arith.constant 800 : i32
      %dma_start3A_243 = tpu.memref_slice %arg56[%mul3A_2, %dma_start3A_242] : memref<4096x864xf32, #tpu.memory_space<hbm>> -> memref<128x32xf32, #tpu.memory_space<hbm>>
      tpu.enqueue_dma source(%arg58 : memref<128x32xf32, #tpu.memory_space<vmem>>) target(%dma_start3A_243 : memref<128x32xf32, #tpu.memory_space<hbm>>) target_semaphore(%run_scoped3A : memref<!tpu.dma_semaphore, #tpu.memory_space<semaphore_mem>>)
      %dma_wait3A_244 = arith.constant 800 : i32
      %dma_wait3A_245 = tpu.memref_slice %arg56[%mul3A_2, %dma_wait3A_244] : memref<4096x864xf32, #tpu.memory_space<hbm>> -> memref<128x32xf32, #tpu.memory_space<hbm>>
      %dma_wait3A_246 = arith.constant 800 : i32
      %dma_wait3A_247 = tpu.memref_slice %arg56[%mul3A_2, %dma_wait3A_246] : memref<4096x864xf32, #tpu.memory_space<hbm>> -> memref<128x32xf32, #tpu.memory_space<hbm>>
      tpu.wait_dma2 semaphore(%run_scoped3A : memref<!tpu.dma_semaphore, #tpu.memory_space<semaphore_mem>>) src(%arg58 : memref<128x32xf32, #tpu.memory_space<vmem>>) dst(%dma_wait3A_247 : memref<128x32xf32, #tpu.memory_space<hbm>>)
      tpu.yield
    }) : () -> ()
    %mul3A_157 = arith.constant 50 : i32
    %mul3A_158 = arith.muli %mul3A_2, %mul3A_157 : i32
    "tpu.region"() ({
      %run_scoped3A = tpu.sem_alloc : memref<!tpu.dma_semaphore, #tpu.memory_space<semaphore_mem>>
      %dma_start3A_240 = tpu.memref_slice %arg28[%mul3A_158] : memref<204800xi32, #tpu.memory_space<hbm>> -> memref<6400xi32, #tpu.memory_space<hbm>>
      %dma_start3A_241 = tpu.memref_slice %arg28[%mul3A_158] : memref<204800xi32, #tpu.memory_space<hbm>> -> memref<6400xi32, #tpu.memory_space<hbm>>
      tpu.enqueue_dma source(%dma_start3A_241 : memref<6400xi32, #tpu.memory_space<hbm>>) target(%arg59 : memref<6400xi32, #tpu.memory_space<vmem>>) target_semaphore(%run_scoped3A : memref<!tpu.dma_semaphore, #tpu.memory_space<semaphore_mem>>)
      %dma_wait3A_242 = tpu.memref_slice %arg28[%mul3A_158] : memref<204800xi32, #tpu.memory_space<hbm>> -> memref<6400xi32, #tpu.memory_space<hbm>>
      %dma_wait3A_243 = tpu.memref_slice %arg28[%mul3A_158] : memref<204800xi32, #tpu.memory_space<hbm>> -> memref<6400xi32, #tpu.memory_space<hbm>>
      tpu.wait_dma2 semaphore(%run_scoped3A : memref<!tpu.dma_semaphore, #tpu.memory_space<semaphore_mem>>) src(%dma_wait3A_243 : memref<6400xi32, #tpu.memory_space<hbm>>) dst(%arg59 : memref<6400xi32, #tpu.memory_space<vmem>>)
      tpu.yield
    }) : () -> ()
    "tpu.region"() ({
      %run_scoped3A = tpu.sem_alloc : memref<!tpu.dma_semaphore, #tpu.memory_space<semaphore_mem>>
      %dma_start3A_240 = arith.constant 0 : i32
      %dma_start3A_241 = arith.constant 0 : i32
      %dma_start3A_242 = tpu.memref_slice %arg55[%dma_start3A_240, %dma_start3A_241] : memref<100000x32xf32, #tpu.memory_space<hbm>> -> memref<8x32xf32, #tpu.memory_space<hbm>>
      %dma_start3A_243 = arith.constant 0 : i32
      %dma_start3A_244 = arith.constant 0 : i32
      %dma_start3A_245 = tpu.memref_slice %arg55[%dma_start3A_243, %dma_start3A_244] : memref<100000x32xf32, #tpu.memory_space<hbm>> -> memref<8x32xf32, #tpu.memory_space<hbm>>
      tpu.enqueue_dma source(%dma_start3A_245 : memref<8x32xf32, #tpu.memory_space<hbm>>) target(%arg63 : memref<8x32xf32, #tpu.memory_space<vmem>>) target_semaphore(%run_scoped3A : memref<!tpu.dma_semaphore, #tpu.memory_space<semaphore_mem>>)
      %dma_wait3A_246 = arith.constant 0 : i32
      %dma_wait3A_247 = arith.constant 0 : i32
      %dma_wait3A_248 = tpu.memref_slice %arg55[%dma_wait3A_246, %dma_wait3A_247] : memref<100000x32xf32, #tpu.memory_space<hbm>> -> memref<8x32xf32, #tpu.memory_space<hbm>>
      %dma_wait3A_249 = arith.constant 0 : i32
      %dma_wait3A_250 = arith.constant 0 : i32
      %dma_wait3A_251 = tpu.memref_slice %arg55[%dma_wait3A_249, %dma_wait3A_250] : memref<100000x32xf32, #tpu.memory_space<hbm>> -> memref<8x32xf32, #tpu.memory_space<hbm>>
      tpu.wait_dma2 semaphore(%run_scoped3A : memref<!tpu.dma_semaphore, #tpu.memory_space<semaphore_mem>>) src(%dma_wait3A_251 : memref<8x32xf32, #tpu.memory_space<hbm>>) dst(%arg63 : memref<8x32xf32, #tpu.memory_space<vmem>>)
      tpu.yield
    }) : () -> ()
    %dma_start3A_159 = arith.constant 0 : i32
    %dma_start3A_160 = tpu.memref_slice %arg59[%dma_start3A_159] : memref<6400xi32, #tpu.memory_space<vmem>> -> memref<1600xi32, #tpu.memory_space<vmem>>
    %dma_start3A_161 = arith.constant 0 : i32
    %dma_start3A_162 = arith.constant 0 : i32
    %dma_start3A_163 = tpu.memref_slice %arg55[%dma_start3A_161, %dma_start3A_162] : memref<100000x32xf32, #tpu.memory_space<hbm>> -> memref<100000x32xf32, #tpu.memory_space<hbm>>
    tpu.enqueue_indirect_dma source(%dma_start3A_163 : memref<100000x32xf32, #tpu.memory_space<hbm>>) target(%arg60 : memref<1600x32xf32, #tpu.memory_space<vmem>>) offsets(%dma_start3A_160 : memref<1600xi32, #tpu.memory_space<vmem>>) semaphore(%arg64 : memref<!tpu.dma_semaphore, #tpu.memory_space<semaphore_mem>>)
    %dma_wait3A_164 = arith.constant 0 : i32
    %dma_wait3A_165 = tpu.memref_slice %arg59[%dma_wait3A_164] : memref<6400xi32, #tpu.memory_space<vmem>> -> memref<1600xi32, #tpu.memory_space<vmem>>
    %dma_wait3A_166 = arith.constant 0 : i32
    %dma_wait3A_167 = arith.constant 0 : i32
    %dma_wait3A_168 = tpu.memref_slice %arg55[%dma_wait3A_166, %dma_wait3A_167] : memref<100000x32xf32, #tpu.memory_space<hbm>> -> memref<100000x32xf32, #tpu.memory_space<hbm>>
    tpu.wait_indirect_dma semaphore(%arg64 : memref<!tpu.dma_semaphore, #tpu.memory_space<semaphore_mem>>) src(%dma_wait3A_168 : memref<100000x32xf32, #tpu.memory_space<hbm>>) dst(%arg60 : memref<1600x32xf32, #tpu.memory_space<vmem>>)
    %scan3A = arith.constant 0 : i32
    %scan3A_169 = arith.constant 0 : i32
    %scan3A_170 = arith.constant 32 : i32
    %scan3A_171 = arith.addi %scan3A_169, %scan3A_170 : i32
    %scan3A_172 = arith.constant 1 : i32
    %scan3A_173 = scf.for %scan3A_240 = %scan3A_169 to %scan3A_171 step %scan3A_172 iter_args(%scan3A_241 = %scan3A) -> (i32)  : i32 {
      %mul3A_242 = arith.constant 50 : i32
      %mul3A_243 = arith.muli %scan3A_240, %mul3A_242 : i32
      %broadcast_in_dim3A = arith.constant 0.000000e+00 : f32
      %broadcast_in_dim3A_244 = vector.broadcast %broadcast_in_dim3A : f32 to vector<16xf32>
      %broadcast_in_dim3A_245 = arith.constant 0.000000e+00 : f32
      %broadcast_in_dim3A_246 = vector.broadcast %broadcast_in_dim3A_245 : f32 to vector<16xf32>
      %add3A_247 = arith.constant 0 : i32
      %add3A_248 = arith.addi %mul3A_243, %add3A_247 : i32
      %get3A_249 = arith.index_cast %add3A_248 : i32 to index
      %get3A_250 = arith.constant 0 : index
      %get3A_251 = tpu.vector_load %arg60[%get3A_249, %get3A_250] {strides = array<i32>} : memref<1600x32xf32, #tpu.memory_space<vmem>>, vector<16xf32>,
      %add3A_252 = arith.addf %broadcast_in_dim3A_244, %get3A_251 : vector<16xf32>
      %add3A_253 = arith.constant 0 : i32
      %add3A_254 = arith.addi %mul3A_243, %add3A_253 : i32
      %get3A_255 = arith.index_cast %add3A_254 : i32 to index
      %get3A_256 = arith.constant 16 : index
      %get3A_257 = tpu.vector_load %arg60[%get3A_255, %get3A_256] {strides = array<i32>} : memref<1600x32xf32, #tpu.memory_space<vmem>>, vector<16xf32>,
      %add3A_258 = arith.addf %broadcast_in_dim3A_246, %get3A_257 : vector<16xf32>
      %add3A_259 = arith.constant 1 : i32
      %add3A_260 = arith.addi %mul3A_243, %add3A_259 : i32
      %get3A_261 = arith.index_cast %add3A_260 : i32 to index
      %get3A_262 = arith.constant 0 : index
      %get3A_263 = tpu.vector_load %arg60[%get3A_261, %get3A_262] {strides = array<i32>} : memref<1600x32xf32, #tpu.memory_space<vmem>>, vector<16xf32>,
      %add3A_264 = arith.addf %add3A_252, %get3A_263 : vector<16xf32>
      %add3A_265 = arith.constant 1 : i32
      %add3A_266 = arith.addi %mul3A_243, %add3A_265 : i32
      %get3A_267 = arith.index_cast %add3A_266 : i32 to index
      %get3A_268 = arith.constant 16 : index
      %get3A_269 = tpu.vector_load %arg60[%get3A_267, %get3A_268] {strides = array<i32>} : memref<1600x32xf32, #tpu.memory_space<vmem>>, vector<16xf32>,
      %add3A_270 = arith.addf %add3A_258, %get3A_269 : vector<16xf32>
      %add3A_271 = arith.constant 2 : i32
      %add3A_272 = arith.addi %mul3A_243, %add3A_271 : i32
      %get3A_273 = arith.index_cast %add3A_272 : i32 to index
      %get3A_274 = arith.constant 0 : index
      %get3A_275 = tpu.vector_load %arg60[%get3A_273, %get3A_274] {strides = array<i32>} : memref<1600x32xf32, #tpu.memory_space<vmem>>, vector<16xf32>,
      %add3A_276 = arith.addf %add3A_264, %get3A_275 : vector<16xf32>
      %add3A_277 = arith.constant 2 : i32
      %add3A_278 = arith.addi %mul3A_243, %add3A_277 : i32
      %get3A_279 = arith.index_cast %add3A_278 : i32 to index
      %get3A_280 = arith.constant 16 : index
      %get3A_281 = tpu.vector_load %arg60[%get3A_279, %get3A_280] {strides = array<i32>} : memref<1600x32xf32, #tpu.memory_space<vmem>>, vector<16xf32>,
      %add3A_282 = arith.addf %add3A_270, %get3A_281 : vector<16xf32>
      %add3A_283 = arith.constant 3 : i32
      %add3A_284 = arith.addi %mul3A_243, %add3A_283 : i32
      %get3A_285 = arith.index_cast %add3A_284 : i32 to index
      %get3A_286 = arith.constant 0 : index
      %get3A_287 = tpu.vector_load %arg60[%get3A_285, %get3A_286] {strides = array<i32>} : memref<1600x32xf32, #tpu.memory_space<vmem>>, vector<16xf32>,
      %add3A_288 = arith.addf %add3A_276, %get3A_287 : vector<16xf32>
      %add3A_289 = arith.constant 3 : i32
      %add3A_290 = arith.addi %mul3A_243, %add3A_289 : i32
      %get3A_291 = arith.index_cast %add3A_290 : i32 to index
      %get3A_292 = arith.constant 16 : index
      %get3A_293 = tpu.vector_load %arg60[%get3A_291, %get3A_292] {strides = array<i32>} : memref<1600x32xf32, #tpu.memory_space<vmem>>, vector<16xf32>,
      %add3A_294 = arith.addf %add3A_282, %get3A_293 : vector<16xf32>
      %add3A_295 = arith.constant 4 : i32
      %add3A_296 = arith.addi %mul3A_243, %add3A_295 : i32
      %get3A_297 = arith.index_cast %add3A_296 : i32 to index
      %get3A_298 = arith.constant 0 : index
      %get3A_299 = tpu.vector_load %arg60[%get3A_297, %get3A_298] {strides = array<i32>} : memref<1600x32xf32, #tpu.memory_space<vmem>>, vector<16xf32>,
      %add3A_300 = arith.addf %add3A_288, %get3A_299 : vector<16xf32>
      %add3A_301 = arith.constant 4 : i32
      %add3A_302 = arith.addi %mul3A_243, %add3A_301 : i32
      %get3A_303 = arith.index_cast %add3A_302 : i32 to index
      %get3A_304 = arith.constant 16 : index
      %get3A_305 = tpu.vector_load %arg60[%get3A_303, %get3A_304] {strides = array<i32>} : memref<1600x32xf32, #tpu.memory_space<vmem>>, vector<16xf32>,
      %add3A_306 = arith.addf %add3A_294, %get3A_305 : vector<16xf32>
      %add3A_307 = arith.constant 5 : i32
      %add3A_308 = arith.addi %mul3A_243, %add3A_307 : i32
      %get3A_309 = arith.index_cast %add3A_308 : i32 to index
      %get3A_310 = arith.constant 0 : index
      %get3A_311 = tpu.vector_load %arg60[%get3A_309, %get3A_310] {strides = array<i32>} : memref<1600x32xf32, #tpu.memory_space<vmem>>, vector<16xf32>,
      %add3A_312 = arith.addf %add3A_300, %get3A_311 : vector<16xf32>
      %add3A_313 = arith.constant 5 : i32
      %add3A_314 = arith.addi %mul3A_243, %add3A_313 : i32
      %get3A_315 = arith.index_cast %add3A_314 : i32 to index
      %get3A_316 = arith.constant 16 : index
      %get3A_317 = tpu.vector_load %arg60[%get3A_315, %get3A_316] {strides = array<i32>} : memref<1600x32xf32, #tpu.memory_space<vmem>>, vector<16xf32>,
      %add3A_318 = arith.addf %add3A_306, %get3A_317 : vector<16xf32>
      %add3A_319 = arith.constant 6 : i32
      %add3A_320 = arith.addi %mul3A_243, %add3A_319 : i32
      %get3A_321 = arith.index_cast %add3A_320 : i32 to index
      %get3A_322 = arith.constant 0 : index
      %get3A_323 = tpu.vector_load %arg60[%get3A_321, %get3A_322] {strides = array<i32>} : memref<1600x32xf32, #tpu.memory_space<vmem>>, vector<16xf32>,
      %add3A_324 = arith.addf %add3A_312, %get3A_323 : vector<16xf32>
      %add3A_325 = arith.constant 6 : i32
      %add3A_326 = arith.addi %mul3A_243, %add3A_325 : i32
      %get3A_327 = arith.index_cast %add3A_326 : i32 to index
      %get3A_328 = arith.constant 16 : index
      %get3A_329 = tpu.vector_load %arg60[%get3A_327, %get3A_328] {strides = array<i32>} : memref<1600x32xf32, #tpu.memory_space<vmem>>, vector<16xf32>,
      %add3A_330 = arith.addf %add3A_318, %get3A_329 : vector<16xf32>
      %add3A_331 = arith.constant 7 : i32
      %add3A_332 = arith.addi %mul3A_243, %add3A_331 : i32
      %get3A_333 = arith.index_cast %add3A_332 : i32 to index
      %get3A_334 = arith.constant 0 : index
      %get3A_335 = tpu.vector_load %arg60[%get3A_333, %get3A_334] {strides = array<i32>} : memref<1600x32xf32, #tpu.memory_space<vmem>>, vector<16xf32>,
      %add3A_336 = arith.addf %add3A_324, %get3A_335 : vector<16xf32>
      %add3A_337 = arith.constant 7 : i32
      %add3A_338 = arith.addi %mul3A_243, %add3A_337 : i32
      %get3A_339 = arith.index_cast %add3A_338 : i32 to index
      %get3A_340 = arith.constant 16 : index
      %get3A_341 = tpu.vector_load %arg60[%get3A_339, %get3A_340] {strides = array<i32>} : memref<1600x32xf32, #tpu.memory_space<vmem>>, vector<16xf32>,
      %add3A_342 = arith.addf %add3A_330, %get3A_341 : vector<16xf32>
      %add3A_343 = arith.constant 8 : i32
      %add3A_344 = arith.addi %mul3A_243, %add3A_343 : i32
      %get3A_345 = arith.index_cast %add3A_344 : i32 to index
      %get3A_346 = arith.constant 0 : index
      %get3A_347 = tpu.vector_load %arg60[%get3A_345, %get3A_346] {strides = array<i32>} : memref<1600x32xf32, #tpu.memory_space<vmem>>, vector<16xf32>,
      %add3A_348 = arith.addf %add3A_336, %get3A_347 : vector<16xf32>
      %add3A_349 = arith.constant 8 : i32
      %add3A_350 = arith.addi %mul3A_243, %add3A_349 : i32
      %get3A_351 = arith.index_cast %add3A_350 : i32 to index
      %get3A_352 = arith.constant 16 : index
      %get3A_353 = tpu.vector_load %arg60[%get3A_351, %get3A_352] {strides = array<i32>} : memref<1600x32xf32, #tpu.memory_space<vmem>>, vector<16xf32>,
      %add3A_354 = arith.addf %add3A_342, %get3A_353 : vector<16xf32>
      %add3A_355 = arith.constant 9 : i32
      %add3A_356 = arith.addi %mul3A_243, %add3A_355 : i32
      %get3A_357 = arith.index_cast %add3A_356 : i32 to index
      %get3A_358 = arith.constant 0 : index
      %get3A_359 = tpu.vector_load %arg60[%get3A_357, %get3A_358] {strides = array<i32>} : memref<1600x32xf32, #tpu.memory_space<vmem>>, vector<16xf32>,
      %add3A_360 = arith.addf %add3A_348, %get3A_359 : vector<16xf32>
      %add3A_361 = arith.constant 9 : i32
      %add3A_362 = arith.addi %mul3A_243, %add3A_361 : i32
      %get3A_363 = arith.index_cast %add3A_362 : i32 to index
      %get3A_364 = arith.constant 16 : index
      %get3A_365 = tpu.vector_load %arg60[%get3A_363, %get3A_364] {strides = array<i32>} : memref<1600x32xf32, #tpu.memory_space<vmem>>, vector<16xf32>,
      %add3A_366 = arith.addf %add3A_354, %get3A_365 : vector<16xf32>
      %add3A_367 = arith.constant 10 : i32
      %add3A_368 = arith.addi %mul3A_243, %add3A_367 : i32
      %get3A_369 = arith.index_cast %add3A_368 : i32 to index
      %get3A_370 = arith.constant 0 : index
      %get3A_371 = tpu.vector_load %arg60[%get3A_369, %get3A_370] {strides = array<i32>} : memref<1600x32xf32, #tpu.memory_space<vmem>>, vector<16xf32>,
      %add3A_372 = arith.addf %add3A_360, %get3A_371 : vector<16xf32>
      %add3A_373 = arith.constant 10 : i32
      %add3A_374 = arith.addi %mul3A_243, %add3A_373 : i32
      %get3A_375 = arith.index_cast %add3A_374 : i32 to index
      %get3A_376 = arith.constant 16 : index
      %get3A_377 = tpu.vector_load %arg60[%get3A_375, %get3A_376] {strides = array<i32>} : memref<1600x32xf32, #tpu.memory_space<vmem>>, vector<16xf32>,
      %add3A_378 = arith.addf %add3A_366, %get3A_377 : vector<16xf32>
      %add3A_379 = arith.constant 11 : i32
      %add3A_380 = arith.addi %mul3A_243, %add3A_379 : i32
      %get3A_381 = arith.index_cast %add3A_380 : i32 to index
      %get3A_382 = arith.constant 0 : index
      %get3A_383 = tpu.vector_load %arg60[%get3A_381, %get3A_382] {strides = array<i32>} : memref<1600x32xf32, #tpu.memory_space<vmem>>, vector<16xf32>,
      %add3A_384 = arith.addf %add3A_372, %get3A_383 : vector<16xf32>
      %add3A_385 = arith.constant 11 : i32
      %add3A_386 = arith.addi %mul3A_243, %add3A_385 : i32
      %get3A_387 = arith.index_cast %add3A_386 : i32 to index
      %get3A_388 = arith.constant 16 : index
      %get3A_389 = tpu.vector_load %arg60[%get3A_387, %get3A_388] {strides = array<i32>} : memref<1600x32xf32, #tpu.memory_space<vmem>>, vector<16xf32>,
      %add3A_390 = arith.addf %add3A_378, %get3A_389 : vector<16xf32>
      %add3A_391 = arith.constant 12 : i32
      %add3A_392 = arith.addi %mul3A_243, %add3A_391 : i32
      %get3A_393 = arith.index_cast %add3A_392 : i32 to index
      %get3A_394 = arith.constant 0 : index
      %get3A_395 = tpu.vector_load %arg60[%get3A_393, %get3A_394] {strides = array<i32>} : memref<1600x32xf32, #tpu.memory_space<vmem>>, vector<16xf32>,
      %add3A_396 = arith.addf %add3A_384, %get3A_395 : vector<16xf32>
      %add3A_397 = arith.constant 12 : i32
      %add3A_398 = arith.addi %mul3A_243, %add3A_397 : i32
      %get3A_399 = arith.index_cast %add3A_398 : i32 to index
      %get3A_400 = arith.constant 16 : index
      %get3A_401 = tpu.vector_load %arg60[%get3A_399, %get3A_400] {strides = array<i32>} : memref<1600x32xf32, #tpu.memory_space<vmem>>, vector<16xf32>,
      %add3A_402 = arith.addf %add3A_390, %get3A_401 : vector<16xf32>
      %add3A_403 = arith.constant 13 : i32
      %add3A_404 = arith.addi %mul3A_243, %add3A_403 : i32
      %get3A_405 = arith.index_cast %add3A_404 : i32 to index
      %get3A_406 = arith.constant 0 : index
      %get3A_407 = tpu.vector_load %arg60[%get3A_405, %get3A_406] {strides = array<i32>} : memref<1600x32xf32, #tpu.memory_space<vmem>>, vector<16xf32>,
      %add3A_408 = arith.addf %add3A_396, %get3A_407 : vector<16xf32>
      %add3A_409 = arith.constant 13 : i32
      %add3A_410 = arith.addi %mul3A_243, %add3A_409 : i32
      %get3A_411 = arith.index_cast %add3A_410 : i32 to index
      %get3A_412 = arith.constant 16 : index
      %get3A_413 = tpu.vector_load %arg60[%get3A_411, %get3A_412] {strides = array<i32>} : memref<1600x32xf32, #tpu.memory_space<vmem>>, vector<16xf32>,
      %add3A_414 = arith.addf %add3A_402, %get3A_413 : vector<16xf32>
      %add3A_415 = arith.constant 14 : i32
      %add3A_416 = arith.addi %mul3A_243, %add3A_415 : i32
      %get3A_417 = arith.index_cast %add3A_416 : i32 to index
      %get3A_418 = arith.constant 0 : index
      %get3A_419 = tpu.vector_load %arg60[%get3A_417, %get3A_418] {strides = array<i32>} : memref<1600x32xf32, #tpu.memory_space<vmem>>, vector<16xf32>,
      %add3A_420 = arith.addf %add3A_408, %get3A_419 : vector<16xf32>
      %add3A_421 = arith.constant 14 : i32
      %add3A_422 = arith.addi %mul3A_243, %add3A_421 : i32
      %get3A_423 = arith.index_cast %add3A_422 : i32 to index
      %get3A_424 = arith.constant 16 : index
      %get3A_425 = tpu.vector_load %arg60[%get3A_423, %get3A_424] {strides = array<i32>} : memref<1600x32xf32, #tpu.memory_space<vmem>>, vector<16xf32>,
      %add3A_426 = arith.addf %add3A_414, %get3A_425 : vector<16xf32>
      %add3A_427 = arith.constant 15 : i32
      %add3A_428 = arith.addi %mul3A_243, %add3A_427 : i32
      %get3A_429 = arith.index_cast %add3A_428 : i32 to index
      %get3A_430 = arith.constant 0 : index
      %get3A_431 = tpu.vector_load %arg60[%get3A_429, %get3A_430] {strides = array<i32>} : memref<1600x32xf32, #tpu.memory_space<vmem>>, vector<16xf32>,
      %add3A_432 = arith.addf %add3A_420, %get3A_431 : vector<16xf32>
      %add3A_433 = arith.constant 15 : i32
      %add3A_434 = arith.addi %mul3A_243, %add3A_433 : i32
      %get3A_435 = arith.index_cast %add3A_434 : i32 to index
      %get3A_436 = arith.constant 16 : index
      %get3A_437 = tpu.vector_load %arg60[%get3A_435, %get3A_436] {strides = array<i32>} : memref<1600x32xf32, #tpu.memory_space<vmem>>, vector<16xf32>,
      %add3A_438 = arith.addf %add3A_426, %get3A_437 : vector<16xf32>
      %add3A_439 = arith.constant 16 : i32
      %add3A_440 = arith.addi %mul3A_243, %add3A_439 : i32
      %get3A_441 = arith.index_cast %add3A_440 : i32 to index
      %get3A_442 = arith.constant 0 : index
      %get3A_443 = tpu.vector_load %arg60[%get3A_441, %get3A_442] {strides = array<i32>} : memref<1600x32xf32, #tpu.memory_space<vmem>>, vector<16xf32>,
      %add3A_444 = arith.addf %add3A_432, %get3A_443 : vector<16xf32>
      %add3A_445 = arith.constant 16 : i32
      %add3A_446 = arith.addi %mul3A_243, %add3A_445 : i32
      %get3A_447 = arith.index_cast %add3A_446 : i32 to index
      %get3A_448 = arith.constant 16 : index
      %get3A_449 = tpu.vector_load %arg60[%get3A_447, %get3A_448] {strides = array<i32>} : memref<1600x32xf32, #tpu.memory_space<vmem>>, vector<16xf32>,
      %add3A_450 = arith.addf %add3A_438, %get3A_449 : vector<16xf32>
      %add3A_451 = arith.constant 17 : i32
      %add3A_452 = arith.addi %mul3A_243, %add3A_451 : i32
      %get3A_453 = arith.index_cast %add3A_452 : i32 to index
      %get3A_454 = arith.constant 0 : index
      %get3A_455 = tpu.vector_load %arg60[%get3A_453, %get3A_454] {strides = array<i32>} : memref<1600x32xf32, #tpu.memory_space<vmem>>, vector<16xf32>,
      %add3A_456 = arith.addf %add3A_444, %get3A_455 : vector<16xf32>
      %add3A_457 = arith.constant 17 : i32
      %add3A_458 = arith.addi %mul3A_243, %add3A_457 : i32
      %get3A_459 = arith.index_cast %add3A_458 : i32 to index
      %get3A_460 = arith.constant 16 : index
      %get3A_461 = tpu.vector_load %arg60[%get3A_459, %get3A_460] {strides = array<i32>} : memref<1600x32xf32, #tpu.memory_space<vmem>>, vector<16xf32>,
      %add3A_462 = arith.addf %add3A_450, %get3A_461 : vector<16xf32>
      %add3A_463 = arith.constant 18 : i32
      %add3A_464 = arith.addi %mul3A_243, %add3A_463 : i32
      %get3A_465 = arith.index_cast %add3A_464 : i32 to index
      %get3A_466 = arith.constant 0 : index
      %get3A_467 = tpu.vector_load %arg60[%get3A_465, %get3A_466] {strides = array<i32>} : memref<1600x32xf32, #tpu.memory_space<vmem>>, vector<16xf32>,
      %add3A_468 = arith.addf %add3A_456, %get3A_467 : vector<16xf32>
      %add3A_469 = arith.constant 18 : i32
      %add3A_470 = arith.addi %mul3A_243, %add3A_469 : i32
      %get3A_471 = arith.index_cast %add3A_470 : i32 to index
      %get3A_472 = arith.constant 16 : index
      %get3A_473 = tpu.vector_load %arg60[%get3A_471, %get3A_472] {strides = array<i32>} : memref<1600x32xf32, #tpu.memory_space<vmem>>, vector<16xf32>,
      %add3A_474 = arith.addf %add3A_462, %get3A_473 : vector<16xf32>
      %add3A_475 = arith.constant 19 : i32
      %add3A_476 = arith.addi %mul3A_243, %add3A_475 : i32
      %get3A_477 = arith.index_cast %add3A_476 : i32 to index
      %get3A_478 = arith.constant 0 : index
      %get3A_479 = tpu.vector_load %arg60[%get3A_477, %get3A_478] {strides = array<i32>} : memref<1600x32xf32, #tpu.memory_space<vmem>>, vector<16xf32>,
      %add3A_480 = arith.addf %add3A_468, %get3A_479 : vector<16xf32>
      %add3A_481 = arith.constant 19 : i32
      %add3A_482 = arith.addi %mul3A_243, %add3A_481 : i32
      %get3A_483 = arith.index_cast %add3A_482 : i32 to index
      %get3A_484 = arith.constant 16 : index
      %get3A_485 = tpu.vector_load %arg60[%get3A_483, %get3A_484] {strides = array<i32>} : memref<1600x32xf32, #tpu.memory_space<vmem>>, vector<16xf32>,
      %add3A_486 = arith.addf %add3A_474, %get3A_485 : vector<16xf32>
      %add3A_487 = arith.constant 20 : i32
      %add3A_488 = arith.addi %mul3A_243, %add3A_487 : i32
      %get3A_489 = arith.index_cast %add3A_488 : i32 to index
      %get3A_490 = arith.constant 0 : index
      %get3A_491 = tpu.vector_load %arg60[%get3A_489, %get3A_490] {strides = array<i32>} : memref<1600x32xf32, #tpu.memory_space<vmem>>, vector<16xf32>,
      %add3A_492 = arith.addf %add3A_480, %get3A_491 : vector<16xf32>
      %add3A_493 = arith.constant 20 : i32
      %add3A_494 = arith.addi %mul3A_243, %add3A_493 : i32
      %get3A_495 = arith.index_cast %add3A_494 : i32 to index
      %get3A_496 = arith.constant 16 : index
      %get3A_497 = tpu.vector_load %arg60[%get3A_495, %get3A_496] {strides = array<i32>} : memref<1600x32xf32, #tpu.memory_space<vmem>>, vector<16xf32>,
      %add3A_498 = arith.addf %add3A_486, %get3A_497 : vector<16xf32>
      %add3A_499 = arith.constant 21 : i32
      %add3A_500 = arith.addi %mul3A_243, %add3A_499 : i32
      %get3A_501 = arith.index_cast %add3A_500 : i32 to index
      %get3A_502 = arith.constant 0 : index
      %get3A_503 = tpu.vector_load %arg60[%get3A_501, %get3A_502] {strides = array<i32>} : memref<1600x32xf32, #tpu.memory_space<vmem>>, vector<16xf32>,
      %add3A_504 = arith.addf %add3A_492, %get3A_503 : vector<16xf32>
      %add3A_505 = arith.constant 21 : i32
      %add3A_506 = arith.addi %mul3A_243, %add3A_505 : i32
      %get3A_507 = arith.index_cast %add3A_506 : i32 to index
      %get3A_508 = arith.constant 16 : index
      %get3A_509 = tpu.vector_load %arg60[%get3A_507, %get3A_508] {strides = array<i32>} : memref<1600x32xf32, #tpu.memory_space<vmem>>, vector<16xf32>,
      %add3A_510 = arith.addf %add3A_498, %get3A_509 : vector<16xf32>
      %add3A_511 = arith.constant 22 : i32
      %add3A_512 = arith.addi %mul3A_243, %add3A_511 : i32
      %get3A_513 = arith.index_cast %add3A_512 : i32 to index
      %get3A_514 = arith.constant 0 : index
      %get3A_515 = tpu.vector_load %arg60[%get3A_513, %get3A_514] {strides = array<i32>} : memref<1600x32xf32, #tpu.memory_space<vmem>>, vector<16xf32>,
      %add3A_516 = arith.addf %add3A_504, %get3A_515 : vector<16xf32>
      %add3A_517 = arith.constant 22 : i32
      %add3A_518 = arith.addi %mul3A_243, %add3A_517 : i32
      %get3A_519 = arith.index_cast %add3A_518 : i32 to index
      %get3A_520 = arith.constant 16 : index
      %get3A_521 = tpu.vector_load %arg60[%get3A_519, %get3A_520] {strides = array<i32>} : memref<1600x32xf32, #tpu.memory_space<vmem>>, vector<16xf32>,
      %add3A_522 = arith.addf %add3A_510, %get3A_521 : vector<16xf32>
      %add3A_523 = arith.constant 23 : i32
      %add3A_524 = arith.addi %mul3A_243, %add3A_523 : i32
      %get3A_525 = arith.index_cast %add3A_524 : i32 to index
      %get3A_526 = arith.constant 0 : index
      %get3A_527 = tpu.vector_load %arg60[%get3A_525, %get3A_526] {strides = array<i32>} : memref<1600x32xf32, #tpu.memory_space<vmem>>, vector<16xf32>,
      %add3A_528 = arith.addf %add3A_516, %get3A_527 : vector<16xf32>
      %add3A_529 = arith.constant 23 : i32
      %add3A_530 = arith.addi %mul3A_243, %add3A_529 : i32
      %get3A_531 = arith.index_cast %add3A_530 : i32 to index
      %get3A_532 = arith.constant 16 : index
      %get3A_533 = tpu.vector_load %arg60[%get3A_531, %get3A_532] {strides = array<i32>} : memref<1600x32xf32, #tpu.memory_space<vmem>>, vector<16xf32>,
      %add3A_534 = arith.addf %add3A_522, %get3A_533 : vector<16xf32>
      %add3A_535 = arith.constant 24 : i32
      %add3A_536 = arith.addi %mul3A_243, %add3A_535 : i32
      %get3A_537 = arith.index_cast %add3A_536 : i32 to index
      %get3A_538 = arith.constant 0 : index
      %get3A_539 = tpu.vector_load %arg60[%get3A_537, %get3A_538] {strides = array<i32>} : memref<1600x32xf32, #tpu.memory_space<vmem>>, vector<16xf32>,
      %add3A_540 = arith.addf %add3A_528, %get3A_539 : vector<16xf32>
      %add3A_541 = arith.constant 24 : i32
      %add3A_542 = arith.addi %mul3A_243, %add3A_541 : i32
      %get3A_543 = arith.index_cast %add3A_542 : i32 to index
      %get3A_544 = arith.constant 16 : index
      %get3A_545 = tpu.vector_load %arg60[%get3A_543, %get3A_544] {strides = array<i32>} : memref<1600x32xf32, #tpu.memory_space<vmem>>, vector<16xf32>,
      %add3A_546 = arith.addf %add3A_534, %get3A_545 : vector<16xf32>
      %add3A_547 = arith.constant 25 : i32
      %add3A_548 = arith.addi %mul3A_243, %add3A_547 : i32
      %get3A_549 = arith.index_cast %add3A_548 : i32 to index
      %get3A_550 = arith.constant 0 : index
      %get3A_551 = tpu.vector_load %arg60[%get3A_549, %get3A_550] {strides = array<i32>} : memref<1600x32xf32, #tpu.memory_space<vmem>>, vector<16xf32>,
      %add3A_552 = arith.addf %add3A_540, %get3A_551 : vector<16xf32>
      %add3A_553 = arith.constant 25 : i32
      %add3A_554 = arith.addi %mul3A_243, %add3A_553 : i32
      %get3A_555 = arith.index_cast %add3A_554 : i32 to index
      %get3A_556 = arith.constant 16 : index
      %get3A_557 = tpu.vector_load %arg60[%get3A_555, %get3A_556] {strides = array<i32>} : memref<1600x32xf32, #tpu.memory_space<vmem>>, vector<16xf32>,
      %add3A_558 = arith.addf %add3A_546, %get3A_557 : vector<16xf32>
      %add3A_559 = arith.constant 26 : i32
      %add3A_560 = arith.addi %mul3A_243, %add3A_559 : i32
      %get3A_561 = arith.index_cast %add3A_560 : i32 to index
      %get3A_562 = arith.constant 0 : index
      %get3A_563 = tpu.vector_load %arg60[%get3A_561, %get3A_562] {strides = array<i32>} : memref<1600x32xf32, #tpu.memory_space<vmem>>, vector<16xf32>,
      %add3A_564 = arith.addf %add3A_552, %get3A_563 : vector<16xf32>
      %add3A_565 = arith.constant 26 : i32
      %add3A_566 = arith.addi %mul3A_243, %add3A_565 : i32
      %get3A_567 = arith.index_cast %add3A_566 : i32 to index
      %get3A_568 = arith.constant 16 : index
      %get3A_569 = tpu.vector_load %arg60[%get3A_567, %get3A_568] {strides = array<i32>} : memref<1600x32xf32, #tpu.memory_space<vmem>>, vector<16xf32>,
      %add3A_570 = arith.addf %add3A_558, %get3A_569 : vector<16xf32>
      %add3A_571 = arith.constant 27 : i32
      %add3A_572 = arith.addi %mul3A_243, %add3A_571 : i32
      %get3A_573 = arith.index_cast %add3A_572 : i32 to index
      %get3A_574 = arith.constant 0 : index
      %get3A_575 = tpu.vector_load %arg60[%get3A_573, %get3A_574] {strides = array<i32>} : memref<1600x32xf32, #tpu.memory_space<vmem>>, vector<16xf32>,
      %add3A_576 = arith.addf %add3A_564, %get3A_575 : vector<16xf32>
      %add3A_577 = arith.constant 27 : i32
      %add3A_578 = arith.addi %mul3A_243, %add3A_577 : i32
      %get3A_579 = arith.index_cast %add3A_578 : i32 to index
      %get3A_580 = arith.constant 16 : index
      %get3A_581 = tpu.vector_load %arg60[%get3A_579, %get3A_580] {strides = array<i32>} : memref<1600x32xf32, #tpu.memory_space<vmem>>, vector<16xf32>,
      %add3A_582 = arith.addf %add3A_570, %get3A_581 : vector<16xf32>
      %add3A_583 = arith.constant 28 : i32
      %add3A_584 = arith.addi %mul3A_243, %add3A_583 : i32
      %get3A_585 = arith.index_cast %add3A_584 : i32 to index
      %get3A_586 = arith.constant 0 : index
      %get3A_587 = tpu.vector_load %arg60[%get3A_585, %get3A_586] {strides = array<i32>} : memref<1600x32xf32, #tpu.memory_space<vmem>>, vector<16xf32>,
      %add3A_588 = arith.addf %add3A_576, %get3A_587 : vector<16xf32>
      %add3A_589 = arith.constant 28 : i32
      %add3A_590 = arith.addi %mul3A_243, %add3A_589 : i32
      %get3A_591 = arith.index_cast %add3A_590 : i32 to index
      %get3A_592 = arith.constant 16 : index
      %get3A_593 = tpu.vector_load %arg60[%get3A_591, %get3A_592] {strides = array<i32>} : memref<1600x32xf32, #tpu.memory_space<vmem>>, vector<16xf32>,
      %add3A_594 = arith.addf %add3A_582, %get3A_593 : vector<16xf32>
      %add3A_595 = arith.constant 29 : i32
      %add3A_596 = arith.addi %mul3A_243, %add3A_595 : i32
      %get3A_597 = arith.index_cast %add3A_596 : i32 to index
      %get3A_598 = arith.constant 0 : index
      %get3A_599 = tpu.vector_load %arg60[%get3A_597, %get3A_598] {strides = array<i32>} : memref<1600x32xf32, #tpu.memory_space<vmem>>, vector<16xf32>,
      %add3A_600 = arith.addf %add3A_588, %get3A_599 : vector<16xf32>
      %add3A_601 = arith.constant 29 : i32
      %add3A_602 = arith.addi %mul3A_243, %add3A_601 : i32
      %get3A_603 = arith.index_cast %add3A_602 : i32 to index
      %get3A_604 = arith.constant 16 : index
      %get3A_605 = tpu.vector_load %arg60[%get3A_603, %get3A_604] {strides = array<i32>} : memref<1600x32xf32, #tpu.memory_space<vmem>>, vector<16xf32>,
      %add3A_606 = arith.addf %add3A_594, %get3A_605 : vector<16xf32>
      %add3A_607 = arith.constant 30 : i32
      %add3A_608 = arith.addi %mul3A_243, %add3A_607 : i32
      %get3A_609 = arith.index_cast %add3A_608 : i32 to index
      %get3A_610 = arith.constant 0 : index
      %get3A_611 = tpu.vector_load %arg60[%get3A_609, %get3A_610] {strides = array<i32>} : memref<1600x32xf32, #tpu.memory_space<vmem>>, vector<16xf32>,
      %add3A_612 = arith.addf %add3A_600, %get3A_611 : vector<16xf32>
      %add3A_613 = arith.constant 30 : i32
      %add3A_614 = arith.addi %mul3A_243, %add3A_613 : i32
      %get3A_615 = arith.index_cast %add3A_614 : i32 to index
      %get3A_616 = arith.constant 16 : index
      %get3A_617 = tpu.vector_load %arg60[%get3A_615, %get3A_616] {strides = array<i32>} : memref<1600x32xf32, #tpu.memory_space<vmem>>, vector<16xf32>,
      %add3A_618 = arith.addf %add3A_606, %get3A_617 : vector<16xf32>
      %add3A_619 = arith.constant 31 : i32
      %add3A_620 = arith.addi %mul3A_243, %add3A_619 : i32
      %get3A_621 = arith.index_cast %add3A_620 : i32 to index
      %get3A_622 = arith.constant 0 : index
      %get3A_623 = tpu.vector_load %arg60[%get3A_621, %get3A_622] {strides = array<i32>} : memref<1600x32xf32, #tpu.memory_space<vmem>>, vector<16xf32>,
      %add3A_624 = arith.addf %add3A_612, %get3A_623 : vector<16xf32>
      %add3A_625 = arith.constant 31 : i32
      %add3A_626 = arith.addi %mul3A_243, %add3A_625 : i32
      %get3A_627 = arith.index_cast %add3A_626 : i32 to index
      %get3A_628 = arith.constant 16 : index
      %get3A_629 = tpu.vector_load %arg60[%get3A_627, %get3A_628] {strides = array<i32>} : memref<1600x32xf32, #tpu.memory_space<vmem>>, vector<16xf32>,
      %add3A_630 = arith.addf %add3A_618, %get3A_629 : vector<16xf32>
      %add3A_631 = arith.constant 32 : i32
      %add3A_632 = arith.addi %mul3A_243, %add3A_631 : i32
      %get3A_633 = arith.index_cast %add3A_632 : i32 to index
      %get3A_634 = arith.constant 0 : index
      %get3A_635 = tpu.vector_load %arg60[%get3A_633, %get3A_634] {strides = array<i32>} : memref<1600x32xf32, #tpu.memory_space<vmem>>, vector<16xf32>,
      %add3A_636 = arith.addf %add3A_624, %get3A_635 : vector<16xf32>
      %add3A_637 = arith.constant 32 : i32
      %add3A_638 = arith.addi %mul3A_243, %add3A_637 : i32
      %get3A_639 = arith.index_cast %add3A_638 : i32 to index
      %get3A_640 = arith.constant 16 : index
      %get3A_641 = tpu.vector_load %arg60[%get3A_639, %get3A_640] {strides = array<i32>} : memref<1600x32xf32, #tpu.memory_space<vmem>>, vector<16xf32>,
      %add3A_642 = arith.addf %add3A_630, %get3A_641 : vector<16xf32>
      %add3A_643 = arith.constant 33 : i32
      %add3A_644 = arith.addi %mul3A_243, %add3A_643 : i32
      %get3A_645 = arith.index_cast %add3A_644 : i32 to index
      %get3A_646 = arith.constant 0 : index
      %get3A_647 = tpu.vector_load %arg60[%get3A_645, %get3A_646] {strides = array<i32>} : memref<1600x32xf32, #tpu.memory_space<vmem>>, vector<16xf32>,
      %add3A_648 = arith.addf %add3A_636, %get3A_647 : vector<16xf32>
      %add3A_649 = arith.constant 33 : i32
      %add3A_650 = arith.addi %mul3A_243, %add3A_649 : i32
      %get3A_651 = arith.index_cast %add3A_650 : i32 to index
      %get3A_652 = arith.constant 16 : index
      %get3A_653 = tpu.vector_load %arg60[%get3A_651, %get3A_652] {strides = array<i32>} : memref<1600x32xf32, #tpu.memory_space<vmem>>, vector<16xf32>,
      %add3A_654 = arith.addf %add3A_642, %get3A_653 : vector<16xf32>
      %add3A_655 = arith.constant 34 : i32
      %add3A_656 = arith.addi %mul3A_243, %add3A_655 : i32
      %get3A_657 = arith.index_cast %add3A_656 : i32 to index
      %get3A_658 = arith.constant 0 : index
      %get3A_659 = tpu.vector_load %arg60[%get3A_657, %get3A_658] {strides = array<i32>} : memref<1600x32xf32, #tpu.memory_space<vmem>>, vector<16xf32>,
      %add3A_660 = arith.addf %add3A_648, %get3A_659 : vector<16xf32>
      %add3A_661 = arith.constant 34 : i32
      %add3A_662 = arith.addi %mul3A_243, %add3A_661 : i32
      %get3A_663 = arith.index_cast %add3A_662 : i32 to index
      %get3A_664 = arith.constant 16 : index
      %get3A_665 = tpu.vector_load %arg60[%get3A_663, %get3A_664] {strides = array<i32>} : memref<1600x32xf32, #tpu.memory_space<vmem>>, vector<16xf32>,
      %add3A_666 = arith.addf %add3A_654, %get3A_665 : vector<16xf32>
      %add3A_667 = arith.constant 35 : i32
      %add3A_668 = arith.addi %mul3A_243, %add3A_667 : i32
      %get3A_669 = arith.index_cast %add3A_668 : i32 to index
      %get3A_670 = arith.constant 0 : index
      %get3A_671 = tpu.vector_load %arg60[%get3A_669, %get3A_670] {strides = array<i32>} : memref<1600x32xf32, #tpu.memory_space<vmem>>, vector<16xf32>,
      %add3A_672 = arith.addf %add3A_660, %get3A_671 : vector<16xf32>
      %add3A_673 = arith.constant 35 : i32
      %add3A_674 = arith.addi %mul3A_243, %add3A_673 : i32
      %get3A_675 = arith.index_cast %add3A_674 : i32 to index
      %get3A_676 = arith.constant 16 : index
      %get3A_677 = tpu.vector_load %arg60[%get3A_675, %get3A_676] {strides = array<i32>} : memref<1600x32xf32, #tpu.memory_space<vmem>>, vector<16xf32>,
      %add3A_678 = arith.addf %add3A_666, %get3A_677 : vector<16xf32>
      %add3A_679 = arith.constant 36 : i32
      %add3A_680 = arith.addi %mul3A_243, %add3A_679 : i32
      %get3A_681 = arith.index_cast %add3A_680 : i32 to index
      %get3A_682 = arith.constant 0 : index
      %get3A_683 = tpu.vector_load %arg60[%get3A_681, %get3A_682] {strides = array<i32>} : memref<1600x32xf32, #tpu.memory_space<vmem>>, vector<16xf32>,
      %add3A_684 = arith.addf %add3A_672, %get3A_683 : vector<16xf32>
      %add3A_685 = arith.constant 36 : i32
      %add3A_686 = arith.addi %mul3A_243, %add3A_685 : i32
      %get3A_687 = arith.index_cast %add3A_686 : i32 to index
      %get3A_688 = arith.constant 16 : index
      %get3A_689 = tpu.vector_load %arg60[%get3A_687, %get3A_688] {strides = array<i32>} : memref<1600x32xf32, #tpu.memory_space<vmem>>, vector<16xf32>,
      %add3A_690 = arith.addf %add3A_678, %get3A_689 : vector<16xf32>
      %add3A_691 = arith.constant 37 : i32
      %add3A_692 = arith.addi %mul3A_243, %add3A_691 : i32
      %get3A_693 = arith.index_cast %add3A_692 : i32 to index
      %get3A_694 = arith.constant 0 : index
      %get3A_695 = tpu.vector_load %arg60[%get3A_693, %get3A_694] {strides = array<i32>} : memref<1600x32xf32, #tpu.memory_space<vmem>>, vector<16xf32>,
      %add3A_696 = arith.addf %add3A_684, %get3A_695 : vector<16xf32>
      %add3A_697 = arith.constant 37 : i32
      %add3A_698 = arith.addi %mul3A_243, %add3A_697 : i32
      %get3A_699 = arith.index_cast %add3A_698 : i32 to index
      %get3A_700 = arith.constant 16 : index
      %get3A_701 = tpu.vector_load %arg60[%get3A_699, %get3A_700] {strides = array<i32>} : memref<1600x32xf32, #tpu.memory_space<vmem>>, vector<16xf32>,
      %add3A_702 = arith.addf %add3A_690, %get3A_701 : vector<16xf32>
      %add3A_703 = arith.constant 38 : i32
      %add3A_704 = arith.addi %mul3A_243, %add3A_703 : i32
      %get3A_705 = arith.index_cast %add3A_704 : i32 to index
      %get3A_706 = arith.constant 0 : index
      %get3A_707 = tpu.vector_load %arg60[%get3A_705, %get3A_706] {strides = array<i32>} : memref<1600x32xf32, #tpu.memory_space<vmem>>, vector<16xf32>,
      %add3A_708 = arith.addf %add3A_696, %get3A_707 : vector<16xf32>
      %add3A_709 = arith.constant 38 : i32
      %add3A_710 = arith.addi %mul3A_243, %add3A_709 : i32
      %get3A_711 = arith.index_cast %add3A_710 : i32 to index
      %get3A_712 = arith.constant 16 : index
      %get3A_713 = tpu.vector_load %arg60[%get3A_711, %get3A_712] {strides = array<i32>} : memref<1600x32xf32, #tpu.memory_space<vmem>>, vector<16xf32>,
      %add3A_714 = arith.addf %add3A_702, %get3A_713 : vector<16xf32>
      %add3A_715 = arith.constant 39 : i32
      %add3A_716 = arith.addi %mul3A_243, %add3A_715 : i32
      %get3A_717 = arith.index_cast %add3A_716 : i32 to index
      %get3A_718 = arith.constant 0 : index
      %get3A_719 = tpu.vector_load %arg60[%get3A_717, %get3A_718] {strides = array<i32>} : memref<1600x32xf32, #tpu.memory_space<vmem>>, vector<16xf32>,
      %add3A_720 = arith.addf %add3A_708, %get3A_719 : vector<16xf32>
      %add3A_721 = arith.constant 39 : i32
      %add3A_722 = arith.addi %mul3A_243, %add3A_721 : i32
      %get3A_723 = arith.index_cast %add3A_722 : i32 to index
      %get3A_724 = arith.constant 16 : index
      %get3A_725 = tpu.vector_load %arg60[%get3A_723, %get3A_724] {strides = array<i32>} : memref<1600x32xf32, #tpu.memory_space<vmem>>, vector<16xf32>,
      %add3A_726 = arith.addf %add3A_714, %get3A_725 : vector<16xf32>
      %add3A_727 = arith.constant 40 : i32
      %add3A_728 = arith.addi %mul3A_243, %add3A_727 : i32
      %get3A_729 = arith.index_cast %add3A_728 : i32 to index
      %get3A_730 = arith.constant 0 : index
      %get3A_731 = tpu.vector_load %arg60[%get3A_729, %get3A_730] {strides = array<i32>} : memref<1600x32xf32, #tpu.memory_space<vmem>>, vector<16xf32>,
      %add3A_732 = arith.addf %add3A_720, %get3A_731 : vector<16xf32>
      %add3A_733 = arith.constant 40 : i32
      %add3A_734 = arith.addi %mul3A_243, %add3A_733 : i32
      %get3A_735 = arith.index_cast %add3A_734 : i32 to index
      %get3A_736 = arith.constant 16 : index
      %get3A_737 = tpu.vector_load %arg60[%get3A_735, %get3A_736] {strides = array<i32>} : memref<1600x32xf32, #tpu.memory_space<vmem>>, vector<16xf32>,
      %add3A_738 = arith.addf %add3A_726, %get3A_737 : vector<16xf32>
      %add3A_739 = arith.constant 41 : i32
      %add3A_740 = arith.addi %mul3A_243, %add3A_739 : i32
      %get3A_741 = arith.index_cast %add3A_740 : i32 to index
      %get3A_742 = arith.constant 0 : index
      %get3A_743 = tpu.vector_load %arg60[%get3A_741, %get3A_742] {strides = array<i32>} : memref<1600x32xf32, #tpu.memory_space<vmem>>, vector<16xf32>,
      %add3A_744 = arith.addf %add3A_732, %get3A_743 : vector<16xf32>
      %add3A_745 = arith.constant 41 : i32
      %add3A_746 = arith.addi %mul3A_243, %add3A_745 : i32
      %get3A_747 = arith.index_cast %add3A_746 : i32 to index
      %get3A_748 = arith.constant 16 : index
      %get3A_749 = tpu.vector_load %arg60[%get3A_747, %get3A_748] {strides = array<i32>} : memref<1600x32xf32, #tpu.memory_space<vmem>>, vector<16xf32>,
      %add3A_750 = arith.addf %add3A_738, %get3A_749 : vector<16xf32>
      %add3A_751 = arith.constant 42 : i32
      %add3A_752 = arith.addi %mul3A_243, %add3A_751 : i32
      %get3A_753 = arith.index_cast %add3A_752 : i32 to index
      %get3A_754 = arith.constant 0 : index
      %get3A_755 = tpu.vector_load %arg60[%get3A_753, %get3A_754] {strides = array<i32>} : memref<1600x32xf32, #tpu.memory_space<vmem>>, vector<16xf32>,
      %add3A_756 = arith.addf %add3A_744, %get3A_755 : vector<16xf32>
      %add3A_757 = arith.constant 42 : i32
      %add3A_758 = arith.addi %mul3A_243, %add3A_757 : i32
      %get3A_759 = arith.index_cast %add3A_758 : i32 to index
      %get3A_760 = arith.constant 16 : index
      %get3A_761 = tpu.vector_load %arg60[%get3A_759, %get3A_760] {strides = array<i32>} : memref<1600x32xf32, #tpu.memory_space<vmem>>, vector<16xf32>,
      %add3A_762 = arith.addf %add3A_750, %get3A_761 : vector<16xf32>
      %add3A_763 = arith.constant 43 : i32
      %add3A_764 = arith.addi %mul3A_243, %add3A_763 : i32
      %get3A_765 = arith.index_cast %add3A_764 : i32 to index
      %get3A_766 = arith.constant 0 : index
      %get3A_767 = tpu.vector_load %arg60[%get3A_765, %get3A_766] {strides = array<i32>} : memref<1600x32xf32, #tpu.memory_space<vmem>>, vector<16xf32>,
      %add3A_768 = arith.addf %add3A_756, %get3A_767 : vector<16xf32>
      %add3A_769 = arith.constant 43 : i32
      %add3A_770 = arith.addi %mul3A_243, %add3A_769 : i32
      %get3A_771 = arith.index_cast %add3A_770 : i32 to index
      %get3A_772 = arith.constant 16 : index
      %get3A_773 = tpu.vector_load %arg60[%get3A_771, %get3A_772] {strides = array<i32>} : memref<1600x32xf32, #tpu.memory_space<vmem>>, vector<16xf32>,
      %add3A_774 = arith.addf %add3A_762, %get3A_773 : vector<16xf32>
      %add3A_775 = arith.constant 44 : i32
      %add3A_776 = arith.addi %mul3A_243, %add3A_775 : i32
      %get3A_777 = arith.index_cast %add3A_776 : i32 to index
      %get3A_778 = arith.constant 0 : index
      %get3A_779 = tpu.vector_load %arg60[%get3A_777, %get3A_778] {strides = array<i32>} : memref<1600x32xf32, #tpu.memory_space<vmem>>, vector<16xf32>,
      %add3A_780 = arith.addf %add3A_768, %get3A_779 : vector<16xf32>
      %add3A_781 = arith.constant 44 : i32
      %add3A_782 = arith.addi %mul3A_243, %add3A_781 : i32
      %get3A_783 = arith.index_cast %add3A_782 : i32 to index
      %get3A_784 = arith.constant 16 : index
      %get3A_785 = tpu.vector_load %arg60[%get3A_783, %get3A_784] {strides = array<i32>} : memref<1600x32xf32, #tpu.memory_space<vmem>>, vector<16xf32>,
      %add3A_786 = arith.addf %add3A_774, %get3A_785 : vector<16xf32>
      %add3A_787 = arith.constant 45 : i32
      %add3A_788 = arith.addi %mul3A_243, %add3A_787 : i32
      %get3A_789 = arith.index_cast %add3A_788 : i32 to index
      %get3A_790 = arith.constant 0 : index
      %get3A_791 = tpu.vector_load %arg60[%get3A_789, %get3A_790] {strides = array<i32>} : memref<1600x32xf32, #tpu.memory_space<vmem>>, vector<16xf32>,
      %add3A_792 = arith.addf %add3A_780, %get3A_791 : vector<16xf32>
      %add3A_793 = arith.constant 45 : i32
      %add3A_794 = arith.addi %mul3A_243, %add3A_793 : i32
      %get3A_795 = arith.index_cast %add3A_794 : i32 to index
      %get3A_796 = arith.constant 16 : index
      %get3A_797 = tpu.vector_load %arg60[%get3A_795, %get3A_796] {strides = array<i32>} : memref<1600x32xf32, #tpu.memory_space<vmem>>, vector<16xf32>,
      %add3A_798 = arith.addf %add3A_786, %get3A_797 : vector<16xf32>
      %add3A_799 = arith.constant 46 : i32
      %add3A_800 = arith.addi %mul3A_243, %add3A_799 : i32
      %get3A_801 = arith.index_cast %add3A_800 : i32 to index
      %get3A_802 = arith.constant 0 : index
      %get3A_803 = tpu.vector_load %arg60[%get3A_801, %get3A_802] {strides = array<i32>} : memref<1600x32xf32, #tpu.memory_space<vmem>>, vector<16xf32>,
      %add3A_804 = arith.addf %add3A_792, %get3A_803 : vector<16xf32>
      %add3A_805 = arith.constant 46 : i32
      %add3A_806 = arith.addi %mul3A_243, %add3A_805 : i32
      %get3A_807 = arith.index_cast %add3A_806 : i32 to index
      %get3A_808 = arith.constant 16 : index
      %get3A_809 = tpu.vector_load %arg60[%get3A_807, %get3A_808] {strides = array<i32>} : memref<1600x32xf32, #tpu.memory_space<vmem>>, vector<16xf32>,
      %add3A_810 = arith.addf %add3A_798, %get3A_809 : vector<16xf32>
      %add3A_811 = arith.constant 47 : i32
      %add3A_812 = arith.addi %mul3A_243, %add3A_811 : i32
      %get3A_813 = arith.index_cast %add3A_812 : i32 to index
      %get3A_814 = arith.constant 0 : index
      %get3A_815 = tpu.vector_load %arg60[%get3A_813, %get3A_814] {strides = array<i32>} : memref<1600x32xf32, #tpu.memory_space<vmem>>, vector<16xf32>,
      %add3A_816 = arith.addf %add3A_804, %get3A_815 : vector<16xf32>
      %add3A_817 = arith.constant 47 : i32
      %add3A_818 = arith.addi %mul3A_243, %add3A_817 : i32
      %get3A_819 = arith.index_cast %add3A_818 : i32 to index
      %get3A_820 = arith.constant 16 : index
      %get3A_821 = tpu.vector_load %arg60[%get3A_819, %get3A_820] {strides = array<i32>} : memref<1600x32xf32, #tpu.memory_space<vmem>>, vector<16xf32>,
      %add3A_822 = arith.addf %add3A_810, %get3A_821 : vector<16xf32>
      %add3A_823 = arith.constant 48 : i32
      %add3A_824 = arith.addi %mul3A_243, %add3A_823 : i32
      %get3A_825 = arith.index_cast %add3A_824 : i32 to index
      %get3A_826 = arith.constant 0 : index
      %get3A_827 = tpu.vector_load %arg60[%get3A_825, %get3A_826] {strides = array<i32>} : memref<1600x32xf32, #tpu.memory_space<vmem>>, vector<16xf32>,
      %add3A_828 = arith.addf %add3A_816, %get3A_827 : vector<16xf32>
      %add3A_829 = arith.constant 48 : i32
      %add3A_830 = arith.addi %mul3A_243, %add3A_829 : i32
      %get3A_831 = arith.index_cast %add3A_830 : i32 to index
      %get3A_832 = arith.constant 16 : index
      %get3A_833 = tpu.vector_load %arg60[%get3A_831, %get3A_832] {strides = array<i32>} : memref<1600x32xf32, #tpu.memory_space<vmem>>, vector<16xf32>,
      %add3A_834 = arith.addf %add3A_822, %get3A_833 : vector<16xf32>
      %add3A_835 = arith.constant 49 : i32
      %add3A_836 = arith.addi %mul3A_243, %add3A_835 : i32
      %get3A_837 = arith.index_cast %add3A_836 : i32 to index
      %get3A_838 = arith.constant 0 : index
      %get3A_839 = tpu.vector_load %arg60[%get3A_837, %get3A_838] {strides = array<i32>} : memref<1600x32xf32, #tpu.memory_space<vmem>>, vector<16xf32>,
      %add3A_840 = arith.addf %add3A_828, %get3A_839 : vector<16xf32>
      %add3A_841 = arith.constant 49 : i32
      %add3A_842 = arith.addi %mul3A_243, %add3A_841 : i32
      %get3A_843 = arith.index_cast %add3A_842 : i32 to index
      %get3A_844 = arith.constant 16 : index
      %get3A_845 = tpu.vector_load %arg60[%get3A_843, %get3A_844] {strides = array<i32>} : memref<1600x32xf32, #tpu.memory_space<vmem>>, vector<16xf32>,
      %add3A_846 = arith.addf %add3A_834, %get3A_845 : vector<16xf32>
      %add3A_847 = arith.constant 0 : i32
      %add3A_848 = arith.addi %add3A_847, %scan3A_240 : i32
      %swap3A = arith.index_cast %add3A_848 : i32 to index
      %swap3A_849 = arith.constant 0 : index
      %swap3A_850 = tpu.vector_load %arg61[%swap3A, %swap3A_849] {strides = array<i32>} : memref<128x32xf32, #tpu.memory_space<vmem>>, vector<16xf32>,
      tpu.vector_store %arg61[%swap3A, %swap3A_849], %add3A_840 {strides = array<i32>} : memref<128x32xf32, #tpu.memory_space<vmem>>, vector<16xf32>,
      %swap3A_851 = arith.index_cast %add3A_848 : i32 to index
      %swap3A_852 = arith.constant 16 : index
      %swap3A_853 = tpu.vector_load %arg61[%swap3A_851, %swap3A_852] {strides = array<i32>} : memref<128x32xf32, #tpu.memory_space<vmem>>, vector<16xf32>,
      tpu.vector_store %arg61[%swap3A_851, %swap3A_852], %add3A_846 {strides = array<i32>} : memref<128x32xf32, #tpu.memory_space<vmem>>, vector<16xf32>,
      %scan3A_854 = arith.constant 0 : i32
      scf.yield %scan3A_854 : i32
    }
    %scan3A_174 = arith.constant 32 : i32
    %dma_start3A_175 = arith.constant 1600 : i32
    %dma_start3A_176 = tpu.memref_slice %arg59[%dma_start3A_175] : memref<6400xi32, #tpu.memory_space<vmem>> -> memref<1600xi32, #tpu.memory_space<vmem>>
    %dma_start3A_177 = arith.constant 0 : i32
    %dma_start3A_178 = arith.constant 0 : i32
    %dma_start3A_179 = tpu.memref_slice %arg55[%dma_start3A_177, %dma_start3A_178] : memref<100000x32xf32, #tpu.memory_space<hbm>> -> memref<100000x32xf32, #tpu.memory_space<hbm>>
    tpu.enqueue_indirect_dma source(%dma_start3A_179 : memref<100000x32xf32, #tpu.memory_space<hbm>>) target(%arg60 : memref<1600x32xf32, #tpu.memory_space<vmem>>) offsets(%dma_start3A_176 : memref<1600xi32, #tpu.memory_space<vmem>>) semaphore(%arg64 : memref<!tpu.dma_semaphore, #tpu.memory_space<semaphore_mem>>)
    %dma_wait3A_180 = arith.constant 1600 : i32
    %dma_wait3A_181 = tpu.memref_slice %arg59[%dma_wait3A_180] : memref<6400xi32, #tpu.memory_space<vmem>> -> memref<1600xi32, #tpu.memory_space<vmem>>
    %dma_wait3A_182 = arith.constant 0 : i32
    %dma_wait3A_183 = arith.constant 0 : i32
    %dma_wait3A_184 = tpu.memref_slice %arg55[%dma_wait3A_182, %dma_wait3A_183] : memref<100000x32xf32, #tpu.memory_space<hbm>> -> memref<100000x32xf32, #tpu.memory_space<hbm>>
    tpu.wait_indirect_dma semaphore(%arg64 : memref<!tpu.dma_semaphore, #tpu.memory_space<semaphore_mem>>) src(%dma_wait3A_184 : memref<100000x32xf32, #tpu.memory_space<hbm>>) dst(%arg60 : memref<1600x32xf32, #tpu.memory_space<vmem>>)
    %scan3A_185 = arith.constant 0 : i32
    %scan3A_186 = arith.constant 0 : i32
    %scan3A_187 = arith.constant 32 : i32
    %scan3A_188 = arith.addi %scan3A_186, %scan3A_187 : i32
    %scan3A_189 = arith.constant 1 : i32
    %scan3A_190 = scf.for %scan3A_240 = %scan3A_186 to %scan3A_188 step %scan3A_189 iter_args(%scan3A_241 = %scan3A_185) -> (i32)  : i32 {
      %mul3A_242 = arith.constant 50 : i32
      %mul3A_243 = arith.muli %scan3A_240, %mul3A_242 : i32
      %broadcast_in_dim3A = arith.constant 0.000000e+00 : f32
      %broadcast_in_dim3A_244 = vector.broadcast %broadcast_in_dim3A : f32 to vector<16xf32>
      %broadcast_in_dim3A_245 = arith.constant 0.000000e+00 : f32
      %broadcast_in_dim3A_246 = vector.broadcast %broadcast_in_dim3A_245 : f32 to vector<16xf32>
      %add3A_247 = arith.constant 0 : i32
      %add3A_248 = arith.addi %mul3A_243, %add3A_247 : i32
      %get3A_249 = arith.index_cast %add3A_248 : i32 to index
      %get3A_250 = arith.constant 0 : index
      %get3A_251 = tpu.vector_load %arg60[%get3A_249, %get3A_250] {strides = array<i32>} : memref<1600x32xf32, #tpu.memory_space<vmem>>, vector<16xf32>,
      %add3A_252 = arith.addf %broadcast_in_dim3A_244, %get3A_251 : vector<16xf32>
      %add3A_253 = arith.constant 0 : i32
      %add3A_254 = arith.addi %mul3A_243, %add3A_253 : i32
      %get3A_255 = arith.index_cast %add3A_254 : i32 to index
      %get3A_256 = arith.constant 16 : index
      %get3A_257 = tpu.vector_load %arg60[%get3A_255, %get3A_256] {strides = array<i32>} : memref<1600x32xf32, #tpu.memory_space<vmem>>, vector<16xf32>,
      %add3A_258 = arith.addf %broadcast_in_dim3A_246, %get3A_257 : vector<16xf32>
      %add3A_259 = arith.constant 1 : i32
      %add3A_260 = arith.addi %mul3A_243, %add3A_259 : i32
      %get3A_261 = arith.index_cast %add3A_260 : i32 to index
      %get3A_262 = arith.constant 0 : index
      %get3A_263 = tpu.vector_load %arg60[%get3A_261, %get3A_262] {strides = array<i32>} : memref<1600x32xf32, #tpu.memory_space<vmem>>, vector<16xf32>,
      %add3A_264 = arith.addf %add3A_252, %get3A_263 : vector<16xf32>
      %add3A_265 = arith.constant 1 : i32
      %add3A_266 = arith.addi %mul3A_243, %add3A_265 : i32
      %get3A_267 = arith.index_cast %add3A_266 : i32 to index
      %get3A_268 = arith.constant 16 : index
      %get3A_269 = tpu.vector_load %arg60[%get3A_267, %get3A_268] {strides = array<i32>} : memref<1600x32xf32, #tpu.memory_space<vmem>>, vector<16xf32>,
      %add3A_270 = arith.addf %add3A_258, %get3A_269 : vector<16xf32>
      %add3A_271 = arith.constant 2 : i32
      %add3A_272 = arith.addi %mul3A_243, %add3A_271 : i32
      %get3A_273 = arith.index_cast %add3A_272 : i32 to index
      %get3A_274 = arith.constant 0 : index
      %get3A_275 = tpu.vector_load %arg60[%get3A_273, %get3A_274] {strides = array<i32>} : memref<1600x32xf32, #tpu.memory_space<vmem>>, vector<16xf32>,
      %add3A_276 = arith.addf %add3A_264, %get3A_275 : vector<16xf32>
      %add3A_277 = arith.constant 2 : i32
      %add3A_278 = arith.addi %mul3A_243, %add3A_277 : i32
      %get3A_279 = arith.index_cast %add3A_278 : i32 to index
      %get3A_280 = arith.constant 16 : index
      %get3A_281 = tpu.vector_load %arg60[%get3A_279, %get3A_280] {strides = array<i32>} : memref<1600x32xf32, #tpu.memory_space<vmem>>, vector<16xf32>,
      %add3A_282 = arith.addf %add3A_270, %get3A_281 : vector<16xf32>
      %add3A_283 = arith.constant 3 : i32
      %add3A_284 = arith.addi %mul3A_243, %add3A_283 : i32
      %get3A_285 = arith.index_cast %add3A_284 : i32 to index
      %get3A_286 = arith.constant 0 : index
      %get3A_287 = tpu.vector_load %arg60[%get3A_285, %get3A_286] {strides = array<i32>} : memref<1600x32xf32, #tpu.memory_space<vmem>>, vector<16xf32>,
      %add3A_288 = arith.addf %add3A_276, %get3A_287 : vector<16xf32>
      %add3A_289 = arith.constant 3 : i32
      %add3A_290 = arith.addi %mul3A_243, %add3A_289 : i32
      %get3A_291 = arith.index_cast %add3A_290 : i32 to index
      %get3A_292 = arith.constant 16 : index
      %get3A_293 = tpu.vector_load %arg60[%get3A_291, %get3A_292] {strides = array<i32>} : memref<1600x32xf32, #tpu.memory_space<vmem>>, vector<16xf32>,
      %add3A_294 = arith.addf %add3A_282, %get3A_293 : vector<16xf32>
      %add3A_295 = arith.constant 4 : i32
      %add3A_296 = arith.addi %mul3A_243, %add3A_295 : i32
      %get3A_297 = arith.index_cast %add3A_296 : i32 to index
      %get3A_298 = arith.constant 0 : index
      %get3A_299 = tpu.vector_load %arg60[%get3A_297, %get3A_298] {strides = array<i32>} : memref<1600x32xf32, #tpu.memory_space<vmem>>, vector<16xf32>,
      %add3A_300 = arith.addf %add3A_288, %get3A_299 : vector<16xf32>
      %add3A_301 = arith.constant 4 : i32
      %add3A_302 = arith.addi %mul3A_243, %add3A_301 : i32
      %get3A_303 = arith.index_cast %add3A_302 : i32 to index
      %get3A_304 = arith.constant 16 : index
      %get3A_305 = tpu.vector_load %arg60[%get3A_303, %get3A_304] {strides = array<i32>} : memref<1600x32xf32, #tpu.memory_space<vmem>>, vector<16xf32>,
      %add3A_306 = arith.addf %add3A_294, %get3A_305 : vector<16xf32>
      %add3A_307 = arith.constant 5 : i32
      %add3A_308 = arith.addi %mul3A_243, %add3A_307 : i32
      %get3A_309 = arith.index_cast %add3A_308 : i32 to index
      %get3A_310 = arith.constant 0 : index
      %get3A_311 = tpu.vector_load %arg60[%get3A_309, %get3A_310] {strides = array<i32>} : memref<1600x32xf32, #tpu.memory_space<vmem>>, vector<16xf32>,
      %add3A_312 = arith.addf %add3A_300, %get3A_311 : vector<16xf32>
      %add3A_313 = arith.constant 5 : i32
      %add3A_314 = arith.addi %mul3A_243, %add3A_313 : i32
      %get3A_315 = arith.index_cast %add3A_314 : i32 to index
      %get3A_316 = arith.constant 16 : index
      %get3A_317 = tpu.vector_load %arg60[%get3A_315, %get3A_316] {strides = array<i32>} : memref<1600x32xf32, #tpu.memory_space<vmem>>, vector<16xf32>,
      %add3A_318 = arith.addf %add3A_306, %get3A_317 : vector<16xf32>
      %add3A_319 = arith.constant 6 : i32
      %add3A_320 = arith.addi %mul3A_243, %add3A_319 : i32
      %get3A_321 = arith.index_cast %add3A_320 : i32 to index
      %get3A_322 = arith.constant 0 : index
      %get3A_323 = tpu.vector_load %arg60[%get3A_321, %get3A_322] {strides = array<i32>} : memref<1600x32xf32, #tpu.memory_space<vmem>>, vector<16xf32>,
      %add3A_324 = arith.addf %add3A_312, %get3A_323 : vector<16xf32>
      %add3A_325 = arith.constant 6 : i32
      %add3A_326 = arith.addi %mul3A_243, %add3A_325 : i32
      %get3A_327 = arith.index_cast %add3A_326 : i32 to index
      %get3A_328 = arith.constant 16 : index
      %get3A_329 = tpu.vector_load %arg60[%get3A_327, %get3A_328] {strides = array<i32>} : memref<1600x32xf32, #tpu.memory_space<vmem>>, vector<16xf32>,
      %add3A_330 = arith.addf %add3A_318, %get3A_329 : vector<16xf32>
      %add3A_331 = arith.constant 7 : i32
      %add3A_332 = arith.addi %mul3A_243, %add3A_331 : i32
      %get3A_333 = arith.index_cast %add3A_332 : i32 to index
      %get3A_334 = arith.constant 0 : index
      %get3A_335 = tpu.vector_load %arg60[%get3A_333, %get3A_334] {strides = array<i32>} : memref<1600x32xf32, #tpu.memory_space<vmem>>, vector<16xf32>,
      %add3A_336 = arith.addf %add3A_324, %get3A_335 : vector<16xf32>
      %add3A_337 = arith.constant 7 : i32
      %add3A_338 = arith.addi %mul3A_243, %add3A_337 : i32
      %get3A_339 = arith.index_cast %add3A_338 : i32 to index
      %get3A_340 = arith.constant 16 : index
      %get3A_341 = tpu.vector_load %arg60[%get3A_339, %get3A_340] {strides = array<i32>} : memref<1600x32xf32, #tpu.memory_space<vmem>>, vector<16xf32>,
      %add3A_342 = arith.addf %add3A_330, %get3A_341 : vector<16xf32>
      %add3A_343 = arith.constant 8 : i32
      %add3A_344 = arith.addi %mul3A_243, %add3A_343 : i32
      %get3A_345 = arith.index_cast %add3A_344 : i32 to index
      %get3A_346 = arith.constant 0 : index
      %get3A_347 = tpu.vector_load %arg60[%get3A_345, %get3A_346] {strides = array<i32>} : memref<1600x32xf32, #tpu.memory_space<vmem>>, vector<16xf32>,
      %add3A_348 = arith.addf %add3A_336, %get3A_347 : vector<16xf32>
      %add3A_349 = arith.constant 8 : i32
      %add3A_350 = arith.addi %mul3A_243, %add3A_349 : i32
      %get3A_351 = arith.index_cast %add3A_350 : i32 to index
      %get3A_352 = arith.constant 16 : index
      %get3A_353 = tpu.vector_load %arg60[%get3A_351, %get3A_352] {strides = array<i32>} : memref<1600x32xf32, #tpu.memory_space<vmem>>, vector<16xf32>,
      %add3A_354 = arith.addf %add3A_342, %get3A_353 : vector<16xf32>
      %add3A_355 = arith.constant 9 : i32
      %add3A_356 = arith.addi %mul3A_243, %add3A_355 : i32
      %get3A_357 = arith.index_cast %add3A_356 : i32 to index
      %get3A_358 = arith.constant 0 : index
      %get3A_359 = tpu.vector_load %arg60[%get3A_357, %get3A_358] {strides = array<i32>} : memref<1600x32xf32, #tpu.memory_space<vmem>>, vector<16xf32>,
      %add3A_360 = arith.addf %add3A_348, %get3A_359 : vector<16xf32>
      %add3A_361 = arith.constant 9 : i32
      %add3A_362 = arith.addi %mul3A_243, %add3A_361 : i32
      %get3A_363 = arith.index_cast %add3A_362 : i32 to index
      %get3A_364 = arith.constant 16 : index
      %get3A_365 = tpu.vector_load %arg60[%get3A_363, %get3A_364] {strides = array<i32>} : memref<1600x32xf32, #tpu.memory_space<vmem>>, vector<16xf32>,
      %add3A_366 = arith.addf %add3A_354, %get3A_365 : vector<16xf32>
      %add3A_367 = arith.constant 10 : i32
      %add3A_368 = arith.addi %mul3A_243, %add3A_367 : i32
      %get3A_369 = arith.index_cast %add3A_368 : i32 to index
      %get3A_370 = arith.constant 0 : index
      %get3A_371 = tpu.vector_load %arg60[%get3A_369, %get3A_370] {strides = array<i32>} : memref<1600x32xf32, #tpu.memory_space<vmem>>, vector<16xf32>,
      %add3A_372 = arith.addf %add3A_360, %get3A_371 : vector<16xf32>
      %add3A_373 = arith.constant 10 : i32
      %add3A_374 = arith.addi %mul3A_243, %add3A_373 : i32
      %get3A_375 = arith.index_cast %add3A_374 : i32 to index
      %get3A_376 = arith.constant 16 : index
      %get3A_377 = tpu.vector_load %arg60[%get3A_375, %get3A_376] {strides = array<i32>} : memref<1600x32xf32, #tpu.memory_space<vmem>>, vector<16xf32>,
      %add3A_378 = arith.addf %add3A_366, %get3A_377 : vector<16xf32>
      %add3A_379 = arith.constant 11 : i32
      %add3A_380 = arith.addi %mul3A_243, %add3A_379 : i32
      %get3A_381 = arith.index_cast %add3A_380 : i32 to index
      %get3A_382 = arith.constant 0 : index
      %get3A_383 = tpu.vector_load %arg60[%get3A_381, %get3A_382] {strides = array<i32>} : memref<1600x32xf32, #tpu.memory_space<vmem>>, vector<16xf32>,
      %add3A_384 = arith.addf %add3A_372, %get3A_383 : vector<16xf32>
      %add3A_385 = arith.constant 11 : i32
      %add3A_386 = arith.addi %mul3A_243, %add3A_385 : i32
      %get3A_387 = arith.index_cast %add3A_386 : i32 to index
      %get3A_388 = arith.constant 16 : index
      %get3A_389 = tpu.vector_load %arg60[%get3A_387, %get3A_388] {strides = array<i32>} : memref<1600x32xf32, #tpu.memory_space<vmem>>, vector<16xf32>,
      %add3A_390 = arith.addf %add3A_378, %get3A_389 : vector<16xf32>
      %add3A_391 = arith.constant 12 : i32
      %add3A_392 = arith.addi %mul3A_243, %add3A_391 : i32
      %get3A_393 = arith.index_cast %add3A_392 : i32 to index
      %get3A_394 = arith.constant 0 : index
      %get3A_395 = tpu.vector_load %arg60[%get3A_393, %get3A_394] {strides = array<i32>} : memref<1600x32xf32, #tpu.memory_space<vmem>>, vector<16xf32>,
      %add3A_396 = arith.addf %add3A_384, %get3A_395 : vector<16xf32>
      %add3A_397 = arith.constant 12 : i32
      %add3A_398 = arith.addi %mul3A_243, %add3A_397 : i32
      %get3A_399 = arith.index_cast %add3A_398 : i32 to index
      %get3A_400 = arith.constant 16 : index
      %get3A_401 = tpu.vector_load %arg60[%get3A_399, %get3A_400] {strides = array<i32>} : memref<1600x32xf32, #tpu.memory_space<vmem>>, vector<16xf32>,
      %add3A_402 = arith.addf %add3A_390, %get3A_401 : vector<16xf32>
      %add3A_403 = arith.constant 13 : i32
      %add3A_404 = arith.addi %mul3A_243, %add3A_403 : i32
      %get3A_405 = arith.index_cast %add3A_404 : i32 to index
      %get3A_406 = arith.constant 0 : index
      %get3A_407 = tpu.vector_load %arg60[%get3A_405, %get3A_406] {strides = array<i32>} : memref<1600x32xf32, #tpu.memory_space<vmem>>, vector<16xf32>,
      %add3A_408 = arith.addf %add3A_396, %get3A_407 : vector<16xf32>
      %add3A_409 = arith.constant 13 : i32
      %add3A_410 = arith.addi %mul3A_243, %add3A_409 : i32
      %get3A_411 = arith.index_cast %add3A_410 : i32 to index
      %get3A_412 = arith.constant 16 : index
      %get3A_413 = tpu.vector_load %arg60[%get3A_411, %get3A_412] {strides = array<i32>} : memref<1600x32xf32, #tpu.memory_space<vmem>>, vector<16xf32>,
      %add3A_414 = arith.addf %add3A_402, %get3A_413 : vector<16xf32>
      %add3A_415 = arith.constant 14 : i32
      %add3A_416 = arith.addi %mul3A_243, %add3A_415 : i32
      %get3A_417 = arith.index_cast %add3A_416 : i32 to index
      %get3A_418 = arith.constant 0 : index
      %get3A_419 = tpu.vector_load %arg60[%get3A_417, %get3A_418] {strides = array<i32>} : memref<1600x32xf32, #tpu.memory_space<vmem>>, vector<16xf32>,
      %add3A_420 = arith.addf %add3A_408, %get3A_419 : vector<16xf32>
      %add3A_421 = arith.constant 14 : i32
      %add3A_422 = arith.addi %mul3A_243, %add3A_421 : i32
      %get3A_423 = arith.index_cast %add3A_422 : i32 to index
      %get3A_424 = arith.constant 16 : index
      %get3A_425 = tpu.vector_load %arg60[%get3A_423, %get3A_424] {strides = array<i32>} : memref<1600x32xf32, #tpu.memory_space<vmem>>, vector<16xf32>,
      %add3A_426 = arith.addf %add3A_414, %get3A_425 : vector<16xf32>
      %add3A_427 = arith.constant 15 : i32
      %add3A_428 = arith.addi %mul3A_243, %add3A_427 : i32
      %get3A_429 = arith.index_cast %add3A_428 : i32 to index
      %get3A_430 = arith.constant 0 : index
      %get3A_431 = tpu.vector_load %arg60[%get3A_429, %get3A_430] {strides = array<i32>} : memref<1600x32xf32, #tpu.memory_space<vmem>>, vector<16xf32>,
      %add3A_432 = arith.addf %add3A_420, %get3A_431 : vector<16xf32>
      %add3A_433 = arith.constant 15 : i32
      %add3A_434 = arith.addi %mul3A_243, %add3A_433 : i32
      %get3A_435 = arith.index_cast %add3A_434 : i32 to index
      %get3A_436 = arith.constant 16 : index
      %get3A_437 = tpu.vector_load %arg60[%get3A_435, %get3A_436] {strides = array<i32>} : memref<1600x32xf32, #tpu.memory_space<vmem>>, vector<16xf32>,
      %add3A_438 = arith.addf %add3A_426, %get3A_437 : vector<16xf32>
      %add3A_439 = arith.constant 16 : i32
      %add3A_440 = arith.addi %mul3A_243, %add3A_439 : i32
      %get3A_441 = arith.index_cast %add3A_440 : i32 to index
      %get3A_442 = arith.constant 0 : index
      %get3A_443 = tpu.vector_load %arg60[%get3A_441, %get3A_442] {strides = array<i32>} : memref<1600x32xf32, #tpu.memory_space<vmem>>, vector<16xf32>,
      %add3A_444 = arith.addf %add3A_432, %get3A_443 : vector<16xf32>
      %add3A_445 = arith.constant 16 : i32
      %add3A_446 = arith.addi %mul3A_243, %add3A_445 : i32
      %get3A_447 = arith.index_cast %add3A_446 : i32 to index
      %get3A_448 = arith.constant 16 : index
      %get3A_449 = tpu.vector_load %arg60[%get3A_447, %get3A_448] {strides = array<i32>} : memref<1600x32xf32, #tpu.memory_space<vmem>>, vector<16xf32>,
      %add3A_450 = arith.addf %add3A_438, %get3A_449 : vector<16xf32>
      %add3A_451 = arith.constant 17 : i32
      %add3A_452 = arith.addi %mul3A_243, %add3A_451 : i32
      %get3A_453 = arith.index_cast %add3A_452 : i32 to index
      %get3A_454 = arith.constant 0 : index
      %get3A_455 = tpu.vector_load %arg60[%get3A_453, %get3A_454] {strides = array<i32>} : memref<1600x32xf32, #tpu.memory_space<vmem>>, vector<16xf32>,
      %add3A_456 = arith.addf %add3A_444, %get3A_455 : vector<16xf32>
      %add3A_457 = arith.constant 17 : i32
      %add3A_458 = arith.addi %mul3A_243, %add3A_457 : i32
      %get3A_459 = arith.index_cast %add3A_458 : i32 to index
      %get3A_460 = arith.constant 16 : index
      %get3A_461 = tpu.vector_load %arg60[%get3A_459, %get3A_460] {strides = array<i32>} : memref<1600x32xf32, #tpu.memory_space<vmem>>, vector<16xf32>,
      %add3A_462 = arith.addf %add3A_450, %get3A_461 : vector<16xf32>
      %add3A_463 = arith.constant 18 : i32
      %add3A_464 = arith.addi %mul3A_243, %add3A_463 : i32
      %get3A_465 = arith.index_cast %add3A_464 : i32 to index
      %get3A_466 = arith.constant 0 : index
      %get3A_467 = tpu.vector_load %arg60[%get3A_465, %get3A_466] {strides = array<i32>} : memref<1600x32xf32, #tpu.memory_space<vmem>>, vector<16xf32>,
      %add3A_468 = arith.addf %add3A_456, %get3A_467 : vector<16xf32>
      %add3A_469 = arith.constant 18 : i32
      %add3A_470 = arith.addi %mul3A_243, %add3A_469 : i32
      %get3A_471 = arith.index_cast %add3A_470 : i32 to index
      %get3A_472 = arith.constant 16 : index
      %get3A_473 = tpu.vector_load %arg60[%get3A_471, %get3A_472] {strides = array<i32>} : memref<1600x32xf32, #tpu.memory_space<vmem>>, vector<16xf32>,
      %add3A_474 = arith.addf %add3A_462, %get3A_473 : vector<16xf32>
      %add3A_475 = arith.constant 19 : i32
      %add3A_476 = arith.addi %mul3A_243, %add3A_475 : i32
      %get3A_477 = arith.index_cast %add3A_476 : i32 to index
      %get3A_478 = arith.constant 0 : index
      %get3A_479 = tpu.vector_load %arg60[%get3A_477, %get3A_478] {strides = array<i32>} : memref<1600x32xf32, #tpu.memory_space<vmem>>, vector<16xf32>,
      %add3A_480 = arith.addf %add3A_468, %get3A_479 : vector<16xf32>
      %add3A_481 = arith.constant 19 : i32
      %add3A_482 = arith.addi %mul3A_243, %add3A_481 : i32
      %get3A_483 = arith.index_cast %add3A_482 : i32 to index
      %get3A_484 = arith.constant 16 : index
      %get3A_485 = tpu.vector_load %arg60[%get3A_483, %get3A_484] {strides = array<i32>} : memref<1600x32xf32, #tpu.memory_space<vmem>>, vector<16xf32>,
      %add3A_486 = arith.addf %add3A_474, %get3A_485 : vector<16xf32>
      %add3A_487 = arith.constant 20 : i32
      %add3A_488 = arith.addi %mul3A_243, %add3A_487 : i32
      %get3A_489 = arith.index_cast %add3A_488 : i32 to index
      %get3A_490 = arith.constant 0 : index
      %get3A_491 = tpu.vector_load %arg60[%get3A_489, %get3A_490] {strides = array<i32>} : memref<1600x32xf32, #tpu.memory_space<vmem>>, vector<16xf32>,
      %add3A_492 = arith.addf %add3A_480, %get3A_491 : vector<16xf32>
      %add3A_493 = arith.constant 20 : i32
      %add3A_494 = arith.addi %mul3A_243, %add3A_493 : i32
      %get3A_495 = arith.index_cast %add3A_494 : i32 to index
      %get3A_496 = arith.constant 16 : index
      %get3A_497 = tpu.vector_load %arg60[%get3A_495, %get3A_496] {strides = array<i32>} : memref<1600x32xf32, #tpu.memory_space<vmem>>, vector<16xf32>,
      %add3A_498 = arith.addf %add3A_486, %get3A_497 : vector<16xf32>
      %add3A_499 = arith.constant 21 : i32
      %add3A_500 = arith.addi %mul3A_243, %add3A_499 : i32
      %get3A_501 = arith.index_cast %add3A_500 : i32 to index
      %get3A_502 = arith.constant 0 : index
      %get3A_503 = tpu.vector_load %arg60[%get3A_501, %get3A_502] {strides = array<i32>} : memref<1600x32xf32, #tpu.memory_space<vmem>>, vector<16xf32>,
      %add3A_504 = arith.addf %add3A_492, %get3A_503 : vector<16xf32>
      %add3A_505 = arith.constant 21 : i32
      %add3A_506 = arith.addi %mul3A_243, %add3A_505 : i32
      %get3A_507 = arith.index_cast %add3A_506 : i32 to index
      %get3A_508 = arith.constant 16 : index
      %get3A_509 = tpu.vector_load %arg60[%get3A_507, %get3A_508] {strides = array<i32>} : memref<1600x32xf32, #tpu.memory_space<vmem>>, vector<16xf32>,
      %add3A_510 = arith.addf %add3A_498, %get3A_509 : vector<16xf32>
      %add3A_511 = arith.constant 22 : i32
      %add3A_512 = arith.addi %mul3A_243, %add3A_511 : i32
      %get3A_513 = arith.index_cast %add3A_512 : i32 to index
      %get3A_514 = arith.constant 0 : index
      %get3A_515 = tpu.vector_load %arg60[%get3A_513, %get3A_514] {strides = array<i32>} : memref<1600x32xf32, #tpu.memory_space<vmem>>, vector<16xf32>,
      %add3A_516 = arith.addf %add3A_504, %get3A_515 : vector<16xf32>
      %add3A_517 = arith.constant 22 : i32
      %add3A_518 = arith.addi %mul3A_243, %add3A_517 : i32
      %get3A_519 = arith.index_cast %add3A_518 : i32 to index
      %get3A_520 = arith.constant 16 : index
      %get3A_521 = tpu.vector_load %arg60[%get3A_519, %get3A_520] {strides = array<i32>} : memref<1600x32xf32, #tpu.memory_space<vmem>>, vector<16xf32>,
      %add3A_522 = arith.addf %add3A_510, %get3A_521 : vector<16xf32>
      %add3A_523 = arith.constant 23 : i32
      %add3A_524 = arith.addi %mul3A_243, %add3A_523 : i32
      %get3A_525 = arith.index_cast %add3A_524 : i32 to index
      %get3A_526 = arith.constant 0 : index
      %get3A_527 = tpu.vector_load %arg60[%get3A_525, %get3A_526] {strides = array<i32>} : memref<1600x32xf32, #tpu.memory_space<vmem>>, vector<16xf32>,
      %add3A_528 = arith.addf %add3A_516, %get3A_527 : vector<16xf32>
      %add3A_529 = arith.constant 23 : i32
      %add3A_530 = arith.addi %mul3A_243, %add3A_529 : i32
      %get3A_531 = arith.index_cast %add3A_530 : i32 to index
      %get3A_532 = arith.constant 16 : index
      %get3A_533 = tpu.vector_load %arg60[%get3A_531, %get3A_532] {strides = array<i32>} : memref<1600x32xf32, #tpu.memory_space<vmem>>, vector<16xf32>,
      %add3A_534 = arith.addf %add3A_522, %get3A_533 : vector<16xf32>
      %add3A_535 = arith.constant 24 : i32
      %add3A_536 = arith.addi %mul3A_243, %add3A_535 : i32
      %get3A_537 = arith.index_cast %add3A_536 : i32 to index
      %get3A_538 = arith.constant 0 : index
      %get3A_539 = tpu.vector_load %arg60[%get3A_537, %get3A_538] {strides = array<i32>} : memref<1600x32xf32, #tpu.memory_space<vmem>>, vector<16xf32>,
      %add3A_540 = arith.addf %add3A_528, %get3A_539 : vector<16xf32>
      %add3A_541 = arith.constant 24 : i32
      %add3A_542 = arith.addi %mul3A_243, %add3A_541 : i32
      %get3A_543 = arith.index_cast %add3A_542 : i32 to index
      %get3A_544 = arith.constant 16 : index
      %get3A_545 = tpu.vector_load %arg60[%get3A_543, %get3A_544] {strides = array<i32>} : memref<1600x32xf32, #tpu.memory_space<vmem>>, vector<16xf32>,
      %add3A_546 = arith.addf %add3A_534, %get3A_545 : vector<16xf32>
      %add3A_547 = arith.constant 25 : i32
      %add3A_548 = arith.addi %mul3A_243, %add3A_547 : i32
      %get3A_549 = arith.index_cast %add3A_548 : i32 to index
      %get3A_550 = arith.constant 0 : index
      %get3A_551 = tpu.vector_load %arg60[%get3A_549, %get3A_550] {strides = array<i32>} : memref<1600x32xf32, #tpu.memory_space<vmem>>, vector<16xf32>,
      %add3A_552 = arith.addf %add3A_540, %get3A_551 : vector<16xf32>
      %add3A_553 = arith.constant 25 : i32
      %add3A_554 = arith.addi %mul3A_243, %add3A_553 : i32
      %get3A_555 = arith.index_cast %add3A_554 : i32 to index
      %get3A_556 = arith.constant 16 : index
      %get3A_557 = tpu.vector_load %arg60[%get3A_555, %get3A_556] {strides = array<i32>} : memref<1600x32xf32, #tpu.memory_space<vmem>>, vector<16xf32>,
      %add3A_558 = arith.addf %add3A_546, %get3A_557 : vector<16xf32>
      %add3A_559 = arith.constant 26 : i32
      %add3A_560 = arith.addi %mul3A_243, %add3A_559 : i32
      %get3A_561 = arith.index_cast %add3A_560 : i32 to index
      %get3A_562 = arith.constant 0 : index
      %get3A_563 = tpu.vector_load %arg60[%get3A_561, %get3A_562] {strides = array<i32>} : memref<1600x32xf32, #tpu.memory_space<vmem>>, vector<16xf32>,
      %add3A_564 = arith.addf %add3A_552, %get3A_563 : vector<16xf32>
      %add3A_565 = arith.constant 26 : i32
      %add3A_566 = arith.addi %mul3A_243, %add3A_565 : i32
      %get3A_567 = arith.index_cast %add3A_566 : i32 to index
      %get3A_568 = arith.constant 16 : index
      %get3A_569 = tpu.vector_load %arg60[%get3A_567, %get3A_568] {strides = array<i32>} : memref<1600x32xf32, #tpu.memory_space<vmem>>, vector<16xf32>,
      %add3A_570 = arith.addf %add3A_558, %get3A_569 : vector<16xf32>
      %add3A_571 = arith.constant 27 : i32
      %add3A_572 = arith.addi %mul3A_243, %add3A_571 : i32
      %get3A_573 = arith.index_cast %add3A_572 : i32 to index
      %get3A_574 = arith.constant 0 : index
      %get3A_575 = tpu.vector_load %arg60[%get3A_573, %get3A_574] {strides = array<i32>} : memref<1600x32xf32, #tpu.memory_space<vmem>>, vector<16xf32>,
      %add3A_576 = arith.addf %add3A_564, %get3A_575 : vector<16xf32>
      %add3A_577 = arith.constant 27 : i32
      %add3A_578 = arith.addi %mul3A_243, %add3A_577 : i32
      %get3A_579 = arith.index_cast %add3A_578 : i32 to index
      %get3A_580 = arith.constant 16 : index
      %get3A_581 = tpu.vector_load %arg60[%get3A_579, %get3A_580] {strides = array<i32>} : memref<1600x32xf32, #tpu.memory_space<vmem>>, vector<16xf32>,
      %add3A_582 = arith.addf %add3A_570, %get3A_581 : vector<16xf32>
      %add3A_583 = arith.constant 28 : i32
      %add3A_584 = arith.addi %mul3A_243, %add3A_583 : i32
      %get3A_585 = arith.index_cast %add3A_584 : i32 to index
      %get3A_586 = arith.constant 0 : index
      %get3A_587 = tpu.vector_load %arg60[%get3A_585, %get3A_586] {strides = array<i32>} : memref<1600x32xf32, #tpu.memory_space<vmem>>, vector<16xf32>,
      %add3A_588 = arith.addf %add3A_576, %get3A_587 : vector<16xf32>
      %add3A_589 = arith.constant 28 : i32
      %add3A_590 = arith.addi %mul3A_243, %add3A_589 : i32
      %get3A_591 = arith.index_cast %add3A_590 : i32 to index
      %get3A_592 = arith.constant 16 : index
      %get3A_593 = tpu.vector_load %arg60[%get3A_591, %get3A_592] {strides = array<i32>} : memref<1600x32xf32, #tpu.memory_space<vmem>>, vector<16xf32>,
      %add3A_594 = arith.addf %add3A_582, %get3A_593 : vector<16xf32>
      %add3A_595 = arith.constant 29 : i32
      %add3A_596 = arith.addi %mul3A_243, %add3A_595 : i32
      %get3A_597 = arith.index_cast %add3A_596 : i32 to index
      %get3A_598 = arith.constant 0 : index
      %get3A_599 = tpu.vector_load %arg60[%get3A_597, %get3A_598] {strides = array<i32>} : memref<1600x32xf32, #tpu.memory_space<vmem>>, vector<16xf32>,
      %add3A_600 = arith.addf %add3A_588, %get3A_599 : vector<16xf32>
      %add3A_601 = arith.constant 29 : i32
      %add3A_602 = arith.addi %mul3A_243, %add3A_601 : i32
      %get3A_603 = arith.index_cast %add3A_602 : i32 to index
      %get3A_604 = arith.constant 16 : index
      %get3A_605 = tpu.vector_load %arg60[%get3A_603, %get3A_604] {strides = array<i32>} : memref<1600x32xf32, #tpu.memory_space<vmem>>, vector<16xf32>,
      %add3A_606 = arith.addf %add3A_594, %get3A_605 : vector<16xf32>
      %add3A_607 = arith.constant 30 : i32
      %add3A_608 = arith.addi %mul3A_243, %add3A_607 : i32
      %get3A_609 = arith.index_cast %add3A_608 : i32 to index
      %get3A_610 = arith.constant 0 : index
      %get3A_611 = tpu.vector_load %arg60[%get3A_609, %get3A_610] {strides = array<i32>} : memref<1600x32xf32, #tpu.memory_space<vmem>>, vector<16xf32>,
      %add3A_612 = arith.addf %add3A_600, %get3A_611 : vector<16xf32>
      %add3A_613 = arith.constant 30 : i32
      %add3A_614 = arith.addi %mul3A_243, %add3A_613 : i32
      %get3A_615 = arith.index_cast %add3A_614 : i32 to index
      %get3A_616 = arith.constant 16 : index
      %get3A_617 = tpu.vector_load %arg60[%get3A_615, %get3A_616] {strides = array<i32>} : memref<1600x32xf32, #tpu.memory_space<vmem>>, vector<16xf32>,
      %add3A_618 = arith.addf %add3A_606, %get3A_617 : vector<16xf32>
      %add3A_619 = arith.constant 31 : i32
      %add3A_620 = arith.addi %mul3A_243, %add3A_619 : i32
      %get3A_621 = arith.index_cast %add3A_620 : i32 to index
      %get3A_622 = arith.constant 0 : index
      %get3A_623 = tpu.vector_load %arg60[%get3A_621, %get3A_622] {strides = array<i32>} : memref<1600x32xf32, #tpu.memory_space<vmem>>, vector<16xf32>,
      %add3A_624 = arith.addf %add3A_612, %get3A_623 : vector<16xf32>
      %add3A_625 = arith.constant 31 : i32
      %add3A_626 = arith.addi %mul3A_243, %add3A_625 : i32
      %get3A_627 = arith.index_cast %add3A_626 : i32 to index
      %get3A_628 = arith.constant 16 : index
      %get3A_629 = tpu.vector_load %arg60[%get3A_627, %get3A_628] {strides = array<i32>} : memref<1600x32xf32, #tpu.memory_space<vmem>>, vector<16xf32>,
      %add3A_630 = arith.addf %add3A_618, %get3A_629 : vector<16xf32>
      %add3A_631 = arith.constant 32 : i32
      %add3A_632 = arith.addi %mul3A_243, %add3A_631 : i32
      %get3A_633 = arith.index_cast %add3A_632 : i32 to index
      %get3A_634 = arith.constant 0 : index
      %get3A_635 = tpu.vector_load %arg60[%get3A_633, %get3A_634] {strides = array<i32>} : memref<1600x32xf32, #tpu.memory_space<vmem>>, vector<16xf32>,
      %add3A_636 = arith.addf %add3A_624, %get3A_635 : vector<16xf32>
      %add3A_637 = arith.constant 32 : i32
      %add3A_638 = arith.addi %mul3A_243, %add3A_637 : i32
      %get3A_639 = arith.index_cast %add3A_638 : i32 to index
      %get3A_640 = arith.constant 16 : index
      %get3A_641 = tpu.vector_load %arg60[%get3A_639, %get3A_640] {strides = array<i32>} : memref<1600x32xf32, #tpu.memory_space<vmem>>, vector<16xf32>,
      %add3A_642 = arith.addf %add3A_630, %get3A_641 : vector<16xf32>
      %add3A_643 = arith.constant 33 : i32
      %add3A_644 = arith.addi %mul3A_243, %add3A_643 : i32
      %get3A_645 = arith.index_cast %add3A_644 : i32 to index
      %get3A_646 = arith.constant 0 : index
      %get3A_647 = tpu.vector_load %arg60[%get3A_645, %get3A_646] {strides = array<i32>} : memref<1600x32xf32, #tpu.memory_space<vmem>>, vector<16xf32>,
      %add3A_648 = arith.addf %add3A_636, %get3A_647 : vector<16xf32>
      %add3A_649 = arith.constant 33 : i32
      %add3A_650 = arith.addi %mul3A_243, %add3A_649 : i32
      %get3A_651 = arith.index_cast %add3A_650 : i32 to index
      %get3A_652 = arith.constant 16 : index
      %get3A_653 = tpu.vector_load %arg60[%get3A_651, %get3A_652] {strides = array<i32>} : memref<1600x32xf32, #tpu.memory_space<vmem>>, vector<16xf32>,
      %add3A_654 = arith.addf %add3A_642, %get3A_653 : vector<16xf32>
      %add3A_655 = arith.constant 34 : i32
      %add3A_656 = arith.addi %mul3A_243, %add3A_655 : i32
      %get3A_657 = arith.index_cast %add3A_656 : i32 to index
      %get3A_658 = arith.constant 0 : index
      %get3A_659 = tpu.vector_load %arg60[%get3A_657, %get3A_658] {strides = array<i32>} : memref<1600x32xf32, #tpu.memory_space<vmem>>, vector<16xf32>,
      %add3A_660 = arith.addf %add3A_648, %get3A_659 : vector<16xf32>
      %add3A_661 = arith.constant 34 : i32
      %add3A_662 = arith.addi %mul3A_243, %add3A_661 : i32
      %get3A_663 = arith.index_cast %add3A_662 : i32 to index
      %get3A_664 = arith.constant 16 : index
      %get3A_665 = tpu.vector_load %arg60[%get3A_663, %get3A_664] {strides = array<i32>} : memref<1600x32xf32, #tpu.memory_space<vmem>>, vector<16xf32>,
      %add3A_666 = arith.addf %add3A_654, %get3A_665 : vector<16xf32>
      %add3A_667 = arith.constant 35 : i32
      %add3A_668 = arith.addi %mul3A_243, %add3A_667 : i32
      %get3A_669 = arith.index_cast %add3A_668 : i32 to index
      %get3A_670 = arith.constant 0 : index
      %get3A_671 = tpu.vector_load %arg60[%get3A_669, %get3A_670] {strides = array<i32>} : memref<1600x32xf32, #tpu.memory_space<vmem>>, vector<16xf32>,
      %add3A_672 = arith.addf %add3A_660, %get3A_671 : vector<16xf32>
      %add3A_673 = arith.constant 35 : i32
      %add3A_674 = arith.addi %mul3A_243, %add3A_673 : i32
      %get3A_675 = arith.index_cast %add3A_674 : i32 to index
      %get3A_676 = arith.constant 16 : index
      %get3A_677 = tpu.vector_load %arg60[%get3A_675, %get3A_676] {strides = array<i32>} : memref<1600x32xf32, #tpu.memory_space<vmem>>, vector<16xf32>,
      %add3A_678 = arith.addf %add3A_666, %get3A_677 : vector<16xf32>
      %add3A_679 = arith.constant 36 : i32
      %add3A_680 = arith.addi %mul3A_243, %add3A_679 : i32
      %get3A_681 = arith.index_cast %add3A_680 : i32 to index
      %get3A_682 = arith.constant 0 : index
      %get3A_683 = tpu.vector_load %arg60[%get3A_681, %get3A_682] {strides = array<i32>} : memref<1600x32xf32, #tpu.memory_space<vmem>>, vector<16xf32>,
      %add3A_684 = arith.addf %add3A_672, %get3A_683 : vector<16xf32>
      %add3A_685 = arith.constant 36 : i32
      %add3A_686 = arith.addi %mul3A_243, %add3A_685 : i32
      %get3A_687 = arith.index_cast %add3A_686 : i32 to index
      %get3A_688 = arith.constant 16 : index
      %get3A_689 = tpu.vector_load %arg60[%get3A_687, %get3A_688] {strides = array<i32>} : memref<1600x32xf32, #tpu.memory_space<vmem>>, vector<16xf32>,
      %add3A_690 = arith.addf %add3A_678, %get3A_689 : vector<16xf32>
      %add3A_691 = arith.constant 37 : i32
      %add3A_692 = arith.addi %mul3A_243, %add3A_691 : i32
      %get3A_693 = arith.index_cast %add3A_692 : i32 to index
      %get3A_694 = arith.constant 0 : index
      %get3A_695 = tpu.vector_load %arg60[%get3A_693, %get3A_694] {strides = array<i32>} : memref<1600x32xf32, #tpu.memory_space<vmem>>, vector<16xf32>,
      %add3A_696 = arith.addf %add3A_684, %get3A_695 : vector<16xf32>
      %add3A_697 = arith.constant 37 : i32
      %add3A_698 = arith.addi %mul3A_243, %add3A_697 : i32
      %get3A_699 = arith.index_cast %add3A_698 : i32 to index
      %get3A_700 = arith.constant 16 : index
      %get3A_701 = tpu.vector_load %arg60[%get3A_699, %get3A_700] {strides = array<i32>} : memref<1600x32xf32, #tpu.memory_space<vmem>>, vector<16xf32>,
      %add3A_702 = arith.addf %add3A_690, %get3A_701 : vector<16xf32>
      %add3A_703 = arith.constant 38 : i32
      %add3A_704 = arith.addi %mul3A_243, %add3A_703 : i32
      %get3A_705 = arith.index_cast %add3A_704 : i32 to index
      %get3A_706 = arith.constant 0 : index
      %get3A_707 = tpu.vector_load %arg60[%get3A_705, %get3A_706] {strides = array<i32>} : memref<1600x32xf32, #tpu.memory_space<vmem>>, vector<16xf32>,
      %add3A_708 = arith.addf %add3A_696, %get3A_707 : vector<16xf32>
      %add3A_709 = arith.constant 38 : i32
      %add3A_710 = arith.addi %mul3A_243, %add3A_709 : i32
      %get3A_711 = arith.index_cast %add3A_710 : i32 to index
      %get3A_712 = arith.constant 16 : index
      %get3A_713 = tpu.vector_load %arg60[%get3A_711, %get3A_712] {strides = array<i32>} : memref<1600x32xf32, #tpu.memory_space<vmem>>, vector<16xf32>,
      %add3A_714 = arith.addf %add3A_702, %get3A_713 : vector<16xf32>
      %add3A_715 = arith.constant 39 : i32
      %add3A_716 = arith.addi %mul3A_243, %add3A_715 : i32
      %get3A_717 = arith.index_cast %add3A_716 : i32 to index
      %get3A_718 = arith.constant 0 : index
      %get3A_719 = tpu.vector_load %arg60[%get3A_717, %get3A_718] {strides = array<i32>} : memref<1600x32xf32, #tpu.memory_space<vmem>>, vector<16xf32>,
      %add3A_720 = arith.addf %add3A_708, %get3A_719 : vector<16xf32>
      %add3A_721 = arith.constant 39 : i32
      %add3A_722 = arith.addi %mul3A_243, %add3A_721 : i32
      %get3A_723 = arith.index_cast %add3A_722 : i32 to index
      %get3A_724 = arith.constant 16 : index
      %get3A_725 = tpu.vector_load %arg60[%get3A_723, %get3A_724] {strides = array<i32>} : memref<1600x32xf32, #tpu.memory_space<vmem>>, vector<16xf32>,
      %add3A_726 = arith.addf %add3A_714, %get3A_725 : vector<16xf32>
      %add3A_727 = arith.constant 40 : i32
      %add3A_728 = arith.addi %mul3A_243, %add3A_727 : i32
      %get3A_729 = arith.index_cast %add3A_728 : i32 to index
      %get3A_730 = arith.constant 0 : index
      %get3A_731 = tpu.vector_load %arg60[%get3A_729, %get3A_730] {strides = array<i32>} : memref<1600x32xf32, #tpu.memory_space<vmem>>, vector<16xf32>,
      %add3A_732 = arith.addf %add3A_720, %get3A_731 : vector<16xf32>
      %add3A_733 = arith.constant 40 : i32
      %add3A_734 = arith.addi %mul3A_243, %add3A_733 : i32
      %get3A_735 = arith.index_cast %add3A_734 : i32 to index
      %get3A_736 = arith.constant 16 : index
      %get3A_737 = tpu.vector_load %arg60[%get3A_735, %get3A_736] {strides = array<i32>} : memref<1600x32xf32, #tpu.memory_space<vmem>>, vector<16xf32>,
      %add3A_738 = arith.addf %add3A_726, %get3A_737 : vector<16xf32>
      %add3A_739 = arith.constant 41 : i32
      %add3A_740 = arith.addi %mul3A_243, %add3A_739 : i32
      %get3A_741 = arith.index_cast %add3A_740 : i32 to index
      %get3A_742 = arith.constant 0 : index
      %get3A_743 = tpu.vector_load %arg60[%get3A_741, %get3A_742] {strides = array<i32>} : memref<1600x32xf32, #tpu.memory_space<vmem>>, vector<16xf32>,
      %add3A_744 = arith.addf %add3A_732, %get3A_743 : vector<16xf32>
      %add3A_745 = arith.constant 41 : i32
      %add3A_746 = arith.addi %mul3A_243, %add3A_745 : i32
      %get3A_747 = arith.index_cast %add3A_746 : i32 to index
      %get3A_748 = arith.constant 16 : index
      %get3A_749 = tpu.vector_load %arg60[%get3A_747, %get3A_748] {strides = array<i32>} : memref<1600x32xf32, #tpu.memory_space<vmem>>, vector<16xf32>,
      %add3A_750 = arith.addf %add3A_738, %get3A_749 : vector<16xf32>
      %add3A_751 = arith.constant 42 : i32
      %add3A_752 = arith.addi %mul3A_243, %add3A_751 : i32
      %get3A_753 = arith.index_cast %add3A_752 : i32 to index
      %get3A_754 = arith.constant 0 : index
      %get3A_755 = tpu.vector_load %arg60[%get3A_753, %get3A_754] {strides = array<i32>} : memref<1600x32xf32, #tpu.memory_space<vmem>>, vector<16xf32>,
      %add3A_756 = arith.addf %add3A_744, %get3A_755 : vector<16xf32>
      %add3A_757 = arith.constant 42 : i32
      %add3A_758 = arith.addi %mul3A_243, %add3A_757 : i32
      %get3A_759 = arith.index_cast %add3A_758 : i32 to index
      %get3A_760 = arith.constant 16 : index
      %get3A_761 = tpu.vector_load %arg60[%get3A_759, %get3A_760] {strides = array<i32>} : memref<1600x32xf32, #tpu.memory_space<vmem>>, vector<16xf32>,
      %add3A_762 = arith.addf %add3A_750, %get3A_761 : vector<16xf32>
      %add3A_763 = arith.constant 43 : i32
      %add3A_764 = arith.addi %mul3A_243, %add3A_763 : i32
      %get3A_765 = arith.index_cast %add3A_764 : i32 to index
      %get3A_766 = arith.constant 0 : index
      %get3A_767 = tpu.vector_load %arg60[%get3A_765, %get3A_766] {strides = array<i32>} : memref<1600x32xf32, #tpu.memory_space<vmem>>, vector<16xf32>,
      %add3A_768 = arith.addf %add3A_756, %get3A_767 : vector<16xf32>
      %add3A_769 = arith.constant 43 : i32
      %add3A_770 = arith.addi %mul3A_243, %add3A_769 : i32
      %get3A_771 = arith.index_cast %add3A_770 : i32 to index
      %get3A_772 = arith.constant 16 : index
      %get3A_773 = tpu.vector_load %arg60[%get3A_771, %get3A_772] {strides = array<i32>} : memref<1600x32xf32, #tpu.memory_space<vmem>>, vector<16xf32>,
      %add3A_774 = arith.addf %add3A_762, %get3A_773 : vector<16xf32>
      %add3A_775 = arith.constant 44 : i32
      %add3A_776 = arith.addi %mul3A_243, %add3A_775 : i32
      %get3A_777 = arith.index_cast %add3A_776 : i32 to index
      %get3A_778 = arith.constant 0 : index
      %get3A_779 = tpu.vector_load %arg60[%get3A_777, %get3A_778] {strides = array<i32>} : memref<1600x32xf32, #tpu.memory_space<vmem>>, vector<16xf32>,
      %add3A_780 = arith.addf %add3A_768, %get3A_779 : vector<16xf32>
      %add3A_781 = arith.constant 44 : i32
      %add3A_782 = arith.addi %mul3A_243, %add3A_781 : i32
      %get3A_783 = arith.index_cast %add3A_782 : i32 to index
      %get3A_784 = arith.constant 16 : index
      %get3A_785 = tpu.vector_load %arg60[%get3A_783, %get3A_784] {strides = array<i32>} : memref<1600x32xf32, #tpu.memory_space<vmem>>, vector<16xf32>,
      %add3A_786 = arith.addf %add3A_774, %get3A_785 : vector<16xf32>
      %add3A_787 = arith.constant 45 : i32
      %add3A_788 = arith.addi %mul3A_243, %add3A_787 : i32
      %get3A_789 = arith.index_cast %add3A_788 : i32 to index
      %get3A_790 = arith.constant 0 : index
      %get3A_791 = tpu.vector_load %arg60[%get3A_789, %get3A_790] {strides = array<i32>} : memref<1600x32xf32, #tpu.memory_space<vmem>>, vector<16xf32>,
      %add3A_792 = arith.addf %add3A_780, %get3A_791 : vector<16xf32>
      %add3A_793 = arith.constant 45 : i32
      %add3A_794 = arith.addi %mul3A_243, %add3A_793 : i32
      %get3A_795 = arith.index_cast %add3A_794 : i32 to index
      %get3A_796 = arith.constant 16 : index
      %get3A_797 = tpu.vector_load %arg60[%get3A_795, %get3A_796] {strides = array<i32>} : memref<1600x32xf32, #tpu.memory_space<vmem>>, vector<16xf32>,
      %add3A_798 = arith.addf %add3A_786, %get3A_797 : vector<16xf32>
      %add3A_799 = arith.constant 46 : i32
      %add3A_800 = arith.addi %mul3A_243, %add3A_799 : i32
      %get3A_801 = arith.index_cast %add3A_800 : i32 to index
      %get3A_802 = arith.constant 0 : index
      %get3A_803 = tpu.vector_load %arg60[%get3A_801, %get3A_802] {strides = array<i32>} : memref<1600x32xf32, #tpu.memory_space<vmem>>, vector<16xf32>,
      %add3A_804 = arith.addf %add3A_792, %get3A_803 : vector<16xf32>
      %add3A_805 = arith.constant 46 : i32
      %add3A_806 = arith.addi %mul3A_243, %add3A_805 : i32
      %get3A_807 = arith.index_cast %add3A_806 : i32 to index
      %get3A_808 = arith.constant 16 : index
      %get3A_809 = tpu.vector_load %arg60[%get3A_807, %get3A_808] {strides = array<i32>} : memref<1600x32xf32, #tpu.memory_space<vmem>>, vector<16xf32>,
      %add3A_810 = arith.addf %add3A_798, %get3A_809 : vector<16xf32>
      %add3A_811 = arith.constant 47 : i32
      %add3A_812 = arith.addi %mul3A_243, %add3A_811 : i32
      %get3A_813 = arith.index_cast %add3A_812 : i32 to index
      %get3A_814 = arith.constant 0 : index
      %get3A_815 = tpu.vector_load %arg60[%get3A_813, %get3A_814] {strides = array<i32>} : memref<1600x32xf32, #tpu.memory_space<vmem>>, vector<16xf32>,
      %add3A_816 = arith.addf %add3A_804, %get3A_815 : vector<16xf32>
      %add3A_817 = arith.constant 47 : i32
      %add3A_818 = arith.addi %mul3A_243, %add3A_817 : i32
      %get3A_819 = arith.index_cast %add3A_818 : i32 to index
      %get3A_820 = arith.constant 16 : index
      %get3A_821 = tpu.vector_load %arg60[%get3A_819, %get3A_820] {strides = array<i32>} : memref<1600x32xf32, #tpu.memory_space<vmem>>, vector<16xf32>,
      %add3A_822 = arith.addf %add3A_810, %get3A_821 : vector<16xf32>
      %add3A_823 = arith.constant 48 : i32
      %add3A_824 = arith.addi %mul3A_243, %add3A_823 : i32
      %get3A_825 = arith.index_cast %add3A_824 : i32 to index
      %get3A_826 = arith.constant 0 : index
      %get3A_827 = tpu.vector_load %arg60[%get3A_825, %get3A_826] {strides = array<i32>} : memref<1600x32xf32, #tpu.memory_space<vmem>>, vector<16xf32>,
      %add3A_828 = arith.addf %add3A_816, %get3A_827 : vector<16xf32>
      %add3A_829 = arith.constant 48 : i32
      %add3A_830 = arith.addi %mul3A_243, %add3A_829 : i32
      %get3A_831 = arith.index_cast %add3A_830 : i32 to index
      %get3A_832 = arith.constant 16 : index
      %get3A_833 = tpu.vector_load %arg60[%get3A_831, %get3A_832] {strides = array<i32>} : memref<1600x32xf32, #tpu.memory_space<vmem>>, vector<16xf32>,
      %add3A_834 = arith.addf %add3A_822, %get3A_833 : vector<16xf32>
      %add3A_835 = arith.constant 49 : i32
      %add3A_836 = arith.addi %mul3A_243, %add3A_835 : i32
      %get3A_837 = arith.index_cast %add3A_836 : i32 to index
      %get3A_838 = arith.constant 0 : index
      %get3A_839 = tpu.vector_load %arg60[%get3A_837, %get3A_838] {strides = array<i32>} : memref<1600x32xf32, #tpu.memory_space<vmem>>, vector<16xf32>,
      %add3A_840 = arith.addf %add3A_828, %get3A_839 : vector<16xf32>
      %add3A_841 = arith.constant 49 : i32
      %add3A_842 = arith.addi %mul3A_243, %add3A_841 : i32
      %get3A_843 = arith.index_cast %add3A_842 : i32 to index
      %get3A_844 = arith.constant 16 : index
      %get3A_845 = tpu.vector_load %arg60[%get3A_843, %get3A_844] {strides = array<i32>} : memref<1600x32xf32, #tpu.memory_space<vmem>>, vector<16xf32>,
      %add3A_846 = arith.addf %add3A_834, %get3A_845 : vector<16xf32>
      %add3A_847 = arith.constant 32 : i32
      %add3A_848 = arith.addi %add3A_847, %scan3A_240 : i32
      %swap3A = arith.index_cast %add3A_848 : i32 to index
      %swap3A_849 = arith.constant 0 : index
      %swap3A_850 = tpu.vector_load %arg61[%swap3A, %swap3A_849] {strides = array<i32>} : memref<128x32xf32, #tpu.memory_space<vmem>>, vector<16xf32>,
      tpu.vector_store %arg61[%swap3A, %swap3A_849], %add3A_840 {strides = array<i32>} : memref<128x32xf32, #tpu.memory_space<vmem>>, vector<16xf32>,
      %swap3A_851 = arith.index_cast %add3A_848 : i32 to index
      %swap3A_852 = arith.constant 16 : index
      %swap3A_853 = tpu.vector_load %arg61[%swap3A_851, %swap3A_852] {strides = array<i32>} : memref<128x32xf32, #tpu.memory_space<vmem>>, vector<16xf32>,
      tpu.vector_store %arg61[%swap3A_851, %swap3A_852], %add3A_846 {strides = array<i32>} : memref<128x32xf32, #tpu.memory_space<vmem>>, vector<16xf32>,
      %scan3A_854 = arith.constant 0 : i32
      scf.yield %scan3A_854 : i32
    }
    %scan3A_191 = arith.constant 32 : i32
    %dma_start3A_192 = arith.constant 3200 : i32
    %dma_start3A_193 = tpu.memref_slice %arg59[%dma_start3A_192] : memref<6400xi32, #tpu.memory_space<vmem>> -> memref<1600xi32, #tpu.memory_space<vmem>>
    %dma_start3A_194 = arith.constant 0 : i32
    %dma_start3A_195 = arith.constant 0 : i32
    %dma_start3A_196 = tpu.memref_slice %arg55[%dma_start3A_194, %dma_start3A_195] : memref<100000x32xf32, #tpu.memory_space<hbm>> -> memref<100000x32xf32, #tpu.memory_space<hbm>>
    tpu.enqueue_indirect_dma source(%dma_start3A_196 : memref<100000x32xf32, #tpu.memory_space<hbm>>) target(%arg60 : memref<1600x32xf32, #tpu.memory_space<vmem>>) offsets(%dma_start3A_193 : memref<1600xi32, #tpu.memory_space<vmem>>) semaphore(%arg64 : memref<!tpu.dma_semaphore, #tpu.memory_space<semaphore_mem>>)
    %dma_wait3A_197 = arith.constant 3200 : i32
    %dma_wait3A_198 = tpu.memref_slice %arg59[%dma_wait3A_197] : memref<6400xi32, #tpu.memory_space<vmem>> -> memref<1600xi32, #tpu.memory_space<vmem>>
    %dma_wait3A_199 = arith.constant 0 : i32
    %dma_wait3A_200 = arith.constant 0 : i32
    %dma_wait3A_201 = tpu.memref_slice %arg55[%dma_wait3A_199, %dma_wait3A_200] : memref<100000x32xf32, #tpu.memory_space<hbm>> -> memref<100000x32xf32, #tpu.memory_space<hbm>>
    tpu.wait_indirect_dma semaphore(%arg64 : memref<!tpu.dma_semaphore, #tpu.memory_space<semaphore_mem>>) src(%dma_wait3A_201 : memref<100000x32xf32, #tpu.memory_space<hbm>>) dst(%arg60 : memref<1600x32xf32, #tpu.memory_space<vmem>>)
    %scan3A_202 = arith.constant 0 : i32
    %scan3A_203 = arith.constant 0 : i32
    %scan3A_204 = arith.constant 32 : i32
    %scan3A_205 = arith.addi %scan3A_203, %scan3A_204 : i32
    %scan3A_206 = arith.constant 1 : i32
    %scan3A_207 = scf.for %scan3A_240 = %scan3A_203 to %scan3A_205 step %scan3A_206 iter_args(%scan3A_241 = %scan3A_202) -> (i32)  : i32 {
      %mul3A_242 = arith.constant 50 : i32
      %mul3A_243 = arith.muli %scan3A_240, %mul3A_242 : i32
      %broadcast_in_dim3A = arith.constant 0.000000e+00 : f32
      %broadcast_in_dim3A_244 = vector.broadcast %broadcast_in_dim3A : f32 to vector<16xf32>
      %broadcast_in_dim3A_245 = arith.constant 0.000000e+00 : f32
      %broadcast_in_dim3A_246 = vector.broadcast %broadcast_in_dim3A_245 : f32 to vector<16xf32>
      %add3A_247 = arith.constant 0 : i32
      %add3A_248 = arith.addi %mul3A_243, %add3A_247 : i32
      %get3A_249 = arith.index_cast %add3A_248 : i32 to index
      %get3A_250 = arith.constant 0 : index
      %get3A_251 = tpu.vector_load %arg60[%get3A_249, %get3A_250] {strides = array<i32>} : memref<1600x32xf32, #tpu.memory_space<vmem>>, vector<16xf32>,
      %add3A_252 = arith.addf %broadcast_in_dim3A_244, %get3A_251 : vector<16xf32>
      %add3A_253 = arith.constant 0 : i32
      %add3A_254 = arith.addi %mul3A_243, %add3A_253 : i32
      %get3A_255 = arith.index_cast %add3A_254 : i32 to index
      %get3A_256 = arith.constant 16 : index
      %get3A_257 = tpu.vector_load %arg60[%get3A_255, %get3A_256] {strides = array<i32>} : memref<1600x32xf32, #tpu.memory_space<vmem>>, vector<16xf32>,
      %add3A_258 = arith.addf %broadcast_in_dim3A_246, %get3A_257 : vector<16xf32>
      %add3A_259 = arith.constant 1 : i32
      %add3A_260 = arith.addi %mul3A_243, %add3A_259 : i32
      %get3A_261 = arith.index_cast %add3A_260 : i32 to index
      %get3A_262 = arith.constant 0 : index
      %get3A_263 = tpu.vector_load %arg60[%get3A_261, %get3A_262] {strides = array<i32>} : memref<1600x32xf32, #tpu.memory_space<vmem>>, vector<16xf32>,
      %add3A_264 = arith.addf %add3A_252, %get3A_263 : vector<16xf32>
      %add3A_265 = arith.constant 1 : i32
      %add3A_266 = arith.addi %mul3A_243, %add3A_265 : i32
      %get3A_267 = arith.index_cast %add3A_266 : i32 to index
      %get3A_268 = arith.constant 16 : index
      %get3A_269 = tpu.vector_load %arg60[%get3A_267, %get3A_268] {strides = array<i32>} : memref<1600x32xf32, #tpu.memory_space<vmem>>, vector<16xf32>,
      %add3A_270 = arith.addf %add3A_258, %get3A_269 : vector<16xf32>
      %add3A_271 = arith.constant 2 : i32
      %add3A_272 = arith.addi %mul3A_243, %add3A_271 : i32
      %get3A_273 = arith.index_cast %add3A_272 : i32 to index
      %get3A_274 = arith.constant 0 : index
      %get3A_275 = tpu.vector_load %arg60[%get3A_273, %get3A_274] {strides = array<i32>} : memref<1600x32xf32, #tpu.memory_space<vmem>>, vector<16xf32>,
      %add3A_276 = arith.addf %add3A_264, %get3A_275 : vector<16xf32>
      %add3A_277 = arith.constant 2 : i32
      %add3A_278 = arith.addi %mul3A_243, %add3A_277 : i32
      %get3A_279 = arith.index_cast %add3A_278 : i32 to index
      %get3A_280 = arith.constant 16 : index
      %get3A_281 = tpu.vector_load %arg60[%get3A_279, %get3A_280] {strides = array<i32>} : memref<1600x32xf32, #tpu.memory_space<vmem>>, vector<16xf32>,
      %add3A_282 = arith.addf %add3A_270, %get3A_281 : vector<16xf32>
      %add3A_283 = arith.constant 3 : i32
      %add3A_284 = arith.addi %mul3A_243, %add3A_283 : i32
      %get3A_285 = arith.index_cast %add3A_284 : i32 to index
      %get3A_286 = arith.constant 0 : index
      %get3A_287 = tpu.vector_load %arg60[%get3A_285, %get3A_286] {strides = array<i32>} : memref<1600x32xf32, #tpu.memory_space<vmem>>, vector<16xf32>,
      %add3A_288 = arith.addf %add3A_276, %get3A_287 : vector<16xf32>
      %add3A_289 = arith.constant 3 : i32
      %add3A_290 = arith.addi %mul3A_243, %add3A_289 : i32
      %get3A_291 = arith.index_cast %add3A_290 : i32 to index
      %get3A_292 = arith.constant 16 : index
      %get3A_293 = tpu.vector_load %arg60[%get3A_291, %get3A_292] {strides = array<i32>} : memref<1600x32xf32, #tpu.memory_space<vmem>>, vector<16xf32>,
      %add3A_294 = arith.addf %add3A_282, %get3A_293 : vector<16xf32>
      %add3A_295 = arith.constant 4 : i32
      %add3A_296 = arith.addi %mul3A_243, %add3A_295 : i32
      %get3A_297 = arith.index_cast %add3A_296 : i32 to index
      %get3A_298 = arith.constant 0 : index
      %get3A_299 = tpu.vector_load %arg60[%get3A_297, %get3A_298] {strides = array<i32>} : memref<1600x32xf32, #tpu.memory_space<vmem>>, vector<16xf32>,
      %add3A_300 = arith.addf %add3A_288, %get3A_299 : vector<16xf32>
      %add3A_301 = arith.constant 4 : i32
      %add3A_302 = arith.addi %mul3A_243, %add3A_301 : i32
      %get3A_303 = arith.index_cast %add3A_302 : i32 to index
      %get3A_304 = arith.constant 16 : index
      %get3A_305 = tpu.vector_load %arg60[%get3A_303, %get3A_304] {strides = array<i32>} : memref<1600x32xf32, #tpu.memory_space<vmem>>, vector<16xf32>,
      %add3A_306 = arith.addf %add3A_294, %get3A_305 : vector<16xf32>
      %add3A_307 = arith.constant 5 : i32
      %add3A_308 = arith.addi %mul3A_243, %add3A_307 : i32
      %get3A_309 = arith.index_cast %add3A_308 : i32 to index
      %get3A_310 = arith.constant 0 : index
      %get3A_311 = tpu.vector_load %arg60[%get3A_309, %get3A_310] {strides = array<i32>} : memref<1600x32xf32, #tpu.memory_space<vmem>>, vector<16xf32>,
      %add3A_312 = arith.addf %add3A_300, %get3A_311 : vector<16xf32>
      %add3A_313 = arith.constant 5 : i32
      %add3A_314 = arith.addi %mul3A_243, %add3A_313 : i32
      %get3A_315 = arith.index_cast %add3A_314 : i32 to index
      %get3A_316 = arith.constant 16 : index
      %get3A_317 = tpu.vector_load %arg60[%get3A_315, %get3A_316] {strides = array<i32>} : memref<1600x32xf32, #tpu.memory_space<vmem>>, vector<16xf32>,
      %add3A_318 = arith.addf %add3A_306, %get3A_317 : vector<16xf32>
      %add3A_319 = arith.constant 6 : i32
      %add3A_320 = arith.addi %mul3A_243, %add3A_319 : i32
      %get3A_321 = arith.index_cast %add3A_320 : i32 to index
      %get3A_322 = arith.constant 0 : index
      %get3A_323 = tpu.vector_load %arg60[%get3A_321, %get3A_322] {strides = array<i32>} : memref<1600x32xf32, #tpu.memory_space<vmem>>, vector<16xf32>,
      %add3A_324 = arith.addf %add3A_312, %get3A_323 : vector<16xf32>
      %add3A_325 = arith.constant 6 : i32
      %add3A_326 = arith.addi %mul3A_243, %add3A_325 : i32
      %get3A_327 = arith.index_cast %add3A_326 : i32 to index
      %get3A_328 = arith.constant 16 : index
      %get3A_329 = tpu.vector_load %arg60[%get3A_327, %get3A_328] {strides = array<i32>} : memref<1600x32xf32, #tpu.memory_space<vmem>>, vector<16xf32>,
      %add3A_330 = arith.addf %add3A_318, %get3A_329 : vector<16xf32>
      %add3A_331 = arith.constant 7 : i32
      %add3A_332 = arith.addi %mul3A_243, %add3A_331 : i32
      %get3A_333 = arith.index_cast %add3A_332 : i32 to index
      %get3A_334 = arith.constant 0 : index
      %get3A_335 = tpu.vector_load %arg60[%get3A_333, %get3A_334] {strides = array<i32>} : memref<1600x32xf32, #tpu.memory_space<vmem>>, vector<16xf32>,
      %add3A_336 = arith.addf %add3A_324, %get3A_335 : vector<16xf32>
      %add3A_337 = arith.constant 7 : i32
      %add3A_338 = arith.addi %mul3A_243, %add3A_337 : i32
      %get3A_339 = arith.index_cast %add3A_338 : i32 to index
      %get3A_340 = arith.constant 16 : index
      %get3A_341 = tpu.vector_load %arg60[%get3A_339, %get3A_340] {strides = array<i32>} : memref<1600x32xf32, #tpu.memory_space<vmem>>, vector<16xf32>,
      %add3A_342 = arith.addf %add3A_330, %get3A_341 : vector<16xf32>
      %add3A_343 = arith.constant 8 : i32
      %add3A_344 = arith.addi %mul3A_243, %add3A_343 : i32
      %get3A_345 = arith.index_cast %add3A_344 : i32 to index
      %get3A_346 = arith.constant 0 : index
      %get3A_347 = tpu.vector_load %arg60[%get3A_345, %get3A_346] {strides = array<i32>} : memref<1600x32xf32, #tpu.memory_space<vmem>>, vector<16xf32>,
      %add3A_348 = arith.addf %add3A_336, %get3A_347 : vector<16xf32>
      %add3A_349 = arith.constant 8 : i32
      %add3A_350 = arith.addi %mul3A_243, %add3A_349 : i32
      %get3A_351 = arith.index_cast %add3A_350 : i32 to index
      %get3A_352 = arith.constant 16 : index
      %get3A_353 = tpu.vector_load %arg60[%get3A_351, %get3A_352] {strides = array<i32>} : memref<1600x32xf32, #tpu.memory_space<vmem>>, vector<16xf32>,
      %add3A_354 = arith.addf %add3A_342, %get3A_353 : vector<16xf32>
      %add3A_355 = arith.constant 9 : i32
      %add3A_356 = arith.addi %mul3A_243, %add3A_355 : i32
      %get3A_357 = arith.index_cast %add3A_356 : i32 to index
      %get3A_358 = arith.constant 0 : index
      %get3A_359 = tpu.vector_load %arg60[%get3A_357, %get3A_358] {strides = array<i32>} : memref<1600x32xf32, #tpu.memory_space<vmem>>, vector<16xf32>,
      %add3A_360 = arith.addf %add3A_348, %get3A_359 : vector<16xf32>
      %add3A_361 = arith.constant 9 : i32
      %add3A_362 = arith.addi %mul3A_243, %add3A_361 : i32
      %get3A_363 = arith.index_cast %add3A_362 : i32 to index
      %get3A_364 = arith.constant 16 : index
      %get3A_365 = tpu.vector_load %arg60[%get3A_363, %get3A_364] {strides = array<i32>} : memref<1600x32xf32, #tpu.memory_space<vmem>>, vector<16xf32>,
      %add3A_366 = arith.addf %add3A_354, %get3A_365 : vector<16xf32>
      %add3A_367 = arith.constant 10 : i32
      %add3A_368 = arith.addi %mul3A_243, %add3A_367 : i32
      %get3A_369 = arith.index_cast %add3A_368 : i32 to index
      %get3A_370 = arith.constant 0 : index
      %get3A_371 = tpu.vector_load %arg60[%get3A_369, %get3A_370] {strides = array<i32>} : memref<1600x32xf32, #tpu.memory_space<vmem>>, vector<16xf32>,
      %add3A_372 = arith.addf %add3A_360, %get3A_371 : vector<16xf32>
      %add3A_373 = arith.constant 10 : i32
      %add3A_374 = arith.addi %mul3A_243, %add3A_373 : i32
      %get3A_375 = arith.index_cast %add3A_374 : i32 to index
      %get3A_376 = arith.constant 16 : index
      %get3A_377 = tpu.vector_load %arg60[%get3A_375, %get3A_376] {strides = array<i32>} : memref<1600x32xf32, #tpu.memory_space<vmem>>, vector<16xf32>,
      %add3A_378 = arith.addf %add3A_366, %get3A_377 : vector<16xf32>
      %add3A_379 = arith.constant 11 : i32
      %add3A_380 = arith.addi %mul3A_243, %add3A_379 : i32
      %get3A_381 = arith.index_cast %add3A_380 : i32 to index
      %get3A_382 = arith.constant 0 : index
      %get3A_383 = tpu.vector_load %arg60[%get3A_381, %get3A_382] {strides = array<i32>} : memref<1600x32xf32, #tpu.memory_space<vmem>>, vector<16xf32>,
      %add3A_384 = arith.addf %add3A_372, %get3A_383 : vector<16xf32>
      %add3A_385 = arith.constant 11 : i32
      %add3A_386 = arith.addi %mul3A_243, %add3A_385 : i32
      %get3A_387 = arith.index_cast %add3A_386 : i32 to index
      %get3A_388 = arith.constant 16 : index
      %get3A_389 = tpu.vector_load %arg60[%get3A_387, %get3A_388] {strides = array<i32>} : memref<1600x32xf32, #tpu.memory_space<vmem>>, vector<16xf32>,
      %add3A_390 = arith.addf %add3A_378, %get3A_389 : vector<16xf32>
      %add3A_391 = arith.constant 12 : i32
      %add3A_392 = arith.addi %mul3A_243, %add3A_391 : i32
      %get3A_393 = arith.index_cast %add3A_392 : i32 to index
      %get3A_394 = arith.constant 0 : index
      %get3A_395 = tpu.vector_load %arg60[%get3A_393, %get3A_394] {strides = array<i32>} : memref<1600x32xf32, #tpu.memory_space<vmem>>, vector<16xf32>,
      %add3A_396 = arith.addf %add3A_384, %get3A_395 : vector<16xf32>
      %add3A_397 = arith.constant 12 : i32
      %add3A_398 = arith.addi %mul3A_243, %add3A_397 : i32
      %get3A_399 = arith.index_cast %add3A_398 : i32 to index
      %get3A_400 = arith.constant 16 : index
      %get3A_401 = tpu.vector_load %arg60[%get3A_399, %get3A_400] {strides = array<i32>} : memref<1600x32xf32, #tpu.memory_space<vmem>>, vector<16xf32>,
      %add3A_402 = arith.addf %add3A_390, %get3A_401 : vector<16xf32>
      %add3A_403 = arith.constant 13 : i32
      %add3A_404 = arith.addi %mul3A_243, %add3A_403 : i32
      %get3A_405 = arith.index_cast %add3A_404 : i32 to index
      %get3A_406 = arith.constant 0 : index
      %get3A_407 = tpu.vector_load %arg60[%get3A_405, %get3A_406] {strides = array<i32>} : memref<1600x32xf32, #tpu.memory_space<vmem>>, vector<16xf32>,
      %add3A_408 = arith.addf %add3A_396, %get3A_407 : vector<16xf32>
      %add3A_409 = arith.constant 13 : i32
      %add3A_410 = arith.addi %mul3A_243, %add3A_409 : i32
      %get3A_411 = arith.index_cast %add3A_410 : i32 to index
      %get3A_412 = arith.constant 16 : index
      %get3A_413 = tpu.vector_load %arg60[%get3A_411, %get3A_412] {strides = array<i32>} : memref<1600x32xf32, #tpu.memory_space<vmem>>, vector<16xf32>,
      %add3A_414 = arith.addf %add3A_402, %get3A_413 : vector<16xf32>
      %add3A_415 = arith.constant 14 : i32
      %add3A_416 = arith.addi %mul3A_243, %add3A_415 : i32
      %get3A_417 = arith.index_cast %add3A_416 : i32 to index
      %get3A_418 = arith.constant 0 : index
      %get3A_419 = tpu.vector_load %arg60[%get3A_417, %get3A_418] {strides = array<i32>} : memref<1600x32xf32, #tpu.memory_space<vmem>>, vector<16xf32>,
      %add3A_420 = arith.addf %add3A_408, %get3A_419 : vector<16xf32>
      %add3A_421 = arith.constant 14 : i32
      %add3A_422 = arith.addi %mul3A_243, %add3A_421 : i32
      %get3A_423 = arith.index_cast %add3A_422 : i32 to index
      %get3A_424 = arith.constant 16 : index
      %get3A_425 = tpu.vector_load %arg60[%get3A_423, %get3A_424] {strides = array<i32>} : memref<1600x32xf32, #tpu.memory_space<vmem>>, vector<16xf32>,
      %add3A_426 = arith.addf %add3A_414, %get3A_425 : vector<16xf32>
      %add3A_427 = arith.constant 15 : i32
      %add3A_428 = arith.addi %mul3A_243, %add3A_427 : i32
      %get3A_429 = arith.index_cast %add3A_428 : i32 to index
      %get3A_430 = arith.constant 0 : index
      %get3A_431 = tpu.vector_load %arg60[%get3A_429, %get3A_430] {strides = array<i32>} : memref<1600x32xf32, #tpu.memory_space<vmem>>, vector<16xf32>,
      %add3A_432 = arith.addf %add3A_420, %get3A_431 : vector<16xf32>
      %add3A_433 = arith.constant 15 : i32
      %add3A_434 = arith.addi %mul3A_243, %add3A_433 : i32
      %get3A_435 = arith.index_cast %add3A_434 : i32 to index
      %get3A_436 = arith.constant 16 : index
      %get3A_437 = tpu.vector_load %arg60[%get3A_435, %get3A_436] {strides = array<i32>} : memref<1600x32xf32, #tpu.memory_space<vmem>>, vector<16xf32>,
      %add3A_438 = arith.addf %add3A_426, %get3A_437 : vector<16xf32>
      %add3A_439 = arith.constant 16 : i32
      %add3A_440 = arith.addi %mul3A_243, %add3A_439 : i32
      %get3A_441 = arith.index_cast %add3A_440 : i32 to index
      %get3A_442 = arith.constant 0 : index
      %get3A_443 = tpu.vector_load %arg60[%get3A_441, %get3A_442] {strides = array<i32>} : memref<1600x32xf32, #tpu.memory_space<vmem>>, vector<16xf32>,
      %add3A_444 = arith.addf %add3A_432, %get3A_443 : vector<16xf32>
      %add3A_445 = arith.constant 16 : i32
      %add3A_446 = arith.addi %mul3A_243, %add3A_445 : i32
      %get3A_447 = arith.index_cast %add3A_446 : i32 to index
      %get3A_448 = arith.constant 16 : index
      %get3A_449 = tpu.vector_load %arg60[%get3A_447, %get3A_448] {strides = array<i32>} : memref<1600x32xf32, #tpu.memory_space<vmem>>, vector<16xf32>,
      %add3A_450 = arith.addf %add3A_438, %get3A_449 : vector<16xf32>
      %add3A_451 = arith.constant 17 : i32
      %add3A_452 = arith.addi %mul3A_243, %add3A_451 : i32
      %get3A_453 = arith.index_cast %add3A_452 : i32 to index
      %get3A_454 = arith.constant 0 : index
      %get3A_455 = tpu.vector_load %arg60[%get3A_453, %get3A_454] {strides = array<i32>} : memref<1600x32xf32, #tpu.memory_space<vmem>>, vector<16xf32>,
      %add3A_456 = arith.addf %add3A_444, %get3A_455 : vector<16xf32>
      %add3A_457 = arith.constant 17 : i32
      %add3A_458 = arith.addi %mul3A_243, %add3A_457 : i32
      %get3A_459 = arith.index_cast %add3A_458 : i32 to index
      %get3A_460 = arith.constant 16 : index
      %get3A_461 = tpu.vector_load %arg60[%get3A_459, %get3A_460] {strides = array<i32>} : memref<1600x32xf32, #tpu.memory_space<vmem>>, vector<16xf32>,
      %add3A_462 = arith.addf %add3A_450, %get3A_461 : vector<16xf32>
      %add3A_463 = arith.constant 18 : i32
      %add3A_464 = arith.addi %mul3A_243, %add3A_463 : i32
      %get3A_465 = arith.index_cast %add3A_464 : i32 to index
      %get3A_466 = arith.constant 0 : index
      %get3A_467 = tpu.vector_load %arg60[%get3A_465, %get3A_466] {strides = array<i32>} : memref<1600x32xf32, #tpu.memory_space<vmem>>, vector<16xf32>,
      %add3A_468 = arith.addf %add3A_456, %get3A_467 : vector<16xf32>
      %add3A_469 = arith.constant 18 : i32
      %add3A_470 = arith.addi %mul3A_243, %add3A_469 : i32
      %get3A_471 = arith.index_cast %add3A_470 : i32 to index
      %get3A_472 = arith.constant 16 : index
      %get3A_473 = tpu.vector_load %arg60[%get3A_471, %get3A_472] {strides = array<i32>} : memref<1600x32xf32, #tpu.memory_space<vmem>>, vector<16xf32>,
      %add3A_474 = arith.addf %add3A_462, %get3A_473 : vector<16xf32>
      %add3A_475 = arith.constant 19 : i32
      %add3A_476 = arith.addi %mul3A_243, %add3A_475 : i32
      %get3A_477 = arith.index_cast %add3A_476 : i32 to index
      %get3A_478 = arith.constant 0 : index
      %get3A_479 = tpu.vector_load %arg60[%get3A_477, %get3A_478] {strides = array<i32>} : memref<1600x32xf32, #tpu.memory_space<vmem>>, vector<16xf32>,
      %add3A_480 = arith.addf %add3A_468, %get3A_479 : vector<16xf32>
      %add3A_481 = arith.constant 19 : i32
      %add3A_482 = arith.addi %mul3A_243, %add3A_481 : i32
      %get3A_483 = arith.index_cast %add3A_482 : i32 to index
      %get3A_484 = arith.constant 16 : index
      %get3A_485 = tpu.vector_load %arg60[%get3A_483, %get3A_484] {strides = array<i32>} : memref<1600x32xf32, #tpu.memory_space<vmem>>, vector<16xf32>,
      %add3A_486 = arith.addf %add3A_474, %get3A_485 : vector<16xf32>
      %add3A_487 = arith.constant 20 : i32
      %add3A_488 = arith.addi %mul3A_243, %add3A_487 : i32
      %get3A_489 = arith.index_cast %add3A_488 : i32 to index
      %get3A_490 = arith.constant 0 : index
      %get3A_491 = tpu.vector_load %arg60[%get3A_489, %get3A_490] {strides = array<i32>} : memref<1600x32xf32, #tpu.memory_space<vmem>>, vector<16xf32>,
      %add3A_492 = arith.addf %add3A_480, %get3A_491 : vector<16xf32>
      %add3A_493 = arith.constant 20 : i32
      %add3A_494 = arith.addi %mul3A_243, %add3A_493 : i32
      %get3A_495 = arith.index_cast %add3A_494 : i32 to index
      %get3A_496 = arith.constant 16 : index
      %get3A_497 = tpu.vector_load %arg60[%get3A_495, %get3A_496] {strides = array<i32>} : memref<1600x32xf32, #tpu.memory_space<vmem>>, vector<16xf32>,
      %add3A_498 = arith.addf %add3A_486, %get3A_497 : vector<16xf32>
      %add3A_499 = arith.constant 21 : i32
      %add3A_500 = arith.addi %mul3A_243, %add3A_499 : i32
      %get3A_501 = arith.index_cast %add3A_500 : i32 to index
      %get3A_502 = arith.constant 0 : index
      %get3A_503 = tpu.vector_load %arg60[%get3A_501, %get3A_502] {strides = array<i32>} : memref<1600x32xf32, #tpu.memory_space<vmem>>, vector<16xf32>,
      %add3A_504 = arith.addf %add3A_492, %get3A_503 : vector<16xf32>
      %add3A_505 = arith.constant 21 : i32
      %add3A_506 = arith.addi %mul3A_243, %add3A_505 : i32
      %get3A_507 = arith.index_cast %add3A_506 : i32 to index
      %get3A_508 = arith.constant 16 : index
      %get3A_509 = tpu.vector_load %arg60[%get3A_507, %get3A_508] {strides = array<i32>} : memref<1600x32xf32, #tpu.memory_space<vmem>>, vector<16xf32>,
      %add3A_510 = arith.addf %add3A_498, %get3A_509 : vector<16xf32>
      %add3A_511 = arith.constant 22 : i32
      %add3A_512 = arith.addi %mul3A_243, %add3A_511 : i32
      %get3A_513 = arith.index_cast %add3A_512 : i32 to index
      %get3A_514 = arith.constant 0 : index
      %get3A_515 = tpu.vector_load %arg60[%get3A_513, %get3A_514] {strides = array<i32>} : memref<1600x32xf32, #tpu.memory_space<vmem>>, vector<16xf32>,
      %add3A_516 = arith.addf %add3A_504, %get3A_515 : vector<16xf32>
      %add3A_517 = arith.constant 22 : i32
      %add3A_518 = arith.addi %mul3A_243, %add3A_517 : i32
      %get3A_519 = arith.index_cast %add3A_518 : i32 to index
      %get3A_520 = arith.constant 16 : index
      %get3A_521 = tpu.vector_load %arg60[%get3A_519, %get3A_520] {strides = array<i32>} : memref<1600x32xf32, #tpu.memory_space<vmem>>, vector<16xf32>,
      %add3A_522 = arith.addf %add3A_510, %get3A_521 : vector<16xf32>
      %add3A_523 = arith.constant 23 : i32
      %add3A_524 = arith.addi %mul3A_243, %add3A_523 : i32
      %get3A_525 = arith.index_cast %add3A_524 : i32 to index
      %get3A_526 = arith.constant 0 : index
      %get3A_527 = tpu.vector_load %arg60[%get3A_525, %get3A_526] {strides = array<i32>} : memref<1600x32xf32, #tpu.memory_space<vmem>>, vector<16xf32>,
      %add3A_528 = arith.addf %add3A_516, %get3A_527 : vector<16xf32>
      %add3A_529 = arith.constant 23 : i32
      %add3A_530 = arith.addi %mul3A_243, %add3A_529 : i32
      %get3A_531 = arith.index_cast %add3A_530 : i32 to index
      %get3A_532 = arith.constant 16 : index
      %get3A_533 = tpu.vector_load %arg60[%get3A_531, %get3A_532] {strides = array<i32>} : memref<1600x32xf32, #tpu.memory_space<vmem>>, vector<16xf32>,
      %add3A_534 = arith.addf %add3A_522, %get3A_533 : vector<16xf32>
      %add3A_535 = arith.constant 24 : i32
      %add3A_536 = arith.addi %mul3A_243, %add3A_535 : i32
      %get3A_537 = arith.index_cast %add3A_536 : i32 to index
      %get3A_538 = arith.constant 0 : index
      %get3A_539 = tpu.vector_load %arg60[%get3A_537, %get3A_538] {strides = array<i32>} : memref<1600x32xf32, #tpu.memory_space<vmem>>, vector<16xf32>,
      %add3A_540 = arith.addf %add3A_528, %get3A_539 : vector<16xf32>
      %add3A_541 = arith.constant 24 : i32
      %add3A_542 = arith.addi %mul3A_243, %add3A_541 : i32
      %get3A_543 = arith.index_cast %add3A_542 : i32 to index
      %get3A_544 = arith.constant 16 : index
      %get3A_545 = tpu.vector_load %arg60[%get3A_543, %get3A_544] {strides = array<i32>} : memref<1600x32xf32, #tpu.memory_space<vmem>>, vector<16xf32>,
      %add3A_546 = arith.addf %add3A_534, %get3A_545 : vector<16xf32>
      %add3A_547 = arith.constant 25 : i32
      %add3A_548 = arith.addi %mul3A_243, %add3A_547 : i32
      %get3A_549 = arith.index_cast %add3A_548 : i32 to index
      %get3A_550 = arith.constant 0 : index
      %get3A_551 = tpu.vector_load %arg60[%get3A_549, %get3A_550] {strides = array<i32>} : memref<1600x32xf32, #tpu.memory_space<vmem>>, vector<16xf32>,
      %add3A_552 = arith.addf %add3A_540, %get3A_551 : vector<16xf32>
      %add3A_553 = arith.constant 25 : i32
      %add3A_554 = arith.addi %mul3A_243, %add3A_553 : i32
      %get3A_555 = arith.index_cast %add3A_554 : i32 to index
      %get3A_556 = arith.constant 16 : index
      %get3A_557 = tpu.vector_load %arg60[%get3A_555, %get3A_556] {strides = array<i32>} : memref<1600x32xf32, #tpu.memory_space<vmem>>, vector<16xf32>,
      %add3A_558 = arith.addf %add3A_546, %get3A_557 : vector<16xf32>
      %add3A_559 = arith.constant 26 : i32
      %add3A_560 = arith.addi %mul3A_243, %add3A_559 : i32
      %get3A_561 = arith.index_cast %add3A_560 : i32 to index
      %get3A_562 = arith.constant 0 : index
      %get3A_563 = tpu.vector_load %arg60[%get3A_561, %get3A_562] {strides = array<i32>} : memref<1600x32xf32, #tpu.memory_space<vmem>>, vector<16xf32>,
      %add3A_564 = arith.addf %add3A_552, %get3A_563 : vector<16xf32>
      %add3A_565 = arith.constant 26 : i32
      %add3A_566 = arith.addi %mul3A_243, %add3A_565 : i32
      %get3A_567 = arith.index_cast %add3A_566 : i32 to index
      %get3A_568 = arith.constant 16 : index
      %get3A_569 = tpu.vector_load %arg60[%get3A_567, %get3A_568] {strides = array<i32>} : memref<1600x32xf32, #tpu.memory_space<vmem>>, vector<16xf32>,
      %add3A_570 = arith.addf %add3A_558, %get3A_569 : vector<16xf32>
      %add3A_571 = arith.constant 27 : i32
      %add3A_572 = arith.addi %mul3A_243, %add3A_571 : i32
      %get3A_573 = arith.index_cast %add3A_572 : i32 to index
      %get3A_574 = arith.constant 0 : index
      %get3A_575 = tpu.vector_load %arg60[%get3A_573, %get3A_574] {strides = array<i32>} : memref<1600x32xf32, #tpu.memory_space<vmem>>, vector<16xf32>,
      %add3A_576 = arith.addf %add3A_564, %get3A_575 : vector<16xf32>
      %add3A_577 = arith.constant 27 : i32
      %add3A_578 = arith.addi %mul3A_243, %add3A_577 : i32
      %get3A_579 = arith.index_cast %add3A_578 : i32 to index
      %get3A_580 = arith.constant 16 : index
      %get3A_581 = tpu.vector_load %arg60[%get3A_579, %get3A_580] {strides = array<i32>} : memref<1600x32xf32, #tpu.memory_space<vmem>>, vector<16xf32>,
      %add3A_582 = arith.addf %add3A_570, %get3A_581 : vector<16xf32>
      %add3A_583 = arith.constant 28 : i32
      %add3A_584 = arith.addi %mul3A_243, %add3A_583 : i32
      %get3A_585 = arith.index_cast %add3A_584 : i32 to index
      %get3A_586 = arith.constant 0 : index
      %get3A_587 = tpu.vector_load %arg60[%get3A_585, %get3A_586] {strides = array<i32>} : memref<1600x32xf32, #tpu.memory_space<vmem>>, vector<16xf32>,
      %add3A_588 = arith.addf %add3A_576, %get3A_587 : vector<16xf32>
      %add3A_589 = arith.constant 28 : i32
      %add3A_590 = arith.addi %mul3A_243, %add3A_589 : i32
      %get3A_591 = arith.index_cast %add3A_590 : i32 to index
      %get3A_592 = arith.constant 16 : index
      %get3A_593 = tpu.vector_load %arg60[%get3A_591, %get3A_592] {strides = array<i32>} : memref<1600x32xf32, #tpu.memory_space<vmem>>, vector<16xf32>,
      %add3A_594 = arith.addf %add3A_582, %get3A_593 : vector<16xf32>
      %add3A_595 = arith.constant 29 : i32
      %add3A_596 = arith.addi %mul3A_243, %add3A_595 : i32
      %get3A_597 = arith.index_cast %add3A_596 : i32 to index
      %get3A_598 = arith.constant 0 : index
      %get3A_599 = tpu.vector_load %arg60[%get3A_597, %get3A_598] {strides = array<i32>} : memref<1600x32xf32, #tpu.memory_space<vmem>>, vector<16xf32>,
      %add3A_600 = arith.addf %add3A_588, %get3A_599 : vector<16xf32>
      %add3A_601 = arith.constant 29 : i32
      %add3A_602 = arith.addi %mul3A_243, %add3A_601 : i32
      %get3A_603 = arith.index_cast %add3A_602 : i32 to index
      %get3A_604 = arith.constant 16 : index
      %get3A_605 = tpu.vector_load %arg60[%get3A_603, %get3A_604] {strides = array<i32>} : memref<1600x32xf32, #tpu.memory_space<vmem>>, vector<16xf32>,
      %add3A_606 = arith.addf %add3A_594, %get3A_605 : vector<16xf32>
      %add3A_607 = arith.constant 30 : i32
      %add3A_608 = arith.addi %mul3A_243, %add3A_607 : i32
      %get3A_609 = arith.index_cast %add3A_608 : i32 to index
      %get3A_610 = arith.constant 0 : index
      %get3A_611 = tpu.vector_load %arg60[%get3A_609, %get3A_610] {strides = array<i32>} : memref<1600x32xf32, #tpu.memory_space<vmem>>, vector<16xf32>,
      %add3A_612 = arith.addf %add3A_600, %get3A_611 : vector<16xf32>
      %add3A_613 = arith.constant 30 : i32
      %add3A_614 = arith.addi %mul3A_243, %add3A_613 : i32
      %get3A_615 = arith.index_cast %add3A_614 : i32 to index
      %get3A_616 = arith.constant 16 : index
      %get3A_617 = tpu.vector_load %arg60[%get3A_615, %get3A_616] {strides = array<i32>} : memref<1600x32xf32, #tpu.memory_space<vmem>>, vector<16xf32>,
      %add3A_618 = arith.addf %add3A_606, %get3A_617 : vector<16xf32>
      %add3A_619 = arith.constant 31 : i32
      %add3A_620 = arith.addi %mul3A_243, %add3A_619 : i32
      %get3A_621 = arith.index_cast %add3A_620 : i32 to index
      %get3A_622 = arith.constant 0 : index
      %get3A_623 = tpu.vector_load %arg60[%get3A_621, %get3A_622] {strides = array<i32>} : memref<1600x32xf32, #tpu.memory_space<vmem>>, vector<16xf32>,
      %add3A_624 = arith.addf %add3A_612, %get3A_623 : vector<16xf32>
      %add3A_625 = arith.constant 31 : i32
      %add3A_626 = arith.addi %mul3A_243, %add3A_625 : i32
      %get3A_627 = arith.index_cast %add3A_626 : i32 to index
      %get3A_628 = arith.constant 16 : index
      %get3A_629 = tpu.vector_load %arg60[%get3A_627, %get3A_628] {strides = array<i32>} : memref<1600x32xf32, #tpu.memory_space<vmem>>, vector<16xf32>,
      %add3A_630 = arith.addf %add3A_618, %get3A_629 : vector<16xf32>
      %add3A_631 = arith.constant 32 : i32
      %add3A_632 = arith.addi %mul3A_243, %add3A_631 : i32
      %get3A_633 = arith.index_cast %add3A_632 : i32 to index
      %get3A_634 = arith.constant 0 : index
      %get3A_635 = tpu.vector_load %arg60[%get3A_633, %get3A_634] {strides = array<i32>} : memref<1600x32xf32, #tpu.memory_space<vmem>>, vector<16xf32>,
      %add3A_636 = arith.addf %add3A_624, %get3A_635 : vector<16xf32>
      %add3A_637 = arith.constant 32 : i32
      %add3A_638 = arith.addi %mul3A_243, %add3A_637 : i32
      %get3A_639 = arith.index_cast %add3A_638 : i32 to index
      %get3A_640 = arith.constant 16 : index
      %get3A_641 = tpu.vector_load %arg60[%get3A_639, %get3A_640] {strides = array<i32>} : memref<1600x32xf32, #tpu.memory_space<vmem>>, vector<16xf32>,
      %add3A_642 = arith.addf %add3A_630, %get3A_641 : vector<16xf32>
      %add3A_643 = arith.constant 33 : i32
      %add3A_644 = arith.addi %mul3A_243, %add3A_643 : i32
      %get3A_645 = arith.index_cast %add3A_644 : i32 to index
      %get3A_646 = arith.constant 0 : index
      %get3A_647 = tpu.vector_load %arg60[%get3A_645, %get3A_646] {strides = array<i32>} : memref<1600x32xf32, #tpu.memory_space<vmem>>, vector<16xf32>,
      %add3A_648 = arith.addf %add3A_636, %get3A_647 : vector<16xf32>
      %add3A_649 = arith.constant 33 : i32
      %add3A_650 = arith.addi %mul3A_243, %add3A_649 : i32
      %get3A_651 = arith.index_cast %add3A_650 : i32 to index
      %get3A_652 = arith.constant 16 : index
      %get3A_653 = tpu.vector_load %arg60[%get3A_651, %get3A_652] {strides = array<i32>} : memref<1600x32xf32, #tpu.memory_space<vmem>>, vector<16xf32>,
      %add3A_654 = arith.addf %add3A_642, %get3A_653 : vector<16xf32>
      %add3A_655 = arith.constant 34 : i32
      %add3A_656 = arith.addi %mul3A_243, %add3A_655 : i32
      %get3A_657 = arith.index_cast %add3A_656 : i32 to index
      %get3A_658 = arith.constant 0 : index
      %get3A_659 = tpu.vector_load %arg60[%get3A_657, %get3A_658] {strides = array<i32>} : memref<1600x32xf32, #tpu.memory_space<vmem>>, vector<16xf32>,
      %add3A_660 = arith.addf %add3A_648, %get3A_659 : vector<16xf32>
      %add3A_661 = arith.constant 34 : i32
      %add3A_662 = arith.addi %mul3A_243, %add3A_661 : i32
      %get3A_663 = arith.index_cast %add3A_662 : i32 to index
      %get3A_664 = arith.constant 16 : index
      %get3A_665 = tpu.vector_load %arg60[%get3A_663, %get3A_664] {strides = array<i32>} : memref<1600x32xf32, #tpu.memory_space<vmem>>, vector<16xf32>,
      %add3A_666 = arith.addf %add3A_654, %get3A_665 : vector<16xf32>
      %add3A_667 = arith.constant 35 : i32
      %add3A_668 = arith.addi %mul3A_243, %add3A_667 : i32
      %get3A_669 = arith.index_cast %add3A_668 : i32 to index
      %get3A_670 = arith.constant 0 : index
      %get3A_671 = tpu.vector_load %arg60[%get3A_669, %get3A_670] {strides = array<i32>} : memref<1600x32xf32, #tpu.memory_space<vmem>>, vector<16xf32>,
      %add3A_672 = arith.addf %add3A_660, %get3A_671 : vector<16xf32>
      %add3A_673 = arith.constant 35 : i32
      %add3A_674 = arith.addi %mul3A_243, %add3A_673 : i32
      %get3A_675 = arith.index_cast %add3A_674 : i32 to index
      %get3A_676 = arith.constant 16 : index
      %get3A_677 = tpu.vector_load %arg60[%get3A_675, %get3A_676] {strides = array<i32>} : memref<1600x32xf32, #tpu.memory_space<vmem>>, vector<16xf32>,
      %add3A_678 = arith.addf %add3A_666, %get3A_677 : vector<16xf32>
      %add3A_679 = arith.constant 36 : i32
      %add3A_680 = arith.addi %mul3A_243, %add3A_679 : i32
      %get3A_681 = arith.index_cast %add3A_680 : i32 to index
      %get3A_682 = arith.constant 0 : index
      %get3A_683 = tpu.vector_load %arg60[%get3A_681, %get3A_682] {strides = array<i32>} : memref<1600x32xf32, #tpu.memory_space<vmem>>, vector<16xf32>,
      %add3A_684 = arith.addf %add3A_672, %get3A_683 : vector<16xf32>
      %add3A_685 = arith.constant 36 : i32
      %add3A_686 = arith.addi %mul3A_243, %add3A_685 : i32
      %get3A_687 = arith.index_cast %add3A_686 : i32 to index
      %get3A_688 = arith.constant 16 : index
      %get3A_689 = tpu.vector_load %arg60[%get3A_687, %get3A_688] {strides = array<i32>} : memref<1600x32xf32, #tpu.memory_space<vmem>>, vector<16xf32>,
      %add3A_690 = arith.addf %add3A_678, %get3A_689 : vector<16xf32>
      %add3A_691 = arith.constant 37 : i32
      %add3A_692 = arith.addi %mul3A_243, %add3A_691 : i32
      %get3A_693 = arith.index_cast %add3A_692 : i32 to index
      %get3A_694 = arith.constant 0 : index
      %get3A_695 = tpu.vector_load %arg60[%get3A_693, %get3A_694] {strides = array<i32>} : memref<1600x32xf32, #tpu.memory_space<vmem>>, vector<16xf32>,
      %add3A_696 = arith.addf %add3A_684, %get3A_695 : vector<16xf32>
      %add3A_697 = arith.constant 37 : i32
      %add3A_698 = arith.addi %mul3A_243, %add3A_697 : i32
      %get3A_699 = arith.index_cast %add3A_698 : i32 to index
      %get3A_700 = arith.constant 16 : index
      %get3A_701 = tpu.vector_load %arg60[%get3A_699, %get3A_700] {strides = array<i32>} : memref<1600x32xf32, #tpu.memory_space<vmem>>, vector<16xf32>,
      %add3A_702 = arith.addf %add3A_690, %get3A_701 : vector<16xf32>
      %add3A_703 = arith.constant 38 : i32
      %add3A_704 = arith.addi %mul3A_243, %add3A_703 : i32
      %get3A_705 = arith.index_cast %add3A_704 : i32 to index
      %get3A_706 = arith.constant 0 : index
      %get3A_707 = tpu.vector_load %arg60[%get3A_705, %get3A_706] {strides = array<i32>} : memref<1600x32xf32, #tpu.memory_space<vmem>>, vector<16xf32>,
      %add3A_708 = arith.addf %add3A_696, %get3A_707 : vector<16xf32>
      %add3A_709 = arith.constant 38 : i32
      %add3A_710 = arith.addi %mul3A_243, %add3A_709 : i32
      %get3A_711 = arith.index_cast %add3A_710 : i32 to index
      %get3A_712 = arith.constant 16 : index
      %get3A_713 = tpu.vector_load %arg60[%get3A_711, %get3A_712] {strides = array<i32>} : memref<1600x32xf32, #tpu.memory_space<vmem>>, vector<16xf32>,
      %add3A_714 = arith.addf %add3A_702, %get3A_713 : vector<16xf32>
      %add3A_715 = arith.constant 39 : i32
      %add3A_716 = arith.addi %mul3A_243, %add3A_715 : i32
      %get3A_717 = arith.index_cast %add3A_716 : i32 to index
      %get3A_718 = arith.constant 0 : index
      %get3A_719 = tpu.vector_load %arg60[%get3A_717, %get3A_718] {strides = array<i32>} : memref<1600x32xf32, #tpu.memory_space<vmem>>, vector<16xf32>,
      %add3A_720 = arith.addf %add3A_708, %get3A_719 : vector<16xf32>
      %add3A_721 = arith.constant 39 : i32
      %add3A_722 = arith.addi %mul3A_243, %add3A_721 : i32
      %get3A_723 = arith.index_cast %add3A_722 : i32 to index
      %get3A_724 = arith.constant 16 : index
      %get3A_725 = tpu.vector_load %arg60[%get3A_723, %get3A_724] {strides = array<i32>} : memref<1600x32xf32, #tpu.memory_space<vmem>>, vector<16xf32>,
      %add3A_726 = arith.addf %add3A_714, %get3A_725 : vector<16xf32>
      %add3A_727 = arith.constant 40 : i32
      %add3A_728 = arith.addi %mul3A_243, %add3A_727 : i32
      %get3A_729 = arith.index_cast %add3A_728 : i32 to index
      %get3A_730 = arith.constant 0 : index
      %get3A_731 = tpu.vector_load %arg60[%get3A_729, %get3A_730] {strides = array<i32>} : memref<1600x32xf32, #tpu.memory_space<vmem>>, vector<16xf32>,
      %add3A_732 = arith.addf %add3A_720, %get3A_731 : vector<16xf32>
      %add3A_733 = arith.constant 40 : i32
      %add3A_734 = arith.addi %mul3A_243, %add3A_733 : i32
      %get3A_735 = arith.index_cast %add3A_734 : i32 to index
      %get3A_736 = arith.constant 16 : index
      %get3A_737 = tpu.vector_load %arg60[%get3A_735, %get3A_736] {strides = array<i32>} : memref<1600x32xf32, #tpu.memory_space<vmem>>, vector<16xf32>,
      %add3A_738 = arith.addf %add3A_726, %get3A_737 : vector<16xf32>
      %add3A_739 = arith.constant 41 : i32
      %add3A_740 = arith.addi %mul3A_243, %add3A_739 : i32
      %get3A_741 = arith.index_cast %add3A_740 : i32 to index
      %get3A_742 = arith.constant 0 : index
      %get3A_743 = tpu.vector_load %arg60[%get3A_741, %get3A_742] {strides = array<i32>} : memref<1600x32xf32, #tpu.memory_space<vmem>>, vector<16xf32>,
      %add3A_744 = arith.addf %add3A_732, %get3A_743 : vector<16xf32>
      %add3A_745 = arith.constant 41 : i32
      %add3A_746 = arith.addi %mul3A_243, %add3A_745 : i32
      %get3A_747 = arith.index_cast %add3A_746 : i32 to index
      %get3A_748 = arith.constant 16 : index
      %get3A_749 = tpu.vector_load %arg60[%get3A_747, %get3A_748] {strides = array<i32>} : memref<1600x32xf32, #tpu.memory_space<vmem>>, vector<16xf32>,
      %add3A_750 = arith.addf %add3A_738, %get3A_749 : vector<16xf32>
      %add3A_751 = arith.constant 42 : i32
      %add3A_752 = arith.addi %mul3A_243, %add3A_751 : i32
      %get3A_753 = arith.index_cast %add3A_752 : i32 to index
      %get3A_754 = arith.constant 0 : index
      %get3A_755 = tpu.vector_load %arg60[%get3A_753, %get3A_754] {strides = array<i32>} : memref<1600x32xf32, #tpu.memory_space<vmem>>, vector<16xf32>,
      %add3A_756 = arith.addf %add3A_744, %get3A_755 : vector<16xf32>
      %add3A_757 = arith.constant 42 : i32
      %add3A_758 = arith.addi %mul3A_243, %add3A_757 : i32
      %get3A_759 = arith.index_cast %add3A_758 : i32 to index
      %get3A_760 = arith.constant 16 : index
      %get3A_761 = tpu.vector_load %arg60[%get3A_759, %get3A_760] {strides = array<i32>} : memref<1600x32xf32, #tpu.memory_space<vmem>>, vector<16xf32>,
      %add3A_762 = arith.addf %add3A_750, %get3A_761 : vector<16xf32>
      %add3A_763 = arith.constant 43 : i32
      %add3A_764 = arith.addi %mul3A_243, %add3A_763 : i32
      %get3A_765 = arith.index_cast %add3A_764 : i32 to index
      %get3A_766 = arith.constant 0 : index
      %get3A_767 = tpu.vector_load %arg60[%get3A_765, %get3A_766] {strides = array<i32>} : memref<1600x32xf32, #tpu.memory_space<vmem>>, vector<16xf32>,
      %add3A_768 = arith.addf %add3A_756, %get3A_767 : vector<16xf32>
      %add3A_769 = arith.constant 43 : i32
      %add3A_770 = arith.addi %mul3A_243, %add3A_769 : i32
      %get3A_771 = arith.index_cast %add3A_770 : i32 to index
      %get3A_772 = arith.constant 16 : index
      %get3A_773 = tpu.vector_load %arg60[%get3A_771, %get3A_772] {strides = array<i32>} : memref<1600x32xf32, #tpu.memory_space<vmem>>, vector<16xf32>,
      %add3A_774 = arith.addf %add3A_762, %get3A_773 : vector<16xf32>
      %add3A_775 = arith.constant 44 : i32
      %add3A_776 = arith.addi %mul3A_243, %add3A_775 : i32
      %get3A_777 = arith.index_cast %add3A_776 : i32 to index
      %get3A_778 = arith.constant 0 : index
      %get3A_779 = tpu.vector_load %arg60[%get3A_777, %get3A_778] {strides = array<i32>} : memref<1600x32xf32, #tpu.memory_space<vmem>>, vector<16xf32>,
      %add3A_780 = arith.addf %add3A_768, %get3A_779 : vector<16xf32>
      %add3A_781 = arith.constant 44 : i32
      %add3A_782 = arith.addi %mul3A_243, %add3A_781 : i32
      %get3A_783 = arith.index_cast %add3A_782 : i32 to index
      %get3A_784 = arith.constant 16 : index
      %get3A_785 = tpu.vector_load %arg60[%get3A_783, %get3A_784] {strides = array<i32>} : memref<1600x32xf32, #tpu.memory_space<vmem>>, vector<16xf32>,
      %add3A_786 = arith.addf %add3A_774, %get3A_785 : vector<16xf32>
      %add3A_787 = arith.constant 45 : i32
      %add3A_788 = arith.addi %mul3A_243, %add3A_787 : i32
      %get3A_789 = arith.index_cast %add3A_788 : i32 to index
      %get3A_790 = arith.constant 0 : index
      %get3A_791 = tpu.vector_load %arg60[%get3A_789, %get3A_790] {strides = array<i32>} : memref<1600x32xf32, #tpu.memory_space<vmem>>, vector<16xf32>,
      %add3A_792 = arith.addf %add3A_780, %get3A_791 : vector<16xf32>
      %add3A_793 = arith.constant 45 : i32
      %add3A_794 = arith.addi %mul3A_243, %add3A_793 : i32
      %get3A_795 = arith.index_cast %add3A_794 : i32 to index
      %get3A_796 = arith.constant 16 : index
      %get3A_797 = tpu.vector_load %arg60[%get3A_795, %get3A_796] {strides = array<i32>} : memref<1600x32xf32, #tpu.memory_space<vmem>>, vector<16xf32>,
      %add3A_798 = arith.addf %add3A_786, %get3A_797 : vector<16xf32>
      %add3A_799 = arith.constant 46 : i32
      %add3A_800 = arith.addi %mul3A_243, %add3A_799 : i32
      %get3A_801 = arith.index_cast %add3A_800 : i32 to index
      %get3A_802 = arith.constant 0 : index
      %get3A_803 = tpu.vector_load %arg60[%get3A_801, %get3A_802] {strides = array<i32>} : memref<1600x32xf32, #tpu.memory_space<vmem>>, vector<16xf32>,
      %add3A_804 = arith.addf %add3A_792, %get3A_803 : vector<16xf32>
      %add3A_805 = arith.constant 46 : i32
      %add3A_806 = arith.addi %mul3A_243, %add3A_805 : i32
      %get3A_807 = arith.index_cast %add3A_806 : i32 to index
      %get3A_808 = arith.constant 16 : index
      %get3A_809 = tpu.vector_load %arg60[%get3A_807, %get3A_808] {strides = array<i32>} : memref<1600x32xf32, #tpu.memory_space<vmem>>, vector<16xf32>,
      %add3A_810 = arith.addf %add3A_798, %get3A_809 : vector<16xf32>
      %add3A_811 = arith.constant 47 : i32
      %add3A_812 = arith.addi %mul3A_243, %add3A_811 : i32
      %get3A_813 = arith.index_cast %add3A_812 : i32 to index
      %get3A_814 = arith.constant 0 : index
      %get3A_815 = tpu.vector_load %arg60[%get3A_813, %get3A_814] {strides = array<i32>} : memref<1600x32xf32, #tpu.memory_space<vmem>>, vector<16xf32>,
      %add3A_816 = arith.addf %add3A_804, %get3A_815 : vector<16xf32>
      %add3A_817 = arith.constant 47 : i32
      %add3A_818 = arith.addi %mul3A_243, %add3A_817 : i32
      %get3A_819 = arith.index_cast %add3A_818 : i32 to index
      %get3A_820 = arith.constant 16 : index
      %get3A_821 = tpu.vector_load %arg60[%get3A_819, %get3A_820] {strides = array<i32>} : memref<1600x32xf32, #tpu.memory_space<vmem>>, vector<16xf32>,
      %add3A_822 = arith.addf %add3A_810, %get3A_821 : vector<16xf32>
      %add3A_823 = arith.constant 48 : i32
      %add3A_824 = arith.addi %mul3A_243, %add3A_823 : i32
      %get3A_825 = arith.index_cast %add3A_824 : i32 to index
      %get3A_826 = arith.constant 0 : index
      %get3A_827 = tpu.vector_load %arg60[%get3A_825, %get3A_826] {strides = array<i32>} : memref<1600x32xf32, #tpu.memory_space<vmem>>, vector<16xf32>,
      %add3A_828 = arith.addf %add3A_816, %get3A_827 : vector<16xf32>
      %add3A_829 = arith.constant 48 : i32
      %add3A_830 = arith.addi %mul3A_243, %add3A_829 : i32
      %get3A_831 = arith.index_cast %add3A_830 : i32 to index
      %get3A_832 = arith.constant 16 : index
      %get3A_833 = tpu.vector_load %arg60[%get3A_831, %get3A_832] {strides = array<i32>} : memref<1600x32xf32, #tpu.memory_space<vmem>>, vector<16xf32>,
      %add3A_834 = arith.addf %add3A_822, %get3A_833 : vector<16xf32>
      %add3A_835 = arith.constant 49 : i32
      %add3A_836 = arith.addi %mul3A_243, %add3A_835 : i32
      %get3A_837 = arith.index_cast %add3A_836 : i32 to index
      %get3A_838 = arith.constant 0 : index
      %get3A_839 = tpu.vector_load %arg60[%get3A_837, %get3A_838] {strides = array<i32>} : memref<1600x32xf32, #tpu.memory_space<vmem>>, vector<16xf32>,
      %add3A_840 = arith.addf %add3A_828, %get3A_839 : vector<16xf32>
      %add3A_841 = arith.constant 49 : i32
      %add3A_842 = arith.addi %mul3A_243, %add3A_841 : i32
      %get3A_843 = arith.index_cast %add3A_842 : i32 to index
      %get3A_844 = arith.constant 16 : index
      %get3A_845 = tpu.vector_load %arg60[%get3A_843, %get3A_844] {strides = array<i32>} : memref<1600x32xf32, #tpu.memory_space<vmem>>, vector<16xf32>,
      %add3A_846 = arith.addf %add3A_834, %get3A_845 : vector<16xf32>
      %add3A_847 = arith.constant 64 : i32
      %add3A_848 = arith.addi %add3A_847, %scan3A_240 : i32
      %swap3A = arith.index_cast %add3A_848 : i32 to index
      %swap3A_849 = arith.constant 0 : index
      %swap3A_850 = tpu.vector_load %arg61[%swap3A, %swap3A_849] {strides = array<i32>} : memref<128x32xf32, #tpu.memory_space<vmem>>, vector<16xf32>,
      tpu.vector_store %arg61[%swap3A, %swap3A_849], %add3A_840 {strides = array<i32>} : memref<128x32xf32, #tpu.memory_space<vmem>>, vector<16xf32>,
      %swap3A_851 = arith.index_cast %add3A_848 : i32 to index
      %swap3A_852 = arith.constant 16 : index
      %swap3A_853 = tpu.vector_load %arg61[%swap3A_851, %swap3A_852] {strides = array<i32>} : memref<128x32xf32, #tpu.memory_space<vmem>>, vector<16xf32>,
      tpu.vector_store %arg61[%swap3A_851, %swap3A_852], %add3A_846 {strides = array<i32>} : memref<128x32xf32, #tpu.memory_space<vmem>>, vector<16xf32>,
      %scan3A_854 = arith.constant 0 : i32
      scf.yield %scan3A_854 : i32
    }
    %scan3A_208 = arith.constant 32 : i32
    %dma_start3A_209 = arith.constant 4800 : i32
    %dma_start3A_210 = tpu.memref_slice %arg59[%dma_start3A_209] : memref<6400xi32, #tpu.memory_space<vmem>> -> memref<1600xi32, #tpu.memory_space<vmem>>
    %dma_start3A_211 = arith.constant 0 : i32
    %dma_start3A_212 = arith.constant 0 : i32
    %dma_start3A_213 = tpu.memref_slice %arg55[%dma_start3A_211, %dma_start3A_212] : memref<100000x32xf32, #tpu.memory_space<hbm>> -> memref<100000x32xf32, #tpu.memory_space<hbm>>
    tpu.enqueue_indirect_dma source(%dma_start3A_213 : memref<100000x32xf32, #tpu.memory_space<hbm>>) target(%arg60 : memref<1600x32xf32, #tpu.memory_space<vmem>>) offsets(%dma_start3A_210 : memref<1600xi32, #tpu.memory_space<vmem>>) semaphore(%arg64 : memref<!tpu.dma_semaphore, #tpu.memory_space<semaphore_mem>>)
    %dma_wait3A_214 = arith.constant 4800 : i32
    %dma_wait3A_215 = tpu.memref_slice %arg59[%dma_wait3A_214] : memref<6400xi32, #tpu.memory_space<vmem>> -> memref<1600xi32, #tpu.memory_space<vmem>>
    %dma_wait3A_216 = arith.constant 0 : i32
    %dma_wait3A_217 = arith.constant 0 : i32
    %dma_wait3A_218 = tpu.memref_slice %arg55[%dma_wait3A_216, %dma_wait3A_217] : memref<100000x32xf32, #tpu.memory_space<hbm>> -> memref<100000x32xf32, #tpu.memory_space<hbm>>
    tpu.wait_indirect_dma semaphore(%arg64 : memref<!tpu.dma_semaphore, #tpu.memory_space<semaphore_mem>>) src(%dma_wait3A_218 : memref<100000x32xf32, #tpu.memory_space<hbm>>) dst(%arg60 : memref<1600x32xf32, #tpu.memory_space<vmem>>)
    %scan3A_219 = arith.constant 0 : i32
    %scan3A_220 = arith.constant 0 : i32
    %scan3A_221 = arith.constant 32 : i32
    %scan3A_222 = arith.addi %scan3A_220, %scan3A_221 : i32
    %scan3A_223 = arith.constant 1 : i32
    %scan3A_224 = scf.for %scan3A_240 = %scan3A_220 to %scan3A_222 step %scan3A_223 iter_args(%scan3A_241 = %scan3A_219) -> (i32)  : i32 {
      %mul3A_242 = arith.constant 50 : i32
      %mul3A_243 = arith.muli %scan3A_240, %mul3A_242 : i32
      %broadcast_in_dim3A = arith.constant 0.000000e+00 : f32
      %broadcast_in_dim3A_244 = vector.broadcast %broadcast_in_dim3A : f32 to vector<16xf32>
      %broadcast_in_dim3A_245 = arith.constant 0.000000e+00 : f32
      %broadcast_in_dim3A_246 = vector.broadcast %broadcast_in_dim3A_245 : f32 to vector<16xf32>
      %add3A_247 = arith.constant 0 : i32
      %add3A_248 = arith.addi %mul3A_243, %add3A_247 : i32
      %get3A_249 = arith.index_cast %add3A_248 : i32 to index
      %get3A_250 = arith.constant 0 : index
      %get3A_251 = tpu.vector_load %arg60[%get3A_249, %get3A_250] {strides = array<i32>} : memref<1600x32xf32, #tpu.memory_space<vmem>>, vector<16xf32>,
      %add3A_252 = arith.addf %broadcast_in_dim3A_244, %get3A_251 : vector<16xf32>
      %add3A_253 = arith.constant 0 : i32
      %add3A_254 = arith.addi %mul3A_243, %add3A_253 : i32
      %get3A_255 = arith.index_cast %add3A_254 : i32 to index
      %get3A_256 = arith.constant 16 : index
      %get3A_257 = tpu.vector_load %arg60[%get3A_255, %get3A_256] {strides = array<i32>} : memref<1600x32xf32, #tpu.memory_space<vmem>>, vector<16xf32>,
      %add3A_258 = arith.addf %broadcast_in_dim3A_246, %get3A_257 : vector<16xf32>
      %add3A_259 = arith.constant 1 : i32
      %add3A_260 = arith.addi %mul3A_243, %add3A_259 : i32
      %get3A_261 = arith.index_cast %add3A_260 : i32 to index
      %get3A_262 = arith.constant 0 : index
      %get3A_263 = tpu.vector_load %arg60[%get3A_261, %get3A_262] {strides = array<i32>} : memref<1600x32xf32, #tpu.memory_space<vmem>>, vector<16xf32>,
      %add3A_264 = arith.addf %add3A_252, %get3A_263 : vector<16xf32>
      %add3A_265 = arith.constant 1 : i32
      %add3A_266 = arith.addi %mul3A_243, %add3A_265 : i32
      %get3A_267 = arith.index_cast %add3A_266 : i32 to index
      %get3A_268 = arith.constant 16 : index
      %get3A_269 = tpu.vector_load %arg60[%get3A_267, %get3A_268] {strides = array<i32>} : memref<1600x32xf32, #tpu.memory_space<vmem>>, vector<16xf32>,
      %add3A_270 = arith.addf %add3A_258, %get3A_269 : vector<16xf32>
      %add3A_271 = arith.constant 2 : i32
      %add3A_272 = arith.addi %mul3A_243, %add3A_271 : i32
      %get3A_273 = arith.index_cast %add3A_272 : i32 to index
      %get3A_274 = arith.constant 0 : index
      %get3A_275 = tpu.vector_load %arg60[%get3A_273, %get3A_274] {strides = array<i32>} : memref<1600x32xf32, #tpu.memory_space<vmem>>, vector<16xf32>,
      %add3A_276 = arith.addf %add3A_264, %get3A_275 : vector<16xf32>
      %add3A_277 = arith.constant 2 : i32
      %add3A_278 = arith.addi %mul3A_243, %add3A_277 : i32
      %get3A_279 = arith.index_cast %add3A_278 : i32 to index
      %get3A_280 = arith.constant 16 : index
      %get3A_281 = tpu.vector_load %arg60[%get3A_279, %get3A_280] {strides = array<i32>} : memref<1600x32xf32, #tpu.memory_space<vmem>>, vector<16xf32>,
      %add3A_282 = arith.addf %add3A_270, %get3A_281 : vector<16xf32>
      %add3A_283 = arith.constant 3 : i32
      %add3A_284 = arith.addi %mul3A_243, %add3A_283 : i32
      %get3A_285 = arith.index_cast %add3A_284 : i32 to index
      %get3A_286 = arith.constant 0 : index
      %get3A_287 = tpu.vector_load %arg60[%get3A_285, %get3A_286] {strides = array<i32>} : memref<1600x32xf32, #tpu.memory_space<vmem>>, vector<16xf32>,
      %add3A_288 = arith.addf %add3A_276, %get3A_287 : vector<16xf32>
      %add3A_289 = arith.constant 3 : i32
      %add3A_290 = arith.addi %mul3A_243, %add3A_289 : i32
      %get3A_291 = arith.index_cast %add3A_290 : i32 to index
      %get3A_292 = arith.constant 16 : index
      %get3A_293 = tpu.vector_load %arg60[%get3A_291, %get3A_292] {strides = array<i32>} : memref<1600x32xf32, #tpu.memory_space<vmem>>, vector<16xf32>,
      %add3A_294 = arith.addf %add3A_282, %get3A_293 : vector<16xf32>
      %add3A_295 = arith.constant 4 : i32
      %add3A_296 = arith.addi %mul3A_243, %add3A_295 : i32
      %get3A_297 = arith.index_cast %add3A_296 : i32 to index
      %get3A_298 = arith.constant 0 : index
      %get3A_299 = tpu.vector_load %arg60[%get3A_297, %get3A_298] {strides = array<i32>} : memref<1600x32xf32, #tpu.memory_space<vmem>>, vector<16xf32>,
      %add3A_300 = arith.addf %add3A_288, %get3A_299 : vector<16xf32>
      %add3A_301 = arith.constant 4 : i32
      %add3A_302 = arith.addi %mul3A_243, %add3A_301 : i32
      %get3A_303 = arith.index_cast %add3A_302 : i32 to index
      %get3A_304 = arith.constant 16 : index
      %get3A_305 = tpu.vector_load %arg60[%get3A_303, %get3A_304] {strides = array<i32>} : memref<1600x32xf32, #tpu.memory_space<vmem>>, vector<16xf32>,
      %add3A_306 = arith.addf %add3A_294, %get3A_305 : vector<16xf32>
      %add3A_307 = arith.constant 5 : i32
      %add3A_308 = arith.addi %mul3A_243, %add3A_307 : i32
      %get3A_309 = arith.index_cast %add3A_308 : i32 to index
      %get3A_310 = arith.constant 0 : index
      %get3A_311 = tpu.vector_load %arg60[%get3A_309, %get3A_310] {strides = array<i32>} : memref<1600x32xf32, #tpu.memory_space<vmem>>, vector<16xf32>,
      %add3A_312 = arith.addf %add3A_300, %get3A_311 : vector<16xf32>
      %add3A_313 = arith.constant 5 : i32
      %add3A_314 = arith.addi %mul3A_243, %add3A_313 : i32
      %get3A_315 = arith.index_cast %add3A_314 : i32 to index
      %get3A_316 = arith.constant 16 : index
      %get3A_317 = tpu.vector_load %arg60[%get3A_315, %get3A_316] {strides = array<i32>} : memref<1600x32xf32, #tpu.memory_space<vmem>>, vector<16xf32>,
      %add3A_318 = arith.addf %add3A_306, %get3A_317 : vector<16xf32>
      %add3A_319 = arith.constant 6 : i32
      %add3A_320 = arith.addi %mul3A_243, %add3A_319 : i32
      %get3A_321 = arith.index_cast %add3A_320 : i32 to index
      %get3A_322 = arith.constant 0 : index
      %get3A_323 = tpu.vector_load %arg60[%get3A_321, %get3A_322] {strides = array<i32>} : memref<1600x32xf32, #tpu.memory_space<vmem>>, vector<16xf32>,
      %add3A_324 = arith.addf %add3A_312, %get3A_323 : vector<16xf32>
      %add3A_325 = arith.constant 6 : i32
      %add3A_326 = arith.addi %mul3A_243, %add3A_325 : i32
      %get3A_327 = arith.index_cast %add3A_326 : i32 to index
      %get3A_328 = arith.constant 16 : index
      %get3A_329 = tpu.vector_load %arg60[%get3A_327, %get3A_328] {strides = array<i32>} : memref<1600x32xf32, #tpu.memory_space<vmem>>, vector<16xf32>,
      %add3A_330 = arith.addf %add3A_318, %get3A_329 : vector<16xf32>
      %add3A_331 = arith.constant 7 : i32
      %add3A_332 = arith.addi %mul3A_243, %add3A_331 : i32
      %get3A_333 = arith.index_cast %add3A_332 : i32 to index
      %get3A_334 = arith.constant 0 : index
      %get3A_335 = tpu.vector_load %arg60[%get3A_333, %get3A_334] {strides = array<i32>} : memref<1600x32xf32, #tpu.memory_space<vmem>>, vector<16xf32>,
      %add3A_336 = arith.addf %add3A_324, %get3A_335 : vector<16xf32>
      %add3A_337 = arith.constant 7 : i32
      %add3A_338 = arith.addi %mul3A_243, %add3A_337 : i32
      %get3A_339 = arith.index_cast %add3A_338 : i32 to index
      %get3A_340 = arith.constant 16 : index
      %get3A_341 = tpu.vector_load %arg60[%get3A_339, %get3A_340] {strides = array<i32>} : memref<1600x32xf32, #tpu.memory_space<vmem>>, vector<16xf32>,
      %add3A_342 = arith.addf %add3A_330, %get3A_341 : vector<16xf32>
      %add3A_343 = arith.constant 8 : i32
      %add3A_344 = arith.addi %mul3A_243, %add3A_343 : i32
      %get3A_345 = arith.index_cast %add3A_344 : i32 to index
      %get3A_346 = arith.constant 0 : index
      %get3A_347 = tpu.vector_load %arg60[%get3A_345, %get3A_346] {strides = array<i32>} : memref<1600x32xf32, #tpu.memory_space<vmem>>, vector<16xf32>,
      %add3A_348 = arith.addf %add3A_336, %get3A_347 : vector<16xf32>
      %add3A_349 = arith.constant 8 : i32
      %add3A_350 = arith.addi %mul3A_243, %add3A_349 : i32
      %get3A_351 = arith.index_cast %add3A_350 : i32 to index
      %get3A_352 = arith.constant 16 : index
      %get3A_353 = tpu.vector_load %arg60[%get3A_351, %get3A_352] {strides = array<i32>} : memref<1600x32xf32, #tpu.memory_space<vmem>>, vector<16xf32>,
      %add3A_354 = arith.addf %add3A_342, %get3A_353 : vector<16xf32>
      %add3A_355 = arith.constant 9 : i32
      %add3A_356 = arith.addi %mul3A_243, %add3A_355 : i32
      %get3A_357 = arith.index_cast %add3A_356 : i32 to index
      %get3A_358 = arith.constant 0 : index
      %get3A_359 = tpu.vector_load %arg60[%get3A_357, %get3A_358] {strides = array<i32>} : memref<1600x32xf32, #tpu.memory_space<vmem>>, vector<16xf32>,
      %add3A_360 = arith.addf %add3A_348, %get3A_359 : vector<16xf32>
      %add3A_361 = arith.constant 9 : i32
      %add3A_362 = arith.addi %mul3A_243, %add3A_361 : i32
      %get3A_363 = arith.index_cast %add3A_362 : i32 to index
      %get3A_364 = arith.constant 16 : index
      %get3A_365 = tpu.vector_load %arg60[%get3A_363, %get3A_364] {strides = array<i32>} : memref<1600x32xf32, #tpu.memory_space<vmem>>, vector<16xf32>,
      %add3A_366 = arith.addf %add3A_354, %get3A_365 : vector<16xf32>
      %add3A_367 = arith.constant 10 : i32
      %add3A_368 = arith.addi %mul3A_243, %add3A_367 : i32
      %get3A_369 = arith.index_cast %add3A_368 : i32 to index
      %get3A_370 = arith.constant 0 : index
      %get3A_371 = tpu.vector_load %arg60[%get3A_369, %get3A_370] {strides = array<i32>} : memref<1600x32xf32, #tpu.memory_space<vmem>>, vector<16xf32>,
      %add3A_372 = arith.addf %add3A_360, %get3A_371 : vector<16xf32>
      %add3A_373 = arith.constant 10 : i32
      %add3A_374 = arith.addi %mul3A_243, %add3A_373 : i32
      %get3A_375 = arith.index_cast %add3A_374 : i32 to index
      %get3A_376 = arith.constant 16 : index
      %get3A_377 = tpu.vector_load %arg60[%get3A_375, %get3A_376] {strides = array<i32>} : memref<1600x32xf32, #tpu.memory_space<vmem>>, vector<16xf32>,
      %add3A_378 = arith.addf %add3A_366, %get3A_377 : vector<16xf32>
      %add3A_379 = arith.constant 11 : i32
      %add3A_380 = arith.addi %mul3A_243, %add3A_379 : i32
      %get3A_381 = arith.index_cast %add3A_380 : i32 to index
      %get3A_382 = arith.constant 0 : index
      %get3A_383 = tpu.vector_load %arg60[%get3A_381, %get3A_382] {strides = array<i32>} : memref<1600x32xf32, #tpu.memory_space<vmem>>, vector<16xf32>,
      %add3A_384 = arith.addf %add3A_372, %get3A_383 : vector<16xf32>
      %add3A_385 = arith.constant 11 : i32
      %add3A_386 = arith.addi %mul3A_243, %add3A_385 : i32
      %get3A_387 = arith.index_cast %add3A_386 : i32 to index
      %get3A_388 = arith.constant 16 : index
      %get3A_389 = tpu.vector_load %arg60[%get3A_387, %get3A_388] {strides = array<i32>} : memref<1600x32xf32, #tpu.memory_space<vmem>>, vector<16xf32>,
      %add3A_390 = arith.addf %add3A_378, %get3A_389 : vector<16xf32>
      %add3A_391 = arith.constant 12 : i32
      %add3A_392 = arith.addi %mul3A_243, %add3A_391 : i32
      %get3A_393 = arith.index_cast %add3A_392 : i32 to index
      %get3A_394 = arith.constant 0 : index
      %get3A_395 = tpu.vector_load %arg60[%get3A_393, %get3A_394] {strides = array<i32>} : memref<1600x32xf32, #tpu.memory_space<vmem>>, vector<16xf32>,
      %add3A_396 = arith.addf %add3A_384, %get3A_395 : vector<16xf32>
      %add3A_397 = arith.constant 12 : i32
      %add3A_398 = arith.addi %mul3A_243, %add3A_397 : i32
      %get3A_399 = arith.index_cast %add3A_398 : i32 to index
      %get3A_400 = arith.constant 16 : index
      %get3A_401 = tpu.vector_load %arg60[%get3A_399, %get3A_400] {strides = array<i32>} : memref<1600x32xf32, #tpu.memory_space<vmem>>, vector<16xf32>,
      %add3A_402 = arith.addf %add3A_390, %get3A_401 : vector<16xf32>
      %add3A_403 = arith.constant 13 : i32
      %add3A_404 = arith.addi %mul3A_243, %add3A_403 : i32
      %get3A_405 = arith.index_cast %add3A_404 : i32 to index
      %get3A_406 = arith.constant 0 : index
      %get3A_407 = tpu.vector_load %arg60[%get3A_405, %get3A_406] {strides = array<i32>} : memref<1600x32xf32, #tpu.memory_space<vmem>>, vector<16xf32>,
      %add3A_408 = arith.addf %add3A_396, %get3A_407 : vector<16xf32>
      %add3A_409 = arith.constant 13 : i32
      %add3A_410 = arith.addi %mul3A_243, %add3A_409 : i32
      %get3A_411 = arith.index_cast %add3A_410 : i32 to index
      %get3A_412 = arith.constant 16 : index
      %get3A_413 = tpu.vector_load %arg60[%get3A_411, %get3A_412] {strides = array<i32>} : memref<1600x32xf32, #tpu.memory_space<vmem>>, vector<16xf32>,
      %add3A_414 = arith.addf %add3A_402, %get3A_413 : vector<16xf32>
      %add3A_415 = arith.constant 14 : i32
      %add3A_416 = arith.addi %mul3A_243, %add3A_415 : i32
      %get3A_417 = arith.index_cast %add3A_416 : i32 to index
      %get3A_418 = arith.constant 0 : index
      %get3A_419 = tpu.vector_load %arg60[%get3A_417, %get3A_418] {strides = array<i32>} : memref<1600x32xf32, #tpu.memory_space<vmem>>, vector<16xf32>,
      %add3A_420 = arith.addf %add3A_408, %get3A_419 : vector<16xf32>
      %add3A_421 = arith.constant 14 : i32
      %add3A_422 = arith.addi %mul3A_243, %add3A_421 : i32
      %get3A_423 = arith.index_cast %add3A_422 : i32 to index
      %get3A_424 = arith.constant 16 : index
      %get3A_425 = tpu.vector_load %arg60[%get3A_423, %get3A_424] {strides = array<i32>} : memref<1600x32xf32, #tpu.memory_space<vmem>>, vector<16xf32>,
      %add3A_426 = arith.addf %add3A_414, %get3A_425 : vector<16xf32>
      %add3A_427 = arith.constant 15 : i32
      %add3A_428 = arith.addi %mul3A_243, %add3A_427 : i32
      %get3A_429 = arith.index_cast %add3A_428 : i32 to index
      %get3A_430 = arith.constant 0 : index
      %get3A_431 = tpu.vector_load %arg60[%get3A_429, %get3A_430] {strides = array<i32>} : memref<1600x32xf32, #tpu.memory_space<vmem>>, vector<16xf32>,
      %add3A_432 = arith.addf %add3A_420, %get3A_431 : vector<16xf32>
      %add3A_433 = arith.constant 15 : i32
      %add3A_434 = arith.addi %mul3A_243, %add3A_433 : i32
      %get3A_435 = arith.index_cast %add3A_434 : i32 to index
      %get3A_436 = arith.constant 16 : index
      %get3A_437 = tpu.vector_load %arg60[%get3A_435, %get3A_436] {strides = array<i32>} : memref<1600x32xf32, #tpu.memory_space<vmem>>, vector<16xf32>,
      %add3A_438 = arith.addf %add3A_426, %get3A_437 : vector<16xf32>
      %add3A_439 = arith.constant 16 : i32
      %add3A_440 = arith.addi %mul3A_243, %add3A_439 : i32
      %get3A_441 = arith.index_cast %add3A_440 : i32 to index
      %get3A_442 = arith.constant 0 : index
      %get3A_443 = tpu.vector_load %arg60[%get3A_441, %get3A_442] {strides = array<i32>} : memref<1600x32xf32, #tpu.memory_space<vmem>>, vector<16xf32>,
      %add3A_444 = arith.addf %add3A_432, %get3A_443 : vector<16xf32>
      %add3A_445 = arith.constant 16 : i32
      %add3A_446 = arith.addi %mul3A_243, %add3A_445 : i32
      %get3A_447 = arith.index_cast %add3A_446 : i32 to index
      %get3A_448 = arith.constant 16 : index
      %get3A_449 = tpu.vector_load %arg60[%get3A_447, %get3A_448] {strides = array<i32>} : memref<1600x32xf32, #tpu.memory_space<vmem>>, vector<16xf32>,
      %add3A_450 = arith.addf %add3A_438, %get3A_449 : vector<16xf32>
      %add3A_451 = arith.constant 17 : i32
      %add3A_452 = arith.addi %mul3A_243, %add3A_451 : i32
      %get3A_453 = arith.index_cast %add3A_452 : i32 to index
      %get3A_454 = arith.constant 0 : index
      %get3A_455 = tpu.vector_load %arg60[%get3A_453, %get3A_454] {strides = array<i32>} : memref<1600x32xf32, #tpu.memory_space<vmem>>, vector<16xf32>,
      %add3A_456 = arith.addf %add3A_444, %get3A_455 : vector<16xf32>
      %add3A_457 = arith.constant 17 : i32
      %add3A_458 = arith.addi %mul3A_243, %add3A_457 : i32
      %get3A_459 = arith.index_cast %add3A_458 : i32 to index
      %get3A_460 = arith.constant 16 : index
      %get3A_461 = tpu.vector_load %arg60[%get3A_459, %get3A_460] {strides = array<i32>} : memref<1600x32xf32, #tpu.memory_space<vmem>>, vector<16xf32>,
      %add3A_462 = arith.addf %add3A_450, %get3A_461 : vector<16xf32>
      %add3A_463 = arith.constant 18 : i32
      %add3A_464 = arith.addi %mul3A_243, %add3A_463 : i32
      %get3A_465 = arith.index_cast %add3A_464 : i32 to index
      %get3A_466 = arith.constant 0 : index
      %get3A_467 = tpu.vector_load %arg60[%get3A_465, %get3A_466] {strides = array<i32>} : memref<1600x32xf32, #tpu.memory_space<vmem>>, vector<16xf32>,
      %add3A_468 = arith.addf %add3A_456, %get3A_467 : vector<16xf32>
      %add3A_469 = arith.constant 18 : i32
      %add3A_470 = arith.addi %mul3A_243, %add3A_469 : i32
      %get3A_471 = arith.index_cast %add3A_470 : i32 to index
      %get3A_472 = arith.constant 16 : index
      %get3A_473 = tpu.vector_load %arg60[%get3A_471, %get3A_472] {strides = array<i32>} : memref<1600x32xf32, #tpu.memory_space<vmem>>, vector<16xf32>,
      %add3A_474 = arith.addf %add3A_462, %get3A_473 : vector<16xf32>
      %add3A_475 = arith.constant 19 : i32
      %add3A_476 = arith.addi %mul3A_243, %add3A_475 : i32
      %get3A_477 = arith.index_cast %add3A_476 : i32 to index
      %get3A_478 = arith.constant 0 : index
      %get3A_479 = tpu.vector_load %arg60[%get3A_477, %get3A_478] {strides = array<i32>} : memref<1600x32xf32, #tpu.memory_space<vmem>>, vector<16xf32>,
      %add3A_480 = arith.addf %add3A_468, %get3A_479 : vector<16xf32>
      %add3A_481 = arith.constant 19 : i32
      %add3A_482 = arith.addi %mul3A_243, %add3A_481 : i32
      %get3A_483 = arith.index_cast %add3A_482 : i32 to index
      %get3A_484 = arith.constant 16 : index
      %get3A_485 = tpu.vector_load %arg60[%get3A_483, %get3A_484] {strides = array<i32>} : memref<1600x32xf32, #tpu.memory_space<vmem>>, vector<16xf32>,
      %add3A_486 = arith.addf %add3A_474, %get3A_485 : vector<16xf32>
      %add3A_487 = arith.constant 20 : i32
      %add3A_488 = arith.addi %mul3A_243, %add3A_487 : i32
      %get3A_489 = arith.index_cast %add3A_488 : i32 to index
      %get3A_490 = arith.constant 0 : index
      %get3A_491 = tpu.vector_load %arg60[%get3A_489, %get3A_490] {strides = array<i32>} : memref<1600x32xf32, #tpu.memory_space<vmem>>, vector<16xf32>,
      %add3A_492 = arith.addf %add3A_480, %get3A_491 : vector<16xf32>
      %add3A_493 = arith.constant 20 : i32
      %add3A_494 = arith.addi %mul3A_243, %add3A_493 : i32
      %get3A_495 = arith.index_cast %add3A_494 : i32 to index
      %get3A_496 = arith.constant 16 : index
      %get3A_497 = tpu.vector_load %arg60[%get3A_495, %get3A_496] {strides = array<i32>} : memref<1600x32xf32, #tpu.memory_space<vmem>>, vector<16xf32>,
      %add3A_498 = arith.addf %add3A_486, %get3A_497 : vector<16xf32>
      %add3A_499 = arith.constant 21 : i32
      %add3A_500 = arith.addi %mul3A_243, %add3A_499 : i32
      %get3A_501 = arith.index_cast %add3A_500 : i32 to index
      %get3A_502 = arith.constant 0 : index
      %get3A_503 = tpu.vector_load %arg60[%get3A_501, %get3A_502] {strides = array<i32>} : memref<1600x32xf32, #tpu.memory_space<vmem>>, vector<16xf32>,
      %add3A_504 = arith.addf %add3A_492, %get3A_503 : vector<16xf32>
      %add3A_505 = arith.constant 21 : i32
      %add3A_506 = arith.addi %mul3A_243, %add3A_505 : i32
      %get3A_507 = arith.index_cast %add3A_506 : i32 to index
      %get3A_508 = arith.constant 16 : index
      %get3A_509 = tpu.vector_load %arg60[%get3A_507, %get3A_508] {strides = array<i32>} : memref<1600x32xf32, #tpu.memory_space<vmem>>, vector<16xf32>,
      %add3A_510 = arith.addf %add3A_498, %get3A_509 : vector<16xf32>
      %add3A_511 = arith.constant 22 : i32
      %add3A_512 = arith.addi %mul3A_243, %add3A_511 : i32
      %get3A_513 = arith.index_cast %add3A_512 : i32 to index
      %get3A_514 = arith.constant 0 : index
      %get3A_515 = tpu.vector_load %arg60[%get3A_513, %get3A_514] {strides = array<i32>} : memref<1600x32xf32, #tpu.memory_space<vmem>>, vector<16xf32>,
      %add3A_516 = arith.addf %add3A_504, %get3A_515 : vector<16xf32>
      %add3A_517 = arith.constant 22 : i32
      %add3A_518 = arith.addi %mul3A_243, %add3A_517 : i32
      %get3A_519 = arith.index_cast %add3A_518 : i32 to index
      %get3A_520 = arith.constant 16 : index
      %get3A_521 = tpu.vector_load %arg60[%get3A_519, %get3A_520] {strides = array<i32>} : memref<1600x32xf32, #tpu.memory_space<vmem>>, vector<16xf32>,
      %add3A_522 = arith.addf %add3A_510, %get3A_521 : vector<16xf32>
      %add3A_523 = arith.constant 23 : i32
      %add3A_524 = arith.addi %mul3A_243, %add3A_523 : i32
      %get3A_525 = arith.index_cast %add3A_524 : i32 to index
      %get3A_526 = arith.constant 0 : index
      %get3A_527 = tpu.vector_load %arg60[%get3A_525, %get3A_526] {strides = array<i32>} : memref<1600x32xf32, #tpu.memory_space<vmem>>, vector<16xf32>,
      %add3A_528 = arith.addf %add3A_516, %get3A_527 : vector<16xf32>
      %add3A_529 = arith.constant 23 : i32
      %add3A_530 = arith.addi %mul3A_243, %add3A_529 : i32
      %get3A_531 = arith.index_cast %add3A_530 : i32 to index
      %get3A_532 = arith.constant 16 : index
      %get3A_533 = tpu.vector_load %arg60[%get3A_531, %get3A_532] {strides = array<i32>} : memref<1600x32xf32, #tpu.memory_space<vmem>>, vector<16xf32>,
      %add3A_534 = arith.addf %add3A_522, %get3A_533 : vector<16xf32>
      %add3A_535 = arith.constant 24 : i32
      %add3A_536 = arith.addi %mul3A_243, %add3A_535 : i32
      %get3A_537 = arith.index_cast %add3A_536 : i32 to index
      %get3A_538 = arith.constant 0 : index
      %get3A_539 = tpu.vector_load %arg60[%get3A_537, %get3A_538] {strides = array<i32>} : memref<1600x32xf32, #tpu.memory_space<vmem>>, vector<16xf32>,
      %add3A_540 = arith.addf %add3A_528, %get3A_539 : vector<16xf32>
      %add3A_541 = arith.constant 24 : i32
      %add3A_542 = arith.addi %mul3A_243, %add3A_541 : i32
      %get3A_543 = arith.index_cast %add3A_542 : i32 to index
      %get3A_544 = arith.constant 16 : index
      %get3A_545 = tpu.vector_load %arg60[%get3A_543, %get3A_544] {strides = array<i32>} : memref<1600x32xf32, #tpu.memory_space<vmem>>, vector<16xf32>,
      %add3A_546 = arith.addf %add3A_534, %get3A_545 : vector<16xf32>
      %add3A_547 = arith.constant 25 : i32
      %add3A_548 = arith.addi %mul3A_243, %add3A_547 : i32
      %get3A_549 = arith.index_cast %add3A_548 : i32 to index
      %get3A_550 = arith.constant 0 : index
      %get3A_551 = tpu.vector_load %arg60[%get3A_549, %get3A_550] {strides = array<i32>} : memref<1600x32xf32, #tpu.memory_space<vmem>>, vector<16xf32>,
      %add3A_552 = arith.addf %add3A_540, %get3A_551 : vector<16xf32>
      %add3A_553 = arith.constant 25 : i32
      %add3A_554 = arith.addi %mul3A_243, %add3A_553 : i32
      %get3A_555 = arith.index_cast %add3A_554 : i32 to index
      %get3A_556 = arith.constant 16 : index
      %get3A_557 = tpu.vector_load %arg60[%get3A_555, %get3A_556] {strides = array<i32>} : memref<1600x32xf32, #tpu.memory_space<vmem>>, vector<16xf32>,
      %add3A_558 = arith.addf %add3A_546, %get3A_557 : vector<16xf32>
      %add3A_559 = arith.constant 26 : i32
      %add3A_560 = arith.addi %mul3A_243, %add3A_559 : i32
      %get3A_561 = arith.index_cast %add3A_560 : i32 to index
      %get3A_562 = arith.constant 0 : index
      %get3A_563 = tpu.vector_load %arg60[%get3A_561, %get3A_562] {strides = array<i32>} : memref<1600x32xf32, #tpu.memory_space<vmem>>, vector<16xf32>,
      %add3A_564 = arith.addf %add3A_552, %get3A_563 : vector<16xf32>
      %add3A_565 = arith.constant 26 : i32
      %add3A_566 = arith.addi %mul3A_243, %add3A_565 : i32
      %get3A_567 = arith.index_cast %add3A_566 : i32 to index
      %get3A_568 = arith.constant 16 : index
      %get3A_569 = tpu.vector_load %arg60[%get3A_567, %get3A_568] {strides = array<i32>} : memref<1600x32xf32, #tpu.memory_space<vmem>>, vector<16xf32>,
      %add3A_570 = arith.addf %add3A_558, %get3A_569 : vector<16xf32>
      %add3A_571 = arith.constant 27 : i32
      %add3A_572 = arith.addi %mul3A_243, %add3A_571 : i32
      %get3A_573 = arith.index_cast %add3A_572 : i32 to index
      %get3A_574 = arith.constant 0 : index
      %get3A_575 = tpu.vector_load %arg60[%get3A_573, %get3A_574] {strides = array<i32>} : memref<1600x32xf32, #tpu.memory_space<vmem>>, vector<16xf32>,
      %add3A_576 = arith.addf %add3A_564, %get3A_575 : vector<16xf32>
      %add3A_577 = arith.constant 27 : i32
      %add3A_578 = arith.addi %mul3A_243, %add3A_577 : i32
      %get3A_579 = arith.index_cast %add3A_578 : i32 to index
      %get3A_580 = arith.constant 16 : index
      %get3A_581 = tpu.vector_load %arg60[%get3A_579, %get3A_580] {strides = array<i32>} : memref<1600x32xf32, #tpu.memory_space<vmem>>, vector<16xf32>,
      %add3A_582 = arith.addf %add3A_570, %get3A_581 : vector<16xf32>
      %add3A_583 = arith.constant 28 : i32
      %add3A_584 = arith.addi %mul3A_243, %add3A_583 : i32
      %get3A_585 = arith.index_cast %add3A_584 : i32 to index
      %get3A_586 = arith.constant 0 : index
      %get3A_587 = tpu.vector_load %arg60[%get3A_585, %get3A_586] {strides = array<i32>} : memref<1600x32xf32, #tpu.memory_space<vmem>>, vector<16xf32>,
      %add3A_588 = arith.addf %add3A_576, %get3A_587 : vector<16xf32>
      %add3A_589 = arith.constant 28 : i32
      %add3A_590 = arith.addi %mul3A_243, %add3A_589 : i32
      %get3A_591 = arith.index_cast %add3A_590 : i32 to index
      %get3A_592 = arith.constant 16 : index
      %get3A_593 = tpu.vector_load %arg60[%get3A_591, %get3A_592] {strides = array<i32>} : memref<1600x32xf32, #tpu.memory_space<vmem>>, vector<16xf32>,
      %add3A_594 = arith.addf %add3A_582, %get3A_593 : vector<16xf32>
      %add3A_595 = arith.constant 29 : i32
      %add3A_596 = arith.addi %mul3A_243, %add3A_595 : i32
      %get3A_597 = arith.index_cast %add3A_596 : i32 to index
      %get3A_598 = arith.constant 0 : index
      %get3A_599 = tpu.vector_load %arg60[%get3A_597, %get3A_598] {strides = array<i32>} : memref<1600x32xf32, #tpu.memory_space<vmem>>, vector<16xf32>,
      %add3A_600 = arith.addf %add3A_588, %get3A_599 : vector<16xf32>
      %add3A_601 = arith.constant 29 : i32
      %add3A_602 = arith.addi %mul3A_243, %add3A_601 : i32
      %get3A_603 = arith.index_cast %add3A_602 : i32 to index
      %get3A_604 = arith.constant 16 : index
      %get3A_605 = tpu.vector_load %arg60[%get3A_603, %get3A_604] {strides = array<i32>} : memref<1600x32xf32, #tpu.memory_space<vmem>>, vector<16xf32>,
      %add3A_606 = arith.addf %add3A_594, %get3A_605 : vector<16xf32>
      %add3A_607 = arith.constant 30 : i32
      %add3A_608 = arith.addi %mul3A_243, %add3A_607 : i32
      %get3A_609 = arith.index_cast %add3A_608 : i32 to index
      %get3A_610 = arith.constant 0 : index
      %get3A_611 = tpu.vector_load %arg60[%get3A_609, %get3A_610] {strides = array<i32>} : memref<1600x32xf32, #tpu.memory_space<vmem>>, vector<16xf32>,
      %add3A_612 = arith.addf %add3A_600, %get3A_611 : vector<16xf32>
      %add3A_613 = arith.constant 30 : i32
      %add3A_614 = arith.addi %mul3A_243, %add3A_613 : i32
      %get3A_615 = arith.index_cast %add3A_614 : i32 to index
      %get3A_616 = arith.constant 16 : index
      %get3A_617 = tpu.vector_load %arg60[%get3A_615, %get3A_616] {strides = array<i32>} : memref<1600x32xf32, #tpu.memory_space<vmem>>, vector<16xf32>,
      %add3A_618 = arith.addf %add3A_606, %get3A_617 : vector<16xf32>
      %add3A_619 = arith.constant 31 : i32
      %add3A_620 = arith.addi %mul3A_243, %add3A_619 : i32
      %get3A_621 = arith.index_cast %add3A_620 : i32 to index
      %get3A_622 = arith.constant 0 : index
      %get3A_623 = tpu.vector_load %arg60[%get3A_621, %get3A_622] {strides = array<i32>} : memref<1600x32xf32, #tpu.memory_space<vmem>>, vector<16xf32>,
      %add3A_624 = arith.addf %add3A_612, %get3A_623 : vector<16xf32>
      %add3A_625 = arith.constant 31 : i32
      %add3A_626 = arith.addi %mul3A_243, %add3A_625 : i32
      %get3A_627 = arith.index_cast %add3A_626 : i32 to index
      %get3A_628 = arith.constant 16 : index
      %get3A_629 = tpu.vector_load %arg60[%get3A_627, %get3A_628] {strides = array<i32>} : memref<1600x32xf32, #tpu.memory_space<vmem>>, vector<16xf32>,
      %add3A_630 = arith.addf %add3A_618, %get3A_629 : vector<16xf32>
      %add3A_631 = arith.constant 32 : i32
      %add3A_632 = arith.addi %mul3A_243, %add3A_631 : i32
      %get3A_633 = arith.index_cast %add3A_632 : i32 to index
      %get3A_634 = arith.constant 0 : index
      %get3A_635 = tpu.vector_load %arg60[%get3A_633, %get3A_634] {strides = array<i32>} : memref<1600x32xf32, #tpu.memory_space<vmem>>, vector<16xf32>,
      %add3A_636 = arith.addf %add3A_624, %get3A_635 : vector<16xf32>
      %add3A_637 = arith.constant 32 : i32
      %add3A_638 = arith.addi %mul3A_243, %add3A_637 : i32
      %get3A_639 = arith.index_cast %add3A_638 : i32 to index
      %get3A_640 = arith.constant 16 : index
      %get3A_641 = tpu.vector_load %arg60[%get3A_639, %get3A_640] {strides = array<i32>} : memref<1600x32xf32, #tpu.memory_space<vmem>>, vector<16xf32>,
      %add3A_642 = arith.addf %add3A_630, %get3A_641 : vector<16xf32>
      %add3A_643 = arith.constant 33 : i32
      %add3A_644 = arith.addi %mul3A_243, %add3A_643 : i32
      %get3A_645 = arith.index_cast %add3A_644 : i32 to index
      %get3A_646 = arith.constant 0 : index
      %get3A_647 = tpu.vector_load %arg60[%get3A_645, %get3A_646] {strides = array<i32>} : memref<1600x32xf32, #tpu.memory_space<vmem>>, vector<16xf32>,
      %add3A_648 = arith.addf %add3A_636, %get3A_647 : vector<16xf32>
      %add3A_649 = arith.constant 33 : i32
      %add3A_650 = arith.addi %mul3A_243, %add3A_649 : i32
      %get3A_651 = arith.index_cast %add3A_650 : i32 to index
      %get3A_652 = arith.constant 16 : index
      %get3A_653 = tpu.vector_load %arg60[%get3A_651, %get3A_652] {strides = array<i32>} : memref<1600x32xf32, #tpu.memory_space<vmem>>, vector<16xf32>,
      %add3A_654 = arith.addf %add3A_642, %get3A_653 : vector<16xf32>
      %add3A_655 = arith.constant 34 : i32
      %add3A_656 = arith.addi %mul3A_243, %add3A_655 : i32
      %get3A_657 = arith.index_cast %add3A_656 : i32 to index
      %get3A_658 = arith.constant 0 : index
      %get3A_659 = tpu.vector_load %arg60[%get3A_657, %get3A_658] {strides = array<i32>} : memref<1600x32xf32, #tpu.memory_space<vmem>>, vector<16xf32>,
      %add3A_660 = arith.addf %add3A_648, %get3A_659 : vector<16xf32>
      %add3A_661 = arith.constant 34 : i32
      %add3A_662 = arith.addi %mul3A_243, %add3A_661 : i32
      %get3A_663 = arith.index_cast %add3A_662 : i32 to index
      %get3A_664 = arith.constant 16 : index
      %get3A_665 = tpu.vector_load %arg60[%get3A_663, %get3A_664] {strides = array<i32>} : memref<1600x32xf32, #tpu.memory_space<vmem>>, vector<16xf32>,
      %add3A_666 = arith.addf %add3A_654, %get3A_665 : vector<16xf32>
      %add3A_667 = arith.constant 35 : i32
      %add3A_668 = arith.addi %mul3A_243, %add3A_667 : i32
      %get3A_669 = arith.index_cast %add3A_668 : i32 to index
      %get3A_670 = arith.constant 0 : index
      %get3A_671 = tpu.vector_load %arg60[%get3A_669, %get3A_670] {strides = array<i32>} : memref<1600x32xf32, #tpu.memory_space<vmem>>, vector<16xf32>,
      %add3A_672 = arith.addf %add3A_660, %get3A_671 : vector<16xf32>
      %add3A_673 = arith.constant 35 : i32
      %add3A_674 = arith.addi %mul3A_243, %add3A_673 : i32
      %get3A_675 = arith.index_cast %add3A_674 : i32 to index
      %get3A_676 = arith.constant 16 : index
      %get3A_677 = tpu.vector_load %arg60[%get3A_675, %get3A_676] {strides = array<i32>} : memref<1600x32xf32, #tpu.memory_space<vmem>>, vector<16xf32>,
      %add3A_678 = arith.addf %add3A_666, %get3A_677 : vector<16xf32>
      %add3A_679 = arith.constant 36 : i32
      %add3A_680 = arith.addi %mul3A_243, %add3A_679 : i32
      %get3A_681 = arith.index_cast %add3A_680 : i32 to index
      %get3A_682 = arith.constant 0 : index
      %get3A_683 = tpu.vector_load %arg60[%get3A_681, %get3A_682] {strides = array<i32>} : memref<1600x32xf32, #tpu.memory_space<vmem>>, vector<16xf32>,
      %add3A_684 = arith.addf %add3A_672, %get3A_683 : vector<16xf32>
      %add3A_685 = arith.constant 36 : i32
      %add3A_686 = arith.addi %mul3A_243, %add3A_685 : i32
      %get3A_687 = arith.index_cast %add3A_686 : i32 to index
      %get3A_688 = arith.constant 16 : index
      %get3A_689 = tpu.vector_load %arg60[%get3A_687, %get3A_688] {strides = array<i32>} : memref<1600x32xf32, #tpu.memory_space<vmem>>, vector<16xf32>,
      %add3A_690 = arith.addf %add3A_678, %get3A_689 : vector<16xf32>
      %add3A_691 = arith.constant 37 : i32
      %add3A_692 = arith.addi %mul3A_243, %add3A_691 : i32
      %get3A_693 = arith.index_cast %add3A_692 : i32 to index
      %get3A_694 = arith.constant 0 : index
      %get3A_695 = tpu.vector_load %arg60[%get3A_693, %get3A_694] {strides = array<i32>} : memref<1600x32xf32, #tpu.memory_space<vmem>>, vector<16xf32>,
      %add3A_696 = arith.addf %add3A_684, %get3A_695 : vector<16xf32>
      %add3A_697 = arith.constant 37 : i32
      %add3A_698 = arith.addi %mul3A_243, %add3A_697 : i32
      %get3A_699 = arith.index_cast %add3A_698 : i32 to index
      %get3A_700 = arith.constant 16 : index
      %get3A_701 = tpu.vector_load %arg60[%get3A_699, %get3A_700] {strides = array<i32>} : memref<1600x32xf32, #tpu.memory_space<vmem>>, vector<16xf32>,
      %add3A_702 = arith.addf %add3A_690, %get3A_701 : vector<16xf32>
      %add3A_703 = arith.constant 38 : i32
      %add3A_704 = arith.addi %mul3A_243, %add3A_703 : i32
      %get3A_705 = arith.index_cast %add3A_704 : i32 to index
      %get3A_706 = arith.constant 0 : index
      %get3A_707 = tpu.vector_load %arg60[%get3A_705, %get3A_706] {strides = array<i32>} : memref<1600x32xf32, #tpu.memory_space<vmem>>, vector<16xf32>,
      %add3A_708 = arith.addf %add3A_696, %get3A_707 : vector<16xf32>
      %add3A_709 = arith.constant 38 : i32
      %add3A_710 = arith.addi %mul3A_243, %add3A_709 : i32
      %get3A_711 = arith.index_cast %add3A_710 : i32 to index
      %get3A_712 = arith.constant 16 : index
      %get3A_713 = tpu.vector_load %arg60[%get3A_711, %get3A_712] {strides = array<i32>} : memref<1600x32xf32, #tpu.memory_space<vmem>>, vector<16xf32>,
      %add3A_714 = arith.addf %add3A_702, %get3A_713 : vector<16xf32>
      %add3A_715 = arith.constant 39 : i32
      %add3A_716 = arith.addi %mul3A_243, %add3A_715 : i32
      %get3A_717 = arith.index_cast %add3A_716 : i32 to index
      %get3A_718 = arith.constant 0 : index
      %get3A_719 = tpu.vector_load %arg60[%get3A_717, %get3A_718] {strides = array<i32>} : memref<1600x32xf32, #tpu.memory_space<vmem>>, vector<16xf32>,
      %add3A_720 = arith.addf %add3A_708, %get3A_719 : vector<16xf32>
      %add3A_721 = arith.constant 39 : i32
      %add3A_722 = arith.addi %mul3A_243, %add3A_721 : i32
      %get3A_723 = arith.index_cast %add3A_722 : i32 to index
      %get3A_724 = arith.constant 16 : index
      %get3A_725 = tpu.vector_load %arg60[%get3A_723, %get3A_724] {strides = array<i32>} : memref<1600x32xf32, #tpu.memory_space<vmem>>, vector<16xf32>,
      %add3A_726 = arith.addf %add3A_714, %get3A_725 : vector<16xf32>
      %add3A_727 = arith.constant 40 : i32
      %add3A_728 = arith.addi %mul3A_243, %add3A_727 : i32
      %get3A_729 = arith.index_cast %add3A_728 : i32 to index
      %get3A_730 = arith.constant 0 : index
      %get3A_731 = tpu.vector_load %arg60[%get3A_729, %get3A_730] {strides = array<i32>} : memref<1600x32xf32, #tpu.memory_space<vmem>>, vector<16xf32>,
      %add3A_732 = arith.addf %add3A_720, %get3A_731 : vector<16xf32>
      %add3A_733 = arith.constant 40 : i32
      %add3A_734 = arith.addi %mul3A_243, %add3A_733 : i32
      %get3A_735 = arith.index_cast %add3A_734 : i32 to index
      %get3A_736 = arith.constant 16 : index
      %get3A_737 = tpu.vector_load %arg60[%get3A_735, %get3A_736] {strides = array<i32>} : memref<1600x32xf32, #tpu.memory_space<vmem>>, vector<16xf32>,
      %add3A_738 = arith.addf %add3A_726, %get3A_737 : vector<16xf32>
      %add3A_739 = arith.constant 41 : i32
      %add3A_740 = arith.addi %mul3A_243, %add3A_739 : i32
      %get3A_741 = arith.index_cast %add3A_740 : i32 to index
      %get3A_742 = arith.constant 0 : index
      %get3A_743 = tpu.vector_load %arg60[%get3A_741, %get3A_742] {strides = array<i32>} : memref<1600x32xf32, #tpu.memory_space<vmem>>, vector<16xf32>,
      %add3A_744 = arith.addf %add3A_732, %get3A_743 : vector<16xf32>
      %add3A_745 = arith.constant 41 : i32
      %add3A_746 = arith.addi %mul3A_243, %add3A_745 : i32
      %get3A_747 = arith.index_cast %add3A_746 : i32 to index
      %get3A_748 = arith.constant 16 : index
      %get3A_749 = tpu.vector_load %arg60[%get3A_747, %get3A_748] {strides = array<i32>} : memref<1600x32xf32, #tpu.memory_space<vmem>>, vector<16xf32>,
      %add3A_750 = arith.addf %add3A_738, %get3A_749 : vector<16xf32>
      %add3A_751 = arith.constant 42 : i32
      %add3A_752 = arith.addi %mul3A_243, %add3A_751 : i32
      %get3A_753 = arith.index_cast %add3A_752 : i32 to index
      %get3A_754 = arith.constant 0 : index
      %get3A_755 = tpu.vector_load %arg60[%get3A_753, %get3A_754] {strides = array<i32>} : memref<1600x32xf32, #tpu.memory_space<vmem>>, vector<16xf32>,
      %add3A_756 = arith.addf %add3A_744, %get3A_755 : vector<16xf32>
      %add3A_757 = arith.constant 42 : i32
      %add3A_758 = arith.addi %mul3A_243, %add3A_757 : i32
      %get3A_759 = arith.index_cast %add3A_758 : i32 to index
      %get3A_760 = arith.constant 16 : index
      %get3A_761 = tpu.vector_load %arg60[%get3A_759, %get3A_760] {strides = array<i32>} : memref<1600x32xf32, #tpu.memory_space<vmem>>, vector<16xf32>,
      %add3A_762 = arith.addf %add3A_750, %get3A_761 : vector<16xf32>
      %add3A_763 = arith.constant 43 : i32
      %add3A_764 = arith.addi %mul3A_243, %add3A_763 : i32
      %get3A_765 = arith.index_cast %add3A_764 : i32 to index
      %get3A_766 = arith.constant 0 : index
      %get3A_767 = tpu.vector_load %arg60[%get3A_765, %get3A_766] {strides = array<i32>} : memref<1600x32xf32, #tpu.memory_space<vmem>>, vector<16xf32>,
      %add3A_768 = arith.addf %add3A_756, %get3A_767 : vector<16xf32>
      %add3A_769 = arith.constant 43 : i32
      %add3A_770 = arith.addi %mul3A_243, %add3A_769 : i32
      %get3A_771 = arith.index_cast %add3A_770 : i32 to index
      %get3A_772 = arith.constant 16 : index
      %get3A_773 = tpu.vector_load %arg60[%get3A_771, %get3A_772] {strides = array<i32>} : memref<1600x32xf32, #tpu.memory_space<vmem>>, vector<16xf32>,
      %add3A_774 = arith.addf %add3A_762, %get3A_773 : vector<16xf32>
      %add3A_775 = arith.constant 44 : i32
      %add3A_776 = arith.addi %mul3A_243, %add3A_775 : i32
      %get3A_777 = arith.index_cast %add3A_776 : i32 to index
      %get3A_778 = arith.constant 0 : index
      %get3A_779 = tpu.vector_load %arg60[%get3A_777, %get3A_778] {strides = array<i32>} : memref<1600x32xf32, #tpu.memory_space<vmem>>, vector<16xf32>,
      %add3A_780 = arith.addf %add3A_768, %get3A_779 : vector<16xf32>
      %add3A_781 = arith.constant 44 : i32
      %add3A_782 = arith.addi %mul3A_243, %add3A_781 : i32
      %get3A_783 = arith.index_cast %add3A_782 : i32 to index
      %get3A_784 = arith.constant 16 : index
      %get3A_785 = tpu.vector_load %arg60[%get3A_783, %get3A_784] {strides = array<i32>} : memref<1600x32xf32, #tpu.memory_space<vmem>>, vector<16xf32>,
      %add3A_786 = arith.addf %add3A_774, %get3A_785 : vector<16xf32>
      %add3A_787 = arith.constant 45 : i32
      %add3A_788 = arith.addi %mul3A_243, %add3A_787 : i32
      %get3A_789 = arith.index_cast %add3A_788 : i32 to index
      %get3A_790 = arith.constant 0 : index
      %get3A_791 = tpu.vector_load %arg60[%get3A_789, %get3A_790] {strides = array<i32>} : memref<1600x32xf32, #tpu.memory_space<vmem>>, vector<16xf32>,
      %add3A_792 = arith.addf %add3A_780, %get3A_791 : vector<16xf32>
      %add3A_793 = arith.constant 45 : i32
      %add3A_794 = arith.addi %mul3A_243, %add3A_793 : i32
      %get3A_795 = arith.index_cast %add3A_794 : i32 to index
      %get3A_796 = arith.constant 16 : index
      %get3A_797 = tpu.vector_load %arg60[%get3A_795, %get3A_796] {strides = array<i32>} : memref<1600x32xf32, #tpu.memory_space<vmem>>, vector<16xf32>,
      %add3A_798 = arith.addf %add3A_786, %get3A_797 : vector<16xf32>
      %add3A_799 = arith.constant 46 : i32
      %add3A_800 = arith.addi %mul3A_243, %add3A_799 : i32
      %get3A_801 = arith.index_cast %add3A_800 : i32 to index
      %get3A_802 = arith.constant 0 : index
      %get3A_803 = tpu.vector_load %arg60[%get3A_801, %get3A_802] {strides = array<i32>} : memref<1600x32xf32, #tpu.memory_space<vmem>>, vector<16xf32>,
      %add3A_804 = arith.addf %add3A_792, %get3A_803 : vector<16xf32>
      %add3A_805 = arith.constant 46 : i32
      %add3A_806 = arith.addi %mul3A_243, %add3A_805 : i32
      %get3A_807 = arith.index_cast %add3A_806 : i32 to index
      %get3A_808 = arith.constant 16 : index
      %get3A_809 = tpu.vector_load %arg60[%get3A_807, %get3A_808] {strides = array<i32>} : memref<1600x32xf32, #tpu.memory_space<vmem>>, vector<16xf32>,
      %add3A_810 = arith.addf %add3A_798, %get3A_809 : vector<16xf32>
      %add3A_811 = arith.constant 47 : i32
      %add3A_812 = arith.addi %mul3A_243, %add3A_811 : i32
      %get3A_813 = arith.index_cast %add3A_812 : i32 to index
      %get3A_814 = arith.constant 0 : index
      %get3A_815 = tpu.vector_load %arg60[%get3A_813, %get3A_814] {strides = array<i32>} : memref<1600x32xf32, #tpu.memory_space<vmem>>, vector<16xf32>,
      %add3A_816 = arith.addf %add3A_804, %get3A_815 : vector<16xf32>
      %add3A_817 = arith.constant 47 : i32
      %add3A_818 = arith.addi %mul3A_243, %add3A_817 : i32
      %get3A_819 = arith.index_cast %add3A_818 : i32 to index
      %get3A_820 = arith.constant 16 : index
      %get3A_821 = tpu.vector_load %arg60[%get3A_819, %get3A_820] {strides = array<i32>} : memref<1600x32xf32, #tpu.memory_space<vmem>>, vector<16xf32>,
      %add3A_822 = arith.addf %add3A_810, %get3A_821 : vector<16xf32>
      %add3A_823 = arith.constant 48 : i32
      %add3A_824 = arith.addi %mul3A_243, %add3A_823 : i32
      %get3A_825 = arith.index_cast %add3A_824 : i32 to index
      %get3A_826 = arith.constant 0 : index
      %get3A_827 = tpu.vector_load %arg60[%get3A_825, %get3A_826] {strides = array<i32>} : memref<1600x32xf32, #tpu.memory_space<vmem>>, vector<16xf32>,
      %add3A_828 = arith.addf %add3A_816, %get3A_827 : vector<16xf32>
      %add3A_829 = arith.constant 48 : i32
      %add3A_830 = arith.addi %mul3A_243, %add3A_829 : i32
      %get3A_831 = arith.index_cast %add3A_830 : i32 to index
      %get3A_832 = arith.constant 16 : index
      %get3A_833 = tpu.vector_load %arg60[%get3A_831, %get3A_832] {strides = array<i32>} : memref<1600x32xf32, #tpu.memory_space<vmem>>, vector<16xf32>,
      %add3A_834 = arith.addf %add3A_822, %get3A_833 : vector<16xf32>
      %add3A_835 = arith.constant 49 : i32
      %add3A_836 = arith.addi %mul3A_243, %add3A_835 : i32
      %get3A_837 = arith.index_cast %add3A_836 : i32 to index
      %get3A_838 = arith.constant 0 : index
      %get3A_839 = tpu.vector_load %arg60[%get3A_837, %get3A_838] {strides = array<i32>} : memref<1600x32xf32, #tpu.memory_space<vmem>>, vector<16xf32>,
      %add3A_840 = arith.addf %add3A_828, %get3A_839 : vector<16xf32>
      %add3A_841 = arith.constant 49 : i32
      %add3A_842 = arith.addi %mul3A_243, %add3A_841 : i32
      %get3A_843 = arith.index_cast %add3A_842 : i32 to index
      %get3A_844 = arith.constant 16 : index
      %get3A_845 = tpu.vector_load %arg60[%get3A_843, %get3A_844] {strides = array<i32>} : memref<1600x32xf32, #tpu.memory_space<vmem>>, vector<16xf32>,
      %add3A_846 = arith.addf %add3A_834, %get3A_845 : vector<16xf32>
      %add3A_847 = arith.constant 96 : i32
      %add3A_848 = arith.addi %add3A_847, %scan3A_240 : i32
      %swap3A = arith.index_cast %add3A_848 : i32 to index
      %swap3A_849 = arith.constant 0 : index
      %swap3A_850 = tpu.vector_load %arg61[%swap3A, %swap3A_849] {strides = array<i32>} : memref<128x32xf32, #tpu.memory_space<vmem>>, vector<16xf32>,
      tpu.vector_store %arg61[%swap3A, %swap3A_849], %add3A_840 {strides = array<i32>} : memref<128x32xf32, #tpu.memory_space<vmem>>, vector<16xf32>,
      %swap3A_851 = arith.index_cast %add3A_848 : i32 to index
      %swap3A_852 = arith.constant 16 : index
      %swap3A_853 = tpu.vector_load %arg61[%swap3A_851, %swap3A_852] {strides = array<i32>} : memref<128x32xf32, #tpu.memory_space<vmem>>, vector<16xf32>,
      tpu.vector_store %arg61[%swap3A_851, %swap3A_852], %add3A_846 {strides = array<i32>} : memref<128x32xf32, #tpu.memory_space<vmem>>, vector<16xf32>,
      %scan3A_854 = arith.constant 0 : i32
      scf.yield %scan3A_854 : i32
    }
    %scan3A_225 = arith.constant 32 : i32
    %iota3A = tpu.iota {dimensions = array<i32: 0>} : vector<16xi32>
    %get3A = arith.constant 0 : i32
    %get3A_226 = arith.index_cast %get3A : i32 to index
    %get3A_227 = arith.constant 0 : index
    %get3A_228 = tpu.vector_load %arg63[%get3A_226, %get3A_227] {strides = array<i32>} : memref<8x32xf32, #tpu.memory_space<vmem>>, vector<16xf32>,
    %get3A_229 = arith.constant 0 : i32
    %get3A_230 = arith.index_cast %get3A_229 : i32 to index
    %get3A_231 = arith.constant 16 : index
    %get3A_232 = tpu.vector_load %arg63[%get3A_230, %get3A_231] {strides = array<i32>} : memref<8x32xf32, #tpu.memory_space<vmem>>, vector<16xf32>,
    %scan3A_233 = arith.constant 0 : i32
    %scan3A_234 = arith.constant 0 : i32
    %scan3A_235 = arith.constant 128 : i32
    %scan3A_236 = arith.addi %scan3A_234, %scan3A_235 : i32
    %scan3A_237 = arith.constant 1 : i32
    %scan3A_238 = scf.for %scan3A_240 = %scan3A_234 to %scan3A_236 step %scan3A_237 iter_args(%scan3A_241 = %scan3A_233) -> (i32)  : i32 {
      %mul3A_242 = arith.constant 50 : i32
      %mul3A_243 = arith.muli %scan3A_240, %mul3A_242 : i32
      %jit3A = arith.constant 16 : i32
      %div3A = arith.divsi %mul3A_243, %jit3A : i32
      %sign3A = arith.constant 0 : i32
      %sign3A_244 = arith.cmpi sgt, %mul3A_243, %sign3A : i32
      %sign3A_245 = arith.extui %sign3A_244 : i1 to i32
      %sign3A_246 = arith.constant 0 : i32
      %sign3A_247 = arith.cmpi slt, %mul3A_243, %sign3A_246 : i32
      %sign3A_248 = arith.extui %sign3A_247 : i1 to i32
      %sign3A_249 = arith.subi %sign3A_245, %sign3A_248 : i32
      %sign3A_250 = arith.constant 0 : i32
      %sign3A_251 = arith.cmpi sgt, %jit3A, %sign3A_250 : i32
      %sign3A_252 = arith.extui %sign3A_251 : i1 to i32
      %sign3A_253 = arith.constant 0 : i32
      %sign3A_254 = arith.cmpi slt, %jit3A, %sign3A_253 : i32
      %sign3A_255 = arith.extui %sign3A_254 : i1 to i32
      %sign3A_256 = arith.subi %sign3A_252, %sign3A_255 : i32
      %ne3A = arith.cmpi ne, %sign3A_249, %sign3A_256 : i32
      %rem3A = arith.remsi %mul3A_243, %jit3A : i32
      %ne3A_257 = arith.constant 0 : i32
      %ne3A_258 = arith.cmpi ne, %rem3A, %ne3A_257 : i32
      %and3A = arith.andi %ne3A, %ne3A_258 : i1
      %sub3A = arith.constant 1 : i32
      %sub3A_259 = arith.subi %div3A, %sub3A : i32
      %select_n3A = arith.select %and3A, %sub3A_259, %div3A : i32
      %mul3A_260 = arith.constant 16 : i32
      %mul3A_261 = arith.muli %select_n3A, %mul3A_260 : i32
      %broadcast_in_dim3A = arith.constant 0 : i32
      %broadcast_in_dim3A_262 = vector.broadcast %broadcast_in_dim3A : i32 to vector<16xi32>
      %add3A_263 = arith.constant 0 : i32
      %add3A_264 = arith.addi %mul3A_261, %add3A_263 : i32
      %get3A_265 = arith.index_cast %add3A_264 : i32 to index
      %get3A_266 = tpu.vector_load %arg59[%get3A_265] {strides = array<i32>} : memref<6400xi32, #tpu.memory_space<vmem>>, vector<16xi32>,
      %broadcast_in_dim3A_267 = vector.broadcast %add3A_264 : i32 to vector<16xi32>
      %add3A_268 = arith.addi %broadcast_in_dim3A_267, %iota3A : vector<16xi32>
      %ge3A = vector.broadcast %mul3A_243 : i32 to vector<16xi32>
      %ge3A_269 = arith.cmpi sge, %add3A_268, %ge3A : vector<16xi32>
      %add3A_270 = arith.constant 50 : i32
      %add3A_271 = arith.addi %mul3A_243, %add3A_270 : i32
      %lt3A = vector.broadcast %add3A_271 : i32 to vector<16xi32>
      %lt3A_272 = arith.cmpi slt, %add3A_268, %lt3A : vector<16xi32>
      %and3A_273 = arith.andi %ge3A_269, %lt3A_272 : vector<16xi1>
      %eq3A = arith.constant 0 : i32
      %eq3A_274 = vector.broadcast %eq3A : i32 to vector<16xi32>
      %eq3A_275 = arith.cmpi eq, %get3A_266, %eq3A_274 : vector<16xi32>
      %and3A_276 = arith.andi %and3A_273, %eq3A_275 : vector<16xi1>
      %jit3A_277 = arith.constant 1 : i32
      %jit3A_278 = arith.constant 0 : i32
      %broadcast_in_dim3A_279 = vector.broadcast %jit3A_277 : i32 to vector<16xi32>
      %broadcast_in_dim3A_280 = vector.broadcast %jit3A_278 : i32 to vector<16xi32>
      %select_n3A_281 = arith.select %and3A_276, %broadcast_in_dim3A_279, %broadcast_in_dim3A_280 : vector<16xi1>, vector<16xi32>
      %add3A_282 = arith.addi %broadcast_in_dim3A_262, %select_n3A_281 : vector<16xi32>
      %add3A_283 = arith.constant 16 : i32
      %add3A_284 = arith.addi %mul3A_261, %add3A_283 : i32
      %get3A_285 = arith.index_cast %add3A_284 : i32 to index
      %get3A_286 = tpu.vector_load %arg59[%get3A_285] {strides = array<i32>} : memref<6400xi32, #tpu.memory_space<vmem>>, vector<16xi32>,
      %broadcast_in_dim3A_287 = vector.broadcast %add3A_284 : i32 to vector<16xi32>
      %add3A_288 = arith.addi %broadcast_in_dim3A_287, %iota3A : vector<16xi32>
      %ge3A_289 = vector.broadcast %mul3A_243 : i32 to vector<16xi32>
      %ge3A_290 = arith.cmpi sge, %add3A_288, %ge3A_289 : vector<16xi32>
      %add3A_291 = arith.constant 50 : i32
      %add3A_292 = arith.addi %mul3A_243, %add3A_291 : i32
      %lt3A_293 = vector.broadcast %add3A_292 : i32 to vector<16xi32>
      %lt3A_294 = arith.cmpi slt, %add3A_288, %lt3A_293 : vector<16xi32>
      %and3A_295 = arith.andi %ge3A_290, %lt3A_294 : vector<16xi1>
      %eq3A_296 = arith.constant 0 : i32
      %eq3A_297 = vector.broadcast %eq3A_296 : i32 to vector<16xi32>
      %eq3A_298 = arith.cmpi eq, %get3A_286, %eq3A_297 : vector<16xi32>
      %and3A_299 = arith.andi %and3A_295, %eq3A_298 : vector<16xi1>
      %jit3A_300 = arith.constant 1 : i32
      %jit3A_301 = arith.constant 0 : i32
      %broadcast_in_dim3A_302 = vector.broadcast %jit3A_300 : i32 to vector<16xi32>
      %broadcast_in_dim3A_303 = vector.broadcast %jit3A_301 : i32 to vector<16xi32>
      %select_n3A_304 = arith.select %and3A_299, %broadcast_in_dim3A_302, %broadcast_in_dim3A_303 : vector<16xi1>, vector<16xi32>
      %add3A_305 = arith.addi %add3A_282, %select_n3A_304 : vector<16xi32>
      %add3A_306 = arith.constant 32 : i32
      %add3A_307 = arith.addi %mul3A_261, %add3A_306 : i32
      %get3A_308 = arith.index_cast %add3A_307 : i32 to index
      %get3A_309 = tpu.vector_load %arg59[%get3A_308] {strides = array<i32>} : memref<6400xi32, #tpu.memory_space<vmem>>, vector<16xi32>,
      %broadcast_in_dim3A_310 = vector.broadcast %add3A_307 : i32 to vector<16xi32>
      %add3A_311 = arith.addi %broadcast_in_dim3A_310, %iota3A : vector<16xi32>
      %ge3A_312 = vector.broadcast %mul3A_243 : i32 to vector<16xi32>
      %ge3A_313 = arith.cmpi sge, %add3A_311, %ge3A_312 : vector<16xi32>
      %add3A_314 = arith.constant 50 : i32
      %add3A_315 = arith.addi %mul3A_243, %add3A_314 : i32
      %lt3A_316 = vector.broadcast %add3A_315 : i32 to vector<16xi32>
      %lt3A_317 = arith.cmpi slt, %add3A_311, %lt3A_316 : vector<16xi32>
      %and3A_318 = arith.andi %ge3A_313, %lt3A_317 : vector<16xi1>
      %eq3A_319 = arith.constant 0 : i32
      %eq3A_320 = vector.broadcast %eq3A_319 : i32 to vector<16xi32>
      %eq3A_321 = arith.cmpi eq, %get3A_309, %eq3A_320 : vector<16xi32>
      %and3A_322 = arith.andi %and3A_318, %eq3A_321 : vector<16xi1>
      %jit3A_323 = arith.constant 1 : i32
      %jit3A_324 = arith.constant 0 : i32
      %broadcast_in_dim3A_325 = vector.broadcast %jit3A_323 : i32 to vector<16xi32>
      %broadcast_in_dim3A_326 = vector.broadcast %jit3A_324 : i32 to vector<16xi32>
      %select_n3A_327 = arith.select %and3A_322, %broadcast_in_dim3A_325, %broadcast_in_dim3A_326 : vector<16xi1>, vector<16xi32>
      %add3A_328 = arith.addi %add3A_305, %select_n3A_327 : vector<16xi32>
      %add3A_329 = arith.constant 48 : i32
      %add3A_330 = arith.addi %mul3A_261, %add3A_329 : i32
      %get3A_331 = arith.index_cast %add3A_330 : i32 to index
      %get3A_332 = tpu.vector_load %arg59[%get3A_331] {strides = array<i32>} : memref<6400xi32, #tpu.memory_space<vmem>>, vector<16xi32>,
      %broadcast_in_dim3A_333 = vector.broadcast %add3A_330 : i32 to vector<16xi32>
      %add3A_334 = arith.addi %broadcast_in_dim3A_333, %iota3A : vector<16xi32>
      %ge3A_335 = vector.broadcast %mul3A_243 : i32 to vector<16xi32>
      %ge3A_336 = arith.cmpi sge, %add3A_334, %ge3A_335 : vector<16xi32>
      %add3A_337 = arith.constant 50 : i32
      %add3A_338 = arith.addi %mul3A_243, %add3A_337 : i32
      %lt3A_339 = vector.broadcast %add3A_338 : i32 to vector<16xi32>
      %lt3A_340 = arith.cmpi slt, %add3A_334, %lt3A_339 : vector<16xi32>
      %and3A_341 = arith.andi %ge3A_336, %lt3A_340 : vector<16xi1>
      %eq3A_342 = arith.constant 0 : i32
      %eq3A_343 = vector.broadcast %eq3A_342 : i32 to vector<16xi32>
      %eq3A_344 = arith.cmpi eq, %get3A_332, %eq3A_343 : vector<16xi32>
      %and3A_345 = arith.andi %and3A_341, %eq3A_344 : vector<16xi1>
      %jit3A_346 = arith.constant 1 : i32
      %jit3A_347 = arith.constant 0 : i32
      %broadcast_in_dim3A_348 = vector.broadcast %jit3A_346 : i32 to vector<16xi32>
      %broadcast_in_dim3A_349 = vector.broadcast %jit3A_347 : i32 to vector<16xi32>
      %select_n3A_350 = arith.select %and3A_345, %broadcast_in_dim3A_348, %broadcast_in_dim3A_349 : vector<16xi1>, vector<16xi32>
      %add3A_351 = arith.addi %add3A_328, %select_n3A_350 : vector<16xi32>
      %reduce_sum3A = arith.constant true
      %reduce_sum3A_352 = vector.broadcast %reduce_sum3A : i1 to vector<16xi1>
      %reduce_sum3A_353 = tpu.scan <sum>, %add3A_351 masked %reduce_sum3A_352 : vector<16xi32>, vector<16xi1> -> vector<16xi32>
      %reduce_sum3A_354 = vector.extract %reduce_sum3A_353[15] : i32 from vector<16xi32>
      %convert_element_type3A = arith.sitofp %reduce_sum3A_354 : i32 to f32
      %broadcast_in_dim3A_355 = vector.broadcast %convert_element_type3A : f32 to vector<16xf32>
      %broadcast_in_dim3A_356 = arith.constant 5.000000e+01 : f32
      %broadcast_in_dim3A_357 = vector.broadcast %broadcast_in_dim3A_356 : f32 to vector<16xf32>
      %sub3A_358 = arith.subf %broadcast_in_dim3A_357, %broadcast_in_dim3A_355 : vector<16xf32>
      %get3A_359 = arith.index_cast %scan3A_240 : i32 to index
      %get3A_360 = arith.constant 0 : index
      %get3A_361 = tpu.vector_load %arg61[%get3A_359, %get3A_360] {strides = array<i32>} : memref<128x32xf32, #tpu.memory_space<vmem>>, vector<16xf32>,
      %get3A_362 = arith.index_cast %scan3A_240 : i32 to index
      %get3A_363 = arith.constant 16 : index
      %get3A_364 = tpu.vector_load %arg61[%get3A_362, %get3A_363] {strides = array<i32>} : memref<128x32xf32, #tpu.memory_space<vmem>>, vector<16xf32>,
      %mul3A_365 = arith.mulf %broadcast_in_dim3A_355, %get3A_228 : vector<16xf32>
      %sub3A_366 = arith.subf %get3A_361, %mul3A_365 : vector<16xf32>
      %div3A_367 = arith.divf %sub3A_366, %sub3A_358 : vector<16xf32>
      %swap3A = arith.index_cast %scan3A_240 : i32 to index
      %swap3A_368 = arith.constant 0 : index
      %swap3A_369 = tpu.vector_load %arg62[%swap3A, %swap3A_368] {strides = array<i32>} : memref<128x32xf32, #tpu.memory_space<vmem>>, vector<16xf32>,
      tpu.vector_store %arg62[%swap3A, %swap3A_368], %div3A_367 {strides = array<i32>} : memref<128x32xf32, #tpu.memory_space<vmem>>, vector<16xf32>,
      %mul3A_370 = arith.mulf %broadcast_in_dim3A_355, %get3A_232 : vector<16xf32>
      %sub3A_371 = arith.subf %get3A_364, %mul3A_370 : vector<16xf32>
      %div3A_372 = arith.divf %sub3A_371, %sub3A_358 : vector<16xf32>
      %swap3A_373 = arith.index_cast %scan3A_240 : i32 to index
      %swap3A_374 = arith.constant 16 : index
      %swap3A_375 = tpu.vector_load %arg62[%swap3A_373, %swap3A_374] {strides = array<i32>} : memref<128x32xf32, #tpu.memory_space<vmem>>, vector<16xf32>,
      tpu.vector_store %arg62[%swap3A_373, %swap3A_374], %div3A_372 {strides = array<i32>} : memref<128x32xf32, #tpu.memory_space<vmem>>, vector<16xf32>,
      %scan3A_376 = arith.constant 0 : i32
      scf.yield %scan3A_376 : i32
    }
    %scan3A_239 = arith.constant 128 : i32
    "tpu.region"() ({
      %run_scoped3A = tpu.sem_alloc : memref<!tpu.dma_semaphore, #tpu.memory_space<semaphore_mem>>
      %dma_start3A_240 = arith.constant 832 : i32
      %dma_start3A_241 = tpu.memref_slice %arg56[%mul3A_2, %dma_start3A_240] : memref<4096x864xf32, #tpu.memory_space<hbm>> -> memref<128x32xf32, #tpu.memory_space<hbm>>
      %dma_start3A_242 = arith.constant 832 : i32
      %dma_start3A_243 = tpu.memref_slice %arg56[%mul3A_2, %dma_start3A_242] : memref<4096x864xf32, #tpu.memory_space<hbm>> -> memref<128x32xf32, #tpu.memory_space<hbm>>
      tpu.enqueue_dma source(%arg62 : memref<128x32xf32, #tpu.memory_space<vmem>>) target(%dma_start3A_243 : memref<128x32xf32, #tpu.memory_space<hbm>>) target_semaphore(%run_scoped3A : memref<!tpu.dma_semaphore, #tpu.memory_space<semaphore_mem>>)
      %dma_wait3A_244 = arith.constant 832 : i32
      %dma_wait3A_245 = tpu.memref_slice %arg56[%mul3A_2, %dma_wait3A_244] : memref<4096x864xf32, #tpu.memory_space<hbm>> -> memref<128x32xf32, #tpu.memory_space<hbm>>
      %dma_wait3A_246 = arith.constant 832 : i32
      %dma_wait3A_247 = tpu.memref_slice %arg56[%mul3A_2, %dma_wait3A_246] : memref<4096x864xf32, #tpu.memory_space<hbm>> -> memref<128x32xf32, #tpu.memory_space<hbm>>
      tpu.wait_dma2 semaphore(%run_scoped3A : memref<!tpu.dma_semaphore, #tpu.memory_space<semaphore_mem>>) src(%arg62 : memref<128x32xf32, #tpu.memory_space<vmem>>) dst(%dma_wait3A_247 : memref<128x32xf32, #tpu.memory_space<hbm>>)
      tpu.yield
    }) : () -> ()
    return
  }
}

</mosaic_0001>

<sc_bundles>
// kernel: _run.3.cloned.1.call-start
scs
__scs_entry_jumppad:
0x0: {  	(pc) =	sbr.rel $0x88, $3  }
0x1: {  	(tag) =	ssettag $0x0;
	lr =	simm.s32 $0x1  }
0x2: {  	[smem:$0x3F6B] =	sst lr;
	_ =	strace $0xD0000000  }
0x3: {  	_ = 	snop  }
0x4: {  	_ = 	snop  }
0x5: {  	_ = 	snop  }
0x6: {  	_ = 	snop  }
0x7: {  	_ = 	snop  }
__scs_overlays_trampoline_lowered:
0x8: {  	[smem:$0x3F7A] =	sst s0  }
0x9: {  	[smem:$0x3F7B] =	sst s1  }
0xa: {  	[smem:$0x3F7C] =	sst s2  }
0xb: {  	[smem:$0x3F7D] =	sst s3  }
0xc: {  	[smem:$0x3F7E] =	sst s4  }
0xd: {  	[smem:$0x3F7F] =	sst s5  }
0xe: {  	[smem:$0x3F80] =	sst s6  }
0xf: {  	[smem:$0x3F81] =	sst s7  }
0x10: {  	[smem:$0x3F82] =	sst s8  }
0x11: {  	[smem:$0x3F83] =	sst s9;
	s0 =	simm.s32 @!p0 $0x0  }
0x12: {  	s1 =	sld [smem:$0x3F69];
	s0 =	simm.s32 @p0 $0x1  }
0x13: {  	[smem:$0x3F84] =	sst s0;
	s0 =	simm.s32 @!p1 $0x0  }
0x14: {  	s2 =	sld [smem:$0x3F68];
	s0 =	simm.s32 @p1 $0x1  }
0x15: {  	[smem:$0x3F85] =	sst s0;
	s0 =	simm.s32 @!p2 $0x0  }
0x16: {  	s3 =	sld [smem:$0x3FDB];
	s0 =	simm.s32 @p2 $0x1  }
0x17: {  	s4 =	simm.s32 $0x1BF5;
	[smem:$0x3F87] =	sst s0  }
0x18: {  	s0 =	sld [smem:$0x3F6A];
	_ =	swait.ge [sflag:s4], $0x0  }
0x19: {  	s7 =	sld [smem:$0x3F6B]  }
0x1a: {  	s8 =	sadd.s32 $0xFFFFE003, lr  }
0x1b: {  	s9 =	sadd.s32 $0xFFFFFEF7, lr;
	s5 =	simm.s32 $0xFFFFFFFF;
	p2 =	slt.u32 s8, $0xFFFFF086  }
0x1c: {  	p1 =	slt.u32 s9, $0xF7A;
	s5 =	simm.s32 @!p2 $0x0  }
0x1d: {  	s5 =	simm.s32 @p1 $0x1;
	p0 =	seq.s32 s7, s2  }
0x1e: {  	s7 =	smul.u32 @!p0 $0xF7A, s2;
	p2 =	seq.s32 @!p0 s5, $0x0  }
0x1f: {  	s9 =	smul.u32 $0xF7A, s1;
	s8 =	simm.s32 @!p0 $0x1BF5;
	p2 =	por !p2, p0  }
0x20: {  	[sflag:s8] =	ssyncset.s32 @!p0 $0xFFFFF086;
	s6 =	sadd.s32 @!p0 s3, s7;
	s7 =	simm.s32 @!p0 $0x108  }
0x21: {  	s3 =	sadd.s32 s3, s9;
	s6 =	sadd.s32 @!p0 $0x88, s6;
	s7 =	simm.s32 @p2 $0x1082  }
0x22: {  	[simem:s7], [sflag:s8] =	dma.local @!p0 [hbm:s6], $0xF7A  }
0x23: {  	s9 =	sor.u32 $0xD0000000, s2;
	s6 =	simm.s32 $0x108;
	_ =	swait.ge @!p0 [sflag:s8], $0x0  }
0x24: {  	s3 =	sadd.s32 $0x88, s3;
	s6 =	simm.s32 @!p1 $0x1082;
	[sflag:s4] =	ssyncset.s32 $0xFFFFF086  }
0x25: {  	[simem:s6], [sflag:s4] =	dma.local [hbm:s3], $0xF7A  }
0x26: {  	[smem:$0x3F6B] =	sst s1;
	(tag) =	ssettag s2;
	_ =	strace s9  }
0x27: {  	s1 =	sld [smem:$0x3F7B]  }
0x28: {  	s2 =	sld [smem:$0x3F7C]  }
0x29: {  	s4 =	sld [smem:$0x3F7E]  }
0x2a: {  	p0 =	seq.s32 s5, $0x0;
	s5 =	sld [smem:$0x3F7F]  }
0x2b: {  	s6 =	sld [smem:$0x3F80]  }
0x2c: {  	s7 =	sld [smem:$0x3F81]  }
0x2d: {  	s3 =	simm.s32 $0x108;
	s8 =	sld [smem:$0x3F82]  }
0x2e: {  	s3 =	simm.s32 @!p0 $0x1082;
	s9 =	sld [smem:$0x3F83]  }
0x2f: {  	lr =	sadd.s32 s0, s3;
	s0 =	sld [smem:$0x3F7A]  }
0x30: {  	s3 =	sld [smem:$0x3F7D]  }
0x31: {  	[smem:$0x3F86] =	sst s10  }
0x32: {  	s10 =	sld [smem:$0x3F84];
	_ =	sdelay $0x3  }
0x33: {  	p0 =	seq.s32 s10, $0x1;
	s10 =	sld [smem:$0x3F86];
	_ =	sdelay $0x3  }
0x34: {  	[smem:$0x3F86] =	sst s10  }
0x35: {  	s10 =	sld [smem:$0x3F85];
	_ =	sdelay $0x3  }
0x36: {  	p1 =	seq.s32 s10, $0x1;
	s10 =	sld [smem:$0x3F86];
	_ =	sdelay $0x3  }
0x37: {  	[smem:$0x3F86] =	sst s10  }
0x38: {  	s10 =	sld [smem:$0x3F87]  }
0x39: {  	_ = 	snop;
	(pc) =	sbr.ind lr, $3  }
0x3a: {  	_ = 	snop  }
0x3b: {  	_ = 	snop  }
0x3c: {  	p2 =	seq.s32 s10, $0x1;
	s10 =	sld [smem:$0x3F86]  }
0x3d: {  	_ =	shalt  }
0x3e: {  	_ =	shalt  }
0x3f: {  	_ =	shalt  }
0x40: {  	_ =	shalt  }
0x41: {  	_ =	shalt  }
0x42: {  	_ =	shalt  }
0x43: {  	_ =	shalt  }
0x44: {  	_ =	shalt  }
0x45: {  	_ =	shalt  }
0x46: {  	_ =	shalt  }
0x47: {  	_ =	shalt  }
0x48: {  	_ =	shalt  }
0x49: {  	_ =	shalt  }
0x4a: {  	_ =	shalt  }
0x4b: {  	_ =	shalt  }
0x4c: {  	_ =	shalt  }
0x4d: {  	_ =	shalt  }
0x4e: {  	_ =	shalt  }
0x4f: {  	_ =	shalt  }
0x50: {  	_ =	shalt  }
0x51: {  	_ =	shalt  }
0x52: {  	_ =	shalt  }
0x53: {  	_ =	shalt  }
0x54: {  	_ =	shalt  }
0x55: {  	_ =	shalt  }
0x56: {  	_ =	shalt  }
0x57: {  	_ =	shalt  }
0x58: {  	_ =	shalt  }
0x59: {  	_ =	shalt  }
0x5a: {  	_ =	shalt  }
0x5b: {  	_ =	shalt  }
0x5c: {  	_ =	shalt  }
0x5d: {  	_ =	shalt  }
0x5e: {  	_ =	shalt  }
0x5f: {  	_ =	shalt  }
0x60: {  	_ =	shalt  }
0x61: {  	_ =	shalt  }
0x62: {  	_ =	shalt  }
0x63: {  	_ =	shalt  }
0x64: {  	_ =	shalt  }
0x65: {  	_ =	shalt  }
0x66: {  	_ =	shalt  }
0x67: {  	_ =	shalt  }
0x68: {  	_ =	shalt  }
0x69: {  	_ =	shalt  }
0x6a: {  	_ =	shalt  }
0x6b: {  	_ =	shalt  }
0x6c: {  	_ =	shalt  }
0x6d: {  	_ =	shalt  }
0x6e: {  	_ =	shalt  }
0x6f: {  	_ =	shalt  }
0x70: {  	_ =	shalt  }
0x71: {  	_ =	shalt  }
0x72: {  	_ =	shalt  }
0x73: {  	_ =	shalt  }
0x74: {  	_ =	shalt  }
0x75: {  	_ =	shalt  }
0x76: {  	_ =	shalt  }
0x77: {  	_ =	shalt  }
0x78: {  	_ =	shalt  }
0x79: {  	_ =	shalt  }
0x7a: {  	_ =	shalt  }
0x7b: {  	_ =	shalt  }
0x7c: {  	_ =	shalt  }
0x7d: {  	_ =	shalt  }
0x7e: {  	_ =	shalt  }
0x7f: {  	_ =	shalt  }
0x80: {  	_ =	shalt  }
0x81: {  	_ =	shalt  }
0x82: {  	_ =	shalt  }
0x83: {  	_ =	shalt  }
0x84: {  	_ =	shalt  }
0x85: {  	_ =	shalt  }
0x86: {  	_ =	shalt  }
0x87: {  	_ =	shalt  }
.Lfunc_end0:
.L_simem_size_0:
called_computation_lowered:
.L_overlay_start_0:
0x88: {  	s2 =	sld [smem:$0x3FD9]  }
0x89: {  	s3 =	sld [smem:$0x3FFE];
	_ =	sdelay $0x1  }
0x8a: {  	s5 =	srdreg.scid  }
0x8b: {  	s4 =	sand.u32 $0x1, s5  }
0x8c: {  	s1 =	sshll.u32 s4, $0xA;
	s2 =	sadd.s32 s3, s2  }
0x8d: {  	s2 =	sadd.s32 s2, s1  }
0x8e: {  	[smem:$0x3F92] =	sst s2  }
0x8f: {  	_ = 	snop  }
0x90: {  	s6 =	sld [smem:$0x3FC5]  }
0x91: {  	s7 =	sld [smem:$0x3FC4]  }
0x92: {  	s8 =	sld [smem:$0x3FC3]  }
0x93: {  	s9 =	sld [smem:$0x3FC2]  }
0x94: {  	s10 =	sld [smem:$0x3FC1]  }
0x95: {  	s11 =	sld [smem:$0x3FC0]  }
0x96: {  	s12 =	sld [smem:$0x3FBF]  }
0x97: {  	s13 =	sld [smem:$0x3FBE]  }
0x98: {  	s14 =	sld [smem:$0x3FBD]  }
0x99: {  	s15 =	sld [smem:$0x3FBC]  }
0x9a: {  	s18 =	sld [smem:$0x3FBB]  }
0x9b: {  	s19 =	sld [smem:$0x3FBA]  }
0x9c: {  	s20 =	sld [smem:$0x3FB9]  }
0x9d: {  	s21 =	sld [smem:$0x3FB8]  }
0x9e: {  	s22 =	sld [smem:$0x3FB7]  }
0x9f: {  	s23 =	sld [smem:$0x3FB6]  }
0xa0: {  	s24 =	sld [smem:$0x3FB5]  }
0xa1: {  	s25 =	sld [smem:$0x3FB4]  }
0xa2: {  	s26 =	sld [smem:$0x3FB3]  }
0xa3: {  	s28 =	sld [smem:$0x3FB2]  }
0xa4: {  	s29 =	sld [smem:$0x3FB1]  }
0xa5: {  	s30 =	sld [smem:$0x3FB0]  }
0xa6: {  	s31 =	sld [smem:$0x3FAF]  }
0xa7: {  	s17 =	sld [smem:$0x3FD0];
	(tm) =	ssettm $0x1  }
0xa8: {  	s16 =	sld [smem:$0x3FFB];
	_ =	sdelay $0x3  }
0xa9: {  	_ =	strace s16  }
0xaa: {  	s16 =	sld [smem:$0x3FFC];
	_ =	sdelay $0x3  }
0xab: {  	_ =	strace s16  }
0xac: {  	s16 =	sld [smem:$0x3FFD];
	_ =	sdelay $0x3  }
0xad: {  	_ =	strace s16  }
0xae: {  	_ =	strace $0x8FFFFFFF  }
0xaf: {  	s2 =	sld [smem:$0x3FDB];
	_ =	sdelay $0x1  }
0xb0: {  	s0 =	simm.s32 $_scs_section_size  }
0xb1: {  	s3 =	simm.s32 $_tile_task_arg_handler_lowered;
	s1 =	simm.s32 $_size__tile_task_arg_handler_lowered  }
0xb2: {  	s1 =	sshll.u32 s1, $0x1;
	s0 =	sadd.s32 s0, s2;
	s2 =	sshll.u32 s3, $0x1  }
0xb3: {  	s16 =	simm.s32 $0x1BFF;
	s3 =	simm.s32 $0x60;
	s2 =	sadd.s32 s2, s0  }
0xb4: {  	[timem:s3], [sflag:s16] =	dma.local [hbm:s2], s1  }
0xb5: {  	_ =	swait.ge [sflag:s16], s1  }
0xb6: {  	s3 =	simm.s32 $_tile_overlayer_lowered;
	s1 =	ssub.s32 $0x0, s1;
	[sflag:s16] =	ssyncset.done $0x0  }
0xb7: {  	[sflag:s16] =	ssyncadd.s32 s1;
	s1 =	sshll.u32 s3, $0x1;
	s3 =	simm.s32 $_size__tile_overlayer_lowered  }
0xb8: {  	s2 =	sshll.u32 s3, $0x1;
	s3 =	sadd.s32 s1, s0;
	s1 =	simm.s32 $0x0  }
0xb9: {  	[timem:s1], [sflag:s16] =	dma.local [hbm:s3], s2  }
0xba: {  	_ =	swait.ge [sflag:s16], s2  }
0xbb: {  	s2 =	ssub.s32 $0x0, s2;
	[sflag:s16] =	ssyncset.done $0x0  }
0xbc: {  	[sflag:s16] =	ssyncadd.s32 s2;
	_ =	sdelay $0x1  }
0xbd: {  	s16 =	simm.s32 $0x1B8B  }
0xbe: {  	_ =	swait.ge [sflag:s16], $0x1  }
0xbf: {  	[sflag:s16] =	ssyncset.done $0x0  }
0xc0: {  	s3 =	simm.s32 $0x1B8E;
	s2 =	sld [smem:$0x3FFE];
	[sflag:s16] =	ssyncadd.s32 $0xFFFFFFFF  }
0xc1: {  	s16 =	simm.s32 $execute0_lowered;
	[smem:$0x3FD2] =	sst s3  }
0xc2: {  	s3 =	sshll.u32 s16, $0x1;
	_ =	strace $0x80000046;
	[dreg:$0x1] =	wrdreg $0xFFFFFFFF  }
0xc3: {  	s16 =	simm.s32 $_size_execute0_lowered;
	s0 =	sadd.s32 s0, s3;
	[dreg:$0x0] =	wrdreg $0x0  }
0xc4: {  	s16 =	sshll.u32 s16, $0x1;
	[dreg:$0x2] =	wrdreg s0  }
0xc5: {  	[dreg:$0x3] =	wrdreg s16  }
0xc6: {  	[dreg:$0x4] =	wrdreg $0xC0  }
0xc7: {  	_ =	task [dreg:s1], $0x5FFFF  }
0xc8: {  	[dreg:$0x1] =	wrdreg $0xFFFFFFFF  }
0xc9: {  	[dreg:$0x0] =	wrdreg $0x30  }
0xca: {  	[dreg:$0x2] =	wrdreg $0x0  }
0xcb: {  	[dreg:$0x3] =	wrdreg s18  }
0xcc: {  	[dreg:$0x4] =	wrdreg s19  }
0xcd: {  	[dreg:$0x5] =	wrdreg s20  }
0xce: {  	[dreg:$0x6] =	wrdreg s21  }
0xcf: {  	[dreg:$0x7] =	wrdreg s22  }
0xd0: {  	[dreg:$0x8] =	wrdreg s23  }
0xd1: {  	[dreg:$0x9] =	wrdreg s24  }
0xd2: {  	[dreg:$0xa] =	wrdreg s25  }
0xd3: {  	[dreg:$0xb] =	wrdreg s26  }
0xd4: {  	[dreg:$0xc] =	wrdreg s28  }
0xd5: {  	[dreg:$0xd] =	wrdreg s29  }
0xd6: {  	[dreg:$0xe] =	wrdreg s30  }
0xd7: {  	[dreg:$0xf] =	wrdreg s31  }
0xd8: {  	_ =	task [dreg:s1], $0x10FFFF  }
0xd9: {  	[dreg:$0x1] =	wrdreg $0xFFFFFFFF  }
0xda: {  	[dreg:$0x0] =	wrdreg $0x30  }
0xdb: {  	[dreg:$0x2] =	wrdreg $0xD  }
0xdc: {  	[dreg:$0x3] =	wrdreg s2  }
0xdd: {  	[dreg:$0x4] =	wrdreg s17  }
0xde: {  	[dreg:$0x5] =	wrdreg $0x9  }
0xdf: {  	_ =	task [dreg:s1], $0x6FFFF  }
0xe0: {  	[dreg:$0x1] =	wrdreg $0xFFFFFFFF  }
0xe1: {  	s23 =	sld [smem:$0x3FC9]  }
0xe2: {  	s24 =	sld [smem:$0x3FC8]  }
0xe3: {  	s25 =	sld [smem:$0x3FC7]  }
0xe4: {  	s26 =	sld [smem:$0x3FC6]  }
0xe5: {  	[dreg:$0x0] =	wrdreg $0x60  }
0xe6: {  	[dreg:$0x2] =	wrdreg s23  }
0xe7: {  	[dreg:$0x3] =	wrdreg s24  }
0xe8: {  	[dreg:$0x4] =	wrdreg s25  }
0xe9: {  	[dreg:$0x5] =	wrdreg s26  }
0xea: {  	[dreg:$0x6] =	wrdreg s6  }
0xeb: {  	[dreg:$0x7] =	wrdreg s7  }
0xec: {  	[dreg:$0x8] =	wrdreg s8  }
0xed: {  	[dreg:$0x9] =	wrdreg s9  }
0xee: {  	[dreg:$0xa] =	wrdreg s10  }
0xef: {  	[dreg:$0xb] =	wrdreg s11  }
0xf0: {  	[dreg:$0xc] =	wrdreg s12  }
0xf1: {  	[dreg:$0xd] =	wrdreg s13  }
0xf2: {  	[dreg:$0xe] =	wrdreg s14  }
0xf3: {  	[dreg:$0xf] =	wrdreg s15  }
0xf4: {  	_ =	task.clear_ibuf [dreg:s1], $0x10FFFF;
	_ =	strace $0x90000046  }
0xf5: {  	s28 =	simm.s32 $0x9;
	_ =	strace $0x80000048  }
0xf6: {  	_ =	swait.ge [sflag:s28], $0x1  }
0xf7: {  	[sflag:s28] =	ssyncadd.s32 $0xFFFFFFFF  }
0xf8: {  	_ =	strace $0x90000048  }
0xf9: {  	_ =	sfence  }
0xfa: {  	s29 =	sld [smem:$0x0];
	_ =	sdelay $0x2  }
0xfb: {  	s30 =	sshll.u32 s5, $0xD;
	s31 =	sshrl.u32 s5, $0x2  }
0xfc: {  	s2 =	sand.u32 $0x4000, s30;
	s0 =	sadd.s32 s31, s29  }
0xfd: {  	s2 =	sor.u32 s2, s4;
	s0 =	sshll.u32 s0, $0x11  }
0xfe: {  	s0 =	sor.u32 s0, s2  }
0xff: {  	s0 =	sadd.s32 $0x8F2B, s0  }
0x100: {  	[sflag:s0] =	ssyncadd.remote.s32 $0x1  }
0x101: {  	_ =	sfence.sel $0xFFFF  }
0x102: {  	[dreg:$0x0] =	wrdreg $0xFFFFFFFF;
	(pc) =	sbr.abs _section_cstart, $3  }
0x103: {  	[dreg:$0x1] =	wrdreg $0xFFFFFFFF  }
0x104: {  	_ =	task.clear_ibuf [dreg:s1], $0x2FFFF;
	_ =	strace $0x9FFFFFFF  }
0x105: {  	(tm) =	ssettm $0x7FFFFFFF  }
tec
_tile_task_arg_handler_lowered:
.L_overlay_start_1:
0x0: {  	(tag) =	ssettag $0x1  }
0x1: {  	s0 =	rddreg [dreg:$0x0]  }
0x2: {  	s1 =	rddreg [dreg:$0x1]  }
0x3: {  	s2 =	rddreg [dreg:$0x2]  }
0x4: {  	s3 =	rddreg [dreg:$0x3]  }
0x5: {  	s4 =	rddreg [dreg:$0x4]  }
0x6: {  	s5 =	rddreg [dreg:$0x5]  }
0x7: {  	s6 =	rddreg [dreg:$0x6]  }
0x8: {  	s7 =	rddreg [dreg:$0x7]  }
0x9: {  	s8 =	rddreg [dreg:$0x8]  }
0xa: {  	s9 =	rddreg [dreg:$0x9]  }
0xb: {  	s10 =	rddreg [dreg:$0xa]  }
0xc: {  	s11 =	rddreg [dreg:$0xb]  }
0xd: {  	s12 =	rddreg [dreg:$0xc]  }
0xe: {  	s13 =	rddreg [dreg:$0xd]  }
0xf: {  	[smem:s0] =	sst s1  }
0x10: {  	[smem:s0+$0x1] =	sst s2  }
0x11: {  	[smem:s0+$0x2] =	sst s3  }
0x12: {  	[smem:s0+$0x3] =	sst s4  }
0x13: {  	[smem:s0+$0x4] =	sst s5  }
0x14: {  	[smem:s0+$0x5] =	sst s6  }
0x15: {  	[smem:s0+$0x6] =	sst s7  }
0x16: {  	[smem:s0+$0x7] =	sst s8  }
0x17: {  	[smem:s0+$0x8] =	sst s9  }
0x18: {  	[smem:s0+$0x9] =	sst s10  }
0x19: {  	[smem:s0+$0xA] =	sst s11  }
0x1a: {  	[smem:s0+$0xB] =	sst s12  }
0x1b: {  	[smem:s0+$0xC] =	sst s13;
	_ =	shalt  }
.Lfunc_end2:
execute0_lowered:
.L_overlay_start_2:
0x1c: {  	(tag) =	ssettag $0x2  }
0x1d: {  	s7 =	rddreg [dreg:$0x2]  }
0x1e: {  	s8 =	rddreg [dreg:$0x3]  }
0x1f: {  	s9 =	rddreg [dreg:$0x4]  }
0x20: {  	s10 =	rddreg [dreg:$0x5]  }
0x21: {  	s11 =	rddreg [dreg:$0x6]  }
0x22: {  	s12 =	rddreg [dreg:$0x7]  }
0x23: {  	s14 =	rddreg [dreg:$0x9]  }
0x24: {  	s15 =	rddreg [dreg:$0xa]  }
0x25: {  	s16 =	rddreg [dreg:$0xb]  }
0x26: {  	s17 =	rddreg [dreg:$0xc]  }
0x27: {  	s18 =	rddreg [dreg:$0xd];
	s13 =	simm.s32 $0x0  }
0x28: {  	[smem:$0x7FF] =	sst s13  }
0x29: {  	s19 =	sld [smem:$0x0]  }
0x2a: {  	s20 =	sld [smem:$0x1]  }
0x2b: {  	s21 =	sld [smem:$0x2]  }
0x2c: {  	s22 =	sld [smem:$0x3]  }
0x2d: {  	s23 =	sld [smem:$0x4]  }
0x2e: {  	s24 =	sld [smem:$0x5]  }
0x2f: {  	s25 =	sld [smem:$0x6]  }
0x30: {  	s26 =	sld [smem:$0x7]  }
0x31: {  	s2 =	srdreg.scid;
	s28 =	sld [smem:$0x8]  }
0x32: {  	s0 =	stileid.u32;
	s29 =	sld [smem:$0x9]  }
0x33: {  	s3 =	sand.u32 $0x1, s2;
	s30 =	sshll.u32 s0, $0x1;
	s4 =	sld [smem:$0xA]  }
0x34: {  	s6 =	sld [smem:$0xB];
	s30 =	sor.u32 s3, s30;
	s3 =	ssub.s32 $0x2, s3  }
0x35: {  	s5 =	sld [smem:$0xC];
	s1 =	sshrl.u32 s3, $0x1  }
0x36: {  	s1 =	ssub.s32 s3, s1;
	s3 =	sld [smem:$0xF]  }
0x37: {  	s31 =	sld [smem:$0xE]  }
0x38: {  	s0 =	sld [smem:$0xD];
	s2 =	smul.u32 $0x3600, s30  }
0x39: {  	[dreg:$0xe] =	wrdreg s3  }
0x3a: {  	s3 =	sadd.s32 s31, s2;
	s2 =	sshll.u32 s30, $0x4;
	_ =	strace $0x80000047  }
0x3b: {  	s7 =	sadd.s32 s7, s2;
	s31 =	rddreg [dreg:$0x0]  }
0x3c: {  	s8 =	sadd.s32 s8, s2;
	s14 =	sadd.s32 s14, s2;
	[dreg:$0x11] =	wrdreg s7  }
0x3d: {  	[dreg:$0x12] =	wrdreg s8;
	s8 =	sadd.s32 s9, s2;
	s9 =	sadd.s32 s10, s2  }
0x3e: {  	s10 =	sadd.s32 s11, s2;
	s11 =	sadd.s32 s12, s2;
	s12 =	rddreg [dreg:$0x8]  }
0x3f: {  	s15 =	sadd.s32 s15, s2;
	[dreg:$0x18] =	wrdreg s14  }
0x40: {  	s16 =	sadd.s32 s16, s2;
	[dreg:$0x19] =	wrdreg s15  }
0x41: {  	s17 =	sadd.s32 s17, s2;
	[dreg:$0x1a] =	wrdreg s16  }
0x42: {  	s18 =	sadd.s32 s18, s2;
	[dreg:$0x1b] =	wrdreg s17  }
0x43: {  	s19 =	sadd.s32 s19, s2;
	[dreg:$0x1c] =	wrdreg s18  }
0x44: {  	s24 =	sadd.s32 s24, s2;
	[dreg:$0x1d] =	wrdreg s19  }
0x45: {  	s4 =	sadd.s32 s4, s2;
	[smem:$0x7D4] =	sst s24  }
0x46: {  	[smem:$0x7E3] =	sst s4  }
0x47: {  	[dreg:$0x13] =	wrdreg s8  }
0x48: {  	[dreg:$0x14] =	wrdreg s9  }
0x49: {  	[dreg:$0x15] =	wrdreg s10  }
0x4a: {  	s14 =	sadd.s32 $0x2C6200, s0;
	[dreg:$0x16] =	wrdreg s11  }
0x4b: {  	s15 =	sadd.s32 s21, s2;
	[smem:$0x7CA] =	sst s14  }
0x4c: {  	s16 =	sadd.s32 $0x327E00, s0;
	[smem:$0x7CB] =	sst s15  }
0x4d: {  	s17 =	sadd.s32 $0x389A00, s0;
	[smem:$0x7CC] =	sst s16  }
0x4e: {  	s18 =	sadd.s32 s22, s2;
	[smem:$0x7CD] =	sst s17  }
0x4f: {  	s19 =	sadd.s32 $0x3EB600, s0;
	[smem:$0x7CE] =	sst s18  }
0x50: {  	s21 =	sadd.s32 s23, s2;
	[smem:$0x7CF] =	sst s19  }
0x51: {  	s22 =	sadd.s32 $0x4AEE00, s0;
	[smem:$0x7D1] =	sst s21  }
0x52: {  	s23 =	sadd.s32 $0x510A00, s0;
	[smem:$0x7D2] =	sst s22  }
0x53: {  	s24 =	sadd.s32 $0x943E00, s0;
	[smem:$0x7D3] =	sst s23  }
0x54: {  	s4 =	sadd.s32 $0xA69200, s0;
	[smem:$0x7E4] =	sst s24  }
0x55: {  	s31 =	sadd.s32 s31, s2;
	[smem:$0x7E8] =	sst s4  }
0x56: {  	[dreg:$0xf] =	wrdreg s31  }
0x57: {  	s7 =	sadd.s32 s12, s2;
	s31 =	rddreg [dreg:$0x1]  }
0x58: {  	s9 =	sadd.s32 $0x1A0E00, s0;
	[dreg:$0x17] =	wrdreg s7  }
0x59: {  	s10 =	sadd.s32 $0x202A00, s0;
	[dreg:$0x1e] =	wrdreg s9  }
0x5a: {  	s11 =	sadd.s32 s20, s2;
	[dreg:$0x1f] =	wrdreg s10  }
0x5b: {  	s12 =	sadd.s32 $0x264600, s0;
	[smem:$0x7C8] =	sst s11  }
0x5c: {  	s20 =	sadd.s32 $0x44D200, s0;
	[smem:$0x7C9] =	sst s12  }
0x5d: {  	s14 =	sadd.s32 $0x697A00, s0;
	[smem:$0x7D0] =	sst s20  }
0x5e: {  	s15 =	sadd.s32 s26, s2;
	[smem:$0x7D9] =	sst s14  }
0x5f: {  	s16 =	sadd.s32 $0x6F9600, s0;
	[smem:$0x7DA] =	sst s15  }
0x60: {  	s17 =	sadd.s32 $0x75B200, s0;
	[smem:$0x7DB] =	sst s16  }
0x61: {  	s18 =	sadd.s32 s28, s2;
	[smem:$0x7DC] =	sst s17  }
0x62: {  	s19 =	sadd.s32 $0x7BCE00, s0;
	[smem:$0x7DD] =	sst s18  }
0x63: {  	s21 =	sadd.s32 s29, s2;
	[smem:$0x7DE] =	sst s19  }
0x64: {  	s22 =	sadd.s32 $0x880600, s0;
	[smem:$0x7E0] =	sst s21  }
0x65: {  	s23 =	sadd.s32 $0x8E2200, s0;
	[smem:$0x7E1] =	sst s22  }
0x66: {  	s26 =	sadd.s32 $0xA07600, s0;
	[smem:$0x7E2] =	sst s23  }
0x67: {  	s8 =	smax.u32 s1, $0x1;
	[smem:$0x7E7] =	sst s26  }
0x68: {  	s24 =	sadd.s32 $0x3C, s3;
	[smem:$0x7EC] =	sst s8  }
0x69: {  	s9 =	sadd.s32 $0x572600, s0;
	[smem:$0x7FB] =	sst s24  }
0x6a: {  	s10 =	sadd.s32 $0x5D4200, s0;
	[smem:$0x7D5] =	sst s9  }
0x6b: {  	s11 =	sadd.s32 s25, s2;
	[smem:$0x7D6] =	sst s10  }
0x6c: {  	s12 =	sadd.s32 $0x635E00, s0;
	[smem:$0x7D7] =	sst s11  }
0x6d: {  	s20 =	sadd.s32 $0x81EA00, s0;
	[smem:$0x7D8] =	sst s12  }
0x6e: {  	s25 =	sadd.s32 $0x9A5A00, s0;
	[smem:$0x7DF] =	sst s20  }
0x6f: {  	s14 =	sadd.s32 $0x14, s3;
	[smem:$0x7E5] =	sst s25  }
0x70: {  	s15 =	sadd.s32 $0x18, s3;
	[smem:$0x7F1] =	sst s14  }
0x71: {  	s16 =	sadd.s32 $0x1C, s3;
	[smem:$0x7F2] =	sst s15  }
0x72: {  	s17 =	sadd.s32 $0x20, s3;
	[smem:$0x7F3] =	sst s16  }
0x73: {  	s29 =	sadd.s32 $0xB8E600, s0;
	s18 =	sadd.s32 $0x24, s3;
	[smem:$0x7F4] =	sst s17  }
0x74: {  	s28 =	simm.s32 $0x2;
	s19 =	sadd.s32 $0x28, s3;
	[smem:$0x7F5] =	sst s18  }
0x75: {  	s1 =	simm.s32 $0x20;
	s21 =	sadd.s32 $0x30, s3;
	[smem:$0x7F6] =	sst s19  }
0x76: {  	s4 =	simm.s32 $0x640;
	s22 =	sadd.s32 $0x34, s3;
	[smem:$0x7F8] =	sst s21  }
0x77: {  	s7 =	smul.u32 $0x320, s30;
	s23 =	sadd.s32 $0x38, s3;
	[smem:$0x7F9] =	sst s22  }
0x78: {  	s26 =	sadd.s32 $0x44, s3;
	s24 =	sadd.s32 $0x60, s3;
	[smem:$0x7FA] =	sst s23  }
0x79: {  	s30 =	simm.s32 $0x80;
	s31 =	sadd.s32 s31, s2;
	[smem:$0x7FD] =	sst s26  }
0x7a: {  	s2 =	sadd.s32 s6, s2;
	s6 =	sadd.s32 $0xACAE00, s0;
	[dreg:$0x10] =	wrdreg s31  }
0x7b: {  	s9 =	sadd.s32 $0x4, s3;
	s10 =	sadd.s32 $0x8, s3;
	[smem:$0x7E6] =	sst s2  }
0x7c: {  	s11 =	sadd.s32 $0xC, s3;
	s12 =	sadd.s32 $0x10, s3;
	[smem:$0x7EA] =	sst s6  }
0x7d: {  	s20 =	sadd.s32 $0x2C, s3;
	s25 =	sadd.s32 $0x40, s3;
	[smem:$0x7ED] =	sst s9  }
0x7e: {  	s18 =	sadd.s32 $0x48, s3;
	s19 =	sadd.s32 $0x4C, s3;
	[smem:$0x7EE] =	sst s10  }
0x7f: {  	s21 =	sadd.s32 $0x54, s3;
	s22 =	sadd.s32 $0x58, s3;
	[smem:$0x7EF] =	sst s11  }
0x80: {  	s23 =	sadd.s32 $0x5C, s3;
	s26 =	sadd.s32 $0x68, s3;
	[smem:$0x7F0] =	sst s12  }
0x81: {  	s5 =	sadd.s32 s5, s7;
	s7 =	sadd.s32 $0xB2CA00, s0;
	[smem:$0x7F7] =	sst s20  }
0x82: {  	[smem:$0x7FC] =	sst s25;
	s20 =	sadd.s32 $0x50, s3;
	s25 =	sadd.s32 $0x64, s3  }
0x83: {  	s31 =	simm.s32 $0x1;
	s2 =	simm.s32 $0x360;
	[smem:$0x7E9] =	sst s5  }
0x84: {  	v0 =	vlaneseq.u32;
	v1 =	vimm.s32 $0x0;
	s6 =	simm.s32 $0x0;
	[smem:$0x7EB] =	sst s7;
	s5 =	simm.s32 $0x2980  }
.LBB3_1:
0x85: {  	s0 =	rddreg [dreg:$0xf]  }
0x86: {  	[tilespmem:s13], [sflag:$0x2] =	stream.linear.gather [hbm4b:s0+s13], $0x80, $0x38;
	[tilespmem:$0x11280] =	vst v63  }
0x87: {  	_ =	swait.ge [sflag:s28], $0x80  }
0x88: {  	[sflag:s28] =	ssyncset.done $0x0  }
0x89: {  	s7 =	rddreg [dreg:$0x1e];
	[sflag:s28] =	ssyncadd.s32 $0xFFFFFF80  }
0x8a: {  	[tilespmem:s30], [sflag:$0x1] =	stream.indirect.gather [hbm4b:s7+s30], $0x20, s13, s30, $0xb8;
	[tilespmem:$0x11280] =	vst v63  }
0x8b: {  	_ =	swait.ge [sflag:s31], $0x1000  }
0x8c: {  	[sflag:s31] =	ssyncset.done $0x0  }
0x8d: {  	[sflag:s31] =	ssyncadd.s32 $0xFFFFF000  }
0x8e: {  	[hbm4b:s3+s1] =	stream.strided.scatter [tilespmem:s30], [sflag:$0x2], $0x1000, s2, s1, $0x38;
	[tilespmem:$0x11280] =	vst v63  }
0x8f: {  	_ =	swait.ge [sflag:s28], $0x1000  }
0x90: {  	[sflag:s28] =	ssyncset.done $0x0  }
0x91: {  	s8 =	rddreg [dreg:$0x10];
	[sflag:s28] =	ssyncadd.s32 $0xFFFFF000  }
0x92: {  	[tilespmem:s13], [sflag:$0x2] =	stream.linear.gather [hbm4b:s8+s13], $0x80, $0x38;
	[tilespmem:$0x11280] =	vst v63  }
0x93: {  	_ =	swait.ge [sflag:s28], $0x80  }
0x94: {  	[sflag:s28] =	ssyncset.done $0x0  }
0x95: {  	s9 =	rddreg [dreg:$0x1f];
	[sflag:s28] =	ssyncadd.s32 $0xFFFFFF80  }
0x96: {  	[tilespmem:s30], [sflag:$0x1] =	stream.indirect.gather [hbm4b:s9+s30], $0x20, s13, s30, $0xb8;
	[tilespmem:$0x11280] =	vst v63  }
0x97: {  	_ =	swait.ge [sflag:s31], $0x1000  }
0x98: {  	s10 =	sld [smem:$0x7ED]  }
0x99: {  	[sflag:s31] =	ssyncset.done $0x0  }
0x9a: {  	[sflag:s31] =	ssyncadd.s32 $0xFFFFF000  }
0x9b: {  	[hbm4b:s10+s1] =	stream.strided.scatter [tilespmem:s30], [sflag:$0x2], $0x1000, s2, s1, $0x38;
	[tilespmem:$0x11280] =	vst v63  }
0x9c: {  	_ =	swait.ge [sflag:s28], $0x1000  }
0x9d: {  	[sflag:s28] =	ssyncset.done $0x0  }
0x9e: {  	s11 =	rddreg [dreg:$0x11];
	[sflag:s28] =	ssyncadd.s32 $0xFFFFF000  }
0x9f: {  	[tilespmem:s13], [sflag:$0x2] =	stream.linear.gather [hbm4b:s11+s13], $0x80, $0x38;
	[tilespmem:$0x11280] =	vst v63  }
0xa0: {  	_ =	swait.ge [sflag:s28], $0x80  }
0xa1: {  	s12 =	sld [smem:$0x7C9]  }
0xa2: {  	[sflag:s28] =	ssyncset.done $0x0  }
0xa3: {  	[sflag:s28] =	ssyncadd.s32 $0xFFFFFF80  }
0xa4: {  	[tilespmem:s30], [sflag:$0x1] =	stream.indirect.gather [hbm4b:s12+s30], $0x20, s13, s30, $0xb8;
	[tilespmem:$0x11280] =	vst v63  }
0xa5: {  	_ =	swait.ge [sflag:s31], $0x1000  }
0xa6: {  	s14 =	sld [smem:$0x7EE]  }
0xa7: {  	[sflag:s31] =	ssyncset.done $0x0  }
0xa8: {  	[sflag:s31] =	ssyncadd.s32 $0xFFFFF000  }
0xa9: {  	[hbm4b:s14+s1] =	stream.strided.scatter [tilespmem:s30], [sflag:$0x2], $0x1000, s2, s1, $0x38;
	[tilespmem:$0x11280] =	vst v63  }
0xaa: {  	_ =	swait.ge [sflag:s28], $0x1000  }
0xab: {  	[sflag:s28] =	ssyncset.done $0x0  }
0xac: {  	s15 =	rddreg [dreg:$0x12];
	[sflag:s28] =	ssyncadd.s32 $0xFFFFF000  }
0xad: {  	[tilespmem:s13], [sflag:$0x2] =	stream.linear.gather [hbm4b:s15+s13], $0x80, $0x38;
	[tilespmem:$0x11280] =	vst v63  }
0xae: {  	_ =	swait.ge [sflag:s28], $0x80  }
0xaf: {  	s16 =	sld [smem:$0x7CA]  }
0xb0: {  	[sflag:s28] =	ssyncset.done $0x0  }
0xb1: {  	[sflag:s28] =	ssyncadd.s32 $0xFFFFFF80  }
0xb2: {  	[tilespmem:s30], [sflag:$0x1] =	stream.indirect.gather [hbm4b:s16+s30], $0x20, s13, s30, $0xb8;
	[tilespmem:$0x11280] =	vst v63  }
0xb3: {  	_ =	swait.ge [sflag:s31], $0x1000  }
0xb4: {  	s17 =	sld [smem:$0x7EF]  }
0xb5: {  	[sflag:s31] =	ssyncset.done $0x0  }
0xb6: {  	[sflag:s31] =	ssyncadd.s32 $0xFFFFF000  }
0xb7: {  	[hbm4b:s17+s1] =	stream.strided.scatter [tilespmem:s30], [sflag:$0x2], $0x1000, s2, s1, $0x38;
	[tilespmem:$0x11280] =	vst v63  }
0xb8: {  	_ =	swait.ge [sflag:s28], $0x1000  }
0xb9: {  	[sflag:s28] =	ssyncset.done $0x0  }
0xba: {  	s7 =	rddreg [dreg:$0x13];
	[sflag:s28] =	ssyncadd.s32 $0xFFFFF000  }
0xbb: {  	[tilespmem:s13], [sflag:$0x2] =	stream.linear.gather [hbm4b:s7+s13], $0x80, $0x38;
	[tilespmem:$0x11280] =	vst v63  }
0xbc: {  	_ =	swait.ge [sflag:s28], $0x80  }
0xbd: {  	s8 =	sld [smem:$0x7CC]  }
0xbe: {  	[sflag:s28] =	ssyncset.done $0x0  }
0xbf: {  	[sflag:s28] =	ssyncadd.s32 $0xFFFFFF80  }
0xc0: {  	[tilespmem:s30], [sflag:$0x1] =	stream.indirect.gather [hbm4b:s8+s30], $0x20, s13, s30, $0xb8;
	[tilespmem:$0x11280] =	vst v63  }
0xc1: {  	_ =	swait.ge [sflag:s31], $0x1000  }
0xc2: {  	s9 =	sld [smem:$0x7F0]  }
0xc3: {  	[sflag:s31] =	ssyncset.done $0x0  }
0xc4: {  	[sflag:s31] =	ssyncadd.s32 $0xFFFFF000  }
0xc5: {  	[hbm4b:s9+s1] =	stream.strided.scatter [tilespmem:s30], [sflag:$0x2], $0x1000, s2, s1, $0x38;
	[tilespmem:$0x11280] =	vst v63  }
0xc6: {  	_ =	swait.ge [sflag:s28], $0x1000  }
0xc7: {  	[sflag:s28] =	ssyncset.done $0x0  }
0xc8: {  	s10 =	rddreg [dreg:$0x14];
	[sflag:s28] =	ssyncadd.s32 $0xFFFFF000  }
0xc9: {  	[tilespmem:s13], [sflag:$0x2] =	stream.linear.gather [hbm4b:s10+s13], $0x80, $0x38;
	[tilespmem:$0x11280] =	vst v63  }
0xca: {  	_ =	swait.ge [sflag:s28], $0x80  }
0xcb: {  	s11 =	sld [smem:$0x7CD]  }
0xcc: {  	[sflag:s28] =	ssyncset.done $0x0  }
0xcd: {  	[sflag:s28] =	ssyncadd.s32 $0xFFFFFF80  }
0xce: {  	[tilespmem:s30], [sflag:$0x1] =	stream.indirect.gather [hbm4b:s11+s30], $0x20, s13, s30, $0xb8;
	[tilespmem:$0x11280] =	vst v63  }
0xcf: {  	_ =	swait.ge [sflag:s31], $0x1000  }
0xd0: {  	s12 =	sld [smem:$0x7F1]  }
0xd1: {  	[sflag:s31] =	ssyncset.done $0x0  }
0xd2: {  	[sflag:s31] =	ssyncadd.s32 $0xFFFFF000  }
0xd3: {  	[hbm4b:s12+s1] =	stream.strided.scatter [tilespmem:s30], [sflag:$0x2], $0x1000, s2, s1, $0x38;
	[tilespmem:$0x11280] =	vst v63  }
0xd4: {  	_ =	swait.ge [sflag:s28], $0x1000  }
0xd5: {  	[sflag:s28] =	ssyncset.done $0x0  }
0xd6: {  	s14 =	rddreg [dreg:$0x15];
	[sflag:s28] =	ssyncadd.s32 $0xFFFFF000  }
0xd7: {  	[tilespmem:s13], [sflag:$0x2] =	stream.linear.gather [hbm4b:s14+s13], $0x80, $0x38;
	[tilespmem:$0x11280] =	vst v63  }
0xd8: {  	_ =	swait.ge [sflag:s28], $0x80  }
0xd9: {  	s15 =	sld [smem:$0x7CF]  }
0xda: {  	[sflag:s28] =	ssyncset.done $0x0  }
0xdb: {  	[sflag:s28] =	ssyncadd.s32 $0xFFFFFF80  }
0xdc: {  	[tilespmem:s30], [sflag:$0x1] =	stream.indirect.gather [hbm4b:s15+s30], $0x20, s13, s30, $0xb8;
	[tilespmem:$0x11280] =	vst v63  }
0xdd: {  	_ =	swait.ge [sflag:s31], $0x1000  }
0xde: {  	s16 =	sld [smem:$0x7F2]  }
0xdf: {  	[sflag:s31] =	ssyncset.done $0x0  }
0xe0: {  	[sflag:s31] =	ssyncadd.s32 $0xFFFFF000  }
0xe1: {  	[hbm4b:s16+s1] =	stream.strided.scatter [tilespmem:s30], [sflag:$0x2], $0x1000, s2, s1, $0x38;
	[tilespmem:$0x11280] =	vst v63  }
0xe2: {  	_ =	swait.ge [sflag:s28], $0x1000  }
0xe3: {  	[sflag:s28] =	ssyncset.done $0x0  }
0xe4: {  	s17 =	rddreg [dreg:$0x16];
	[sflag:s28] =	ssyncadd.s32 $0xFFFFF000  }
0xe5: {  	[tilespmem:s13], [sflag:$0x2] =	stream.linear.gather [hbm4b:s17+s13], $0x80, $0x38;
	[tilespmem:$0x11280] =	vst v63  }
0xe6: {  	_ =	swait.ge [sflag:s28], $0x80  }
0xe7: {  	s7 =	sld [smem:$0x7D0]  }
0xe8: {  	[sflag:s28] =	ssyncset.done $0x0  }
0xe9: {  	[sflag:s28] =	ssyncadd.s32 $0xFFFFFF80  }
0xea: {  	[tilespmem:s30], [sflag:$0x1] =	stream.indirect.gather [hbm4b:s7+s30], $0x20, s13, s30, $0xb8;
	[tilespmem:$0x11280] =	vst v63  }
0xeb: {  	_ =	swait.ge [sflag:s31], $0x1000  }
0xec: {  	s8 =	sld [smem:$0x7F3]  }
0xed: {  	[sflag:s31] =	ssyncset.done $0x0  }
0xee: {  	[sflag:s31] =	ssyncadd.s32 $0xFFFFF000  }
0xef: {  	[hbm4b:s8+s1] =	stream.strided.scatter [tilespmem:s30], [sflag:$0x2], $0x1000, s2, s1, $0x38;
	[tilespmem:$0x11280] =	vst v63  }
0xf0: {  	_ =	swait.ge [sflag:s28], $0x1000  }
0xf1: {  	[sflag:s28] =	ssyncset.done $0x0  }
0xf2: {  	s9 =	rddreg [dreg:$0x17];
	[sflag:s28] =	ssyncadd.s32 $0xFFFFF000  }
0xf3: {  	[tilespmem:s13], [sflag:$0x2] =	stream.linear.gather [hbm4b:s9+s13], $0x80, $0x38;
	[tilespmem:$0x11280] =	vst v63  }
0xf4: {  	_ =	swait.ge [sflag:s28], $0x80  }
0xf5: {  	s10 =	sld [smem:$0x7D2]  }
0xf6: {  	[sflag:s28] =	ssyncset.done $0x0  }
0xf7: {  	[sflag:s28] =	ssyncadd.s32 $0xFFFFFF80  }
0xf8: {  	[tilespmem:s30], [sflag:$0x1] =	stream.indirect.gather [hbm4b:s10+s30], $0x20, s13, s30, $0xb8;
	[tilespmem:$0x11280] =	vst v63  }
0xf9: {  	_ =	swait.ge [sflag:s31], $0x1000  }
0xfa: {  	s11 =	sld [smem:$0x7F4]  }
0xfb: {  	[sflag:s31] =	ssyncset.done $0x0  }
0xfc: {  	[sflag:s31] =	ssyncadd.s32 $0xFFFFF000  }
0xfd: {  	[hbm4b:s11+s1] =	stream.strided.scatter [tilespmem:s30], [sflag:$0x2], $0x1000, s2, s1, $0x38;
	[tilespmem:$0x11280] =	vst v63  }
0xfe: {  	_ =	swait.ge [sflag:s28], $0x1000  }
0xff: {  	[sflag:s28] =	ssyncset.done $0x0  }
0x100: {  	s12 =	rddreg [dreg:$0x18];
	[sflag:s28] =	ssyncadd.s32 $0xFFFFF000  }
0x101: {  	[tilespmem:s13], [sflag:$0x2] =	stream.linear.gather [hbm4b:s12+s13], $0x80, $0x38;
	[tilespmem:$0x11280] =	vst v63  }
0x102: {  	_ =	swait.ge [sflag:s28], $0x80  }
0x103: {  	s14 =	sld [smem:$0x7D3]  }
0x104: {  	[sflag:s28] =	ssyncset.done $0x0  }
0x105: {  	[sflag:s28] =	ssyncadd.s32 $0xFFFFFF80  }
0x106: {  	[tilespmem:s30], [sflag:$0x1] =	stream.indirect.gather [hbm4b:s14+s30], $0x20, s13, s30, $0xb8;
	[tilespmem:$0x11280] =	vst v63  }
0x107: {  	_ =	swait.ge [sflag:s31], $0x1000  }
0x108: {  	s15 =	sld [smem:$0x7F5]  }
0x109: {  	[sflag:s31] =	ssyncset.done $0x0  }
0x10a: {  	[sflag:s31] =	ssyncadd.s32 $0xFFFFF000  }
0x10b: {  	[hbm4b:s15+s1] =	stream.strided.scatter [tilespmem:s30], [sflag:$0x2], $0x1000, s2, s1, $0x38;
	[tilespmem:$0x11280] =	vst v63  }
0x10c: {  	_ =	swait.ge [sflag:s28], $0x1000  }
0x10d: {  	[sflag:s28] =	ssyncset.done $0x0  }
0x10e: {  	s16 =	rddreg [dreg:$0x19];
	[sflag:s28] =	ssyncadd.s32 $0xFFFFF000  }
0x10f: {  	[tilespmem:s13], [sflag:$0x2] =	stream.linear.gather [hbm4b:s16+s13], $0x80, $0x38;
	[tilespmem:$0x11280] =	vst v63  }
0x110: {  	_ =	swait.ge [sflag:s28], $0x80  }
0x111: {  	s17 =	sld [smem:$0x7D5]  }
0x112: {  	[sflag:s28] =	ssyncset.done $0x0  }
0x113: {  	[sflag:s28] =	ssyncadd.s32 $0xFFFFFF80  }
0x114: {  	[tilespmem:s30], [sflag:$0x1] =	stream.indirect.gather [hbm4b:s17+s30], $0x20, s13, s30, $0xb8;
	[tilespmem:$0x11280] =	vst v63  }
0x115: {  	_ =	swait.ge [sflag:s31], $0x1000  }
0x116: {  	s7 =	sld [smem:$0x7F6]  }
0x117: {  	[sflag:s31] =	ssyncset.done $0x0  }
0x118: {  	[sflag:s31] =	ssyncadd.s32 $0xFFFFF000  }
0x119: {  	[hbm4b:s7+s1] =	stream.strided.scatter [tilespmem:s30], [sflag:$0x2], $0x1000, s2, s1, $0x38;
	[tilespmem:$0x11280] =	vst v63  }
0x11a: {  	_ =	swait.ge [sflag:s28], $0x1000  }
0x11b: {  	[sflag:s28] =	ssyncset.done $0x0  }
0x11c: {  	s8 =	rddreg [dreg:$0x1a];
	[sflag:s28] =	ssyncadd.s32 $0xFFFFF000  }
0x11d: {  	[tilespmem:s13], [sflag:$0x2] =	stream.linear.gather [hbm4b:s8+s13], $0x80, $0x38;
	[tilespmem:$0x11280] =	vst v63  }
0x11e: {  	_ =	swait.ge [sflag:s28], $0x80  }
0x11f: {  	s9 =	sld [smem:$0x7D6]  }
0x120: {  	[sflag:s28] =	ssyncset.done $0x0  }
0x121: {  	[sflag:s28] =	ssyncadd.s32 $0xFFFFFF80  }
0x122: {  	[tilespmem:s30], [sflag:$0x1] =	stream.indirect.gather [hbm4b:s9+s30], $0x20, s13, s30, $0xb8;
	[tilespmem:$0x11280] =	vst v63  }
0x123: {  	_ =	swait.ge [sflag:s31], $0x1000  }
0x124: {  	s10 =	sld [smem:$0x7F7]  }
0x125: {  	[sflag:s31] =	ssyncset.done $0x0  }
0x126: {  	[sflag:s31] =	ssyncadd.s32 $0xFFFFF000  }
0x127: {  	[hbm4b:s10+s1] =	stream.strided.scatter [tilespmem:s30], [sflag:$0x2], $0x1000, s2, s1, $0x38;
	[tilespmem:$0x11280] =	vst v63  }
0x128: {  	_ =	swait.ge [sflag:s28], $0x1000  }
0x129: {  	[sflag:s28] =	ssyncset.done $0x0  }
0x12a: {  	s11 =	rddreg [dreg:$0x1b];
	[sflag:s28] =	ssyncadd.s32 $0xFFFFF000  }
0x12b: {  	[tilespmem:s13], [sflag:$0x2] =	stream.linear.gather [hbm4b:s11+s13], $0x80, $0x38;
	[tilespmem:$0x11280] =	vst v63  }
0x12c: {  	_ =	swait.ge [sflag:s28], $0x80  }
0x12d: {  	s12 =	sld [smem:$0x7D8]  }
0x12e: {  	[sflag:s28] =	ssyncset.done $0x0  }
0x12f: {  	[sflag:s28] =	ssyncadd.s32 $0xFFFFFF80  }
0x130: {  	[tilespmem:s30], [sflag:$0x1] =	stream.indirect.gather [hbm4b:s12+s30], $0x20, s13, s30, $0xb8;
	[tilespmem:$0x11280] =	vst v63  }
0x131: {  	_ =	swait.ge [sflag:s31], $0x1000  }
0x132: {  	s14 =	sld [smem:$0x7F8]  }
0x133: {  	[sflag:s31] =	ssyncset.done $0x0  }
0x134: {  	[sflag:s31] =	ssyncadd.s32 $0xFFFFF000  }
0x135: {  	[hbm4b:s14+s1] =	stream.strided.scatter [tilespmem:s30], [sflag:$0x2], $0x1000, s2, s1, $0x38;
	[tilespmem:$0x11280] =	vst v63  }
0x136: {  	_ =	swait.ge [sflag:s28], $0x1000  }
0x137: {  	[sflag:s28] =	ssyncset.done $0x0  }
0x138: {  	s15 =	rddreg [dreg:$0x1c];
	[sflag:s28] =	ssyncadd.s32 $0xFFFFF000  }
0x139: {  	[tilespmem:s13], [sflag:$0x2] =	stream.linear.gather [hbm4b:s15+s13], $0x80, $0x38;
	[tilespmem:$0x11280] =	vst v63  }
0x13a: {  	_ =	swait.ge [sflag:s28], $0x80  }
0x13b: {  	s16 =	sld [smem:$0x7D9]  }
0x13c: {  	[sflag:s28] =	ssyncset.done $0x0  }
0x13d: {  	[sflag:s28] =	ssyncadd.s32 $0xFFFFFF80  }
0x13e: {  	[tilespmem:s30], [sflag:$0x1] =	stream.indirect.gather [hbm4b:s16+s30], $0x20, s13, s30, $0xb8;
	[tilespmem:$0x11280] =	vst v63  }
0x13f: {  	_ =	swait.ge [sflag:s31], $0x1000  }
0x140: {  	s17 =	sld [smem:$0x7F9]  }
0x141: {  	[sflag:s31] =	ssyncset.done $0x0  }
0x142: {  	[sflag:s31] =	ssyncadd.s32 $0xFFFFF000  }
0x143: {  	[hbm4b:s17+s1] =	stream.strided.scatter [tilespmem:s30], [sflag:$0x2], $0x1000, s2, s1, $0x38;
	[tilespmem:$0x11280] =	vst v63  }
0x144: {  	_ =	swait.ge [sflag:s28], $0x1000  }
0x145: {  	[sflag:s28] =	ssyncset.done $0x0  }
0x146: {  	s7 =	rddreg [dreg:$0x1d];
	[sflag:s28] =	ssyncadd.s32 $0xFFFFF000  }
0x147: {  	[tilespmem:s13], [sflag:$0x2] =	stream.linear.gather [hbm4b:s7+s13], $0x80, $0x38;
	[tilespmem:$0x11280] =	vst v63  }
0x148: {  	_ =	swait.ge [sflag:s28], $0x80  }
0x149: {  	s8 =	sld [smem:$0x7DB]  }
0x14a: {  	[sflag:s28] =	ssyncset.done $0x0  }
0x14b: {  	[sflag:s28] =	ssyncadd.s32 $0xFFFFFF80  }
0x14c: {  	[tilespmem:s30], [sflag:$0x1] =	stream.indirect.gather [hbm4b:s8+s30], $0x20, s13, s30, $0xb8;
	[tilespmem:$0x11280] =	vst v63  }
0x14d: {  	_ =	swait.ge [sflag:s31], $0x1000  }
0x14e: {  	s9 =	sld [smem:$0x7FA]  }
0x14f: {  	[sflag:s31] =	ssyncset.done $0x0  }
0x150: {  	[sflag:s31] =	ssyncadd.s32 $0xFFFFF000  }
0x151: {  	[hbm4b:s9+s1] =	stream.strided.scatter [tilespmem:s30], [sflag:$0x2], $0x1000, s2, s1, $0x38;
	[tilespmem:$0x11280] =	vst v63  }
0x152: {  	_ =	swait.ge [sflag:s28], $0x1000  }
0x153: {  	s10 =	sld [smem:$0x7C8]  }
0x154: {  	[sflag:s28] =	ssyncset.done $0x0  }
0x155: {  	[sflag:s28] =	ssyncadd.s32 $0xFFFFF000  }
0x156: {  	[tilespmem:s13], [sflag:$0x2] =	stream.linear.gather [hbm4b:s10+s13], $0x80, $0x38;
	[tilespmem:$0x11280] =	vst v63  }
0x157: {  	_ =	swait.ge [sflag:s28], $0x80  }
0x158: {  	s11 =	sld [smem:$0x7DC]  }
0x159: {  	[sflag:s28] =	ssyncset.done $0x0  }
0x15a: {  	[sflag:s28] =	ssyncadd.s32 $0xFFFFFF80  }
0x15b: {  	[tilespmem:s30], [sflag:$0x1] =	stream.indirect.gather [hbm4b:s11+s30], $0x20, s13, s30, $0xb8;
	[tilespmem:$0x11280] =	vst v63  }
0x15c: {  	_ =	swait.ge [sflag:s31], $0x1000  }
0x15d: {  	s12 =	sld [smem:$0x7FB]  }
0x15e: {  	[sflag:s31] =	ssyncset.done $0x0  }
0x15f: {  	[sflag:s31] =	ssyncadd.s32 $0xFFFFF000  }
0x160: {  	[hbm4b:s12+s1] =	stream.strided.scatter [tilespmem:s30], [sflag:$0x2], $0x1000, s2, s1, $0x38;
	[tilespmem:$0x11280] =	vst v63  }
0x161: {  	_ =	swait.ge [sflag:s28], $0x1000  }
0x162: {  	s14 =	sld [smem:$0x7CB]  }
0x163: {  	[sflag:s28] =	ssyncset.done $0x0  }
0x164: {  	[sflag:s28] =	ssyncadd.s32 $0xFFFFF000  }
0x165: {  	[tilespmem:s13], [sflag:$0x2] =	stream.linear.gather [hbm4b:s14+s13], $0x80, $0x38;
	[tilespmem:$0x11280] =	vst v63  }
0x166: {  	_ =	swait.ge [sflag:s28], $0x80  }
0x167: {  	s15 =	sld [smem:$0x7DE]  }
0x168: {  	[sflag:s28] =	ssyncset.done $0x0  }
0x169: {  	[sflag:s28] =	ssyncadd.s32 $0xFFFFFF80  }
0x16a: {  	[tilespmem:s30], [sflag:$0x1] =	stream.indirect.gather [hbm4b:s15+s30], $0x20, s13, s30, $0xb8;
	[tilespmem:$0x11280] =	vst v63  }
0x16b: {  	_ =	swait.ge [sflag:s31], $0x1000  }
0x16c: {  	s16 =	sld [smem:$0x7FC]  }
0x16d: {  	[sflag:s31] =	ssyncset.done $0x0  }
0x16e: {  	[sflag:s31] =	ssyncadd.s32 $0xFFFFF000  }
0x16f: {  	[hbm4b:s16+s1] =	stream.strided.scatter [tilespmem:s30], [sflag:$0x2], $0x1000, s2, s1, $0x38;
	[tilespmem:$0x11280] =	vst v63  }
0x170: {  	_ =	swait.ge [sflag:s28], $0x1000  }
0x171: {  	s17 =	sld [smem:$0x7CE]  }
0x172: {  	[sflag:s28] =	ssyncset.done $0x0  }
0x173: {  	[sflag:s28] =	ssyncadd.s32 $0xFFFFF000  }
0x174: {  	[tilespmem:s13], [sflag:$0x2] =	stream.linear.gather [hbm4b:s17+s13], $0x80, $0x38;
	[tilespmem:$0x11280] =	vst v63  }
0x175: {  	_ =	swait.ge [sflag:s28], $0x80  }
0x176: {  	s7 =	sld [smem:$0x7DF]  }
0x177: {  	[sflag:s28] =	ssyncset.done $0x0  }
0x178: {  	[sflag:s28] =	ssyncadd.s32 $0xFFFFFF80  }
0x179: {  	[tilespmem:s30], [sflag:$0x1] =	stream.indirect.gather [hbm4b:s7+s30], $0x20, s13, s30, $0xb8;
	[tilespmem:$0x11280] =	vst v63  }
0x17a: {  	_ =	swait.ge [sflag:s31], $0x1000  }
0x17b: {  	s8 =	sld [smem:$0x7FD]  }
0x17c: {  	[sflag:s31] =	ssyncset.done $0x0  }
0x17d: {  	[sflag:s31] =	ssyncadd.s32 $0xFFFFF000  }
0x17e: {  	[hbm4b:s8+s1] =	stream.strided.scatter [tilespmem:s30], [sflag:$0x2], $0x1000, s2, s1, $0x38;
	[tilespmem:$0x11280] =	vst v63  }
0x17f: {  	_ =	swait.ge [sflag:s28], $0x1000  }
0x180: {  	s9 =	sld [smem:$0x7D1]  }
0x181: {  	[sflag:s28] =	ssyncset.done $0x0  }
0x182: {  	[sflag:s28] =	ssyncadd.s32 $0xFFFFF000  }
0x183: {  	[tilespmem:s13], [sflag:$0x2] =	stream.linear.gather [hbm4b:s9+s13], $0x80, $0x38;
	[tilespmem:$0x11280] =	vst v63  }
0x184: {  	_ =	swait.ge [sflag:s28], $0x80  }
0x185: {  	s10 =	sld [smem:$0x7E1]  }
0x186: {  	[sflag:s28] =	ssyncset.done $0x0  }
0x187: {  	[sflag:s28] =	ssyncadd.s32 $0xFFFFFF80  }
0x188: {  	[tilespmem:s30], [sflag:$0x1] =	stream.indirect.gather [hbm4b:s10+s30], $0x20, s13, s30, $0xb8;
	[tilespmem:$0x11280] =	vst v63  }
0x189: {  	_ =	swait.ge [sflag:s31], $0x1000  }
0x18a: {  	[sflag:s31] =	ssyncset.done $0x0  }
0x18b: {  	[sflag:s31] =	ssyncadd.s32 $0xFFFFF000  }
0x18c: {  	[hbm4b:s18+s1] =	stream.strided.scatter [tilespmem:s30], [sflag:$0x2], $0x1000, s2, s1, $0x38;
	[tilespmem:$0x11280] =	vst v63  }
0x18d: {  	_ =	swait.ge [sflag:s28], $0x1000  }
0x18e: {  	s11 =	sld [smem:$0x7D4]  }
0x18f: {  	[sflag:s28] =	ssyncset.done $0x0  }
0x190: {  	[sflag:s28] =	ssyncadd.s32 $0xFFFFF000  }
0x191: {  	[tilespmem:s13], [sflag:$0x2] =	stream.linear.gather [hbm4b:s11+s13], $0x80, $0x38;
	[tilespmem:$0x11280] =	vst v63  }
0x192: {  	_ =	swait.ge [sflag:s28], $0x80  }
0x193: {  	s12 =	sld [smem:$0x7E2]  }
0x194: {  	[sflag:s28] =	ssyncset.done $0x0  }
0x195: {  	[sflag:s28] =	ssyncadd.s32 $0xFFFFFF80  }
0x196: {  	[tilespmem:s30], [sflag:$0x1] =	stream.indirect.gather [hbm4b:s12+s30], $0x20, s13, s30, $0xb8;
	[tilespmem:$0x11280] =	vst v63  }
0x197: {  	_ =	swait.ge [sflag:s31], $0x1000  }
0x198: {  	[sflag:s31] =	ssyncset.done $0x0  }
0x199: {  	[sflag:s31] =	ssyncadd.s32 $0xFFFFF000  }
0x19a: {  	[hbm4b:s19+s1] =	stream.strided.scatter [tilespmem:s30], [sflag:$0x2], $0x1000, s2, s1, $0x38;
	[tilespmem:$0x11280] =	vst v63  }
0x19b: {  	_ =	swait.ge [sflag:s28], $0x1000  }
0x19c: {  	s14 =	sld [smem:$0x7D7]  }
0x19d: {  	[sflag:s28] =	ssyncset.done $0x0  }
0x19e: {  	[sflag:s28] =	ssyncadd.s32 $0xFFFFF000  }
0x19f: {  	[tilespmem:s13], [sflag:$0x2] =	stream.linear.gather [hbm4b:s14+s13], $0x80, $0x38;
	[tilespmem:$0x11280] =	vst v63  }
0x1a0: {  	_ =	swait.ge [sflag:s28], $0x80  }
0x1a1: {  	s15 =	sld [smem:$0x7E4]  }
0x1a2: {  	[sflag:s28] =	ssyncset.done $0x0  }
0x1a3: {  	[sflag:s28] =	ssyncadd.s32 $0xFFFFFF80  }
0x1a4: {  	[tilespmem:s30], [sflag:$0x1] =	stream.indirect.gather [hbm4b:s15+s30], $0x20, s13, s30, $0xb8;
	[tilespmem:$0x11280] =	vst v63  }
0x1a5: {  	_ =	swait.ge [sflag:s31], $0x1000  }
0x1a6: {  	[sflag:s31] =	ssyncset.done $0x0  }
0x1a7: {  	[sflag:s31] =	ssyncadd.s32 $0xFFFFF000  }
0x1a8: {  	[hbm4b:s20+s1] =	stream.strided.scatter [tilespmem:s30], [sflag:$0x2], $0x1000, s2, s1, $0x38;
	[tilespmem:$0x11280] =	vst v63  }
0x1a9: {  	_ =	swait.ge [sflag:s28], $0x1000  }
0x1aa: {  	s16 =	sld [smem:$0x7DA]  }
0x1ab: {  	[sflag:s28] =	ssyncset.done $0x0  }
0x1ac: {  	[sflag:s28] =	ssyncadd.s32 $0xFFFFF000  }
0x1ad: {  	[tilespmem:s13], [sflag:$0x2] =	stream.linear.gather [hbm4b:s16+s13], $0x80, $0x38;
	[tilespmem:$0x11280] =	vst v63  }
0x1ae: {  	_ =	swait.ge [sflag:s28], $0x80  }
0x1af: {  	s17 =	sld [smem:$0x7E5]  }
0x1b0: {  	[sflag:s28] =	ssyncset.done $0x0  }
0x1b1: {  	[sflag:s28] =	ssyncadd.s32 $0xFFFFFF80  }
0x1b2: {  	[tilespmem:s30], [sflag:$0x1] =	stream.indirect.gather [hbm4b:s17+s30], $0x20, s13, s30, $0xb8;
	[tilespmem:$0x11280] =	vst v63  }
0x1b3: {  	_ =	swait.ge [sflag:s31], $0x1000  }
0x1b4: {  	[sflag:s31] =	ssyncset.done $0x0  }
0x1b5: {  	[sflag:s31] =	ssyncadd.s32 $0xFFFFF000  }
0x1b6: {  	[hbm4b:s21+s1] =	stream.strided.scatter [tilespmem:s30], [sflag:$0x2], $0x1000, s2, s1, $0x38;
	[tilespmem:$0x11280] =	vst v63  }
0x1b7: {  	_ =	swait.ge [sflag:s28], $0x1000  }
0x1b8: {  	s7 =	sld [smem:$0x7DD]  }
0x1b9: {  	[sflag:s28] =	ssyncset.done $0x0  }
0x1ba: {  	[sflag:s28] =	ssyncadd.s32 $0xFFFFF000  }
0x1bb: {  	[tilespmem:s13], [sflag:$0x2] =	stream.linear.gather [hbm4b:s7+s13], $0x80, $0x38;
	[tilespmem:$0x11280] =	vst v63  }
0x1bc: {  	_ =	swait.ge [sflag:s28], $0x80  }
0x1bd: {  	s8 =	sld [smem:$0x7E7]  }
0x1be: {  	[sflag:s28] =	ssyncset.done $0x0  }
0x1bf: {  	[sflag:s28] =	ssyncadd.s32 $0xFFFFFF80  }
0x1c0: {  	[tilespmem:s30], [sflag:$0x1] =	stream.indirect.gather [hbm4b:s8+s30], $0x20, s13, s30, $0xb8;
	[tilespmem:$0x11280] =	vst v63  }
0x1c1: {  	_ =	swait.ge [sflag:s31], $0x1000  }
0x1c2: {  	[sflag:s31] =	ssyncset.done $0x0  }
0x1c3: {  	[sflag:s31] =	ssyncadd.s32 $0xFFFFF000  }
0x1c4: {  	[hbm4b:s22+s1] =	stream.strided.scatter [tilespmem:s30], [sflag:$0x2], $0x1000, s2, s1, $0x38;
	[tilespmem:$0x11280] =	vst v63  }
0x1c5: {  	_ =	swait.ge [sflag:s28], $0x1000  }
0x1c6: {  	s9 =	sld [smem:$0x7E0]  }
0x1c7: {  	[sflag:s28] =	ssyncset.done $0x0  }
0x1c8: {  	[sflag:s28] =	ssyncadd.s32 $0xFFFFF000  }
0x1c9: {  	[tilespmem:s13], [sflag:$0x2] =	stream.linear.gather [hbm4b:s9+s13], $0x80, $0x38;
	[tilespmem:$0x11280] =	vst v63  }
0x1ca: {  	_ =	swait.ge [sflag:s28], $0x80  }
0x1cb: {  	s10 =	sld [smem:$0x7E8]  }
0x1cc: {  	[sflag:s28] =	ssyncset.done $0x0  }
0x1cd: {  	[sflag:s28] =	ssyncadd.s32 $0xFFFFFF80  }
0x1ce: {  	[tilespmem:s30], [sflag:$0x1] =	stream.indirect.gather [hbm4b:s10+s30], $0x20, s13, s30, $0xb8;
	[tilespmem:$0x11280] =	vst v63  }
0x1cf: {  	_ =	swait.ge [sflag:s31], $0x1000  }
0x1d0: {  	[sflag:s31] =	ssyncset.done $0x0  }
0x1d1: {  	[sflag:s31] =	ssyncadd.s32 $0xFFFFF000  }
0x1d2: {  	[hbm4b:s23+s1] =	stream.strided.scatter [tilespmem:s30], [sflag:$0x2], $0x1000, s2, s1, $0x38;
	[tilespmem:$0x11280] =	vst v63  }
0x1d3: {  	_ =	swait.ge [sflag:s28], $0x1000  }
0x1d4: {  	s11 =	sld [smem:$0x7E3]  }
0x1d5: {  	[sflag:s28] =	ssyncset.done $0x0  }
0x1d6: {  	[sflag:s28] =	ssyncadd.s32 $0xFFFFF000  }
0x1d7: {  	[tilespmem:s13], [sflag:$0x2] =	stream.linear.gather [hbm4b:s11+s13], $0x80, $0x38;
	[tilespmem:$0x11280] =	vst v63  }
0x1d8: {  	_ =	swait.ge [sflag:s28], $0x80  }
0x1d9: {  	s12 =	sld [smem:$0x7EA]  }
0x1da: {  	[sflag:s28] =	ssyncset.done $0x0  }
0x1db: {  	[sflag:s28] =	ssyncadd.s32 $0xFFFFFF80  }
0x1dc: {  	[tilespmem:s30], [sflag:$0x1] =	stream.indirect.gather [hbm4b:s12+s30], $0x20, s13, s30, $0xb8;
	[tilespmem:$0x11280] =	vst v63  }
0x1dd: {  	_ =	swait.ge [sflag:s31], $0x1000  }
0x1de: {  	[sflag:s31] =	ssyncset.done $0x0  }
0x1df: {  	[sflag:s31] =	ssyncadd.s32 $0xFFFFF000  }
0x1e0: {  	[hbm4b:s24+s1] =	stream.strided.scatter [tilespmem:s30], [sflag:$0x2], $0x1000, s2, s1, $0x38;
	[tilespmem:$0x11280] =	vst v63  }
0x1e1: {  	_ =	swait.ge [sflag:s28], $0x1000  }
0x1e2: {  	s14 =	sld [smem:$0x7E6]  }
0x1e3: {  	[sflag:s28] =	ssyncset.done $0x0  }
0x1e4: {  	[sflag:s28] =	ssyncadd.s32 $0xFFFFF000  }
0x1e5: {  	[tilespmem:s13], [sflag:$0x2] =	stream.linear.gather [hbm4b:s14+s13], $0x80, $0x38;
	[tilespmem:$0x11280] =	vst v63  }
0x1e6: {  	_ =	swait.ge [sflag:s28], $0x80  }
0x1e7: {  	s15 =	sld [smem:$0x7EB]  }
0x1e8: {  	[sflag:s28] =	ssyncset.done $0x0  }
0x1e9: {  	[sflag:s28] =	ssyncadd.s32 $0xFFFFFF80  }
0x1ea: {  	[tilespmem:s30], [sflag:$0x1] =	stream.indirect.gather [hbm4b:s15+s30], $0x20, s13, s30, $0xb8;
	[tilespmem:$0x11280] =	vst v63  }
0x1eb: {  	_ =	swait.ge [sflag:s31], $0x1000  }
0x1ec: {  	[sflag:s31] =	ssyncset.done $0x0  }
0x1ed: {  	[sflag:s31] =	ssyncadd.s32 $0xFFFFF000  }
0x1ee: {  	[hbm4b:s25+s1] =	stream.strided.scatter [tilespmem:s30], [sflag:$0x2], $0x1000, s2, s1, $0x38;
	[tilespmem:$0x11280] =	vst v63  }
0x1ef: {  	_ =	swait.ge [sflag:s28], $0x1000  }
0x1f0: {  	s16 =	sld [smem:$0x7E9]  }
0x1f1: {  	[sflag:s28] =	ssyncset.done $0x0  }
0x1f2: {  	s7 =	simm.s32 $0x1080;
	[sflag:s28] =	ssyncadd.s32 $0xFFFFF000  }
0x1f3: {  	[tilespmem:s7], [sflag:$0x2] =	stream.linear.gather [hbm4b:s16+s13], $0x1900, $0x38;
	[tilespmem:$0x11280] =	vst v63  }
0x1f4: {  	_ =	swait.ge [sflag:s28], $0x1900  }
0x1f5: {  	[sflag:s28] =	ssyncset.done $0x0  }
0x1f6: {  	s17 =	simm.s32 $0x11180;
	[sflag:s28] =	ssyncadd.s32 $0xFFFFE700  }
0x1f7: {  	[tilespmem:s17], [sflag:$0x2] =	stream.linear.gather [hbm4b:s29+s13], $0x100, $0x38;
	[tilespmem:$0x11280] =	vst v63  }
0x1f8: {  	_ =	swait.ge [sflag:s28], $0x100  }
0x1f9: {  	[sflag:s28] =	ssyncset.done $0x0  }
0x1fa: {  	[sflag:s28] =	ssyncadd.s32 $0xFFFFFF00  }
0x1fb: {  	[tilespmem:s5], [sflag:$0x1] =	stream.indirect.gather [hbm4b:s29+s4], $0x20, s7, s4, $0xb8;
	[tilespmem:$0x11280] =	vst v63  }
0x1fc: {  	_ =	swait.ge [sflag:s31], $0xC800  }
0x1fd: {  	[sflag:s31] =	ssyncset.done $0x0  }
0x1fe: {  	s7 =	simm.s32 $0x2CA0;
	[sflag:s31] =	ssyncadd.s32 $0xFFFF3800  }
0x1ff: {  	v2 =	vld [tilespmem:s7+$0xFFFFFCE0]  }
0x200: {  	v3 =	vld [tilespmem:s7+$0xFFFFFCF0]  }
0x201: {  	v4 =	vld [tilespmem:s7+$0xFFFFFD00]  }
0x202: {  	v5 =	vld [tilespmem:s7+$0xFFFFFD10]  }
0x203: {  	v6 =	vld [tilespmem:s7+$0xFFFFFD20]  }
0x204: {  	v7 =	vld [tilespmem:s7+$0xFFFFFD30];
	v2 =	vadd.f32 $0.0e+00, v2  }
0x205: {  	v8 =	vld [tilespmem:s7+$0xFFFFFD40]  }
0x206: {  	v23 =	vld [tilespmem:s7+$0xFFFFFD50];
	v3 =	vadd.f32 $0.0e+00, v3;
	v2 =	vadd.f32 v4, v2  }
0x207: {  	v9 =	vld [tilespmem:s7+$0xFFFFFD60]  }
0x208: {  	v24 =	vld [tilespmem:s7+$0xFFFFFD70];
	v3 =	vadd.f32 v5, v3;
	v2 =	vadd.f32 v6, v2  }
0x209: {  	v25 =	vld [tilespmem:s7+$0xFFFFFD80]  }
0x20a: {  	v26 =	vld [tilespmem:s7+$0xFFFFFD90];
	v3 =	vadd.f32 v7, v3;
	v2 =	vadd.f32 v8, v2  }
0x20b: {  	v27 =	vld [tilespmem:s7+$0xFFFFFDA0]  }
0x20c: {  	v28 =	vld [tilespmem:s7+$0xFFFFFDB0];
	v3 =	vadd.f32 v23, v3;
	v2 =	vadd.f32 v9, v2  }
0x20d: {  	v29 =	vld [tilespmem:s7+$0xFFFFFDC0]  }
0x20e: {  	v30 =	vld [tilespmem:s7+$0xFFFFFDD0];
	v3 =	vadd.f32 v24, v3;
	v2 =	vadd.f32 v25, v2  }
0x20f: {  	v31 =	vld [tilespmem:s7+$0xFFFFFDE0]  }
0x210: {  	v32 =	vld [tilespmem:s7+$0xFFFFFDF0];
	v3 =	vadd.f32 v26, v3;
	v2 =	vadd.f32 v27, v2  }
0x211: {  	v33 =	vld [tilespmem:s7+$0xFFFFFE00]  }
0x212: {  	v34 =	vld [tilespmem:s7+$0xFFFFFE10];
	v3 =	vadd.f32 v28, v3;
	v2 =	vadd.f32 v29, v2  }
0x213: {  	v35 =	vld [tilespmem:s7+$0xFFFFFE20]  }
0x214: {  	v36 =	vld [tilespmem:s7+$0xFFFFFE30];
	v3 =	vadd.f32 v30, v3;
	v2 =	vadd.f32 v31, v2  }
0x215: {  	v37 =	vld [tilespmem:s7+$0xFFFFFE40]  }
0x216: {  	v38 =	vld [tilespmem:s7+$0xFFFFFE50];
	v3 =	vadd.f32 v32, v3;
	v2 =	vadd.f32 v33, v2  }
0x217: {  	v39 =	vld [tilespmem:s7+$0xFFFFFE60]  }
0x218: {  	v40 =	vld [tilespmem:s7+$0xFFFFFE70];
	v3 =	vadd.f32 v34, v3;
	v2 =	vadd.f32 v35, v2  }
0x219: {  	v41 =	vld [tilespmem:s7+$0xFFFFFE80]  }
0x21a: {  	v42 =	vld [tilespmem:s7+$0xFFFFFE90];
	v3 =	vadd.f32 v36, v3;
	v2 =	vadd.f32 v37, v2  }
0x21b: {  	v43 =	vld [tilespmem:s7+$0xFFFFFEA0]  }
0x21c: {  	v44 =	vld [tilespmem:s7+$0xFFFFFEB0];
	v3 =	vadd.f32 v38, v3;
	v2 =	vadd.f32 v39, v2  }
0x21d: {  	v45 =	vld [tilespmem:s7+$0xFFFFFEC0]  }
0x21e: {  	v46 =	vld [tilespmem:s7+$0xFFFFFED0];
	v3 =	vadd.f32 v40, v3;
	v2 =	vadd.f32 v41, v2  }
0x21f: {  	v47 =	vld [tilespmem:s7+$0xFFFFFEE0]  }
0x220: {  	v48 =	vld [tilespmem:s7+$0xFFFFFEF0];
	v3 =	vadd.f32 v42, v3;
	v2 =	vadd.f32 v43, v2  }
0x221: {  	v49 =	vld [tilespmem:s7+$0xFFFFFF00]  }
0x222: {  	v50 =	vld [tilespmem:s7+$0xFFFFFF10];
	v3 =	vadd.f32 v44, v3;
	v2 =	vadd.f32 v45, v2  }
0x223: {  	v51 =	vld [tilespmem:s7+$0xFFFFFF20]  }
0x224: {  	v52 =	vld [tilespmem:s7+$0xFFFFFF30];
	v3 =	vadd.f32 v46, v3;
	v2 =	vadd.f32 v47, v2  }
0x225: {  	v53 =	vld [tilespmem:s7+$0xFFFFFF40]  }
0x226: {  	v54 =	vld [tilespmem:s7+$0xFFFFFF50];
	v3 =	vadd.f32 v48, v3;
	v2 =	vadd.f32 v49, v2  }
0x227: {  	v55 =	vld [tilespmem:s7+$0xFFFFFF60]  }
0x228: {  	v56 =	vld [tilespmem:s7+$0xFFFFFF70];
	v3 =	vadd.f32 v50, v3;
	v2 =	vadd.f32 v51, v2  }
0x229: {  	v57 =	vld [tilespmem:s7+$0xFFFFFF80]  }
0x22a: {  	v58 =	vld [tilespmem:s7+$0xFFFFFF90];
	v3 =	vadd.f32 v52, v3;
	v2 =	vadd.f32 v53, v2  }
0x22b: {  	v59 =	vld [tilespmem:s7+$0xFFFFFFA0]  }
0x22c: {  	v60 =	vld [tilespmem:s7+$0xFFFFFFB0];
	v3 =	vadd.f32 v54, v3;
	v2 =	vadd.f32 v55, v2  }
0x22d: {  	v61 =	vld [tilespmem:s7+$0xFFFFFFC0]  }
0x22e: {  	v62 =	vld [tilespmem:s7+$0xFFFFFFD0];
	v3 =	vadd.f32 v56, v3;
	v2 =	vadd.f32 v57, v2  }
0x22f: {  	v63 =	vld [tilespmem:s7+$0xFFFFFFE0]  }
0x230: {  	v12 =	vld [tilespmem:s7+$0xFFFFFFF0];
	v3 =	vadd.f32 v58, v3;
	v2 =	vadd.f32 v59, v2  }
0x231: {  	v13 =	vld [tilespmem:s7+$0x0]  }
0x232: {  	v14 =	vld [tilespmem:s7+$0x10];
	v3 =	vadd.f32 v60, v3;
	v2 =	vadd.f32 v61, v2  }
0x233: {  	v15 =	vld [tilespmem:s7+$0x20]  }
0x234: {  	v16 =	vld [tilespmem:s7+$0x30];
	v3 =	vadd.f32 v62, v3;
	v2 =	vadd.f32 v63, v2  }
0x235: {  	v17 =	vld [tilespmem:s7+$0x40]  }
0x236: {  	v18 =	vld [tilespmem:s7+$0x50];
	v3 =	vadd.f32 v12, v3;
	v2 =	vadd.f32 v13, v2  }
0x237: {  	v19 =	vld [tilespmem:s7+$0x60]  }
0x238: {  	v20 =	vld [tilespmem:s7+$0x70];
	v3 =	vadd.f32 v14, v3;
	v2 =	vadd.f32 v15, v2  }
0x239: {  	v21 =	vld [tilespmem:s7+$0x80]  }
0x23a: {  	v22 =	vld [tilespmem:s7+$0x90];
	v3 =	vadd.f32 v16, v3;
	v2 =	vadd.f32 v17, v2  }
0x23b: {  	v23 =	vld [tilespmem:s7+$0xA0]  }
0x23c: {  	v24 =	vld [tilespmem:s7+$0xB0];
	v3 =	vadd.f32 v18, v3;
	v2 =	vadd.f32 v19, v2  }
0x23d: {  	v25 =	vld [tilespmem:s7+$0xC0]  }
0x23e: {  	v26 =	vld [tilespmem:s7+$0xD0];
	v3 =	vadd.f32 v20, v3;
	v2 =	vadd.f32 v21, v2  }
0x23f: {  	v27 =	vld [tilespmem:s7+$0xE0]  }
0x240: {  	v28 =	vld [tilespmem:s7+$0xF0];
	v3 =	vadd.f32 v22, v3;
	v2 =	vadd.f32 v23, v2  }
0x241: {  	v29 =	vld [tilespmem:s7+$0x100]  }
0x242: {  	v30 =	vld [tilespmem:s7+$0x110];
	v3 =	vadd.f32 v24, v3;
	v2 =	vadd.f32 v25, v2  }
0x243: {  	v31 =	vld [tilespmem:s7+$0x120]  }
0x244: {  	v32 =	vld [tilespmem:s7+$0x130];
	v3 =	vadd.f32 v26, v3;
	v2 =	vadd.f32 v27, v2  }
0x245: {  	v33 =	vld [tilespmem:s7+$0x140]  }
0x246: {  	v34 =	vld [tilespmem:s7+$0x150];
	v3 =	vadd.f32 v28, v3;
	v2 =	vadd.f32 v29, v2  }
0x247: {  	v35 =	vld [tilespmem:s7+$0x160]  }
0x248: {  	v36 =	vld [tilespmem:s7+$0x170];
	v3 =	vadd.f32 v30, v3;
	v2 =	vadd.f32 v31, v2  }
0x249: {  	v37 =	vld [tilespmem:s7+$0x180]  }
0x24a: {  	v38 =	vld [tilespmem:s7+$0x190];
	v3 =	vadd.f32 v32, v3;
	v2 =	vadd.f32 v33, v2  }
0x24b: {  	v39 =	vld [tilespmem:s7+$0x1A0]  }
0x24c: {  	v40 =	vld [tilespmem:s7+$0x1B0];
	v3 =	vadd.f32 v34, v3;
	v2 =	vadd.f32 v35, v2  }
0x24d: {  	v41 =	vld [tilespmem:s7+$0x1C0]  }
0x24e: {  	v42 =	vld [tilespmem:s7+$0x1D0];
	v3 =	vadd.f32 v36, v3;
	v2 =	vadd.f32 v37, v2  }
0x24f: {  	v43 =	vld [tilespmem:s7+$0x1E0]  }
0x250: {  	v44 =	vld [tilespmem:s7+$0x1F0];
	v3 =	vadd.f32 v38, v3;
	v2 =	vadd.f32 v39, v2  }
0x251: {  	v45 =	vld [tilespmem:s7+$0x200]  }
0x252: {  	v46 =	vld [tilespmem:s7+$0x210];
	v3 =	vadd.f32 v40, v3;
	v2 =	vadd.f32 v41, v2  }
0x253: {  	v47 =	vld [tilespmem:s7+$0x220]  }
0x254: {  	v48 =	vld [tilespmem:s7+$0x230];
	v3 =	vadd.f32 v42, v3;
	v2 =	vadd.f32 v43, v2  }
0x255: {  	v49 =	vld [tilespmem:s7+$0x240]  }
0x256: {  	v50 =	vld [tilespmem:s7+$0x250];
	v3 =	vadd.f32 v44, v3;
	v2 =	vadd.f32 v45, v2  }
0x257: {  	v51 =	vld [tilespmem:s7+$0x260]  }
0x258: {  	v52 =	vld [tilespmem:s7+$0x270];
	v3 =	vadd.f32 v46, v3;
	v2 =	vadd.f32 v47, v2  }
0x259: {  	v53 =	vld [tilespmem:s7+$0x280]  }
0x25a: {  	v54 =	vld [tilespmem:s7+$0x290];
	v3 =	vadd.f32 v48, v3;
	v2 =	vadd.f32 v49, v2  }
0x25b: {  	v55 =	vld [tilespmem:s7+$0x2A0]  }
0x25c: {  	v56 =	vld [tilespmem:s7+$0x2B0];
	v3 =	vadd.f32 v50, v3;
	v2 =	vadd.f32 v51, v2  }
0x25d: {  	v57 =	vld [tilespmem:s7+$0x2C0]  }
0x25e: {  	v58 =	vld [tilespmem:s7+$0x2D0];
	v3 =	vadd.f32 v52, v3;
	v2 =	vadd.f32 v53, v2  }
0x25f: {  	v59 =	vld [tilespmem:s7+$0x2E0]  }
0x260: {  	v60 =	vld [tilespmem:s7+$0x2F0];
	v3 =	vadd.f32 v54, v3;
	v2 =	vadd.f32 v55, v2  }
0x261: {  	v61 =	vld [tilespmem:s7+$0x300]  }
0x262: {  	v3 =	vadd.f32 v56, v3;
	v2 =	vadd.f32 v57, v2  }
0x263: {  	v62 =	vld [tilespmem:s7+$0x310]  }
0x264: {  	v3 =	vadd.f32 v58, v3;
	v2 =	vadd.f32 v59, v2;
	_ =	sdelay $0x1  }
0x265: {  	v3 =	vadd.f32 v60, v3;
	v63 =	vadd.f32 v61, v2  }
0x266: {  	s9 =	simm.s32 $0x0  }
0x267: {  	s8 =	simm.s32 $0x80;
	v2 =	vadd.f32 v62, v3;
	[tilespmem:s9+$0xF180] =	vst v63  }
.LBB3_2:
0x268: {  	p0 =	sne.s32 s8, $0xF80  }
0x269: {  	[tilespmem:s9+$0xF190] =	vst v2;
	s7 =	sadd.s32 $0x640, s7;
	s9 =	smov.u32 s8;
	s8 =	sadd.s32 $0x80, s8  }
0x26a: {  	v2 =	vld [tilespmem:s7+$0xFFFFFCE0]  }
0x26b: {  	v3 =	vld [tilespmem:s7+$0xFFFFFCF0]  }
0x26c: {  	v4 =	vld [tilespmem:s7+$0xFFFFFD00]  }
0x26d: {  	v5 =	vld [tilespmem:s7+$0xFFFFFD10]  }
0x26e: {  	v6 =	vld [tilespmem:s7+$0xFFFFFD20]  }
0x26f: {  	v2 =	vadd.f32 $0.0e+00, v2;
	v7 =	vld [tilespmem:s7+$0xFFFFFD30]  }
0x270: {  	v3 =	vadd.f32 $0.0e+00, v3;
	v8 =	vld [tilespmem:s7+$0xFFFFFD40]  }
0x271: {  	v2 =	vadd.f32 v4, v2;
	v4 =	vld [tilespmem:s7+$0xFFFFFD50]  }
0x272: {  	v3 =	vadd.f32 v5, v3;
	v5 =	vld [tilespmem:s7+$0xFFFFFD60]  }
0x273: {  	v2 =	vadd.f32 v6, v2;
	v6 =	vld [tilespmem:s7+$0xFFFFFD70]  }
0x274: {  	v3 =	vadd.f32 v7, v3;
	v7 =	vld [tilespmem:s7+$0xFFFFFD80]  }
0x275: {  	v2 =	vadd.f32 v8, v2;
	v8 =	vld [tilespmem:s7+$0xFFFFFD90]  }
0x276: {  	v3 =	vadd.f32 v4, v3;
	v4 =	vld [tilespmem:s7+$0xFFFFFDA0]  }
0x277: {  	v2 =	vadd.f32 v5, v2;
	v5 =	vld [tilespmem:s7+$0xFFFFFDB0]  }
0x278: {  	v3 =	vadd.f32 v6, v3;
	v6 =	vld [tilespmem:s7+$0xFFFFFDC0]  }
0x279: {  	v2 =	vadd.f32 v7, v2;
	v7 =	vld [tilespmem:s7+$0xFFFFFDD0]  }
0x27a: {  	v3 =	vadd.f32 v8, v3;
	v8 =	vld [tilespmem:s7+$0xFFFFFDE0]  }
0x27b: {  	v2 =	vadd.f32 v4, v2;
	v4 =	vld [tilespmem:s7+$0xFFFFFDF0]  }
0x27c: {  	v3 =	vadd.f32 v5, v3;
	v5 =	vld [tilespmem:s7+$0xFFFFFE00]  }
0x27d: {  	v2 =	vadd.f32 v6, v2;
	v6 =	vld [tilespmem:s7+$0xFFFFFE10]  }
0x27e: {  	v3 =	vadd.f32 v7, v3;
	v7 =	vld [tilespmem:s7+$0xFFFFFE20]  }
0x27f: {  	v2 =	vadd.f32 v8, v2;
	v8 =	vld [tilespmem:s7+$0xFFFFFE30]  }
0x280: {  	v3 =	vadd.f32 v4, v3;
	v4 =	vld [tilespmem:s7+$0xFFFFFE40]  }
0x281: {  	v2 =	vadd.f32 v5, v2;
	v5 =	vld [tilespmem:s7+$0xFFFFFE50]  }
0x282: {  	v3 =	vadd.f32 v6, v3;
	v6 =	vld [tilespmem:s7+$0xFFFFFE60]  }
0x283: {  	v2 =	vadd.f32 v7, v2;
	v7 =	vld [tilespmem:s7+$0xFFFFFE70]  }
0x284: {  	v3 =	vadd.f32 v8, v3;
	v8 =	vld [tilespmem:s7+$0xFFFFFE80]  }
0x285: {  	v2 =	vadd.f32 v4, v2;
	v4 =	vld [tilespmem:s7+$0xFFFFFE90]  }
0x286: {  	v3 =	vadd.f32 v5, v3;
	v5 =	vld [tilespmem:s7+$0xFFFFFEA0]  }
0x287: {  	v2 =	vadd.f32 v6, v2;
	v6 =	vld [tilespmem:s7+$0xFFFFFEB0]  }
0x288: {  	v3 =	vadd.f32 v7, v3;
	v7 =	vld [tilespmem:s7+$0xFFFFFEC0]  }
0x289: {  	v2 =	vadd.f32 v8, v2;
	v8 =	vld [tilespmem:s7+$0xFFFFFED0]  }
0x28a: {  	v3 =	vadd.f32 v4, v3;
	v4 =	vld [tilespmem:s7+$0xFFFFFEE0]  }
0x28b: {  	v2 =	vadd.f32 v5, v2;
	v5 =	vld [tilespmem:s7+$0xFFFFFEF0]  }
0x28c: {  	v3 =	vadd.f32 v6, v3;
	v6 =	vld [tilespmem:s7+$0xFFFFFF00]  }
0x28d: {  	v2 =	vadd.f32 v7, v2;
	v7 =	vld [tilespmem:s7+$0xFFFFFF10]  }
0x28e: {  	v3 =	vadd.f32 v8, v3;
	v8 =	vld [tilespmem:s7+$0xFFFFFF20]  }
0x28f: {  	v2 =	vadd.f32 v4, v2;
	v4 =	vld [tilespmem:s7+$0xFFFFFF30]  }
0x290: {  	v3 =	vadd.f32 v5, v3;
	v5 =	vld [tilespmem:s7+$0xFFFFFF40]  }
0x291: {  	v2 =	vadd.f32 v6, v2;
	v6 =	vld [tilespmem:s7+$0xFFFFFF50]  }
0x292: {  	v3 =	vadd.f32 v7, v3;
	v7 =	vld [tilespmem:s7+$0xFFFFFF60]  }
0x293: {  	v2 =	vadd.f32 v8, v2;
	v8 =	vld [tilespmem:s7+$0xFFFFFF70]  }
0x294: {  	v3 =	vadd.f32 v4, v3;
	v4 =	vld [tilespmem:s7+$0xFFFFFF80]  }
0x295: {  	v2 =	vadd.f32 v5, v2;
	v5 =	vld [tilespmem:s7+$0xFFFFFF90]  }
0x296: {  	v3 =	vadd.f32 v6, v3;
	v6 =	vld [tilespmem:s7+$0xFFFFFFA0]  }
0x297: {  	v2 =	vadd.f32 v7, v2;
	v7 =	vld [tilespmem:s7+$0xFFFFFFB0]  }
0x298: {  	v3 =	vadd.f32 v8, v3;
	v8 =	vld [tilespmem:s7+$0xFFFFFFC0]  }
0x299: {  	v2 =	vadd.f32 v4, v2;
	v4 =	vld [tilespmem:s7+$0xFFFFFFD0]  }
0x29a: {  	v3 =	vadd.f32 v5, v3;
	v5 =	vld [tilespmem:s7+$0xFFFFFFE0]  }
0x29b: {  	v2 =	vadd.f32 v6, v2;
	v6 =	vld [tilespmem:s7+$0xFFFFFFF0]  }
0x29c: {  	v3 =	vadd.f32 v7, v3;
	v7 =	vld [tilespmem:s7+$0x0]  }
0x29d: {  	v2 =	vadd.f32 v8, v2;
	v8 =	vld [tilespmem:s7+$0x10]  }
0x29e: {  	v3 =	vadd.f32 v4, v3;
	v4 =	vld [tilespmem:s7+$0x20]  }
0x29f: {  	v2 =	vadd.f32 v5, v2;
	v5 =	vld [tilespmem:s7+$0x30]  }
0x2a0: {  	v3 =	vadd.f32 v6, v3;
	v6 =	vld [tilespmem:s7+$0x40]  }
0x2a1: {  	v2 =	vadd.f32 v7, v2;
	v7 =	vld [tilespmem:s7+$0x50]  }
0x2a2: {  	v3 =	vadd.f32 v8, v3;
	v8 =	vld [tilespmem:s7+$0x60]  }
0x2a3: {  	v2 =	vadd.f32 v4, v2;
	v4 =	vld [tilespmem:s7+$0x70]  }
0x2a4: {  	v3 =	vadd.f32 v5, v3;
	v5 =	vld [tilespmem:s7+$0x80]  }
0x2a5: {  	v2 =	vadd.f32 v6, v2;
	v6 =	vld [tilespmem:s7+$0x90]  }
0x2a6: {  	v3 =	vadd.f32 v7, v3;
	v7 =	vld [tilespmem:s7+$0xA0]  }
0x2a7: {  	v2 =	vadd.f32 v8, v2;
	v8 =	vld [tilespmem:s7+$0xB0]  }
0x2a8: {  	v3 =	vadd.f32 v4, v3;
	v4 =	vld [tilespmem:s7+$0xC0]  }
0x2a9: {  	v2 =	vadd.f32 v5, v2;
	v5 =	vld [tilespmem:s7+$0xD0]  }
0x2aa: {  	v3 =	vadd.f32 v6, v3;
	v6 =	vld [tilespmem:s7+$0xE0]  }
0x2ab: {  	v2 =	vadd.f32 v7, v2;
	v7 =	vld [tilespmem:s7+$0xF0]  }
0x2ac: {  	v3 =	vadd.f32 v8, v3;
	v8 =	vld [tilespmem:s7+$0x100]  }
0x2ad: {  	v2 =	vadd.f32 v4, v2;
	v4 =	vld [tilespmem:s7+$0x110]  }
0x2ae: {  	v3 =	vadd.f32 v5, v3;
	v5 =	vld [tilespmem:s7+$0x120]  }
0x2af: {  	v2 =	vadd.f32 v6, v2;
	v6 =	vld [tilespmem:s7+$0x130]  }
0x2b0: {  	v3 =	vadd.f32 v7, v3;
	v7 =	vld [tilespmem:s7+$0x140]  }
0x2b1: {  	v2 =	vadd.f32 v8, v2;
	v8 =	vld [tilespmem:s7+$0x150]  }
0x2b2: {  	v3 =	vadd.f32 v4, v3;
	v4 =	vld [tilespmem:s7+$0x160]  }
0x2b3: {  	v2 =	vadd.f32 v5, v2;
	v5 =	vld [tilespmem:s7+$0x170]  }
0x2b4: {  	v3 =	vadd.f32 v6, v3;
	v6 =	vld [tilespmem:s7+$0x180]  }
0x2b5: {  	v2 =	vadd.f32 v7, v2;
	v7 =	vld [tilespmem:s7+$0x190]  }
0x2b6: {  	v3 =	vadd.f32 v8, v3;
	v8 =	vld [tilespmem:s7+$0x1A0]  }
0x2b7: {  	v2 =	vadd.f32 v4, v2;
	v4 =	vld [tilespmem:s7+$0x1B0]  }
0x2b8: {  	v3 =	vadd.f32 v5, v3;
	v5 =	vld [tilespmem:s7+$0x1C0]  }
0x2b9: {  	v2 =	vadd.f32 v6, v2;
	v6 =	vld [tilespmem:s7+$0x1D0]  }
0x2ba: {  	v3 =	vadd.f32 v7, v3;
	v7 =	vld [tilespmem:s7+$0x1E0]  }
0x2bb: {  	v2 =	vadd.f32 v8, v2;
	v8 =	vld [tilespmem:s7+$0x1F0]  }
0x2bc: {  	v3 =	vadd.f32 v4, v3;
	v4 =	vld [tilespmem:s7+$0x200]  }
0x2bd: {  	v2 =	vadd.f32 v5, v2;
	v5 =	vld [tilespmem:s7+$0x210]  }
0x2be: {  	v3 =	vadd.f32 v6, v3;
	v6 =	vld [tilespmem:s7+$0x220]  }
0x2bf: {  	v2 =	vadd.f32 v7, v2;
	v7 =	vld [tilespmem:s7+$0x230]  }
0x2c0: {  	v3 =	vadd.f32 v8, v3;
	v8 =	vld [tilespmem:s7+$0x240]  }
0x2c1: {  	v2 =	vadd.f32 v4, v2;
	v4 =	vld [tilespmem:s7+$0x250]  }
0x2c2: {  	v3 =	vadd.f32 v5, v3;
	v5 =	vld [tilespmem:s7+$0x260]  }
0x2c3: {  	v2 =	vadd.f32 v6, v2;
	v6 =	vld [tilespmem:s7+$0x270]  }
0x2c4: {  	v3 =	vadd.f32 v7, v3;
	v7 =	vld [tilespmem:s7+$0x280]  }
0x2c5: {  	v2 =	vadd.f32 v8, v2;
	v8 =	vld [tilespmem:s7+$0x290]  }
0x2c6: {  	v3 =	vadd.f32 v4, v3;
	v4 =	vld [tilespmem:s7+$0x2A0]  }
0x2c7: {  	v2 =	vadd.f32 v5, v2;
	v5 =	vld [tilespmem:s7+$0x2B0]  }
0x2c8: {  	v3 =	vadd.f32 v6, v3;
	v6 =	vld [tilespmem:s7+$0x2C0]  }
0x2c9: {  	v2 =	vadd.f32 v7, v2;
	v7 =	vld [tilespmem:s7+$0x2D0]  }
0x2ca: {  	v3 =	vadd.f32 v8, v3;
	v8 =	vld [tilespmem:s7+$0x2E0]  }
0x2cb: {  	v2 =	vadd.f32 v4, v2;
	v4 =	vld [tilespmem:s7+$0x2F0]  }
0x2cc: {  	v3 =	vadd.f32 v5, v3;
	v5 =	vld [tilespmem:s7+$0x300]  }
0x2cd: {  	v2 =	vadd.f32 v6, v2;
	v6 =	vld [tilespmem:s7+$0x310]  }
0x2ce: {  	v3 =	vadd.f32 v7, v3  }
.Ltmp0:
0x2cf: {  	v2 =	vadd.f32 v8, v2;
	(pc) =	sbr.rel @p0 .LBB3_2-.Ltmp0, $4  }
0x2d0: {  	v3 =	vadd.f32 v4, v3  }
0x2d1: {  	v4 =	vadd.f32 v5, v2  }
0x2d2: {  	s9 =	sshra.s32 s9, $0x2;
	v2 =	vadd.f32 v6, v3  }
0x2d3: {  	[tilespmem:s9+$0xF180] =	vst v4  }
0x2d4: {  	[tilespmem:s9+$0xF190] =	vst v2;
	s0 =	simm.s32 $0x16C0  }
0x2d5: {  	[tilespmem:s5], [sflag:$0x1] =	stream.indirect.gather [hbm4b:s29+s4], $0x20, s0, s4, $0xb8;
	[tilespmem:$0x11280] =	vst v63  }
0x2d6: {  	_ =	swait.ge [sflag:s31], $0xC800  }
0x2d7: {  	[sflag:s31] =	ssyncset.done $0x0  }
0x2d8: {  	s7 =	simm.s32 $0x2CA0;
	[sflag:s31] =	ssyncadd.s32 $0xFFFF3800  }
0x2d9: {  	v2 =	vld [tilespmem:s7+$0xFFFFFCE0]  }
0x2da: {  	v3 =	vld [tilespmem:s7+$0xFFFFFCF0]  }
0x2db: {  	v4 =	vld [tilespmem:s7+$0xFFFFFD00]  }
0x2dc: {  	v5 =	vld [tilespmem:s7+$0xFFFFFD10]  }
0x2dd: {  	v6 =	vld [tilespmem:s7+$0xFFFFFD20]  }
0x2de: {  	v7 =	vld [tilespmem:s7+$0xFFFFFD30];
	v2 =	vadd.f32 $0.0e+00, v2  }
0x2df: {  	v8 =	vld [tilespmem:s7+$0xFFFFFD40]  }
0x2e0: {  	v23 =	vld [tilespmem:s7+$0xFFFFFD50];
	v3 =	vadd.f32 $0.0e+00, v3;
	v2 =	vadd.f32 v4, v2  }
0x2e1: {  	v9 =	vld [tilespmem:s7+$0xFFFFFD60]  }
0x2e2: {  	v24 =	vld [tilespmem:s7+$0xFFFFFD70];
	v3 =	vadd.f32 v5, v3;
	v2 =	vadd.f32 v6, v2  }
0x2e3: {  	v25 =	vld [tilespmem:s7+$0xFFFFFD80]  }
0x2e4: {  	v26 =	vld [tilespmem:s7+$0xFFFFFD90];
	v3 =	vadd.f32 v7, v3;
	v2 =	vadd.f32 v8, v2  }
0x2e5: {  	v27 =	vld [tilespmem:s7+$0xFFFFFDA0]  }
0x2e6: {  	v28 =	vld [tilespmem:s7+$0xFFFFFDB0];
	v3 =	vadd.f32 v23, v3;
	v2 =	vadd.f32 v9, v2  }
0x2e7: {  	v29 =	vld [tilespmem:s7+$0xFFFFFDC0]  }
0x2e8: {  	v30 =	vld [tilespmem:s7+$0xFFFFFDD0];
	v3 =	vadd.f32 v24, v3;
	v2 =	vadd.f32 v25, v2  }
0x2e9: {  	v31 =	vld [tilespmem:s7+$0xFFFFFDE0]  }
0x2ea: {  	v32 =	vld [tilespmem:s7+$0xFFFFFDF0];
	v3 =	vadd.f32 v26, v3;
	v2 =	vadd.f32 v27, v2  }
0x2eb: {  	v33 =	vld [tilespmem:s7+$0xFFFFFE00]  }
0x2ec: {  	v34 =	vld [tilespmem:s7+$0xFFFFFE10];
	v3 =	vadd.f32 v28, v3;
	v2 =	vadd.f32 v29, v2  }
0x2ed: {  	v35 =	vld [tilespmem:s7+$0xFFFFFE20]  }
0x2ee: {  	v36 =	vld [tilespmem:s7+$0xFFFFFE30];
	v3 =	vadd.f32 v30, v3;
	v2 =	vadd.f32 v31, v2  }
0x2ef: {  	v37 =	vld [tilespmem:s7+$0xFFFFFE40]  }
0x2f0: {  	v38 =	vld [tilespmem:s7+$0xFFFFFE50];
	v3 =	vadd.f32 v32, v3;
	v2 =	vadd.f32 v33, v2  }
0x2f1: {  	v39 =	vld [tilespmem:s7+$0xFFFFFE60]  }
0x2f2: {  	v40 =	vld [tilespmem:s7+$0xFFFFFE70];
	v3 =	vadd.f32 v34, v3;
	v2 =	vadd.f32 v35, v2  }
0x2f3: {  	v41 =	vld [tilespmem:s7+$0xFFFFFE80]  }
0x2f4: {  	v42 =	vld [tilespmem:s7+$0xFFFFFE90];
	v3 =	vadd.f32 v36, v3;
	v2 =	vadd.f32 v37, v2  }
0x2f5: {  	v43 =	vld [tilespmem:s7+$0xFFFFFEA0]  }
0x2f6: {  	v44 =	vld [tilespmem:s7+$0xFFFFFEB0];
	v3 =	vadd.f32 v38, v3;
	v2 =	vadd.f32 v39, v2  }
0x2f7: {  	v45 =	vld [tilespmem:s7+$0xFFFFFEC0]  }
0x2f8: {  	v46 =	vld [tilespmem:s7+$0xFFFFFED0];
	v3 =	vadd.f32 v40, v3;
	v2 =	vadd.f32 v41, v2  }
0x2f9: {  	v47 =	vld [tilespmem:s7+$0xFFFFFEE0]  }
0x2fa: {  	v48 =	vld [tilespmem:s7+$0xFFFFFEF0];
	v3 =	vadd.f32 v42, v3;
	v2 =	vadd.f32 v43, v2  }
0x2fb: {  	v49 =	vld [tilespmem:s7+$0xFFFFFF00]  }
0x2fc: {  	v50 =	vld [tilespmem:s7+$0xFFFFFF10];
	v3 =	vadd.f32 v44, v3;
	v2 =	vadd.f32 v45, v2  }
0x2fd: {  	v51 =	vld [tilespmem:s7+$0xFFFFFF20]  }
0x2fe: {  	v52 =	vld [tilespmem:s7+$0xFFFFFF30];
	v3 =	vadd.f32 v46, v3;
	v2 =	vadd.f32 v47, v2  }
0x2ff: {  	v53 =	vld [tilespmem:s7+$0xFFFFFF40]  }
0x300: {  	v54 =	vld [tilespmem:s7+$0xFFFFFF50];
	v3 =	vadd.f32 v48, v3;
	v2 =	vadd.f32 v49, v2  }
0x301: {  	v55 =	vld [tilespmem:s7+$0xFFFFFF60]  }
0x302: {  	v56 =	vld [tilespmem:s7+$0xFFFFFF70];
	v3 =	vadd.f32 v50, v3;
	v2 =	vadd.f32 v51, v2  }
0x303: {  	v57 =	vld [tilespmem:s7+$0xFFFFFF80]  }
0x304: {  	v58 =	vld [tilespmem:s7+$0xFFFFFF90];
	v3 =	vadd.f32 v52, v3;
	v2 =	vadd.f32 v53, v2  }
0x305: {  	v59 =	vld [tilespmem:s7+$0xFFFFFFA0]  }
0x306: {  	v60 =	vld [tilespmem:s7+$0xFFFFFFB0];
	v3 =	vadd.f32 v54, v3;
	v2 =	vadd.f32 v55, v2  }
0x307: {  	v61 =	vld [tilespmem:s7+$0xFFFFFFC0]  }
0x308: {  	v62 =	vld [tilespmem:s7+$0xFFFFFFD0];
	v3 =	vadd.f32 v56, v3;
	v2 =	vadd.f32 v57, v2  }
0x309: {  	v63 =	vld [tilespmem:s7+$0xFFFFFFE0]  }
0x30a: {  	v12 =	vld [tilespmem:s7+$0xFFFFFFF0];
	v3 =	vadd.f32 v58, v3;
	v2 =	vadd.f32 v59, v2  }
0x30b: {  	v13 =	vld [tilespmem:s7+$0x0]  }
0x30c: {  	v14 =	vld [tilespmem:s7+$0x10];
	v3 =	vadd.f32 v60, v3;
	v2 =	vadd.f32 v61, v2  }
0x30d: {  	v15 =	vld [tilespmem:s7+$0x20]  }
0x30e: {  	v16 =	vld [tilespmem:s7+$0x30];
	v3 =	vadd.f32 v62, v3;
	v2 =	vadd.f32 v63, v2  }
0x30f: {  	v17 =	vld [tilespmem:s7+$0x40]  }
0x310: {  	v18 =	vld [tilespmem:s7+$0x50];
	v3 =	vadd.f32 v12, v3;
	v2 =	vadd.f32 v13, v2  }
0x311: {  	v19 =	vld [tilespmem:s7+$0x60]  }
0x312: {  	v20 =	vld [tilespmem:s7+$0x70];
	v3 =	vadd.f32 v14, v3;
	v2 =	vadd.f32 v15, v2  }
0x313: {  	v21 =	vld [tilespmem:s7+$0x80]  }
0x314: {  	v22 =	vld [tilespmem:s7+$0x90];
	v3 =	vadd.f32 v16, v3;
	v2 =	vadd.f32 v17, v2  }
0x315: {  	v23 =	vld [tilespmem:s7+$0xA0]  }
0x316: {  	v24 =	vld [tilespmem:s7+$0xB0];
	v3 =	vadd.f32 v18, v3;
	v2 =	vadd.f32 v19, v2  }
0x317: {  	v25 =	vld [tilespmem:s7+$0xC0]  }
0x318: {  	v26 =	vld [tilespmem:s7+$0xD0];
	v3 =	vadd.f32 v20, v3;
	v2 =	vadd.f32 v21, v2  }
0x319: {  	v27 =	vld [tilespmem:s7+$0xE0]  }
0x31a: {  	v28 =	vld [tilespmem:s7+$0xF0];
	v3 =	vadd.f32 v22, v3;
	v2 =	vadd.f32 v23, v2  }
0x31b: {  	v29 =	vld [tilespmem:s7+$0x100]  }
0x31c: {  	v30 =	vld [tilespmem:s7+$0x110];
	v3 =	vadd.f32 v24, v3;
	v2 =	vadd.f32 v25, v2  }
0x31d: {  	v31 =	vld [tilespmem:s7+$0x120]  }
0x31e: {  	v32 =	vld [tilespmem:s7+$0x130];
	v3 =	vadd.f32 v26, v3;
	v2 =	vadd.f32 v27, v2  }
0x31f: {  	v33 =	vld [tilespmem:s7+$0x140]  }
0x320: {  	v34 =	vld [tilespmem:s7+$0x150];
	v3 =	vadd.f32 v28, v3;
	v2 =	vadd.f32 v29, v2  }
0x321: {  	v35 =	vld [tilespmem:s7+$0x160]  }
0x322: {  	v36 =	vld [tilespmem:s7+$0x170];
	v3 =	vadd.f32 v30, v3;
	v2 =	vadd.f32 v31, v2  }
0x323: {  	v37 =	vld [tilespmem:s7+$0x180]  }
0x324: {  	v38 =	vld [tilespmem:s7+$0x190];
	v3 =	vadd.f32 v32, v3;
	v2 =	vadd.f32 v33, v2  }
0x325: {  	v39 =	vld [tilespmem:s7+$0x1A0]  }
0x326: {  	v40 =	vld [tilespmem:s7+$0x1B0];
	v3 =	vadd.f32 v34, v3;
	v2 =	vadd.f32 v35, v2  }
0x327: {  	v41 =	vld [tilespmem:s7+$0x1C0]  }
0x328: {  	v42 =	vld [tilespmem:s7+$0x1D0];
	v3 =	vadd.f32 v36, v3;
	v2 =	vadd.f32 v37, v2  }
0x329: {  	v43 =	vld [tilespmem:s7+$0x1E0]  }
0x32a: {  	v44 =	vld [tilespmem:s7+$0x1F0];
	v3 =	vadd.f32 v38, v3;
	v2 =	vadd.f32 v39, v2  }
0x32b: {  	v45 =	vld [tilespmem:s7+$0x200]  }
0x32c: {  	v46 =	vld [tilespmem:s7+$0x210];
	v3 =	vadd.f32 v40, v3;
	v2 =	vadd.f32 v41, v2  }
0x32d: {  	v47 =	vld [tilespmem:s7+$0x220]  }
0x32e: {  	v48 =	vld [tilespmem:s7+$0x230];
	v3 =	vadd.f32 v42, v3;
	v2 =	vadd.f32 v43, v2  }
0x32f: {  	v49 =	vld [tilespmem:s7+$0x240]  }
0x330: {  	v50 =	vld [tilespmem:s7+$0x250];
	v3 =	vadd.f32 v44, v3;
	v2 =	vadd.f32 v45, v2  }
0x331: {  	v51 =	vld [tilespmem:s7+$0x260]  }
0x332: {  	v52 =	vld [tilespmem:s7+$0x270];
	v3 =	vadd.f32 v46, v3;
	v2 =	vadd.f32 v47, v2  }
0x333: {  	v53 =	vld [tilespmem:s7+$0x280]  }
0x334: {  	v54 =	vld [tilespmem:s7+$0x290];
	v3 =	vadd.f32 v48, v3;
	v2 =	vadd.f32 v49, v2  }
0x335: {  	v55 =	vld [tilespmem:s7+$0x2A0]  }
0x336: {  	v56 =	vld [tilespmem:s7+$0x2B0];
	v3 =	vadd.f32 v50, v3;
	v2 =	vadd.f32 v51, v2  }
0x337: {  	v57 =	vld [tilespmem:s7+$0x2C0]  }
0x338: {  	v58 =	vld [tilespmem:s7+$0x2D0];
	v3 =	vadd.f32 v52, v3;
	v2 =	vadd.f32 v53, v2  }
0x339: {  	v59 =	vld [tilespmem:s7+$0x2E0]  }
0x33a: {  	v60 =	vld [tilespmem:s7+$0x2F0];
	v3 =	vadd.f32 v54, v3;
	v2 =	vadd.f32 v55, v2  }
0x33b: {  	v61 =	vld [tilespmem:s7+$0x300]  }
0x33c: {  	v3 =	vadd.f32 v56, v3;
	v2 =	vadd.f32 v57, v2  }
0x33d: {  	v62 =	vld [tilespmem:s7+$0x310]  }
0x33e: {  	v3 =	vadd.f32 v58, v3;
	v2 =	vadd.f32 v59, v2;
	_ =	sdelay $0x1  }
0x33f: {  	v3 =	vadd.f32 v60, v3;
	v63 =	vadd.f32 v61, v2  }
0x340: {  	s9 =	simm.s32 $0x0  }
0x341: {  	s8 =	simm.s32 $0x80;
	v2 =	vadd.f32 v62, v3;
	[tilespmem:s9+$0xF580] =	vst v63  }
.LBB3_4:
0x342: {  	p0 =	sne.s32 s8, $0xF80  }
0x343: {  	[tilespmem:s9+$0xF590] =	vst v2;
	s7 =	sadd.s32 $0x640, s7;
	s9 =	smov.u32 s8;
	s8 =	sadd.s32 $0x80, s8  }
0x344: {  	v2 =	vld [tilespmem:s7+$0xFFFFFCE0]  }
0x345: {  	v3 =	vld [tilespmem:s7+$0xFFFFFCF0]  }
0x346: {  	v4 =	vld [tilespmem:s7+$0xFFFFFD00]  }
0x347: {  	v5 =	vld [tilespmem:s7+$0xFFFFFD10]  }
0x348: {  	v6 =	vld [tilespmem:s7+$0xFFFFFD20]  }
0x349: {  	v2 =	vadd.f32 $0.0e+00, v2;
	v7 =	vld [tilespmem:s7+$0xFFFFFD30]  }
0x34a: {  	v3 =	vadd.f32 $0.0e+00, v3;
	v8 =	vld [tilespmem:s7+$0xFFFFFD40]  }
0x34b: {  	v2 =	vadd.f32 v4, v2;
	v4 =	vld [tilespmem:s7+$0xFFFFFD50]  }
0x34c: {  	v3 =	vadd.f32 v5, v3;
	v5 =	vld [tilespmem:s7+$0xFFFFFD60]  }
0x34d: {  	v2 =	vadd.f32 v6, v2;
	v6 =	vld [tilespmem:s7+$0xFFFFFD70]  }
0x34e: {  	v3 =	vadd.f32 v7, v3;
	v7 =	vld [tilespmem:s7+$0xFFFFFD80]  }
0x34f: {  	v2 =	vadd.f32 v8, v2;
	v8 =	vld [tilespmem:s7+$0xFFFFFD90]  }
0x350: {  	v3 =	vadd.f32 v4, v3;
	v4 =	vld [tilespmem:s7+$0xFFFFFDA0]  }
0x351: {  	v2 =	vadd.f32 v5, v2;
	v5 =	vld [tilespmem:s7+$0xFFFFFDB0]  }
0x352: {  	v3 =	vadd.f32 v6, v3;
	v6 =	vld [tilespmem:s7+$0xFFFFFDC0]  }
0x353: {  	v2 =	vadd.f32 v7, v2;
	v7 =	vld [tilespmem:s7+$0xFFFFFDD0]  }
0x354: {  	v3 =	vadd.f32 v8, v3;
	v8 =	vld [tilespmem:s7+$0xFFFFFDE0]  }
0x355: {  	v2 =	vadd.f32 v4, v2;
	v4 =	vld [tilespmem:s7+$0xFFFFFDF0]  }
0x356: {  	v3 =	vadd.f32 v5, v3;
	v5 =	vld [tilespmem:s7+$0xFFFFFE00]  }
0x357: {  	v2 =	vadd.f32 v6, v2;
	v6 =	vld [tilespmem:s7+$0xFFFFFE10]  }
0x358: {  	v3 =	vadd.f32 v7, v3;
	v7 =	vld [tilespmem:s7+$0xFFFFFE20]  }
0x359: {  	v2 =	vadd.f32 v8, v2;
	v8 =	vld [tilespmem:s7+$0xFFFFFE30]  }
0x35a: {  	v3 =	vadd.f32 v4, v3;
	v4 =	vld [tilespmem:s7+$0xFFFFFE40]  }
0x35b: {  	v2 =	vadd.f32 v5, v2;
	v5 =	vld [tilespmem:s7+$0xFFFFFE50]  }
0x35c: {  	v3 =	vadd.f32 v6, v3;
	v6 =	vld [tilespmem:s7+$0xFFFFFE60]  }
0x35d: {  	v2 =	vadd.f32 v7, v2;
	v7 =	vld [tilespmem:s7+$0xFFFFFE70]  }
0x35e: {  	v3 =	vadd.f32 v8, v3;
	v8 =	vld [tilespmem:s7+$0xFFFFFE80]  }
0x35f: {  	v2 =	vadd.f32 v4, v2;
	v4 =	vld [tilespmem:s7+$0xFFFFFE90]  }
0x360: {  	v3 =	vadd.f32 v5, v3;
	v5 =	vld [tilespmem:s7+$0xFFFFFEA0]  }
0x361: {  	v2 =	vadd.f32 v6, v2;
	v6 =	vld [tilespmem:s7+$0xFFFFFEB0]  }
0x362: {  	v3 =	vadd.f32 v7, v3;
	v7 =	vld [tilespmem:s7+$0xFFFFFEC0]  }
0x363: {  	v2 =	vadd.f32 v8, v2;
	v8 =	vld [tilespmem:s7+$0xFFFFFED0]  }
0x364: {  	v3 =	vadd.f32 v4, v3;
	v4 =	vld [tilespmem:s7+$0xFFFFFEE0]  }
0x365: {  	v2 =	vadd.f32 v5, v2;
	v5 =	vld [tilespmem:s7+$0xFFFFFEF0]  }
0x366: {  	v3 =	vadd.f32 v6, v3;
	v6 =	vld [tilespmem:s7+$0xFFFFFF00]  }
0x367: {  	v2 =	vadd.f32 v7, v2;
	v7 =	vld [tilespmem:s7+$0xFFFFFF10]  }
0x368: {  	v3 =	vadd.f32 v8, v3;
	v8 =	vld [tilespmem:s7+$0xFFFFFF20]  }
0x369: {  	v2 =	vadd.f32 v4, v2;
	v4 =	vld [tilespmem:s7+$0xFFFFFF30]  }
0x36a: {  	v3 =	vadd.f32 v5, v3;
	v5 =	vld [tilespmem:s7+$0xFFFFFF40]  }
0x36b: {  	v2 =	vadd.f32 v6, v2;
	v6 =	vld [tilespmem:s7+$0xFFFFFF50]  }
0x36c: {  	v3 =	vadd.f32 v7, v3;
	v7 =	vld [tilespmem:s7+$0xFFFFFF60]  }
0x36d: {  	v2 =	vadd.f32 v8, v2;
	v8 =	vld [tilespmem:s7+$0xFFFFFF70]  }
0x36e: {  	v3 =	vadd.f32 v4, v3;
	v4 =	vld [tilespmem:s7+$0xFFFFFF80]  }
0x36f: {  	v2 =	vadd.f32 v5, v2;
	v5 =	vld [tilespmem:s7+$0xFFFFFF90]  }
0x370: {  	v3 =	vadd.f32 v6, v3;
	v6 =	vld [tilespmem:s7+$0xFFFFFFA0]  }
0x371: {  	v2 =	vadd.f32 v7, v2;
	v7 =	vld [tilespmem:s7+$0xFFFFFFB0]  }
0x372: {  	v3 =	vadd.f32 v8, v3;
	v8 =	vld [tilespmem:s7+$0xFFFFFFC0]  }
0x373: {  	v2 =	vadd.f32 v4, v2;
	v4 =	vld [tilespmem:s7+$0xFFFFFFD0]  }
0x374: {  	v3 =	vadd.f32 v5, v3;
	v5 =	vld [tilespmem:s7+$0xFFFFFFE0]  }
0x375: {  	v2 =	vadd.f32 v6, v2;
	v6 =	vld [tilespmem:s7+$0xFFFFFFF0]  }
0x376: {  	v3 =	vadd.f32 v7, v3;
	v7 =	vld [tilespmem:s7+$0x0]  }
0x377: {  	v2 =	vadd.f32 v8, v2;
	v8 =	vld [tilespmem:s7+$0x10]  }
0x378: {  	v3 =	vadd.f32 v4, v3;
	v4 =	vld [tilespmem:s7+$0x20]  }
0x379: {  	v2 =	vadd.f32 v5, v2;
	v5 =	vld [tilespmem:s7+$0x30]  }
0x37a: {  	v3 =	vadd.f32 v6, v3;
	v6 =	vld [tilespmem:s7+$0x40]  }
0x37b: {  	v2 =	vadd.f32 v7, v2;
	v7 =	vld [tilespmem:s7+$0x50]  }
0x37c: {  	v3 =	vadd.f32 v8, v3;
	v8 =	vld [tilespmem:s7+$0x60]  }
0x37d: {  	v2 =	vadd.f32 v4, v2;
	v4 =	vld [tilespmem:s7+$0x70]  }
0x37e: {  	v3 =	vadd.f32 v5, v3;
	v5 =	vld [tilespmem:s7+$0x80]  }
0x37f: {  	v2 =	vadd.f32 v6, v2;
	v6 =	vld [tilespmem:s7+$0x90]  }
0x380: {  	v3 =	vadd.f32 v7, v3;
	v7 =	vld [tilespmem:s7+$0xA0]  }
0x381: {  	v2 =	vadd.f32 v8, v2;
	v8 =	vld [tilespmem:s7+$0xB0]  }
0x382: {  	v3 =	vadd.f32 v4, v3;
	v4 =	vld [tilespmem:s7+$0xC0]  }
0x383: {  	v2 =	vadd.f32 v5, v2;
	v5 =	vld [tilespmem:s7+$0xD0]  }
0x384: {  	v3 =	vadd.f32 v6, v3;
	v6 =	vld [tilespmem:s7+$0xE0]  }
0x385: {  	v2 =	vadd.f32 v7, v2;
	v7 =	vld [tilespmem:s7+$0xF0]  }
0x386: {  	v3 =	vadd.f32 v8, v3;
	v8 =	vld [tilespmem:s7+$0x100]  }
0x387: {  	v2 =	vadd.f32 v4, v2;
	v4 =	vld [tilespmem:s7+$0x110]  }
0x388: {  	v3 =	vadd.f32 v5, v3;
	v5 =	vld [tilespmem:s7+$0x120]  }
0x389: {  	v2 =	vadd.f32 v6, v2;
	v6 =	vld [tilespmem:s7+$0x130]  }
0x38a: {  	v3 =	vadd.f32 v7, v3;
	v7 =	vld [tilespmem:s7+$0x140]  }
0x38b: {  	v2 =	vadd.f32 v8, v2;
	v8 =	vld [tilespmem:s7+$0x150]  }
0x38c: {  	v3 =	vadd.f32 v4, v3;
	v4 =	vld [tilespmem:s7+$0x160]  }
0x38d: {  	v2 =	vadd.f32 v5, v2;
	v5 =	vld [tilespmem:s7+$0x170]  }
0x38e: {  	v3 =	vadd.f32 v6, v3;
	v6 =	vld [tilespmem:s7+$0x180]  }
0x38f: {  	v2 =	vadd.f32 v7, v2;
	v7 =	vld [tilespmem:s7+$0x190]  }
0x390: {  	v3 =	vadd.f32 v8, v3;
	v8 =	vld [tilespmem:s7+$0x1A0]  }
0x391: {  	v2 =	vadd.f32 v4, v2;
	v4 =	vld [tilespmem:s7+$0x1B0]  }
0x392: {  	v3 =	vadd.f32 v5, v3;
	v5 =	vld [tilespmem:s7+$0x1C0]  }
0x393: {  	v2 =	vadd.f32 v6, v2;
	v6 =	vld [tilespmem:s7+$0x1D0]  }
0x394: {  	v3 =	vadd.f32 v7, v3;
	v7 =	vld [tilespmem:s7+$0x1E0]  }
0x395: {  	v2 =	vadd.f32 v8, v2;
	v8 =	vld [tilespmem:s7+$0x1F0]  }
0x396: {  	v3 =	vadd.f32 v4, v3;
	v4 =	vld [tilespmem:s7+$0x200]  }
0x397: {  	v2 =	vadd.f32 v5, v2;
	v5 =	vld [tilespmem:s7+$0x210]  }
0x398: {  	v3 =	vadd.f32 v6, v3;
	v6 =	vld [tilespmem:s7+$0x220]  }
0x399: {  	v2 =	vadd.f32 v7, v2;
	v7 =	vld [tilespmem:s7+$0x230]  }
0x39a: {  	v3 =	vadd.f32 v8, v3;
	v8 =	vld [tilespmem:s7+$0x240]  }
0x39b: {  	v2 =	vadd.f32 v4, v2;
	v4 =	vld [tilespmem:s7+$0x250]  }
0x39c: {  	v3 =	vadd.f32 v5, v3;
	v5 =	vld [tilespmem:s7+$0x260]  }
0x39d: {  	v2 =	vadd.f32 v6, v2;
	v6 =	vld [tilespmem:s7+$0x270]  }
0x39e: {  	v3 =	vadd.f32 v7, v3;
	v7 =	vld [tilespmem:s7+$0x280]  }
0x39f: {  	v2 =	vadd.f32 v8, v2;
	v8 =	vld [tilespmem:s7+$0x290]  }
0x3a0: {  	v3 =	vadd.f32 v4, v3;
	v4 =	vld [tilespmem:s7+$0x2A0]  }
0x3a1: {  	v2 =	vadd.f32 v5, v2;
	v5 =	vld [tilespmem:s7+$0x2B0]  }
0x3a2: {  	v3 =	vadd.f32 v6, v3;
	v6 =	vld [tilespmem:s7+$0x2C0]  }
0x3a3: {  	v2 =	vadd.f32 v7, v2;
	v7 =	vld [tilespmem:s7+$0x2D0]  }
0x3a4: {  	v3 =	vadd.f32 v8, v3;
	v8 =	vld [tilespmem:s7+$0x2E0]  }
0x3a5: {  	v2 =	vadd.f32 v4, v2;
	v4 =	vld [tilespmem:s7+$0x2F0]  }
0x3a6: {  	v3 =	vadd.f32 v5, v3;
	v5 =	vld [tilespmem:s7+$0x300]  }
0x3a7: {  	v2 =	vadd.f32 v6, v2;
	v6 =	vld [tilespmem:s7+$0x310]  }
0x3a8: {  	v3 =	vadd.f32 v7, v3  }
.Ltmp1:
0x3a9: {  	v2 =	vadd.f32 v8, v2;
	(pc) =	sbr.rel @p0 .LBB3_4-.Ltmp1, $4  }
0x3aa: {  	v3 =	vadd.f32 v4, v3  }
0x3ab: {  	v4 =	vadd.f32 v5, v2  }
0x3ac: {  	s9 =	sshra.s32 s9, $0x2;
	v2 =	vadd.f32 v6, v3  }
0x3ad: {  	[tilespmem:s9+$0xF580] =	vst v4  }
0x3ae: {  	[tilespmem:s9+$0xF590] =	vst v2;
	s0 =	simm.s32 $0x1D00  }
0x3af: {  	[tilespmem:s5], [sflag:$0x1] =	stream.indirect.gather [hbm4b:s29+s4], $0x20, s0, s4, $0xb8;
	[tilespmem:$0x11280] =	vst v63  }
0x3b0: {  	_ =	swait.ge [sflag:s31], $0xC800  }
0x3b1: {  	[sflag:s31] =	ssyncset.done $0x0  }
0x3b2: {  	s7 =	simm.s32 $0x2CA0;
	[sflag:s31] =	ssyncadd.s32 $0xFFFF3800  }
0x3b3: {  	v2 =	vld [tilespmem:s7+$0xFFFFFCE0]  }
0x3b4: {  	v3 =	vld [tilespmem:s7+$0xFFFFFCF0]  }
0x3b5: {  	v4 =	vld [tilespmem:s7+$0xFFFFFD00]  }
0x3b6: {  	v5 =	vld [tilespmem:s7+$0xFFFFFD10]  }
0x3b7: {  	v6 =	vld [tilespmem:s7+$0xFFFFFD20]  }
0x3b8: {  	v7 =	vld [tilespmem:s7+$0xFFFFFD30];
	v2 =	vadd.f32 $0.0e+00, v2  }
0x3b9: {  	v8 =	vld [tilespmem:s7+$0xFFFFFD40]  }
0x3ba: {  	v23 =	vld [tilespmem:s7+$0xFFFFFD50];
	v3 =	vadd.f32 $0.0e+00, v3;
	v2 =	vadd.f32 v4, v2  }
0x3bb: {  	v9 =	vld [tilespmem:s7+$0xFFFFFD60]  }
0x3bc: {  	v24 =	vld [tilespmem:s7+$0xFFFFFD70];
	v3 =	vadd.f32 v5, v3;
	v2 =	vadd.f32 v6, v2  }
0x3bd: {  	v25 =	vld [tilespmem:s7+$0xFFFFFD80]  }
0x3be: {  	v26 =	vld [tilespmem:s7+$0xFFFFFD90];
	v3 =	vadd.f32 v7, v3;
	v2 =	vadd.f32 v8, v2  }
0x3bf: {  	v27 =	vld [tilespmem:s7+$0xFFFFFDA0]  }
0x3c0: {  	v28 =	vld [tilespmem:s7+$0xFFFFFDB0];
	v3 =	vadd.f32 v23, v3;
	v2 =	vadd.f32 v9, v2  }
0x3c1: {  	v29 =	vld [tilespmem:s7+$0xFFFFFDC0]  }
0x3c2: {  	v30 =	vld [tilespmem:s7+$0xFFFFFDD0];
	v3 =	vadd.f32 v24, v3;
	v2 =	vadd.f32 v25, v2  }
0x3c3: {  	v31 =	vld [tilespmem:s7+$0xFFFFFDE0]  }
0x3c4: {  	v32 =	vld [tilespmem:s7+$0xFFFFFDF0];
	v3 =	vadd.f32 v26, v3;
	v2 =	vadd.f32 v27, v2  }
0x3c5: {  	v33 =	vld [tilespmem:s7+$0xFFFFFE00]  }
0x3c6: {  	v34 =	vld [tilespmem:s7+$0xFFFFFE10];
	v3 =	vadd.f32 v28, v3;
	v2 =	vadd.f32 v29, v2  }
0x3c7: {  	v35 =	vld [tilespmem:s7+$0xFFFFFE20]  }
0x3c8: {  	v36 =	vld [tilespmem:s7+$0xFFFFFE30];
	v3 =	vadd.f32 v30, v3;
	v2 =	vadd.f32 v31, v2  }
0x3c9: {  	v37 =	vld [tilespmem:s7+$0xFFFFFE40]  }
0x3ca: {  	v38 =	vld [tilespmem:s7+$0xFFFFFE50];
	v3 =	vadd.f32 v32, v3;
	v2 =	vadd.f32 v33, v2  }
0x3cb: {  	v39 =	vld [tilespmem:s7+$0xFFFFFE60]  }
0x3cc: {  	v40 =	vld [tilespmem:s7+$0xFFFFFE70];
	v3 =	vadd.f32 v34, v3;
	v2 =	vadd.f32 v35, v2  }
0x3cd: {  	v41 =	vld [tilespmem:s7+$0xFFFFFE80]  }
0x3ce: {  	v42 =	vld [tilespmem:s7+$0xFFFFFE90];
	v3 =	vadd.f32 v36, v3;
	v2 =	vadd.f32 v37, v2  }
0x3cf: {  	v43 =	vld [tilespmem:s7+$0xFFFFFEA0]  }
0x3d0: {  	v44 =	vld [tilespmem:s7+$0xFFFFFEB0];
	v3 =	vadd.f32 v38, v3;
	v2 =	vadd.f32 v39, v2  }
0x3d1: {  	v45 =	vld [tilespmem:s7+$0xFFFFFEC0]  }
0x3d2: {  	v46 =	vld [tilespmem:s7+$0xFFFFFED0];
	v3 =	vadd.f32 v40, v3;
	v2 =	vadd.f32 v41, v2  }
0x3d3: {  	v47 =	vld [tilespmem:s7+$0xFFFFFEE0]  }
0x3d4: {  	v48 =	vld [tilespmem:s7+$0xFFFFFEF0];
	v3 =	vadd.f32 v42, v3;
	v2 =	vadd.f32 v43, v2  }
0x3d5: {  	v49 =	vld [tilespmem:s7+$0xFFFFFF00]  }
0x3d6: {  	v50 =	vld [tilespmem:s7+$0xFFFFFF10];
	v3 =	vadd.f32 v44, v3;
	v2 =	vadd.f32 v45, v2  }
0x3d7: {  	v51 =	vld [tilespmem:s7+$0xFFFFFF20]  }
0x3d8: {  	v52 =	vld [tilespmem:s7+$0xFFFFFF30];
	v3 =	vadd.f32 v46, v3;
	v2 =	vadd.f32 v47, v2  }
0x3d9: {  	v53 =	vld [tilespmem:s7+$0xFFFFFF40]  }
0x3da: {  	v54 =	vld [tilespmem:s7+$0xFFFFFF50];
	v3 =	vadd.f32 v48, v3;
	v2 =	vadd.f32 v49, v2  }
0x3db: {  	v55 =	vld [tilespmem:s7+$0xFFFFFF60]  }
0x3dc: {  	v56 =	vld [tilespmem:s7+$0xFFFFFF70];
	v3 =	vadd.f32 v50, v3;
	v2 =	vadd.f32 v51, v2  }
0x3dd: {  	v57 =	vld [tilespmem:s7+$0xFFFFFF80]  }
0x3de: {  	v58 =	vld [tilespmem:s7+$0xFFFFFF90];
	v3 =	vadd.f32 v52, v3;
	v2 =	vadd.f32 v53, v2  }
0x3df: {  	v59 =	vld [tilespmem:s7+$0xFFFFFFA0]  }
0x3e0: {  	v60 =	vld [tilespmem:s7+$0xFFFFFFB0];
	v3 =	vadd.f32 v54, v3;
	v2 =	vadd.f32 v55, v2  }
0x3e1: {  	v61 =	vld [tilespmem:s7+$0xFFFFFFC0]  }
0x3e2: {  	v62 =	vld [tilespmem:s7+$0xFFFFFFD0];
	v3 =	vadd.f32 v56, v3;
	v2 =	vadd.f32 v57, v2  }
0x3e3: {  	v63 =	vld [tilespmem:s7+$0xFFFFFFE0]  }
0x3e4: {  	v12 =	vld [tilespmem:s7+$0xFFFFFFF0];
	v3 =	vadd.f32 v58, v3;
	v2 =	vadd.f32 v59, v2  }
0x3e5: {  	v13 =	vld [tilespmem:s7+$0x0]  }
0x3e6: {  	v14 =	vld [tilespmem:s7+$0x10];
	v3 =	vadd.f32 v60, v3;
	v2 =	vadd.f32 v61, v2  }
0x3e7: {  	v15 =	vld [tilespmem:s7+$0x20]  }
0x3e8: {  	v16 =	vld [tilespmem:s7+$0x30];
	v3 =	vadd.f32 v62, v3;
	v2 =	vadd.f32 v63, v2  }
0x3e9: {  	v17 =	vld [tilespmem:s7+$0x40]  }
0x3ea: {  	v18 =	vld [tilespmem:s7+$0x50];
	v3 =	vadd.f32 v12, v3;
	v2 =	vadd.f32 v13, v2  }
0x3eb: {  	v19 =	vld [tilespmem:s7+$0x60]  }
0x3ec: {  	v20 =	vld [tilespmem:s7+$0x70];
	v3 =	vadd.f32 v14, v3;
	v2 =	vadd.f32 v15, v2  }
0x3ed: {  	v21 =	vld [tilespmem:s7+$0x80]  }
0x3ee: {  	v22 =	vld [tilespmem:s7+$0x90];
	v3 =	vadd.f32 v16, v3;
	v2 =	vadd.f32 v17, v2  }
0x3ef: {  	v23 =	vld [tilespmem:s7+$0xA0]  }
0x3f0: {  	v24 =	vld [tilespmem:s7+$0xB0];
	v3 =	vadd.f32 v18, v3;
	v2 =	vadd.f32 v19, v2  }
0x3f1: {  	v25 =	vld [tilespmem:s7+$0xC0]  }
0x3f2: {  	v26 =	vld [tilespmem:s7+$0xD0];
	v3 =	vadd.f32 v20, v3;
	v2 =	vadd.f32 v21, v2  }
0x3f3: {  	v27 =	vld [tilespmem:s7+$0xE0]  }
0x3f4: {  	v28 =	vld [tilespmem:s7+$0xF0];
	v3 =	vadd.f32 v22, v3;
	v2 =	vadd.f32 v23, v2  }
0x3f5: {  	v29 =	vld [tilespmem:s7+$0x100]  }
0x3f6: {  	v30 =	vld [tilespmem:s7+$0x110];
	v3 =	vadd.f32 v24, v3;
	v2 =	vadd.f32 v25, v2  }
0x3f7: {  	v31 =	vld [tilespmem:s7+$0x120]  }
0x3f8: {  	v32 =	vld [tilespmem:s7+$0x130];
	v3 =	vadd.f32 v26, v3;
	v2 =	vadd.f32 v27, v2  }
0x3f9: {  	v33 =	vld [tilespmem:s7+$0x140]  }
0x3fa: {  	v34 =	vld [tilespmem:s7+$0x150];
	v3 =	vadd.f32 v28, v3;
	v2 =	vadd.f32 v29, v2  }
0x3fb: {  	v35 =	vld [tilespmem:s7+$0x160]  }
0x3fc: {  	v36 =	vld [tilespmem:s7+$0x170];
	v3 =	vadd.f32 v30, v3;
	v2 =	vadd.f32 v31, v2  }
0x3fd: {  	v37 =	vld [tilespmem:s7+$0x180]  }
0x3fe: {  	v38 =	vld [tilespmem:s7+$0x190];
	v3 =	vadd.f32 v32, v3;
	v2 =	vadd.f32 v33, v2  }
0x3ff: {  	v39 =	vld [tilespmem:s7+$0x1A0]  }
0x400: {  	v40 =	vld [tilespmem:s7+$0x1B0];
	v3 =	vadd.f32 v34, v3;
	v2 =	vadd.f32 v35, v2  }
0x401: {  	v41 =	vld [tilespmem:s7+$0x1C0]  }
0x402: {  	v42 =	vld [tilespmem:s7+$0x1D0];
	v3 =	vadd.f32 v36, v3;
	v2 =	vadd.f32 v37, v2  }
0x403: {  	v43 =	vld [tilespmem:s7+$0x1E0]  }
0x404: {  	v44 =	vld [tilespmem:s7+$0x1F0];
	v3 =	vadd.f32 v38, v3;
	v2 =	vadd.f32 v39, v2  }
0x405: {  	v45 =	vld [tilespmem:s7+$0x200]  }
0x406: {  	v46 =	vld [tilespmem:s7+$0x210];
	v3 =	vadd.f32 v40, v3;
	v2 =	vadd.f32 v41, v2  }
0x407: {  	v47 =	vld [tilespmem:s7+$0x220]  }
0x408: {  	v48 =	vld [tilespmem:s7+$0x230];
	v3 =	vadd.f32 v42, v3;
	v2 =	vadd.f32 v43, v2  }
0x409: {  	v49 =	vld [tilespmem:s7+$0x240]  }
0x40a: {  	v50 =	vld [tilespmem:s7+$0x250];
	v3 =	vadd.f32 v44, v3;
	v2 =	vadd.f32 v45, v2  }
0x40b: {  	v51 =	vld [tilespmem:s7+$0x260]  }
0x40c: {  	v52 =	vld [tilespmem:s7+$0x270];
	v3 =	vadd.f32 v46, v3;
	v2 =	vadd.f32 v47, v2  }
0x40d: {  	v53 =	vld [tilespmem:s7+$0x280]  }
0x40e: {  	v54 =	vld [tilespmem:s7+$0x290];
	v3 =	vadd.f32 v48, v3;
	v2 =	vadd.f32 v49, v2  }
0x40f: {  	v55 =	vld [tilespmem:s7+$0x2A0]  }
0x410: {  	v56 =	vld [tilespmem:s7+$0x2B0];
	v3 =	vadd.f32 v50, v3;
	v2 =	vadd.f32 v51, v2  }
0x411: {  	v57 =	vld [tilespmem:s7+$0x2C0]  }
0x412: {  	v58 =	vld [tilespmem:s7+$0x2D0];
	v3 =	vadd.f32 v52, v3;
	v2 =	vadd.f32 v53, v2  }
0x413: {  	v59 =	vld [tilespmem:s7+$0x2E0]  }
0x414: {  	v60 =	vld [tilespmem:s7+$0x2F0];
	v3 =	vadd.f32 v54, v3;
	v2 =	vadd.f32 v55, v2  }
0x415: {  	v61 =	vld [tilespmem:s7+$0x300]  }
0x416: {  	v3 =	vadd.f32 v56, v3;
	v2 =	vadd.f32 v57, v2  }
0x417: {  	v62 =	vld [tilespmem:s7+$0x310]  }
0x418: {  	v3 =	vadd.f32 v58, v3;
	v2 =	vadd.f32 v59, v2;
	_ =	sdelay $0x1  }
0x419: {  	v3 =	vadd.f32 v60, v3;
	v63 =	vadd.f32 v61, v2  }
0x41a: {  	s9 =	simm.s32 $0x0  }
0x41b: {  	s8 =	simm.s32 $0x80;
	v2 =	vadd.f32 v62, v3;
	[tilespmem:s9+$0xF980] =	vst v63  }
.LBB3_6:
0x41c: {  	p0 =	sne.s32 s8, $0xF80  }
0x41d: {  	[tilespmem:s9+$0xF990] =	vst v2;
	s7 =	sadd.s32 $0x640, s7;
	s9 =	smov.u32 s8;
	s8 =	sadd.s32 $0x80, s8  }
0x41e: {  	v2 =	vld [tilespmem:s7+$0xFFFFFCE0]  }
0x41f: {  	v3 =	vld [tilespmem:s7+$0xFFFFFCF0]  }
0x420: {  	v4 =	vld [tilespmem:s7+$0xFFFFFD00]  }
0x421: {  	v5 =	vld [tilespmem:s7+$0xFFFFFD10]  }
0x422: {  	v6 =	vld [tilespmem:s7+$0xFFFFFD20]  }
0x423: {  	v2 =	vadd.f32 $0.0e+00, v2;
	v7 =	vld [tilespmem:s7+$0xFFFFFD30]  }
0x424: {  	v3 =	vadd.f32 $0.0e+00, v3;
	v8 =	vld [tilespmem:s7+$0xFFFFFD40]  }
0x425: {  	v2 =	vadd.f32 v4, v2;
	v4 =	vld [tilespmem:s7+$0xFFFFFD50]  }
0x426: {  	v3 =	vadd.f32 v5, v3;
	v5 =	vld [tilespmem:s7+$0xFFFFFD60]  }
0x427: {  	v2 =	vadd.f32 v6, v2;
	v6 =	vld [tilespmem:s7+$0xFFFFFD70]  }
0x428: {  	v3 =	vadd.f32 v7, v3;
	v7 =	vld [tilespmem:s7+$0xFFFFFD80]  }
0x429: {  	v2 =	vadd.f32 v8, v2;
	v8 =	vld [tilespmem:s7+$0xFFFFFD90]  }
0x42a: {  	v3 =	vadd.f32 v4, v3;
	v4 =	vld [tilespmem:s7+$0xFFFFFDA0]  }
0x42b: {  	v2 =	vadd.f32 v5, v2;
	v5 =	vld [tilespmem:s7+$0xFFFFFDB0]  }
0x42c: {  	v3 =	vadd.f32 v6, v3;
	v6 =	vld [tilespmem:s7+$0xFFFFFDC0]  }
0x42d: {  	v2 =	vadd.f32 v7, v2;
	v7 =	vld [tilespmem:s7+$0xFFFFFDD0]  }
0x42e: {  	v3 =	vadd.f32 v8, v3;
	v8 =	vld [tilespmem:s7+$0xFFFFFDE0]  }
0x42f: {  	v2 =	vadd.f32 v4, v2;
	v4 =	vld [tilespmem:s7+$0xFFFFFDF0]  }
0x430: {  	v3 =	vadd.f32 v5, v3;
	v5 =	vld [tilespmem:s7+$0xFFFFFE00]  }
0x431: {  	v2 =	vadd.f32 v6, v2;
	v6 =	vld [tilespmem:s7+$0xFFFFFE10]  }
0x432: {  	v3 =	vadd.f32 v7, v3;
	v7 =	vld [tilespmem:s7+$0xFFFFFE20]  }
0x433: {  	v2 =	vadd.f32 v8, v2;
	v8 =	vld [tilespmem:s7+$0xFFFFFE30]  }
0x434: {  	v3 =	vadd.f32 v4, v3;
	v4 =	vld [tilespmem:s7+$0xFFFFFE40]  }
0x435: {  	v2 =	vadd.f32 v5, v2;
	v5 =	vld [tilespmem:s7+$0xFFFFFE50]  }
0x436: {  	v3 =	vadd.f32 v6, v3;
	v6 =	vld [tilespmem:s7+$0xFFFFFE60]  }
0x437: {  	v2 =	vadd.f32 v7, v2;
	v7 =	vld [tilespmem:s7+$0xFFFFFE70]  }
0x438: {  	v3 =	vadd.f32 v8, v3;
	v8 =	vld [tilespmem:s7+$0xFFFFFE80]  }
0x439: {  	v2 =	vadd.f32 v4, v2;
	v4 =	vld [tilespmem:s7+$0xFFFFFE90]  }
0x43a: {  	v3 =	vadd.f32 v5, v3;
	v5 =	vld [tilespmem:s7+$0xFFFFFEA0]  }
0x43b: {  	v2 =	vadd.f32 v6, v2;
	v6 =	vld [tilespmem:s7+$0xFFFFFEB0]  }
0x43c: {  	v3 =	vadd.f32 v7, v3;
	v7 =	vld [tilespmem:s7+$0xFFFFFEC0]  }
0x43d: {  	v2 =	vadd.f32 v8, v2;
	v8 =	vld [tilespmem:s7+$0xFFFFFED0]  }
0x43e: {  	v3 =	vadd.f32 v4, v3;
	v4 =	vld [tilespmem:s7+$0xFFFFFEE0]  }
0x43f: {  	v2 =	vadd.f32 v5, v2;
	v5 =	vld [tilespmem:s7+$0xFFFFFEF0]  }
0x440: {  	v3 =	vadd.f32 v6, v3;
	v6 =	vld [tilespmem:s7+$0xFFFFFF00]  }
0x441: {  	v2 =	vadd.f32 v7, v2;
	v7 =	vld [tilespmem:s7+$0xFFFFFF10]  }
0x442: {  	v3 =	vadd.f32 v8, v3;
	v8 =	vld [tilespmem:s7+$0xFFFFFF20]  }
0x443: {  	v2 =	vadd.f32 v4, v2;
	v4 =	vld [tilespmem:s7+$0xFFFFFF30]  }
0x444: {  	v3 =	vadd.f32 v5, v3;
	v5 =	vld [tilespmem:s7+$0xFFFFFF40]  }
0x445: {  	v2 =	vadd.f32 v6, v2;
	v6 =	vld [tilespmem:s7+$0xFFFFFF50]  }
0x446: {  	v3 =	vadd.f32 v7, v3;
	v7 =	vld [tilespmem:s7+$0xFFFFFF60]  }
0x447: {  	v2 =	vadd.f32 v8, v2;
	v8 =	vld [tilespmem:s7+$0xFFFFFF70]  }
0x448: {  	v3 =	vadd.f32 v4, v3;
	v4 =	vld [tilespmem:s7+$0xFFFFFF80]  }
0x449: {  	v2 =	vadd.f32 v5, v2;
	v5 =	vld [tilespmem:s7+$0xFFFFFF90]  }
0x44a: {  	v3 =	vadd.f32 v6, v3;
	v6 =	vld [tilespmem:s7+$0xFFFFFFA0]  }
0x44b: {  	v2 =	vadd.f32 v7, v2;
	v7 =	vld [tilespmem:s7+$0xFFFFFFB0]  }
0x44c: {  	v3 =	vadd.f32 v8, v3;
	v8 =	vld [tilespmem:s7+$0xFFFFFFC0]  }
0x44d: {  	v2 =	vadd.f32 v4, v2;
	v4 =	vld [tilespmem:s7+$0xFFFFFFD0]  }
0x44e: {  	v3 =	vadd.f32 v5, v3;
	v5 =	vld [tilespmem:s7+$0xFFFFFFE0]  }
0x44f: {  	v2 =	vadd.f32 v6, v2;
	v6 =	vld [tilespmem:s7+$0xFFFFFFF0]  }
0x450: {  	v3 =	vadd.f32 v7, v3;
	v7 =	vld [tilespmem:s7+$0x0]  }
0x451: {  	v2 =	vadd.f32 v8, v2;
	v8 =	vld [tilespmem:s7+$0x10]  }
0x452: {  	v3 =	vadd.f32 v4, v3;
	v4 =	vld [tilespmem:s7+$0x20]  }
0x453: {  	v2 =	vadd.f32 v5, v2;
	v5 =	vld [tilespmem:s7+$0x30]  }
0x454: {  	v3 =	vadd.f32 v6, v3;
	v6 =	vld [tilespmem:s7+$0x40]  }
0x455: {  	v2 =	vadd.f32 v7, v2;
	v7 =	vld [tilespmem:s7+$0x50]  }
0x456: {  	v3 =	vadd.f32 v8, v3;
	v8 =	vld [tilespmem:s7+$0x60]  }
0x457: {  	v2 =	vadd.f32 v4, v2;
	v4 =	vld [tilespmem:s7+$0x70]  }
0x458: {  	v3 =	vadd.f32 v5, v3;
	v5 =	vld [tilespmem:s7+$0x80]  }
0x459: {  	v2 =	vadd.f32 v6, v2;
	v6 =	vld [tilespmem:s7+$0x90]  }
0x45a: {  	v3 =	vadd.f32 v7, v3;
	v7 =	vld [tilespmem:s7+$0xA0]  }
0x45b: {  	v2 =	vadd.f32 v8, v2;
	v8 =	vld [tilespmem:s7+$0xB0]  }
0x45c: {  	v3 =	vadd.f32 v4, v3;
	v4 =	vld [tilespmem:s7+$0xC0]  }
0x45d: {  	v2 =	vadd.f32 v5, v2;
	v5 =	vld [tilespmem:s7+$0xD0]  }
0x45e: {  	v3 =	vadd.f32 v6, v3;
	v6 =	vld [tilespmem:s7+$0xE0]  }
0x45f: {  	v2 =	vadd.f32 v7, v2;
	v7 =	vld [tilespmem:s7+$0xF0]  }
0x460: {  	v3 =	vadd.f32 v8, v3;
	v8 =	vld [tilespmem:s7+$0x100]  }
0x461: {  	v2 =	vadd.f32 v4, v2;
	v4 =	vld [tilespmem:s7+$0x110]  }
0x462: {  	v3 =	vadd.f32 v5, v3;
	v5 =	vld [tilespmem:s7+$0x120]  }
0x463: {  	v2 =	vadd.f32 v6, v2;
	v6 =	vld [tilespmem:s7+$0x130]  }
0x464: {  	v3 =	vadd.f32 v7, v3;
	v7 =	vld [tilespmem:s7+$0x140]  }
0x465: {  	v2 =	vadd.f32 v8, v2;
	v8 =	vld [tilespmem:s7+$0x150]  }
0x466: {  	v3 =	vadd.f32 v4, v3;
	v4 =	vld [tilespmem:s7+$0x160]  }
0x467: {  	v2 =	vadd.f32 v5, v2;
	v5 =	vld [tilespmem:s7+$0x170]  }
0x468: {  	v3 =	vadd.f32 v6, v3;
	v6 =	vld [tilespmem:s7+$0x180]  }
0x469: {  	v2 =	vadd.f32 v7, v2;
	v7 =	vld [tilespmem:s7+$0x190]  }
0x46a: {  	v3 =	vadd.f32 v8, v3;
	v8 =	vld [tilespmem:s7+$0x1A0]  }
0x46b: {  	v2 =	vadd.f32 v4, v2;
	v4 =	vld [tilespmem:s7+$0x1B0]  }
0x46c: {  	v3 =	vadd.f32 v5, v3;
	v5 =	vld [tilespmem:s7+$0x1C0]  }
0x46d: {  	v2 =	vadd.f32 v6, v2;
	v6 =	vld [tilespmem:s7+$0x1D0]  }
0x46e: {  	v3 =	vadd.f32 v7, v3;
	v7 =	vld [tilespmem:s7+$0x1E0]  }
0x46f: {  	v2 =	vadd.f32 v8, v2;
	v8 =	vld [tilespmem:s7+$0x1F0]  }
0x470: {  	v3 =	vadd.f32 v4, v3;
	v4 =	vld [tilespmem:s7+$0x200]  }
0x471: {  	v2 =	vadd.f32 v5, v2;
	v5 =	vld [tilespmem:s7+$0x210]  }
0x472: {  	v3 =	vadd.f32 v6, v3;
	v6 =	vld [tilespmem:s7+$0x220]  }
0x473: {  	v2 =	vadd.f32 v7, v2;
	v7 =	vld [tilespmem:s7+$0x230]  }
0x474: {  	v3 =	vadd.f32 v8, v3;
	v8 =	vld [tilespmem:s7+$0x240]  }
0x475: {  	v2 =	vadd.f32 v4, v2;
	v4 =	vld [tilespmem:s7+$0x250]  }
0x476: {  	v3 =	vadd.f32 v5, v3;
	v5 =	vld [tilespmem:s7+$0x260]  }
0x477: {  	v2 =	vadd.f32 v6, v2;
	v6 =	vld [tilespmem:s7+$0x270]  }
0x478: {  	v3 =	vadd.f32 v7, v3;
	v7 =	vld [tilespmem:s7+$0x280]  }
0x479: {  	v2 =	vadd.f32 v8, v2;
	v8 =	vld [tilespmem:s7+$0x290]  }
0x47a: {  	v3 =	vadd.f32 v4, v3;
	v4 =	vld [tilespmem:s7+$0x2A0]  }
0x47b: {  	v2 =	vadd.f32 v5, v2;
	v5 =	vld [tilespmem:s7+$0x2B0]  }
0x47c: {  	v3 =	vadd.f32 v6, v3;
	v6 =	vld [tilespmem:s7+$0x2C0]  }
0x47d: {  	v2 =	vadd.f32 v7, v2;
	v7 =	vld [tilespmem:s7+$0x2D0]  }
0x47e: {  	v3 =	vadd.f32 v8, v3;
	v8 =	vld [tilespmem:s7+$0x2E0]  }
0x47f: {  	v2 =	vadd.f32 v4, v2;
	v4 =	vld [tilespmem:s7+$0x2F0]  }
0x480: {  	v3 =	vadd.f32 v5, v3;
	v5 =	vld [tilespmem:s7+$0x300]  }
0x481: {  	v2 =	vadd.f32 v6, v2;
	v6 =	vld [tilespmem:s7+$0x310]  }
0x482: {  	v3 =	vadd.f32 v7, v3  }
.Ltmp2:
0x483: {  	v2 =	vadd.f32 v8, v2;
	(pc) =	sbr.rel @p0 .LBB3_6-.Ltmp2, $4  }
0x484: {  	v3 =	vadd.f32 v4, v3  }
0x485: {  	v4 =	vadd.f32 v5, v2  }
0x486: {  	s9 =	sshra.s32 s9, $0x2;
	v2 =	vadd.f32 v6, v3  }
0x487: {  	[tilespmem:s9+$0xF980] =	vst v4  }
0x488: {  	[tilespmem:s9+$0xF990] =	vst v2;
	s0 =	simm.s32 $0x2340  }
0x489: {  	[tilespmem:s5], [sflag:$0x1] =	stream.indirect.gather [hbm4b:s29+s4], $0x20, s0, s4, $0xb8;
	[tilespmem:$0x11280] =	vst v63  }
0x48a: {  	_ =	swait.ge [sflag:s31], $0xC800  }
0x48b: {  	[sflag:s31] =	ssyncset.done $0x0  }
0x48c: {  	s7 =	simm.s32 $0x2CA0;
	[sflag:s31] =	ssyncadd.s32 $0xFFFF3800  }
0x48d: {  	v2 =	vld [tilespmem:s7+$0xFFFFFCE0]  }
0x48e: {  	v3 =	vld [tilespmem:s7+$0xFFFFFCF0]  }
0x48f: {  	v4 =	vld [tilespmem:s7+$0xFFFFFD00]  }
0x490: {  	v5 =	vld [tilespmem:s7+$0xFFFFFD10]  }
0x491: {  	v6 =	vld [tilespmem:s7+$0xFFFFFD20]  }
0x492: {  	v7 =	vld [tilespmem:s7+$0xFFFFFD30];
	v2 =	vadd.f32 $0.0e+00, v2  }
0x493: {  	v8 =	vld [tilespmem:s7+$0xFFFFFD40]  }
0x494: {  	v23 =	vld [tilespmem:s7+$0xFFFFFD50];
	v3 =	vadd.f32 $0.0e+00, v3;
	v2 =	vadd.f32 v4, v2  }
0x495: {  	v9 =	vld [tilespmem:s7+$0xFFFFFD60]  }
0x496: {  	v24 =	vld [tilespmem:s7+$0xFFFFFD70];
	v3 =	vadd.f32 v5, v3;
	v2 =	vadd.f32 v6, v2  }
0x497: {  	v25 =	vld [tilespmem:s7+$0xFFFFFD80]  }
0x498: {  	v26 =	vld [tilespmem:s7+$0xFFFFFD90];
	v3 =	vadd.f32 v7, v3;
	v2 =	vadd.f32 v8, v2  }
0x499: {  	v27 =	vld [tilespmem:s7+$0xFFFFFDA0]  }
0x49a: {  	v28 =	vld [tilespmem:s7+$0xFFFFFDB0];
	v3 =	vadd.f32 v23, v3;
	v2 =	vadd.f32 v9, v2  }
0x49b: {  	v29 =	vld [tilespmem:s7+$0xFFFFFDC0]  }
0x49c: {  	v30 =	vld [tilespmem:s7+$0xFFFFFDD0];
	v3 =	vadd.f32 v24, v3;
	v2 =	vadd.f32 v25, v2  }
0x49d: {  	v31 =	vld [tilespmem:s7+$0xFFFFFDE0]  }
0x49e: {  	v32 =	vld [tilespmem:s7+$0xFFFFFDF0];
	v3 =	vadd.f32 v26, v3;
	v2 =	vadd.f32 v27, v2  }
0x49f: {  	v33 =	vld [tilespmem:s7+$0xFFFFFE00]  }
0x4a0: {  	v34 =	vld [tilespmem:s7+$0xFFFFFE10];
	v3 =	vadd.f32 v28, v3;
	v2 =	vadd.f32 v29, v2  }
0x4a1: {  	v35 =	vld [tilespmem:s7+$0xFFFFFE20]  }
0x4a2: {  	v36 =	vld [tilespmem:s7+$0xFFFFFE30];
	v3 =	vadd.f32 v30, v3;
	v2 =	vadd.f32 v31, v2  }
0x4a3: {  	v37 =	vld [tilespmem:s7+$0xFFFFFE40]  }
0x4a4: {  	v38 =	vld [tilespmem:s7+$0xFFFFFE50];
	v3 =	vadd.f32 v32, v3;
	v2 =	vadd.f32 v33, v2  }
0x4a5: {  	v39 =	vld [tilespmem:s7+$0xFFFFFE60]  }
0x4a6: {  	v40 =	vld [tilespmem:s7+$0xFFFFFE70];
	v3 =	vadd.f32 v34, v3;
	v2 =	vadd.f32 v35, v2  }
0x4a7: {  	v41 =	vld [tilespmem:s7+$0xFFFFFE80]  }
0x4a8: {  	v42 =	vld [tilespmem:s7+$0xFFFFFE90];
	v3 =	vadd.f32 v36, v3;
	v2 =	vadd.f32 v37, v2  }
0x4a9: {  	v43 =	vld [tilespmem:s7+$0xFFFFFEA0]  }
0x4aa: {  	v44 =	vld [tilespmem:s7+$0xFFFFFEB0];
	v3 =	vadd.f32 v38, v3;
	v2 =	vadd.f32 v39, v2  }
0x4ab: {  	v45 =	vld [tilespmem:s7+$0xFFFFFEC0]  }
0x4ac: {  	v46 =	vld [tilespmem:s7+$0xFFFFFED0];
	v3 =	vadd.f32 v40, v3;
	v2 =	vadd.f32 v41, v2  }
0x4ad: {  	v47 =	vld [tilespmem:s7+$0xFFFFFEE0]  }
0x4ae: {  	v48 =	vld [tilespmem:s7+$0xFFFFFEF0];
	v3 =	vadd.f32 v42, v3;
	v2 =	vadd.f32 v43, v2  }
0x4af: {  	v49 =	vld [tilespmem:s7+$0xFFFFFF00]  }
0x4b0: {  	v50 =	vld [tilespmem:s7+$0xFFFFFF10];
	v3 =	vadd.f32 v44, v3;
	v2 =	vadd.f32 v45, v2  }
0x4b1: {  	v51 =	vld [tilespmem:s7+$0xFFFFFF20]  }
0x4b2: {  	v52 =	vld [tilespmem:s7+$0xFFFFFF30];
	v3 =	vadd.f32 v46, v3;
	v2 =	vadd.f32 v47, v2  }
0x4b3: {  	v53 =	vld [tilespmem:s7+$0xFFFFFF40]  }
0x4b4: {  	v54 =	vld [tilespmem:s7+$0xFFFFFF50];
	v3 =	vadd.f32 v48, v3;
	v2 =	vadd.f32 v49, v2  }
0x4b5: {  	v55 =	vld [tilespmem:s7+$0xFFFFFF60]  }
0x4b6: {  	v56 =	vld [tilespmem:s7+$0xFFFFFF70];
	v3 =	vadd.f32 v50, v3;
	v2 =	vadd.f32 v51, v2  }
0x4b7: {  	v57 =	vld [tilespmem:s7+$0xFFFFFF80]  }
0x4b8: {  	v58 =	vld [tilespmem:s7+$0xFFFFFF90];
	v3 =	vadd.f32 v52, v3;
	v2 =	vadd.f32 v53, v2  }
0x4b9: {  	v59 =	vld [tilespmem:s7+$0xFFFFFFA0]  }
0x4ba: {  	v60 =	vld [tilespmem:s7+$0xFFFFFFB0];
	v3 =	vadd.f32 v54, v3;
	v2 =	vadd.f32 v55, v2  }
0x4bb: {  	v61 =	vld [tilespmem:s7+$0xFFFFFFC0]  }
0x4bc: {  	v62 =	vld [tilespmem:s7+$0xFFFFFFD0];
	v3 =	vadd.f32 v56, v3;
	v2 =	vadd.f32 v57, v2  }
0x4bd: {  	v63 =	vld [tilespmem:s7+$0xFFFFFFE0]  }
0x4be: {  	v12 =	vld [tilespmem:s7+$0xFFFFFFF0];
	v3 =	vadd.f32 v58, v3;
	v2 =	vadd.f32 v59, v2  }
0x4bf: {  	v13 =	vld [tilespmem:s7+$0x0]  }
0x4c0: {  	v14 =	vld [tilespmem:s7+$0x10];
	v3 =	vadd.f32 v60, v3;
	v2 =	vadd.f32 v61, v2  }
0x4c1: {  	v15 =	vld [tilespmem:s7+$0x20]  }
0x4c2: {  	v16 =	vld [tilespmem:s7+$0x30];
	v3 =	vadd.f32 v62, v3;
	v2 =	vadd.f32 v63, v2  }
0x4c3: {  	v17 =	vld [tilespmem:s7+$0x40]  }
0x4c4: {  	v18 =	vld [tilespmem:s7+$0x50];
	v3 =	vadd.f32 v12, v3;
	v2 =	vadd.f32 v13, v2  }
0x4c5: {  	v19 =	vld [tilespmem:s7+$0x60]  }
0x4c6: {  	v20 =	vld [tilespmem:s7+$0x70];
	v3 =	vadd.f32 v14, v3;
	v2 =	vadd.f32 v15, v2  }
0x4c7: {  	v21 =	vld [tilespmem:s7+$0x80]  }
0x4c8: {  	v22 =	vld [tilespmem:s7+$0x90];
	v3 =	vadd.f32 v16, v3;
	v2 =	vadd.f32 v17, v2  }
0x4c9: {  	v23 =	vld [tilespmem:s7+$0xA0]  }
0x4ca: {  	v24 =	vld [tilespmem:s7+$0xB0];
	v3 =	vadd.f32 v18, v3;
	v2 =	vadd.f32 v19, v2  }
0x4cb: {  	v25 =	vld [tilespmem:s7+$0xC0]  }
0x4cc: {  	v26 =	vld [tilespmem:s7+$0xD0];
	v3 =	vadd.f32 v20, v3;
	v2 =	vadd.f32 v21, v2  }
0x4cd: {  	v27 =	vld [tilespmem:s7+$0xE0]  }
0x4ce: {  	v28 =	vld [tilespmem:s7+$0xF0];
	v3 =	vadd.f32 v22, v3;
	v2 =	vadd.f32 v23, v2  }
0x4cf: {  	v29 =	vld [tilespmem:s7+$0x100]  }
0x4d0: {  	v30 =	vld [tilespmem:s7+$0x110];
	v3 =	vadd.f32 v24, v3;
	v2 =	vadd.f32 v25, v2  }
0x4d1: {  	v31 =	vld [tilespmem:s7+$0x120]  }
0x4d2: {  	v32 =	vld [tilespmem:s7+$0x130];
	v3 =	vadd.f32 v26, v3;
	v2 =	vadd.f32 v27, v2  }
0x4d3: {  	v33 =	vld [tilespmem:s7+$0x140]  }
0x4d4: {  	v34 =	vld [tilespmem:s7+$0x150];
	v3 =	vadd.f32 v28, v3;
	v2 =	vadd.f32 v29, v2  }
0x4d5: {  	v35 =	vld [tilespmem:s7+$0x160]  }
0x4d6: {  	v36 =	vld [tilespmem:s7+$0x170];
	v3 =	vadd.f32 v30, v3;
	v2 =	vadd.f32 v31, v2  }
0x4d7: {  	v37 =	vld [tilespmem:s7+$0x180]  }
0x4d8: {  	v38 =	vld [tilespmem:s7+$0x190];
	v3 =	vadd.f32 v32, v3;
	v2 =	vadd.f32 v33, v2  }
0x4d9: {  	v39 =	vld [tilespmem:s7+$0x1A0]  }
0x4da: {  	v40 =	vld [tilespmem:s7+$0x1B0];
	v3 =	vadd.f32 v34, v3;
	v2 =	vadd.f32 v35, v2  }
0x4db: {  	v41 =	vld [tilespmem:s7+$0x1C0]  }
0x4dc: {  	v42 =	vld [tilespmem:s7+$0x1D0];
	v3 =	vadd.f32 v36, v3;
	v2 =	vadd.f32 v37, v2  }
0x4dd: {  	v43 =	vld [tilespmem:s7+$0x1E0]  }
0x4de: {  	v44 =	vld [tilespmem:s7+$0x1F0];
	v3 =	vadd.f32 v38, v3;
	v2 =	vadd.f32 v39, v2  }
0x4df: {  	v45 =	vld [tilespmem:s7+$0x200]  }
0x4e0: {  	v46 =	vld [tilespmem:s7+$0x210];
	v3 =	vadd.f32 v40, v3;
	v2 =	vadd.f32 v41, v2  }
0x4e1: {  	v47 =	vld [tilespmem:s7+$0x220]  }
0x4e2: {  	v48 =	vld [tilespmem:s7+$0x230];
	v3 =	vadd.f32 v42, v3;
	v2 =	vadd.f32 v43, v2  }
0x4e3: {  	v49 =	vld [tilespmem:s7+$0x240]  }
0x4e4: {  	v50 =	vld [tilespmem:s7+$0x250];
	v3 =	vadd.f32 v44, v3;
	v2 =	vadd.f32 v45, v2  }
0x4e5: {  	v51 =	vld [tilespmem:s7+$0x260]  }
0x4e6: {  	v52 =	vld [tilespmem:s7+$0x270];
	v3 =	vadd.f32 v46, v3;
	v2 =	vadd.f32 v47, v2  }
0x4e7: {  	v53 =	vld [tilespmem:s7+$0x280]  }
0x4e8: {  	v54 =	vld [tilespmem:s7+$0x290];
	v3 =	vadd.f32 v48, v3;
	v2 =	vadd.f32 v49, v2  }
0x4e9: {  	v55 =	vld [tilespmem:s7+$0x2A0]  }
0x4ea: {  	v56 =	vld [tilespmem:s7+$0x2B0];
	v3 =	vadd.f32 v50, v3;
	v2 =	vadd.f32 v51, v2  }
0x4eb: {  	v57 =	vld [tilespmem:s7+$0x2C0]  }
0x4ec: {  	v58 =	vld [tilespmem:s7+$0x2D0];
	v3 =	vadd.f32 v52, v3;
	v2 =	vadd.f32 v53, v2  }
0x4ed: {  	v59 =	vld [tilespmem:s7+$0x2E0]  }
0x4ee: {  	v60 =	vld [tilespmem:s7+$0x2F0];
	v3 =	vadd.f32 v54, v3;
	v2 =	vadd.f32 v55, v2  }
0x4ef: {  	v61 =	vld [tilespmem:s7+$0x300]  }
0x4f0: {  	v3 =	vadd.f32 v56, v3;
	v2 =	vadd.f32 v57, v2  }
0x4f1: {  	v62 =	vld [tilespmem:s7+$0x310]  }
0x4f2: {  	v3 =	vadd.f32 v58, v3;
	v2 =	vadd.f32 v59, v2;
	_ =	sdelay $0x1  }
0x4f3: {  	v3 =	vadd.f32 v60, v3;
	v63 =	vadd.f32 v61, v2  }
0x4f4: {  	s9 =	simm.s32 $0x0  }
0x4f5: {  	s8 =	simm.s32 $0x80;
	v2 =	vadd.f32 v62, v3;
	[tilespmem:s9+$0xFD80] =	vst v63  }
.LBB3_8:
0x4f6: {  	p0 =	sne.s32 s8, $0xF80  }
0x4f7: {  	[tilespmem:s9+$0xFD90] =	vst v2;
	s7 =	sadd.s32 $0x640, s7;
	s9 =	smov.u32 s8;
	s8 =	sadd.s32 $0x80, s8  }
0x4f8: {  	v2 =	vld [tilespmem:s7+$0xFFFFFCE0]  }
0x4f9: {  	v3 =	vld [tilespmem:s7+$0xFFFFFCF0]  }
0x4fa: {  	v4 =	vld [tilespmem:s7+$0xFFFFFD00]  }
0x4fb: {  	v5 =	vld [tilespmem:s7+$0xFFFFFD10]  }
0x4fc: {  	v6 =	vld [tilespmem:s7+$0xFFFFFD20]  }
0x4fd: {  	v2 =	vadd.f32 $0.0e+00, v2;
	v7 =	vld [tilespmem:s7+$0xFFFFFD30]  }
0x4fe: {  	v3 =	vadd.f32 $0.0e+00, v3;
	v8 =	vld [tilespmem:s7+$0xFFFFFD40]  }
0x4ff: {  	v2 =	vadd.f32 v4, v2;
	v4 =	vld [tilespmem:s7+$0xFFFFFD50]  }
0x500: {  	v3 =	vadd.f32 v5, v3;
	v5 =	vld [tilespmem:s7+$0xFFFFFD60]  }
0x501: {  	v2 =	vadd.f32 v6, v2;
	v6 =	vld [tilespmem:s7+$0xFFFFFD70]  }
0x502: {  	v3 =	vadd.f32 v7, v3;
	v7 =	vld [tilespmem:s7+$0xFFFFFD80]  }
0x503: {  	v2 =	vadd.f32 v8, v2;
	v8 =	vld [tilespmem:s7+$0xFFFFFD90]  }
0x504: {  	v3 =	vadd.f32 v4, v3;
	v4 =	vld [tilespmem:s7+$0xFFFFFDA0]  }
0x505: {  	v2 =	vadd.f32 v5, v2;
	v5 =	vld [tilespmem:s7+$0xFFFFFDB0]  }
0x506: {  	v3 =	vadd.f32 v6, v3;
	v6 =	vld [tilespmem:s7+$0xFFFFFDC0]  }
0x507: {  	v2 =	vadd.f32 v7, v2;
	v7 =	vld [tilespmem:s7+$0xFFFFFDD0]  }
0x508: {  	v3 =	vadd.f32 v8, v3;
	v8 =	vld [tilespmem:s7+$0xFFFFFDE0]  }
0x509: {  	v2 =	vadd.f32 v4, v2;
	v4 =	vld [tilespmem:s7+$0xFFFFFDF0]  }
0x50a: {  	v3 =	vadd.f32 v5, v3;
	v5 =	vld [tilespmem:s7+$0xFFFFFE00]  }
0x50b: {  	v2 =	vadd.f32 v6, v2;
	v6 =	vld [tilespmem:s7+$0xFFFFFE10]  }
0x50c: {  	v3 =	vadd.f32 v7, v3;
	v7 =	vld [tilespmem:s7+$0xFFFFFE20]  }
0x50d: {  	v2 =	vadd.f32 v8, v2;
	v8 =	vld [tilespmem:s7+$0xFFFFFE30]  }
0x50e: {  	v3 =	vadd.f32 v4, v3;
	v4 =	vld [tilespmem:s7+$0xFFFFFE40]  }
0x50f: {  	v2 =	vadd.f32 v5, v2;
	v5 =	vld [tilespmem:s7+$0xFFFFFE50]  }
0x510: {  	v3 =	vadd.f32 v6, v3;
	v6 =	vld [tilespmem:s7+$0xFFFFFE60]  }
0x511: {  	v2 =	vadd.f32 v7, v2;
	v7 =	vld [tilespmem:s7+$0xFFFFFE70]  }
0x512: {  	v3 =	vadd.f32 v8, v3;
	v8 =	vld [tilespmem:s7+$0xFFFFFE80]  }
0x513: {  	v2 =	vadd.f32 v4, v2;
	v4 =	vld [tilespmem:s7+$0xFFFFFE90]  }
0x514: {  	v3 =	vadd.f32 v5, v3;
	v5 =	vld [tilespmem:s7+$0xFFFFFEA0]  }
0x515: {  	v2 =	vadd.f32 v6, v2;
	v6 =	vld [tilespmem:s7+$0xFFFFFEB0]  }
0x516: {  	v3 =	vadd.f32 v7, v3;
	v7 =	vld [tilespmem:s7+$0xFFFFFEC0]  }
0x517: {  	v2 =	vadd.f32 v8, v2;
	v8 =	vld [tilespmem:s7+$0xFFFFFED0]  }
0x518: {  	v3 =	vadd.f32 v4, v3;
	v4 =	vld [tilespmem:s7+$0xFFFFFEE0]  }
0x519: {  	v2 =	vadd.f32 v5, v2;
	v5 =	vld [tilespmem:s7+$0xFFFFFEF0]  }
0x51a: {  	v3 =	vadd.f32 v6, v3;
	v6 =	vld [tilespmem:s7+$0xFFFFFF00]  }
0x51b: {  	v2 =	vadd.f32 v7, v2;
	v7 =	vld [tilespmem:s7+$0xFFFFFF10]  }
0x51c: {  	v3 =	vadd.f32 v8, v3;
	v8 =	vld [tilespmem:s7+$0xFFFFFF20]  }
0x51d: {  	v2 =	vadd.f32 v4, v2;
	v4 =	vld [tilespmem:s7+$0xFFFFFF30]  }
0x51e: {  	v3 =	vadd.f32 v5, v3;
	v5 =	vld [tilespmem:s7+$0xFFFFFF40]  }
0x51f: {  	v2 =	vadd.f32 v6, v2;
	v6 =	vld [tilespmem:s7+$0xFFFFFF50]  }
0x520: {  	v3 =	vadd.f32 v7, v3;
	v7 =	vld [tilespmem:s7+$0xFFFFFF60]  }
0x521: {  	v2 =	vadd.f32 v8, v2;
	v8 =	vld [tilespmem:s7+$0xFFFFFF70]  }
0x522: {  	v3 =	vadd.f32 v4, v3;
	v4 =	vld [tilespmem:s7+$0xFFFFFF80]  }
0x523: {  	v2 =	vadd.f32 v5, v2;
	v5 =	vld [tilespmem:s7+$0xFFFFFF90]  }
0x524: {  	v3 =	vadd.f32 v6, v3;
	v6 =	vld [tilespmem:s7+$0xFFFFFFA0]  }
0x525: {  	v2 =	vadd.f32 v7, v2;
	v7 =	vld [tilespmem:s7+$0xFFFFFFB0]  }
0x526: {  	v3 =	vadd.f32 v8, v3;
	v8 =	vld [tilespmem:s7+$0xFFFFFFC0]  }
0x527: {  	v2 =	vadd.f32 v4, v2;
	v4 =	vld [tilespmem:s7+$0xFFFFFFD0]  }
0x528: {  	v3 =	vadd.f32 v5, v3;
	v5 =	vld [tilespmem:s7+$0xFFFFFFE0]  }
0x529: {  	v2 =	vadd.f32 v6, v2;
	v6 =	vld [tilespmem:s7+$0xFFFFFFF0]  }
0x52a: {  	v3 =	vadd.f32 v7, v3;
	v7 =	vld [tilespmem:s7+$0x0]  }
0x52b: {  	v2 =	vadd.f32 v8, v2;
	v8 =	vld [tilespmem:s7+$0x10]  }
0x52c: {  	v3 =	vadd.f32 v4, v3;
	v4 =	vld [tilespmem:s7+$0x20]  }
0x52d: {  	v2 =	vadd.f32 v5, v2;
	v5 =	vld [tilespmem:s7+$0x30]  }
0x52e: {  	v3 =	vadd.f32 v6, v3;
	v6 =	vld [tilespmem:s7+$0x40]  }
0x52f: {  	v2 =	vadd.f32 v7, v2;
	v7 =	vld [tilespmem:s7+$0x50]  }
0x530: {  	v3 =	vadd.f32 v8, v3;
	v8 =	vld [tilespmem:s7+$0x60]  }
0x531: {  	v2 =	vadd.f32 v4, v2;
	v4 =	vld [tilespmem:s7+$0x70]  }
0x532: {  	v3 =	vadd.f32 v5, v3;
	v5 =	vld [tilespmem:s7+$0x80]  }
0x533: {  	v2 =	vadd.f32 v6, v2;
	v6 =	vld [tilespmem:s7+$0x90]  }
0x534: {  	v3 =	vadd.f32 v7, v3;
	v7 =	vld [tilespmem:s7+$0xA0]  }
0x535: {  	v2 =	vadd.f32 v8, v2;
	v8 =	vld [tilespmem:s7+$0xB0]  }
0x536: {  	v3 =	vadd.f32 v4, v3;
	v4 =	vld [tilespmem:s7+$0xC0]  }
0x537: {  	v2 =	vadd.f32 v5, v2;
	v5 =	vld [tilespmem:s7+$0xD0]  }
0x538: {  	v3 =	vadd.f32 v6, v3;
	v6 =	vld [tilespmem:s7+$0xE0]  }
0x539: {  	v2 =	vadd.f32 v7, v2;
	v7 =	vld [tilespmem:s7+$0xF0]  }
0x53a: {  	v3 =	vadd.f32 v8, v3;
	v8 =	vld [tilespmem:s7+$0x100]  }
0x53b: {  	v2 =	vadd.f32 v4, v2;
	v4 =	vld [tilespmem:s7+$0x110]  }
0x53c: {  	v3 =	vadd.f32 v5, v3;
	v5 =	vld [tilespmem:s7+$0x120]  }
0x53d: {  	v2 =	vadd.f32 v6, v2;
	v6 =	vld [tilespmem:s7+$0x130]  }
0x53e: {  	v3 =	vadd.f32 v7, v3;
	v7 =	vld [tilespmem:s7+$0x140]  }
0x53f: {  	v2 =	vadd.f32 v8, v2;
	v8 =	vld [tilespmem:s7+$0x150]  }
0x540: {  	v3 =	vadd.f32 v4, v3;
	v4 =	vld [tilespmem:s7+$0x160]  }
0x541: {  	v2 =	vadd.f32 v5, v2;
	v5 =	vld [tilespmem:s7+$0x170]  }
0x542: {  	v3 =	vadd.f32 v6, v3;
	v6 =	vld [tilespmem:s7+$0x180]  }
0x543: {  	v2 =	vadd.f32 v7, v2;
	v7 =	vld [tilespmem:s7+$0x190]  }
0x544: {  	v3 =	vadd.f32 v8, v3;
	v8 =	vld [tilespmem:s7+$0x1A0]  }
0x545: {  	v2 =	vadd.f32 v4, v2;
	v4 =	vld [tilespmem:s7+$0x1B0]  }
0x546: {  	v3 =	vadd.f32 v5, v3;
	v5 =	vld [tilespmem:s7+$0x1C0]  }
0x547: {  	v2 =	vadd.f32 v6, v2;
	v6 =	vld [tilespmem:s7+$0x1D0]  }
0x548: {  	v3 =	vadd.f32 v7, v3;
	v7 =	vld [tilespmem:s7+$0x1E0]  }
0x549: {  	v2 =	vadd.f32 v8, v2;
	v8 =	vld [tilespmem:s7+$0x1F0]  }
0x54a: {  	v3 =	vadd.f32 v4, v3;
	v4 =	vld [tilespmem:s7+$0x200]  }
0x54b: {  	v2 =	vadd.f32 v5, v2;
	v5 =	vld [tilespmem:s7+$0x210]  }
0x54c: {  	v3 =	vadd.f32 v6, v3;
	v6 =	vld [tilespmem:s7+$0x220]  }
0x54d: {  	v2 =	vadd.f32 v7, v2;
	v7 =	vld [tilespmem:s7+$0x230]  }
0x54e: {  	v3 =	vadd.f32 v8, v3;
	v8 =	vld [tilespmem:s7+$0x240]  }
0x54f: {  	v2 =	vadd.f32 v4, v2;
	v4 =	vld [tilespmem:s7+$0x250]  }
0x550: {  	v3 =	vadd.f32 v5, v3;
	v5 =	vld [tilespmem:s7+$0x260]  }
0x551: {  	v2 =	vadd.f32 v6, v2;
	v6 =	vld [tilespmem:s7+$0x270]  }
0x552: {  	v3 =	vadd.f32 v7, v3;
	v7 =	vld [tilespmem:s7+$0x280]  }
0x553: {  	v2 =	vadd.f32 v8, v2;
	v8 =	vld [tilespmem:s7+$0x290]  }
0x554: {  	v3 =	vadd.f32 v4, v3;
	v4 =	vld [tilespmem:s7+$0x2A0]  }
0x555: {  	v2 =	vadd.f32 v5, v2;
	v5 =	vld [tilespmem:s7+$0x2B0]  }
0x556: {  	v3 =	vadd.f32 v6, v3;
	v6 =	vld [tilespmem:s7+$0x2C0]  }
0x557: {  	v2 =	vadd.f32 v7, v2;
	v7 =	vld [tilespmem:s7+$0x2D0]  }
0x558: {  	v3 =	vadd.f32 v8, v3;
	v8 =	vld [tilespmem:s7+$0x2E0]  }
0x559: {  	v2 =	vadd.f32 v4, v2;
	v4 =	vld [tilespmem:s7+$0x2F0]  }
0x55a: {  	v3 =	vadd.f32 v5, v3;
	v5 =	vld [tilespmem:s7+$0x300]  }
0x55b: {  	v2 =	vadd.f32 v6, v2;
	v6 =	vld [tilespmem:s7+$0x310]  }
0x55c: {  	v3 =	vadd.f32 v7, v3  }
.Ltmp3:
0x55d: {  	v2 =	vadd.f32 v8, v2;
	(pc) =	sbr.rel @p0 .LBB3_8-.Ltmp3, $4  }
0x55e: {  	v3 =	vadd.f32 v4, v3  }
0x55f: {  	v4 =	vadd.f32 v5, v2  }
0x560: {  	s9 =	sshra.s32 s9, $0x2;
	v2 =	vadd.f32 v6, v3  }
0x561: {  	[tilespmem:s9+$0xFD80] =	vst v4  }
0x562: {  	s7 =	simm.s32 $0x0  }
0x563: {  	s8 =	sand.u32 $0x1FF0, s7  }
0x564: {  	[tilespmem:s9+$0xFD90] =	vst v2;
	s16 =	simm.s32 $0x32;
	v2 =	vor.u32 s8, v0;
	s10 =	sadd.s32 $0x10, s8  }
0x565: {  	v4 =	vld [tilespmem:s8+$0x1080];
	s17 =	sadd.s32 $0x30, s8;
	vm0 =	vge.u32 v2, s7;
	vm1 =	vlt.u32 v2, s16;
	v2 =	vor.u32 s10, v0  }
0x566: {  	s11 =	sadd.s32 $0x20, s8;
	v5 =	vor.u32 s17, v0;
	vm2 =	vge.u32 v2, s7  }
0x567: {  	v3 =	vld [tilespmem:s8+$0x1090];
	vm3 =	vlt.u32 v2, s16;
	v2 =	vor.u32 s11, v0;
	vm4 =	vmand vm0, vm1  }
0x568: {  	vm0 =	vge.u32 v2, s7;
	vm1 =	vlt.u32 v2, s16;
	vm2 =	vmand vm2, vm3  }
0x569: {  	v6 =	vld [tilespmem:s8+$0x10A0];
	vm3 =	vlt.u32 v5, s16;
	vm0 =	vmand vm0, vm1;
	vm1 =	vge.u32 v5, s7  }
0x56a: {  	vm1 =	vmand vm1, vm3;
	vm3 =	veq.s32 v4, $0x0;
	v4 =	vld [tilespmem:s8+$0x10B0];
	_ =	sdelay $0x1  }
0x56b: {  	vm5 =	veq.s32 v3, $0x0  }
0x56c: {  	s9 =	simm.s32 $0xF190;
	s10 =	simm.s32 $0x10190;
	v2 =	vld [tilespmem:$0x11180];
	vm5 =	vmand vm2, vm5  }
0x56d: {  	s11 =	simm.s32 $0x64;
	s7 =	simm.s32 $0x10190;
	v3 =	vld [tilespmem:$0x11190];
	s8 =	simm.s32 $0xF190;
	vm2 =	vmand vm4, vm3;
	vm3 =	veq.s32 v6, $0x0;
	v5 =	vsel vm5, $0x1, v1  }
.LBB3_10:
0x56e: {  	p0 =	sne.s32 s11, $0x1900;
	v6 =	vsel vm2, $0x1, v1;
	vm0 =	vmand vm0, vm3;
	vm2 =	veq.s32 v4, $0x0;
	s9 =	sadd.s32 $0x20, s9;
	s10 =	sadd.s32 $0x20, s10  }
0x56f: {  	s0 =	sadd.s32 $0xFFFFFFCE, s11;
	s14 =	smov.u32 s11;
	s11 =	sadd.s32 $0x32, s11;
	v4 =	vadd.s32 v6, v5;
	v5 =	vsel vm0, $0x1, v1;
	vm0 =	vmand vm1, vm2  }
0x570: {  	s12 =	sand.u32 $0x1FF0, s0;
	v4 =	vadd.s32 v5, v4;
	v5 =	vsel vm0, $0x1, v1  }
0x571: {  	v6 =	vor.u32 s12, v0;
	s15 =	sadd.s32 $0x10, s12;
	s16 =	sadd.s32 $0x20, s12;
	s17 =	sadd.s32 $0x30, s12;
	v4 =	vadd.s32 v5, v4  }
0x572: {  	vm0 =	vge.u32 v6, s0;
	vm1 =	vlt.u32 v6, s14;
	v5 =	vor.u32 s15, v0;
	(xrf0) =	vadd.scan.msk.s32 $0xffff, v4  }
0x573: {  	vm3 =	vge.u32 v5, s0;
	vm4 =	vlt.u32 v5, s14;
	v4 =	vor.u32 s16, v0  }
0x574: {  	vm2 =	vmand vm0, vm1;
	vm3 =	vmand vm3, vm4;
	vm0 =	vge.u32 v4, s0  }
0x575: {  	vm1 =	vlt.u32 v4, s14;
	v4 =	vor.u32 s17, v0  }
0x576: {  	vm0 =	vmand vm0, vm1;
	vm1 =	vge.u32 v4, s0;
	vm4 =	vlt.u32 v4, s14  }
0x577: {  	vm1 =	vmand vm1, vm4  }
0x578: {  	v4, _, _ =	vpop (xrf0)  }
0x579: {  	(v2sf) =	vpush v4, $0xF;
	_ =	sdelay $0xe  }
0x57a: {  	s0 =	spop (v2sf)  }
0x57b: {  	s0 =	scvt.s32.f32 s0;
	_ =	sdelay $0x1  }
0x57c: {  	v4 =	vmov s0;
	v5 =	vmul.f32 s0, v2;
	v6 =	vmul.f32 s0, v3  }
0x57d: {  	v4 =	vsub.f32 $5.000000000e+01, v4;
	_ =	sdelay $0x1  }
0x57e: {  	(erf) = vrcp.f32 v4;
	_ =	sdelay $0x1  }
0x57f: {  	v4 =	vld [tilespmem:s8+$0x0]  }
0x580: {  	v7 =	vld [tilespmem:s8+$0xFFFFFFF0];
	s8 =	smov.u32 s9;
	_ =	sdelay $0x4  }
0x581: {  	v4 =	vsub.f32 v4, v6;
	v5 =	vsub.f32 v7, v5  }
0x582: {  	v6 =	vpop (erf)  }
0x583: {  	v5 =	vmul.f32 v6, v5;
	v4 =	vmul.f32 v6, v4;
	_ =	sdelay $0x1  }
0x584: {  	[tilespmem:s7+$0xFFFFFFF0] =	vst v5  }
0x585: {  	[tilespmem:s7+$0x0] =	vst v4;
	s7 =	smov.u32 s10  }
0x586: {  	v5 =	vld [tilespmem:s12+$0x1090]  }
0x587: {  	v6 =	vld [tilespmem:s12+$0x1080]  }
0x588: {  	v7 =	vld [tilespmem:s12+$0x10A0]  }
.Ltmp4:
0x589: {  	v4 =	vld [tilespmem:s12+$0x10B0];
	(pc) =	sbr.rel @p0 .LBB3_10-.Ltmp4, $4  }
0x58a: {  	_ = 	snop  }
0x58b: {  	vm4 =	veq.s32 v5, $0x0  }
0x58c: {  	vm5 =	veq.s32 v6, $0x0;
	vm3 =	vmand vm3, vm4  }
0x58d: {  	vm2 =	vmand vm2, vm5;
	v5 =	vsel vm3, $0x1, v1;
	vm3 =	veq.s32 v7, $0x0  }
0x58e: {  	v6 =	vsel vm2, $0x1, v1;
	vm0 =	vmand vm0, vm3;
	vm14 =	veq.s32 v4, $0x0  }
0x58f: {  	v57 =	vadd.s32 v6, v5;
	v58 =	vsel vm0, $0x1, v1;
	vm15 =	vmand vm1, vm14  }
0x590: {  	v4 =	vadd.s32 v58, v57;
	v59 =	vsel vm15, $0x1, v1  }
0x591: {  	v4 =	vadd.s32 v59, v4  }
0x592: {  	(xrf0) =	vadd.scan.msk.s32 $0xffff, v4;
	_ =	sdelay $0x5  }
0x593: {  	v4, _, _ =	vpop (xrf0)  }
0x594: {  	(v2sf) =	vpush v4, $0xF;
	_ =	sdelay $0xe  }
0x595: {  	s0 =	spop (v2sf)  }
0x596: {  	s0 =	scvt.s32.f32 s0;
	_ =	sdelay $0x1  }
0x597: {  	v60 =	vmov s0  }
0x598: {  	v4 =	vsub.f32 $5.000000000e+01, v60;
	_ =	sdelay $0x1  }
0x599: {  	(erf) = vrcp.f32 v4;
	_ =	sdelay $0x2  }
0x59a: {  	v61 =	vld [tilespmem:s8+$0xFFFFFFF0]  }
0x59b: {  	v62 =	vld [tilespmem:s8+$0x0];
	_ =	sdelay $0x1  }
0x59c: {  	v2 =	vmul.f32 s0, v2  }
0x59d: {  	v3 =	vmul.f32 s0, v3  }
0x59e: {  	v2 =	vsub.f32 v61, v2  }
0x59f: {  	v3 =	vsub.f32 v62, v3;
	v63 =	vpop (erf)  }
0x5a0: {  	v2 =	vmul.f32 v63, v2  }
0x5a1: {  	v3 =	vmul.f32 v63, v3  }
0x5a2: {  	[tilespmem:s7+$0xFFFFFFF0] =	vst v2  }
0x5a3: {  	s16 =	simm.s32 $0x10180;
	[tilespmem:s7+$0x0] =	vst v3  }
0x5a4: {  	[hbm4b:s26+s1] =	stream.strided.scatter [tilespmem:s16], [sflag:$0x2], $0x1000, s2, s1, $0x38;
	[tilespmem:$0x11280] =	vst v63  }
0x5a5: {  	_ =	swait.ge [sflag:s28], $0x1000  }
0x5a6: {  	s17 =	sld [smem:$0x7EC];
	_ =	sdelay $0x1  }
0x5a7: {  	s6 =	sadd.s32 $0x1, s6  }
0x5a8: {  	p0 =	sne.s32 s6, s17  }
.Ltmp5:
0x5a9: {  	_ = 	snop;
	(pc) =	sbr.rel @p0 .LBB3_1-.Ltmp5, $3  }
0x5aa: {  	_ =	sdelay $0x1  }
0x5ab: {  	[sflag:s28] =	ssyncset.done $0x0  }
0x5ac: {  	[sflag:s28] =	ssyncadd.s32 $0xFFFFF000  }
0x5ad: {  	_ =	sfence.sel $0x180000  }
0x5ae: {  	[bflag:$0x0] =	sbarrier.arrive $0xFFFF  }
0x5af: {  	_ =	strace $0x90000047  }
0x5b0: {  	s0 =	stileid.u32;
	[bflag:$0x2] =	sbarrier.arrive $0xFFFF  }
0x5b1: {  	p0 =	sne.s32 s0, $0x0;
	s0 =	rddreg [dreg:$0xe]  }
0x5b2: {  	s0 =	sadd.s32 @!p0 $0x100000, s0  }
0x5b3: {  	[sflag:s0] =	ssyncadd.tile.s32 @!p0 $0x1;
	_ =	shalt  }
.Lfunc_end3:
_tile_overlayer_lowered:
.L_overlay_start_3:
0x5b4: {  	(tag) =	ssettag $0x3  }
0x5b5: {  	s0 =	rddreg [dreg:$0x0];
	s2 =	stileid.u32  }
0x5b6: {  	s1 =	rddreg [dreg:$0x1];
	p0 =	sne.s32 s2, $0x0  }
0x5b7: {  	s3 =	rddreg [dreg:$0x2];
	[bflag:$0x3] =	sbarrier.arrive $0xFFFF;
	s2 =	simm.s32 @!p0 $0x1C02  }
0x5b8: {  	[timem:s3], [sflag:s2] =	dma.local @!p0 [hbm:s0], s1  }
0x5b9: {  	s0 =	simm.s32 @!p0 $0x2  }
0x5ba: {  	_ =	swait.ge @!p0 [sflag:s0], s1  }
0x5bb: {  	s1 =	ssub.s32 @!p0 $0x0, s1;
	[sflag:s0] =	ssyncset.done @!p0 $0x0  }
0x5bc: {  	[sflag:s0] =	ssyncadd.s32 @!p0 s1  }
0x5bd: {  	[bflag:$0x3] =	sbarrier.arrive $0xFFFF  }
0x5be: {  	_ =	shalt  }

</sc_bundles>
